<compile_context>
chip_gen: v7x
topology: tpu7x:2x2x1
jax: 0.10.2.dev20260603
libtpu: 0.0.44.dev20260713+nightly
codegen_flags: <defaults>
</compile_context>

<pallas_src>
import functools

import jax
import jax.numpy as jnp
from jax import lax
from jax.experimental import pallas as pl
from jax.experimental.pallas import tpu as pltpu
from jax.experimental.pallas import tpu_sc as plsc

NUM_H = 4
KV = 513
NE = 257
DIM = 64
ROWS = NUM_H * KV
NC, NS, L = 2, 16, 16
NW = NC * NS

NDB = 8
DB = DIM // NDB
NBQ = NW // NDB
SG = 4


def _t2_body(ww_ref, we_ref, t2_ref):
    r = lax.broadcasted_iota(jnp.int32, (ROWS, NE), 0)
    c = lax.broadcasted_iota(jnp.int32, (ROWS, NE), 1)
    e = lax.rem(r, KV) // 2
    onehot = jnp.where(c == e, 1.0, 0.0)
    emb = jnp.dot(onehot, we_ref[...], preferred_element_type=jnp.float32)
    t2 = emb * ww_ref[...]
    t2b = t2.reshape(ROWS, NDB, DB).transpose(1, 0, 2)
    u = lax.bitcast_convert_type(
        t2b.astype(jnp.bfloat16), jnp.uint16
    ).astype(jnp.uint32)
    packed = u[:, :, DB // 2:] << 16 | u[:, :, : DB // 2]
    padded = jnp.pad(packed, ((0, 0), (0, 0), (0, 1)))
    t2_ref[...] = lax.bitcast_convert_type(padded, jnp.int32)


def _build_t2(W_weights, W_emb):
    return pl.pallas_call(
        _t2_body,
        out_shape=jax.ShapeDtypeStruct((NDB, ROWS, DB // 2 + 1), jnp.int32),
    )(W_weights, W_emb)


@functools.lru_cache(maxsize=None)
def _make_sc_lookup(B, S):
    BQ = B // NBQ
    NBB = BQ // 128
    NSC = S // SG

    mesh = plsc.VectorSubcoreMesh(core_axis_name="c", subcore_axis_name="s")

    @functools.partial(
        pl.kernel,
        out_type=jax.ShapeDtypeStruct((S, NDB, B // 128, DB, 128), jnp.float32),
        mesh=mesh,
        scratch_types=[
            pltpu.VMEM((ROWS, DB // 2 + 1), jnp.int32),
            pltpu.VMEM((2, SG, NUM_H, BQ), jnp.int32),
            pltpu.VMEM((2, SG, BQ // 128, DB, 128), jnp.float32),
            pltpu.SemaphoreType.DMA,
            pltpu.SemaphoreType.DMA,
        ],
        compiler_params=pltpu.CompilerParams(
            needs_layout_passes=False, use_tc_tiling_on_sc=False
        ),
    )
    def sc_lookup(xt_hbm, t2_hbm, out_hbm, t2_v, x_v, out_v, sem_x, sem_o):
        cid = lax.axis_index("c")
        sid = lax.axis_index("s")
        wid = sid * NC + cid
        dblk = lax.rem(wid, NDB)
        bq = wid // NDB
        b0 = bq * BQ
        bb0 = bq * NBB

        def x_src(ci):
            return xt_hbm.at[pl.ds(ci * SG, SG), :, pl.ds(b0, BQ)]

        def out_dst(ci):
            return out_hbm.at[pl.ds(ci * SG, SG), dblk, pl.ds(bb0, NBB)]

        pltpu.sync_copy(t2_hbm.at[dblk], t2_v)
        pltpu.async_copy(x_src(0), x_v.at[0], sem_x)

        def chunk(ci, carry):
            buf = lax.rem(ci, 2)
            pltpu.make_async_copy(x_src(ci), x_v.at[buf], sem_x).wait()

            @pl.when(ci < NSC - 1)
            def _prefetch():
                pltpu.async_copy(x_src(ci + 1), x_v.at[1 - buf], sem_x)

            @pl.when(ci >= 2)
            def _drain_out():
                pltpu.make_async_copy(
                    out_v.at[buf], out_dst(ci - 2), sem_o
                ).wait()

            for sg in range(SG):
                @plsc.parallel_loop(0, BQ // 16, unroll=4)
                def group(g, sg=sg):
                    col = g * 16
                    w0 = x_v[buf, sg, 0, pl.ds(col, 16)]
                    w1 = x_v[buf, sg, 1, pl.ds(col, 16)] + jnp.int32(KV)
                    w2 = x_v[buf, sg, 2, pl.ds(col, 16)] + jnp.int32(2 * KV)
                    w3 = x_v[buf, sg, 3, pl.ds(col, 16)] + jnp.int32(3 * KV)
                    hmask = jnp.full((16,), -65536, jnp.int32)
                    for dp in range(DB // 2):
                        dv = jnp.full((16,), dp, jnp.int32)
                        g0 = plsc.load_gather(t2_v, [w0, dv])
                        g1 = plsc.load_gather(t2_v, [w1, dv])
                        g2 = plsc.load_gather(t2_v, [w2, dv])
                        g3 = plsc.load_gather(t2_v, [w3, dv])
                        acc = (
                            (plsc.bitcast(g0, jnp.bfloat16)
                             + plsc.bitcast(g1, jnp.bfloat16))
                            + (plsc.bitcast(g2, jnp.bfloat16)
                               + plsc.bitcast(g3, jnp.bfloat16))
                        )
                        acci = plsc.bitcast(acc, jnp.int32)
                        acc_lo = plsc.bitcast(acci << 16, jnp.float32)
                        acc_hi = plsc.bitcast(acci & hmask, jnp.float32)
                        cs = pl.ds(lax.rem(g, 8) * 16, 16)
                        out_v[buf, sg, g // 8, dp, cs] = acc_lo
                        out_v[buf, sg, g // 8, dp + DB // 2, cs] = acc_hi

            pltpu.async_copy(out_v.at[buf], out_dst(ci), sem_o)
            return carry

        lax.fori_loop(0, NSC, chunk, 0)
        pltpu.make_async_copy(
            out_v.at[lax.rem(NSC - 2, 2)], out_dst(NSC - 2), sem_o
        ).wait()
        pltpu.make_async_copy(
            out_v.at[lax.rem(NSC - 1, 2)], out_dst(NSC - 1), sem_o
        ).wait()

    return sc_lookup


def kernel(x, W_weights, W_emb):
    B, S, H = x.shape
    t2 = _build_t2(W_weights, W_emb)
    xt = jnp.transpose(x.astype(jnp.int32), (1, 2, 0))
    y = _make_sc_lookup(B, S)(xt, t2)
    return y.transpose(2, 4, 0, 1, 3).reshape(B, S, DIM)

# --- scband reference (transcript-rebuilt; emitter-appended) ---
"""Pipeline reference for scband-hash-embedding-44976897523736 (READ-ONLY COPY).

The authoritative reference and input builder live on the scoring server;
editing this copy changes nothing except your own understanding.
"""

import jax, jax.numpy as jnp
import numpy as np

NUM_HASHES = 4
K = 512
B_TAB = 256
EMB_DIM = 64

def setup_inputs(seed: int = 0):
    key = jax.random.key(seed)
    k1, k2, k3 = jax.random.split(key, 3)
    # x values must be < K+1 = 513 so that indices = x//2 < 257 (EmbeddingBag table size B+1)
    x = jax.random.randint(k1, (4096, 200, NUM_HASHES), 0, K + 1)
    # nn.Embedding(K*num_hashes + num_hashes, 1)
    W_weights = jax.random.normal(k2, (K * NUM_HASHES + NUM_HASHES, 1), dtype=jnp.float32) * 0.02
    # nn.EmbeddingBag(B+1, embedding_dim)
    W_emb = jax.random.normal(k3, (B_TAB + 1, EMB_DIM), dtype=jnp.float32) * 0.02
    return {"x": x, "W_weights": W_weights, "W_emb": W_emb}

def reference(x, W_weights, W_emb):
    # weight_idx[:, :, i] = x[:, :, i] + i * (K + 1)
    offsets = (jnp.arange(NUM_HASHES) * (K + 1)).astype(x.dtype)
    weight_idx = x + offsets[None, None, :]
    # per-sample weights: gather from W_weights, shape [B, S, H]
    w = jnp.take(W_weights, weight_idx, axis=0)[..., 0]
    # bag indices
    indices = x // 2
    # EmbeddingBag(mode='sum') with per_sample_weights:
    # out[b, s, :] = sum_h w[b, s, h] * W_emb[indices[b, s, h], :]
    emb = jnp.take(W_emb, indices, axis=0)  # [B, S, H, D]
    out = jnp.sum(emb * w[..., None], axis=2)  # [B, S, D]
    return out

if __name__ == "__main__":
    import jax
    _d = setup_inputs()
    print(jax.jit(kernel)(*tuple(_d.values())))

</pallas_src>

<mosaic_0001>
#map = affine_map<(d0, d1) -> (0, 0, 0)>
#map1 = affine_map<(d0, d1) -> (0, 0, 0, 0, 0)>
module attributes {stable_mosaic.version = 14 : i64} {
  func.func @sc_lookup(%arg0: i32, %arg1: i32, %arg2: memref<200x4x4096xi32, #tpu.memory_space<hbm>>, %arg3: memref<8x2052x5xi32, #tpu.memory_space<hbm>>, %arg4: memref<200x8x32x8x128xf32, #tpu.memory_space<hbm>>, %arg5: memref<2052x5xi32, #tpu.memory_space<vmem>>, %arg6: memref<2x4x4x1024xi32, #tpu.memory_space<vmem>>, %arg7: memref<2x4x8x8x128xf32, #tpu.memory_space<vmem>>, %arg8: memref<!tpu.dma_semaphore, #tpu.memory_space<semaphore_mem>>, %arg9: memref<!tpu.dma_semaphore, #tpu.memory_space<semaphore_mem>>) attributes {dimension_semantics = [#tpu.dimension_semantics<core_parallel>, #tpu.dimension_semantics<subcore_parallel>], iteration_bounds = array<i64: 2, 16>, scalar_prefetch = 0 : i64, scratch_operands = 5 : i64, tpu.core_type = #tpu.core_type<sc_vector_subcore>, window_params = [{transform_indices = #map}, {transform_indices = #map}, {transform_indices = #map1}]} {
    %mul3A = arith.constant 2 : i32
    %mul3A_0 = arith.muli %arg1, %mul3A : i32
    %add3A = arith.addi %mul3A_0, %arg0 : i32
    %rem3A = arith.constant 8 : i32
    %rem3A_1 = arith.remsi %add3A, %rem3A : i32
    %jit3A = arith.constant 8 : i32
    %div3A = arith.divsi %add3A, %jit3A : i32
    %sign3A = arith.constant 0 : i32
    %sign3A_2 = arith.cmpi sgt, %add3A, %sign3A : i32
    %sign3A_3 = arith.extui %sign3A_2 : i1 to i32
    %sign3A_4 = arith.constant 0 : i32
    %sign3A_5 = arith.cmpi slt, %add3A, %sign3A_4 : i32
    %sign3A_6 = arith.extui %sign3A_5 : i1 to i32
    %sign3A_7 = arith.subi %sign3A_3, %sign3A_6 : i32
    %sign3A_8 = arith.constant 0 : i32
    %sign3A_9 = arith.cmpi sgt, %jit3A, %sign3A_8 : i32
    %sign3A_10 = arith.extui %sign3A_9 : i1 to i32
    %sign3A_11 = arith.constant 0 : i32
    %sign3A_12 = arith.cmpi slt, %jit3A, %sign3A_11 : i32
    %sign3A_13 = arith.extui %sign3A_12 : i1 to i32
    %sign3A_14 = arith.subi %sign3A_10, %sign3A_13 : i32
    %ne3A = arith.cmpi ne, %sign3A_7, %sign3A_14 : i32
    %rem3A_15 = arith.remsi %add3A, %jit3A : i32
    %ne3A_16 = arith.constant 0 : i32
    %ne3A_17 = arith.cmpi ne, %rem3A_15, %ne3A_16 : i32
    %and3A = arith.andi %ne3A, %ne3A_17 : i1
    %sub3A = arith.constant 1 : i32
    %sub3A_18 = arith.subi %div3A, %sub3A : i32
    %select_n3A = arith.select %and3A, %sub3A_18, %div3A : i32
    %mul3A_19 = arith.constant 1024 : i32
    %mul3A_20 = arith.muli %select_n3A, %mul3A_19 : i32
    %mul3A_21 = arith.constant 8 : i32
    %mul3A_22 = arith.muli %select_n3A, %mul3A_21 : i32
    "tpu.region"() ({
      %run_scoped3A = tpu.sem_alloc : memref<!tpu.dma_semaphore, #tpu.memory_space<semaphore_mem>>
      %dma_start3A_93 = arith.constant 0 : i32
      %dma_start3A_94 = arith.constant 0 : i32
      %dma_start3A_95 = tpu.memref_slice %arg3[%rem3A_1, %dma_start3A_93, %dma_start3A_94] : memref<8x2052x5xi32, #tpu.memory_space<hbm>> -> memref<1x2052x5xi32, #tpu.memory_space<hbm>>
      %dma_start3A_96 = tpu.memref_squeeze %dma_start3A_95 : memref<1x2052x5xi32, #tpu.memory_space<hbm>> -> memref<2052x5xi32, #tpu.memory_space<hbm>>
      %dma_start3A_97 = arith.constant 0 : i32
      %dma_start3A_98 = arith.constant 0 : i32
      %dma_start3A_99 = tpu.memref_slice %arg3[%rem3A_1, %dma_start3A_97, %dma_start3A_98] : memref<8x2052x5xi32, #tpu.memory_space<hbm>> -> memref<1x2052x5xi32, #tpu.memory_space<hbm>>
      %dma_start3A_100 = tpu.memref_squeeze %dma_start3A_99 : memref<1x2052x5xi32, #tpu.memory_space<hbm>> -> memref<2052x5xi32, #tpu.memory_space<hbm>>
      tpu.enqueue_dma source(%dma_start3A_100 : memref<2052x5xi32, #tpu.memory_space<hbm>>) target(%arg5 : memref<2052x5xi32, #tpu.memory_space<vmem>>) target_semaphore(%run_scoped3A : memref<!tpu.dma_semaphore, #tpu.memory_space<semaphore_mem>>)
      %dma_wait3A_101 = arith.constant 0 : i32
      %dma_wait3A_102 = arith.constant 0 : i32
      %dma_wait3A_103 = tpu.memref_slice %arg3[%rem3A_1, %dma_wait3A_101, %dma_wait3A_102] : memref<8x2052x5xi32, #tpu.memory_space<hbm>> -> memref<1x2052x5xi32, #tpu.memory_space<hbm>>
      %dma_wait3A_104 = tpu.memref_squeeze %dma_wait3A_103 : memref<1x2052x5xi32, #tpu.memory_space<hbm>> -> memref<2052x5xi32, #tpu.memory_space<hbm>>
      %dma_wait3A_105 = arith.constant 0 : i32
      %dma_wait3A_106 = arith.constant 0 : i32
      %dma_wait3A_107 = tpu.memref_slice %arg3[%rem3A_1, %dma_wait3A_105, %dma_wait3A_106] : memref<8x2052x5xi32, #tpu.memory_space<hbm>> -> memref<1x2052x5xi32, #tpu.memory_space<hbm>>
      %dma_wait3A_108 = tpu.memref_squeeze %dma_wait3A_107 : memref<1x2052x5xi32, #tpu.memory_space<hbm>> -> memref<2052x5xi32, #tpu.memory_space<hbm>>
      tpu.wait_dma2 semaphore(%run_scoped3A : memref<!tpu.dma_semaphore, #tpu.memory_space<semaphore_mem>>) src(%dma_wait3A_108 : memref<2052x5xi32, #tpu.memory_space<hbm>>) dst(%arg5 : memref<2052x5xi32, #tpu.memory_space<vmem>>)
      tpu.yield
    }) : () -> ()
    %dma_start3A = arith.constant 0 : i32
    %dma_start3A_23 = arith.constant 0 : i32
    %dma_start3A_24 = arith.constant 0 : i32
    %dma_start3A_25 = arith.constant 0 : i32
    %dma_start3A_26 = tpu.memref_slice %arg6[%dma_start3A, %dma_start3A_23, %dma_start3A_24, %dma_start3A_25] : memref<2x4x4x1024xi32, #tpu.memory_space<vmem>> -> memref<1x4x4x1024xi32, #tpu.memory_space<vmem>>
    %dma_start3A_27 = tpu.memref_squeeze %dma_start3A_26 : memref<1x4x4x1024xi32, #tpu.memory_space<vmem>> -> memref<4x4x1024xi32, #tpu.memory_space<vmem>>
    %dma_start3A_28 = arith.constant 0 : i32
    %dma_start3A_29 = arith.constant 0 : i32
    %dma_start3A_30 = tpu.memref_slice %arg2[%dma_start3A_28, %dma_start3A_29, %mul3A_20] : memref<200x4x4096xi32, #tpu.memory_space<hbm>> -> memref<4x4x1024xi32, #tpu.memory_space<hbm>>
    %dma_start3A_31 = arith.constant 0 : i32
    %dma_start3A_32 = arith.constant 0 : i32
    %dma_start3A_33 = arith.constant 0 : i32
    %dma_start3A_34 = tpu.memref_slice %arg6[%dma_start3A, %dma_start3A_31, %dma_start3A_32, %dma_start3A_33] : memref<2x4x4x1024xi32, #tpu.memory_space<vmem>> -> memref<1x4x4x1024xi32, #tpu.memory_space<vmem>>
    %dma_start3A_35 = tpu.memref_squeeze %dma_start3A_34 : memref<1x4x4x1024xi32, #tpu.memory_space<vmem>> -> memref<4x4x1024xi32, #tpu.memory_space<vmem>>
    %dma_start3A_36 = arith.constant 0 : i32
    %dma_start3A_37 = arith.constant 0 : i32
    %dma_start3A_38 = tpu.memref_slice %arg2[%dma_start3A_36, %dma_start3A_37, %mul3A_20] : memref<200x4x4096xi32, #tpu.memory_space<hbm>> -> memref<4x4x1024xi32, #tpu.memory_space<hbm>>
    tpu.enqueue_dma source(%dma_start3A_38 : memref<4x4x1024xi32, #tpu.memory_space<hbm>>) target(%dma_start3A_35 : memref<4x4x1024xi32, #tpu.memory_space<vmem>>) target_semaphore(%arg8 : memref<!tpu.dma_semaphore, #tpu.memory_space<semaphore_mem>>)
    %scan3A = arith.constant 0 : i32
    %scan3A_39 = arith.constant 0 : i32
    %scan3A_40 = arith.constant 50 : i32
    %scan3A_41 = arith.addi %scan3A_39, %scan3A_40 : i32
    %scan3A_42 = arith.constant 1 : i32
    scf.for %scan3A_93 = %scan3A_39 to %scan3A_41 step %scan3A_42  : i32 {
      %rem3A_94 = arith.constant 2 : i32
      %rem3A_95 = arith.remsi %scan3A_93, %rem3A_94 : i32
      %mul3A_96 = arith.constant 4 : i32
      %mul3A_97 = arith.muli %scan3A_93, %mul3A_96 : i32
      %dma_wait3A_98 = arith.constant 0 : i32
      %dma_wait3A_99 = arith.constant 0 : i32
      %dma_wait3A_100 = arith.constant 0 : i32
      %dma_wait3A_101 = tpu.memref_slice %arg6[%rem3A_95, %dma_wait3A_98, %dma_wait3A_99, %dma_wait3A_100] : memref<2x4x4x1024xi32, #tpu.memory_space<vmem>> -> memref<1x4x4x1024xi32, #tpu.memory_space<vmem>>
      %dma_wait3A_102 = tpu.memref_squeeze %dma_wait3A_101 : memref<1x4x4x1024xi32, #tpu.memory_space<vmem>> -> memref<4x4x1024xi32, #tpu.memory_space<vmem>>
      %dma_wait3A_103 = arith.constant 0 : i32
      %dma_wait3A_104 = tpu.memref_slice %arg2[%mul3A_97, %dma_wait3A_103, %mul3A_20] : memref<200x4x4096xi32, #tpu.memory_space<hbm>> -> memref<4x4x1024xi32, #tpu.memory_space<hbm>>
      %dma_wait3A_105 = arith.constant 0 : i32
      %dma_wait3A_106 = arith.constant 0 : i32
      %dma_wait3A_107 = arith.constant 0 : i32
      %dma_wait3A_108 = tpu.memref_slice %arg6[%rem3A_95, %dma_wait3A_105, %dma_wait3A_106, %dma_wait3A_107] : memref<2x4x4x1024xi32, #tpu.memory_space<vmem>> -> memref<1x4x4x1024xi32, #tpu.memory_space<vmem>>
      %dma_wait3A_109 = tpu.memref_squeeze %dma_wait3A_108 : memref<1x4x4x1024xi32, #tpu.memory_space<vmem>> -> memref<4x4x1024xi32, #tpu.memory_space<vmem>>
      %dma_wait3A_110 = arith.constant 0 : i32
      %dma_wait3A_111 = tpu.memref_slice %arg2[%mul3A_97, %dma_wait3A_110, %mul3A_20] : memref<200x4x4096xi32, #tpu.memory_space<hbm>> -> memref<4x4x1024xi32, #tpu.memory_space<hbm>>
      tpu.wait_dma2 semaphore(%arg8 : memref<!tpu.dma_semaphore, #tpu.memory_space<semaphore_mem>>) src(%dma_wait3A_111 : memref<4x4x1024xi32, #tpu.memory_space<hbm>>) dst(%dma_wait3A_109 : memref<4x4x1024xi32, #tpu.memory_space<vmem>>)
      %lt3A = arith.constant 49 : i32
      %lt3A_112 = arith.cmpi slt, %scan3A_93, %lt3A : i32
      %convert_element_type3A = arith.extui %lt3A_112 : i1 to i32
      %cond3A = arith.constant 0 : i32
      %cond3A_113 = arith.cmpi ne, %convert_element_type3A, %cond3A : i32
      scf.if %cond3A_113 {
        %add3A_151 = arith.constant 1 : i32
        %add3A_152 = arith.addi %scan3A_93, %add3A_151 : i32
        %mul3A_153 = arith.constant 4 : i32
        %mul3A_154 = arith.muli %add3A_152, %mul3A_153 : i32
        %sub3A_155 = arith.constant 1 : i32
        %sub3A_156 = arith.subi %sub3A_155, %rem3A_95 : i32
        %dma_start3A_157 = arith.constant 0 : i32
        %dma_start3A_158 = arith.constant 0 : i32
        %dma_start3A_159 = arith.constant 0 : i32
        %dma_start3A_160 = tpu.memref_slice %arg6[%sub3A_156, %dma_start3A_157, %dma_start3A_158, %dma_start3A_159] : memref<2x4x4x1024xi32, #tpu.memory_space<vmem>> -> memref<1x4x4x1024xi32, #tpu.memory_space<vmem>>
        %dma_start3A_161 = tpu.memref_squeeze %dma_start3A_160 : memref<1x4x4x1024xi32, #tpu.memory_space<vmem>> -> memref<4x4x1024xi32, #tpu.memory_space<vmem>>
        %dma_start3A_162 = arith.constant 0 : i32
        %dma_start3A_163 = tpu.memref_slice %arg2[%mul3A_154, %dma_start3A_162, %mul3A_20] : memref<200x4x4096xi32, #tpu.memory_space<hbm>> -> memref<4x4x1024xi32, #tpu.memory_space<hbm>>
        %dma_start3A_164 = arith.constant 0 : i32
        %dma_start3A_165 = arith.constant 0 : i32
        %dma_start3A_166 = arith.constant 0 : i32
        %dma_start3A_167 = tpu.memref_slice %arg6[%sub3A_156, %dma_start3A_164, %dma_start3A_165, %dma_start3A_166] : memref<2x4x4x1024xi32, #tpu.memory_space<vmem>> -> memref<1x4x4x1024xi32, #tpu.memory_space<vmem>>
        %dma_start3A_168 = tpu.memref_squeeze %dma_start3A_167 : memref<1x4x4x1024xi32, #tpu.memory_space<vmem>> -> memref<4x4x1024xi32, #tpu.memory_space<vmem>>
        %dma_start3A_169 = arith.constant 0 : i32
        %dma_start3A_170 = tpu.memref_slice %arg2[%mul3A_154, %dma_start3A_169, %mul3A_20] : memref<200x4x4096xi32, #tpu.memory_space<hbm>> -> memref<4x4x1024xi32, #tpu.memory_space<hbm>>
        tpu.enqueue_dma source(%dma_start3A_170 : memref<4x4x1024xi32, #tpu.memory_space<hbm>>) target(%dma_start3A_168 : memref<4x4x1024xi32, #tpu.memory_space<vmem>>) target_semaphore(%arg8 : memref<!tpu.dma_semaphore, #tpu.memory_space<semaphore_mem>>)
      } else {
      }
      %ge3A = arith.constant 2 : i32
      %ge3A_114 = arith.cmpi sge, %scan3A_93, %ge3A : i32
      %convert_element_type3A_115 = arith.extui %ge3A_114 : i1 to i32
      %cond3A_116 = arith.constant 0 : i32
      %cond3A_117 = arith.cmpi ne, %convert_element_type3A_115, %cond3A_116 : i32
      scf.if %cond3A_117 {
        %sub3A_151 = arith.constant 2 : i32
        %sub3A_152 = arith.subi %scan3A_93, %sub3A_151 : i32
        %mul3A_153 = arith.constant 4 : i32
        %mul3A_154 = arith.muli %sub3A_152, %mul3A_153 : i32
        %dma_wait3A_155 = arith.constant 0 : i32
        %dma_wait3A_156 = arith.constant 0 : i32
        %dma_wait3A_157 = arith.constant 0 : i32
        %dma_wait3A_158 = arith.constant 0 : i32
        %dma_wait3A_159 = tpu.memref_slice %arg7[%rem3A_95, %dma_wait3A_155, %dma_wait3A_156, %dma_wait3A_157, %dma_wait3A_158] : memref<2x4x8x8x128xf32, #tpu.memory_space<vmem>> -> memref<1x4x8x8x128xf32, #tpu.memory_space<vmem>>
        %dma_wait3A_160 = tpu.memref_squeeze %dma_wait3A_159 : memref<1x4x8x8x128xf32, #tpu.memory_space<vmem>> -> memref<4x8x8x128xf32, #tpu.memory_space<vmem>>
        %dma_wait3A_161 = arith.constant 0 : i32
        %dma_wait3A_162 = arith.constant 0 : i32
        %dma_wait3A_163 = tpu.memref_slice %arg4[%mul3A_154, %rem3A_1, %mul3A_22, %dma_wait3A_161, %dma_wait3A_162] : memref<200x8x32x8x128xf32, #tpu.memory_space<hbm>> -> memref<4x1x8x8x128xf32, #tpu.memory_space<hbm>>
        %dma_wait3A_164 = tpu.memref_squeeze %dma_wait3A_163 : memref<4x1x8x8x128xf32, #tpu.memory_space<hbm>> -> memref<4x8x8x128xf32, #tpu.memory_space<hbm>>
        %dma_wait3A_165 = arith.constant 0 : i32
        %dma_wait3A_166 = arith.constant 0 : i32
        %dma_wait3A_167 = tpu.memref_slice %arg4[%mul3A_154, %rem3A_1, %mul3A_22, %dma_wait3A_165, %dma_wait3A_166] : memref<200x8x32x8x128xf32, #tpu.memory_space<hbm>> -> memref<4x1x8x8x128xf32, #tpu.memory_space<hbm>>
        %dma_wait3A_168 = tpu.memref_squeeze %dma_wait3A_167 : memref<4x1x8x8x128xf32, #tpu.memory_space<hbm>> -> memref<4x8x8x128xf32, #tpu.memory_space<hbm>>
        %dma_wait3A_169 = arith.constant 0 : i32
        %dma_wait3A_170 = arith.constant 0 : i32
        %dma_wait3A_171 = arith.constant 0 : i32
        %dma_wait3A_172 = arith.constant 0 : i32
        %dma_wait3A_173 = tpu.memref_slice %arg7[%rem3A_95, %dma_wait3A_169, %dma_wait3A_170, %dma_wait3A_171, %dma_wait3A_172] : memref<2x4x8x8x128xf32, #tpu.memory_space<vmem>> -> memref<1x4x8x8x128xf32, #tpu.memory_space<vmem>>
        %dma_wait3A_174 = tpu.memref_squeeze %dma_wait3A_173 : memref<1x4x8x8x128xf32, #tpu.memory_space<vmem>> -> memref<4x8x8x128xf32, #tpu.memory_space<vmem>>
        tpu.wait_dma2 semaphore(%arg9 : memref<!tpu.dma_semaphore, #tpu.memory_space<semaphore_mem>>) src(%dma_wait3A_174 : memref<4x8x8x128xf32, #tpu.memory_space<vmem>>) dst(%dma_wait3A_168 : memref<4x8x8x128xf32, #tpu.memory_space<hbm>>)
      } else {
      }
      %parallel_loop3A = arith.constant 0 : i32
      %parallel_loop3A_118 = arith.constant 64 : i32
      %parallel_loop3A_119 = arith.constant 1 : i32
      scf.for %parallel_loop3A_151 = %parallel_loop3A to %parallel_loop3A_118 step %parallel_loop3A_119  : i32 {
        %parallel_loop3A_152 = arith.constant 16 : i32
        %parallel_loop3A_153 = arith.muli %parallel_loop3A_151, %parallel_loop3A_152 : i32
        %parallel_loop3A_154 = arith.constant 0 : i32
        %parallel_loop3A_155 = arith.constant 0 : i32
        %parallel_loop3A_156 = arith.index_cast %rem3A_95 : i32 to index
        %parallel_loop3A_157 = arith.index_cast %parallel_loop3A_154 : i32 to index
        %parallel_loop3A_158 = arith.index_cast %parallel_loop3A_155 : i32 to index
        %parallel_loop3A_159 = arith.index_cast %parallel_loop3A_153 : i32 to index
        %parallel_loop3A_160 = tpu.vector_load %arg6[%parallel_loop3A_156, %parallel_loop3A_157, %parallel_loop3A_158, %parallel_loop3A_159] {strides = array<i32>} : memref<2x4x4x1024xi32, #tpu.memory_space<vmem>>, vector<16xi32>,
        %parallel_loop3A_161 = arith.constant 0 : i32
        %parallel_loop3A_162 = arith.constant 1 : i32
        %parallel_loop3A_163 = arith.index_cast %rem3A_95 : i32 to index
        %parallel_loop3A_164 = arith.index_cast %parallel_loop3A_161 : i32 to index
        %parallel_loop3A_165 = arith.index_cast %parallel_loop3A_162 : i32 to index
        %parallel_loop3A_166 = arith.index_cast %parallel_loop3A_153 : i32 to index
        %parallel_loop3A_167 = tpu.vector_load %arg6[%parallel_loop3A_163, %parallel_loop3A_164, %parallel_loop3A_165, %parallel_loop3A_166] {strides = array<i32>} : memref<2x4x4x1024xi32, #tpu.memory_space<vmem>>, vector<16xi32>,
        %parallel_loop3A_168 = arith.constant 513 : i32
        %parallel_loop3A_169 = vector.broadcast %parallel_loop3A_168 : i32 to vector<16xi32>
        %parallel_loop3A_170 = arith.addi %parallel_loop3A_167, %parallel_loop3A_169 : vector<16xi32>
        %parallel_loop3A_171 = arith.constant 0 : i32
        %parallel_loop3A_172 = arith.constant 2 : i32
        %parallel_loop3A_173 = arith.index_cast %rem3A_95 : i32 to index
        %parallel_loop3A_174 = arith.index_cast %parallel_loop3A_171 : i32 to index
        %parallel_loop3A_175 = arith.index_cast %parallel_loop3A_172 : i32 to index
        %parallel_loop3A_176 = arith.index_cast %parallel_loop3A_153 : i32 to index
        %parallel_loop3A_177 = tpu.vector_load %arg6[%parallel_loop3A_173, %parallel_loop3A_174, %parallel_loop3A_175, %parallel_loop3A_176] {strides = array<i32>} : memref<2x4x4x1024xi32, #tpu.memory_space<vmem>>, vector<16xi32>,
        %parallel_loop3A_178 = arith.constant 1026 : i32
        %parallel_loop3A_179 = vector.broadcast %parallel_loop3A_178 : i32 to vector<16xi32>
        %parallel_loop3A_180 = arith.addi %parallel_loop3A_177, %parallel_loop3A_179 : vector<16xi32>
        %parallel_loop3A_181 = arith.constant 0 : i32
        %parallel_loop3A_182 = arith.constant 3 : i32
        %parallel_loop3A_183 = arith.index_cast %rem3A_95 : i32 to index
        %parallel_loop3A_184 = arith.index_cast %parallel_loop3A_181 : i32 to index
        %parallel_loop3A_185 = arith.index_cast %parallel_loop3A_182 : i32 to index
        %parallel_loop3A_186 = arith.index_cast %parallel_loop3A_153 : i32 to index
        %parallel_loop3A_187 = tpu.vector_load %arg6[%parallel_loop3A_183, %parallel_loop3A_184, %parallel_loop3A_185, %parallel_loop3A_186] {strides = array<i32>} : memref<2x4x4x1024xi32, #tpu.memory_space<vmem>>, vector<16xi32>,
        %parallel_loop3A_188 = arith.constant 1539 : i32
        %parallel_loop3A_189 = vector.broadcast %parallel_loop3A_188 : i32 to vector<16xi32>
        %parallel_loop3A_190 = arith.addi %parallel_loop3A_187, %parallel_loop3A_189 : vector<16xi32>
        %parallel_loop3A_191 = arith.constant -65536 : i32
        %parallel_loop3A_192 = vector.broadcast %parallel_loop3A_191 : i32 to vector<16xi32>
        %parallel_loop3A_193 = arith.constant 0 : i32
        %parallel_loop3A_194 = vector.broadcast %parallel_loop3A_193 : i32 to vector<16xi32>
        %parallel_loop3A_195 = tpu.vector_load_idx %arg5[%parallel_loop3A_160, %parallel_loop3A_194] : memref<2052x5xi32, #tpu.memory_space<vmem>>[vector<16xi32>, vector<16xi32>], vector<16xi32>,
        %parallel_loop3A_196 = tpu.vector_load_idx %arg5[%parallel_loop3A_170, %parallel_loop3A_194] : memref<2052x5xi32, #tpu.memory_space<vmem>>[vector<16xi32>, vector<16xi32>], vector<16xi32>,
        %parallel_loop3A_197 = tpu.vector_load_idx %arg5[%parallel_loop3A_180, %parallel_loop3A_194] : memref<2052x5xi32, #tpu.memory_space<vmem>>[vector<16xi32>, vector<16xi32>], vector<16xi32>,
        %parallel_loop3A_198 = tpu.vector_load_idx %arg5[%parallel_loop3A_190, %parallel_loop3A_194] : memref<2052x5xi32, #tpu.memory_space<vmem>>[vector<16xi32>, vector<16xi32>], vector<16xi32>,
        %parallel_loop3A_199 = vector.bitcast %parallel_loop3A_195 : vector<16xi32> to vector<32xbf16>
        %parallel_loop3A_200 = vector.bitcast %parallel_loop3A_196 : vector<16xi32> to vector<32xbf16>
        %parallel_loop3A_201 = arith.addf %parallel_loop3A_199, %parallel_loop3A_200 : vector<32xbf16>
        %parallel_loop3A_202 = vector.bitcast %parallel_loop3A_197 : vector<16xi32> to vector<32xbf16>
        %parallel_loop3A_203 = vector.bitcast %parallel_loop3A_198 : vector<16xi32> to vector<32xbf16>
        %parallel_loop3A_204 = arith.addf %parallel_loop3A_202, %parallel_loop3A_203 : vector<32xbf16>
        %parallel_loop3A_205 = arith.addf %parallel_loop3A_201, %parallel_loop3A_204 : vector<32xbf16>
        %parallel_loop3A_206 = vector.bitcast %parallel_loop3A_205 : vector<32xbf16> to vector<16xi32>
        %parallel_loop3A_207 = arith.constant 16 : i32
        %parallel_loop3A_208 = vector.broadcast %parallel_loop3A_207 : i32 to vector<16xi32>
        %parallel_loop3A_209 = arith.shli %parallel_loop3A_206, %parallel_loop3A_208 : vector<16xi32>
        %parallel_loop3A_210 = vector.bitcast %parallel_loop3A_209 : vector<16xi32> to vector<16xf32>
        %parallel_loop3A_211 = arith.andi %parallel_loop3A_206, %parallel_loop3A_192 : vector<16xi32>
        %parallel_loop3A_212 = vector.bitcast %parallel_loop3A_211 : vector<16xi32> to vector<16xf32>
        %parallel_loop3A_213 = arith.constant 8 : i32
        %parallel_loop3A_214 = arith.remsi %parallel_loop3A_151, %parallel_loop3A_213 : i32
        %parallel_loop3A_215 = arith.constant 16 : i32
        %parallel_loop3A_216 = arith.muli %parallel_loop3A_214, %parallel_loop3A_215 : i32
        %parallel_loop3A_217 = arith.constant 8 : i32
        %parallel_loop3A_218 = arith.divsi %parallel_loop3A_151, %parallel_loop3A_217 : i32
        %parallel_loop3A_219 = arith.constant 0 : i32
        %parallel_loop3A_220 = arith.cmpi sgt, %parallel_loop3A_151, %parallel_loop3A_219 : i32
        %parallel_loop3A_221 = arith.extui %parallel_loop3A_220 : i1 to i32
        %parallel_loop3A_222 = arith.constant 0 : i32
        %parallel_loop3A_223 = arith.cmpi slt, %parallel_loop3A_151, %parallel_loop3A_222 : i32
        %parallel_loop3A_224 = arith.extui %parallel_loop3A_223 : i1 to i32
        %parallel_loop3A_225 = arith.subi %parallel_loop3A_221, %parallel_loop3A_224 : i32
        %parallel_loop3A_226 = arith.constant 0 : i32
        %parallel_loop3A_227 = arith.cmpi sgt, %parallel_loop3A_217, %parallel_loop3A_226 : i32
        %parallel_loop3A_228 = arith.extui %parallel_loop3A_227 : i1 to i32
        %parallel_loop3A_229 = arith.constant 0 : i32
        %parallel_loop3A_230 = arith.cmpi slt, %parallel_loop3A_217, %parallel_loop3A_229 : i32
        %parallel_loop3A_231 = arith.extui %parallel_loop3A_230 : i1 to i32
        %parallel_loop3A_232 = arith.subi %parallel_loop3A_228, %parallel_loop3A_231 : i32
        %parallel_loop3A_233 = arith.cmpi ne, %parallel_loop3A_225, %parallel_loop3A_232 : i32
        %parallel_loop3A_234 = arith.remsi %parallel_loop3A_151, %parallel_loop3A_217 : i32
        %parallel_loop3A_235 = arith.constant 0 : i32
        %parallel_loop3A_236 = arith.cmpi ne, %parallel_loop3A_234, %parallel_loop3A_235 : i32
        %parallel_loop3A_237 = arith.andi %parallel_loop3A_233, %parallel_loop3A_236 : i1
        %parallel_loop3A_238 = arith.constant 1 : i32
        %parallel_loop3A_239 = arith.subi %parallel_loop3A_218, %parallel_loop3A_238 : i32
        %parallel_loop3A_240 = arith.select %parallel_loop3A_237, %parallel_loop3A_239, %parallel_loop3A_218 : i32
        %parallel_loop3A_241 = arith.constant 0 : i32
        %parallel_loop3A_242 = arith.constant 0 : i32
        %parallel_loop3A_243 = arith.index_cast %rem3A_95 : i32 to index
        %parallel_loop3A_244 = arith.index_cast %parallel_loop3A_241 : i32 to index
        %parallel_loop3A_245 = arith.index_cast %parallel_loop3A_240 : i32 to index
        %parallel_loop3A_246 = arith.index_cast %parallel_loop3A_242 : i32 to index
        %parallel_loop3A_247 = arith.index_cast %parallel_loop3A_216 : i32 to index
        %parallel_loop3A_248 = tpu.vector_load %arg7[%parallel_loop3A_243, %parallel_loop3A_244, %parallel_loop3A_245, %parallel_loop3A_246, %parallel_loop3A_247] {strides = array<i32>} : memref<2x4x8x8x128xf32, #tpu.memory_space<vmem>>, vector<16xf32>,
        tpu.vector_store %arg7[%parallel_loop3A_243, %parallel_loop3A_244, %parallel_loop3A_245, %parallel_loop3A_246, %parallel_loop3A_247], %parallel_loop3A_210 {strides = array<i32>} : memref<2x4x8x8x128xf32, #tpu.memory_space<vmem>>, vector<16xf32>,
        %parallel_loop3A_249 = arith.constant 8 : i32
        %parallel_loop3A_250 = arith.divsi %parallel_loop3A_151, %parallel_loop3A_249 : i32
        %parallel_loop3A_251 = arith.constant 0 : i32
        %parallel_loop3A_252 = arith.cmpi sgt, %parallel_loop3A_151, %parallel_loop3A_251 : i32
        %parallel_loop3A_253 = arith.extui %parallel_loop3A_252 : i1 to i32
        %parallel_loop3A_254 = arith.constant 0 : i32
        %parallel_loop3A_255 = arith.cmpi slt, %parallel_loop3A_151, %parallel_loop3A_254 : i32
        %parallel_loop3A_256 = arith.extui %parallel_loop3A_255 : i1 to i32
        %parallel_loop3A_257 = arith.subi %parallel_loop3A_253, %parallel_loop3A_256 : i32
        %parallel_loop3A_258 = arith.constant 0 : i32
        %parallel_loop3A_259 = arith.cmpi sgt, %parallel_loop3A_249, %parallel_loop3A_258 : i32
        %parallel_loop3A_260 = arith.extui %parallel_loop3A_259 : i1 to i32
        %parallel_loop3A_261 = arith.constant 0 : i32
        %parallel_loop3A_262 = arith.cmpi slt, %parallel_loop3A_249, %parallel_loop3A_261 : i32
        %parallel_loop3A_263 = arith.extui %parallel_loop3A_262 : i1 to i32
        %parallel_loop3A_264 = arith.subi %parallel_loop3A_260, %parallel_loop3A_263 : i32
        %parallel_loop3A_265 = arith.cmpi ne, %parallel_loop3A_257, %parallel_loop3A_264 : i32
        %parallel_loop3A_266 = arith.remsi %parallel_loop3A_151, %parallel_loop3A_249 : i32
        %parallel_loop3A_267 = arith.constant 0 : i32
        %parallel_loop3A_268 = arith.cmpi ne, %parallel_loop3A_266, %parallel_loop3A_267 : i32
        %parallel_loop3A_269 = arith.andi %parallel_loop3A_265, %parallel_loop3A_268 : i1
        %parallel_loop3A_270 = arith.constant 1 : i32
        %parallel_loop3A_271 = arith.subi %parallel_loop3A_250, %parallel_loop3A_270 : i32
        %parallel_loop3A_272 = arith.select %parallel_loop3A_269, %parallel_loop3A_271, %parallel_loop3A_250 : i32
        %parallel_loop3A_273 = arith.constant 0 : i32
        %parallel_loop3A_274 = arith.constant 4 : i32
        %parallel_loop3A_275 = arith.index_cast %rem3A_95 : i32 to index
        %parallel_loop3A_276 = arith.index_cast %parallel_loop3A_273 : i32 to index
        %parallel_loop3A_277 = arith.index_cast %parallel_loop3A_272 : i32 to index
        %parallel_loop3A_278 = arith.index_cast %parallel_loop3A_274 : i32 to index
        %parallel_loop3A_279 = arith.index_cast %parallel_loop3A_216 : i32 to index
        %parallel_loop3A_280 = tpu.vector_load %arg7[%parallel_loop3A_275, %parallel_loop3A_276, %parallel_loop3A_277, %parallel_loop3A_278, %parallel_loop3A_279] {strides = array<i32>} : memref<2x4x8x8x128xf32, #tpu.memory_space<vmem>>, vector<16xf32>,
        tpu.vector_store %arg7[%parallel_loop3A_275, %parallel_loop3A_276, %parallel_loop3A_277, %parallel_loop3A_278, %parallel_loop3A_279], %parallel_loop3A_212 {strides = array<i32>} : memref<2x4x8x8x128xf32, #tpu.memory_space<vmem>>, vector<16xf32>,
        %parallel_loop3A_281 = arith.constant 1 : i32
        %parallel_loop3A_282 = vector.broadcast %parallel_loop3A_281 : i32 to vector<16xi32>
        %parallel_loop3A_283 = tpu.vector_load_idx %arg5[%parallel_loop3A_160, %parallel_loop3A_282] : memref<2052x5xi32, #tpu.memory_space<vmem>>[vector<16xi32>, vector<16xi32>], vector<16xi32>,
        %parallel_loop3A_284 = tpu.vector_load_idx %arg5[%parallel_loop3A_170, %parallel_loop3A_282] : memref<2052x5xi32, #tpu.memory_space<vmem>>[vector<16xi32>, vector<16xi32>], vector<16xi32>,
        %parallel_loop3A_285 = tpu.vector_load_idx %arg5[%parallel_loop3A_180, %parallel_loop3A_282] : memref<2052x5xi32, #tpu.memory_space<vmem>>[vector<16xi32>, vector<16xi32>], vector<16xi32>,
        %parallel_loop3A_286 = tpu.vector_load_idx %arg5[%parallel_loop3A_190, %parallel_loop3A_282] : memref<2052x5xi32, #tpu.memory_space<vmem>>[vector<16xi32>, vector<16xi32>], vector<16xi32>,
        %parallel_loop3A_287 = vector.bitcast %parallel_loop3A_283 : vector<16xi32> to vector<32xbf16>
        %parallel_loop3A_288 = vector.bitcast %parallel_loop3A_284 : vector<16xi32> to vector<32xbf16>
        %parallel_loop3A_289 = arith.addf %parallel_loop3A_287, %parallel_loop3A_288 : vector<32xbf16>
        %parallel_loop3A_290 = vector.bitcast %parallel_loop3A_285 : vector<16xi32> to vector<32xbf16>
        %parallel_loop3A_291 = vector.bitcast %parallel_loop3A_286 : vector<16xi32> to vector<32xbf16>
        %parallel_loop3A_292 = arith.addf %parallel_loop3A_290, %parallel_loop3A_291 : vector<32xbf16>
        %parallel_loop3A_293 = arith.addf %parallel_loop3A_289, %parallel_loop3A_292 : vector<32xbf16>
        %parallel_loop3A_294 = vector.bitcast %parallel_loop3A_293 : vector<32xbf16> to vector<16xi32>
        %parallel_loop3A_295 = arith.constant 16 : i32
        %parallel_loop3A_296 = vector.broadcast %parallel_loop3A_295 : i32 to vector<16xi32>
        %parallel_loop3A_297 = arith.shli %parallel_loop3A_294, %parallel_loop3A_296 : vector<16xi32>
        %parallel_loop3A_298 = vector.bitcast %parallel_loop3A_297 : vector<16xi32> to vector<16xf32>
        %parallel_loop3A_299 = arith.andi %parallel_loop3A_294, %parallel_loop3A_192 : vector<16xi32>
        %parallel_loop3A_300 = vector.bitcast %parallel_loop3A_299 : vector<16xi32> to vector<16xf32>
        %parallel_loop3A_301 = arith.constant 8 : i32
        %parallel_loop3A_302 = arith.remsi %parallel_loop3A_151, %parallel_loop3A_301 : i32
        %parallel_loop3A_303 = arith.constant 16 : i32
        %parallel_loop3A_304 = arith.muli %parallel_loop3A_302, %parallel_loop3A_303 : i32
        %parallel_loop3A_305 = arith.constant 8 : i32
        %parallel_loop3A_306 = arith.divsi %parallel_loop3A_151, %parallel_loop3A_305 : i32
        %parallel_loop3A_307 = arith.constant 0 : i32
        %parallel_loop3A_308 = arith.cmpi sgt, %parallel_loop3A_151, %parallel_loop3A_307 : i32
        %parallel_loop3A_309 = arith.extui %parallel_loop3A_308 : i1 to i32
        %parallel_loop3A_310 = arith.constant 0 : i32
        %parallel_loop3A_311 = arith.cmpi slt, %parallel_loop3A_151, %parallel_loop3A_310 : i32
        %parallel_loop3A_312 = arith.extui %parallel_loop3A_311 : i1 to i32
        %parallel_loop3A_313 = arith.subi %parallel_loop3A_309, %parallel_loop3A_312 : i32
        %parallel_loop3A_314 = arith.constant 0 : i32
        %parallel_loop3A_315 = arith.cmpi sgt, %parallel_loop3A_305, %parallel_loop3A_314 : i32
        %parallel_loop3A_316 = arith.extui %parallel_loop3A_315 : i1 to i32
        %parallel_loop3A_317 = arith.constant 0 : i32
        %parallel_loop3A_318 = arith.cmpi slt, %parallel_loop3A_305, %parallel_loop3A_317 : i32
        %parallel_loop3A_319 = arith.extui %parallel_loop3A_318 : i1 to i32
        %parallel_loop3A_320 = arith.subi %parallel_loop3A_316, %parallel_loop3A_319 : i32
        %parallel_loop3A_321 = arith.cmpi ne, %parallel_loop3A_313, %parallel_loop3A_320 : i32
        %parallel_loop3A_322 = arith.remsi %parallel_loop3A_151, %parallel_loop3A_305 : i32
        %parallel_loop3A_323 = arith.constant 0 : i32
        %parallel_loop3A_324 = arith.cmpi ne, %parallel_loop3A_322, %parallel_loop3A_323 : i32
        %parallel_loop3A_325 = arith.andi %parallel_loop3A_321, %parallel_loop3A_324 : i1
        %parallel_loop3A_326 = arith.constant 1 : i32
        %parallel_loop3A_327 = arith.subi %parallel_loop3A_306, %parallel_loop3A_326 : i32
        %parallel_loop3A_328 = arith.select %parallel_loop3A_325, %parallel_loop3A_327, %parallel_loop3A_306 : i32
        %parallel_loop3A_329 = arith.constant 0 : i32
        %parallel_loop3A_330 = arith.constant 1 : i32
        %parallel_loop3A_331 = arith.index_cast %rem3A_95 : i32 to index
        %parallel_loop3A_332 = arith.index_cast %parallel_loop3A_329 : i32 to index
        %parallel_loop3A_333 = arith.index_cast %parallel_loop3A_328 : i32 to index
        %parallel_loop3A_334 = arith.index_cast %parallel_loop3A_330 : i32 to index
        %parallel_loop3A_335 = arith.index_cast %parallel_loop3A_304 : i32 to index
        %parallel_loop3A_336 = tpu.vector_load %arg7[%parallel_loop3A_331, %parallel_loop3A_332, %parallel_loop3A_333, %parallel_loop3A_334, %parallel_loop3A_335] {strides = array<i32>} : memref<2x4x8x8x128xf32, #tpu.memory_space<vmem>>, vector<16xf32>,
        tpu.vector_store %arg7[%parallel_loop3A_331, %parallel_loop3A_332, %parallel_loop3A_333, %parallel_loop3A_334, %parallel_loop3A_335], %parallel_loop3A_298 {strides = array<i32>} : memref<2x4x8x8x128xf32, #tpu.memory_space<vmem>>, vector<16xf32>,
        %parallel_loop3A_337 = arith.constant 8 : i32
        %parallel_loop3A_338 = arith.divsi %parallel_loop3A_151, %parallel_loop3A_337 : i32
        %parallel_loop3A_339 = arith.constant 0 : i32
        %parallel_loop3A_340 = arith.cmpi sgt, %parallel_loop3A_151, %parallel_loop3A_339 : i32
        %parallel_loop3A_341 = arith.extui %parallel_loop3A_340 : i1 to i32
        %parallel_loop3A_342 = arith.constant 0 : i32
        %parallel_loop3A_343 = arith.cmpi slt, %parallel_loop3A_151, %parallel_loop3A_342 : i32
        %parallel_loop3A_344 = arith.extui %parallel_loop3A_343 : i1 to i32
        %parallel_loop3A_345 = arith.subi %parallel_loop3A_341, %parallel_loop3A_344 : i32
        %parallel_loop3A_346 = arith.constant 0 : i32
        %parallel_loop3A_347 = arith.cmpi sgt, %parallel_loop3A_337, %parallel_loop3A_346 : i32
        %parallel_loop3A_348 = arith.extui %parallel_loop3A_347 : i1 to i32
        %parallel_loop3A_349 = arith.constant 0 : i32
        %parallel_loop3A_350 = arith.cmpi slt, %parallel_loop3A_337, %parallel_loop3A_349 : i32
        %parallel_loop3A_351 = arith.extui %parallel_loop3A_350 : i1 to i32
        %parallel_loop3A_352 = arith.subi %parallel_loop3A_348, %parallel_loop3A_351 : i32
        %parallel_loop3A_353 = arith.cmpi ne, %parallel_loop3A_345, %parallel_loop3A_352 : i32
        %parallel_loop3A_354 = arith.remsi %parallel_loop3A_151, %parallel_loop3A_337 : i32
        %parallel_loop3A_355 = arith.constant 0 : i32
        %parallel_loop3A_356 = arith.cmpi ne, %parallel_loop3A_354, %parallel_loop3A_355 : i32
        %parallel_loop3A_357 = arith.andi %parallel_loop3A_353, %parallel_loop3A_356 : i1
        %parallel_loop3A_358 = arith.constant 1 : i32
        %parallel_loop3A_359 = arith.subi %parallel_loop3A_338, %parallel_loop3A_358 : i32
        %parallel_loop3A_360 = arith.select %parallel_loop3A_357, %parallel_loop3A_359, %parallel_loop3A_338 : i32
        %parallel_loop3A_361 = arith.constant 0 : i32
        %parallel_loop3A_362 = arith.constant 5 : i32
        %parallel_loop3A_363 = arith.index_cast %rem3A_95 : i32 to index
        %parallel_loop3A_364 = arith.index_cast %parallel_loop3A_361 : i32 to index
        %parallel_loop3A_365 = arith.index_cast %parallel_loop3A_360 : i32 to index
        %parallel_loop3A_366 = arith.index_cast %parallel_loop3A_362 : i32 to index
        %parallel_loop3A_367 = arith.index_cast %parallel_loop3A_304 : i32 to index
        %parallel_loop3A_368 = tpu.vector_load %arg7[%parallel_loop3A_363, %parallel_loop3A_364, %parallel_loop3A_365, %parallel_loop3A_366, %parallel_loop3A_367] {strides = array<i32>} : memref<2x4x8x8x128xf32, #tpu.memory_space<vmem>>, vector<16xf32>,
        tpu.vector_store %arg7[%parallel_loop3A_363, %parallel_loop3A_364, %parallel_loop3A_365, %parallel_loop3A_366, %parallel_loop3A_367], %parallel_loop3A_300 {strides = array<i32>} : memref<2x4x8x8x128xf32, #tpu.memory_space<vmem>>, vector<16xf32>,
        %parallel_loop3A_369 = arith.constant 2 : i32
        %parallel_loop3A_370 = vector.broadcast %parallel_loop3A_369 : i32 to vector<16xi32>
        %parallel_loop3A_371 = tpu.vector_load_idx %arg5[%parallel_loop3A_160, %parallel_loop3A_370] : memref<2052x5xi32, #tpu.memory_space<vmem>>[vector<16xi32>, vector<16xi32>], vector<16xi32>,
        %parallel_loop3A_372 = tpu.vector_load_idx %arg5[%parallel_loop3A_170, %parallel_loop3A_370] : memref<2052x5xi32, #tpu.memory_space<vmem>>[vector<16xi32>, vector<16xi32>], vector<16xi32>,
        %parallel_loop3A_373 = tpu.vector_load_idx %arg5[%parallel_loop3A_180, %parallel_loop3A_370] : memref<2052x5xi32, #tpu.memory_space<vmem>>[vector<16xi32>, vector<16xi32>], vector<16xi32>,
        %parallel_loop3A_374 = tpu.vector_load_idx %arg5[%parallel_loop3A_190, %parallel_loop3A_370] : memref<2052x5xi32, #tpu.memory_space<vmem>>[vector<16xi32>, vector<16xi32>], vector<16xi32>,
        %parallel_loop3A_375 = vector.bitcast %parallel_loop3A_371 : vector<16xi32> to vector<32xbf16>
        %parallel_loop3A_376 = vector.bitcast %parallel_loop3A_372 : vector<16xi32> to vector<32xbf16>
        %parallel_loop3A_377 = arith.addf %parallel_loop3A_375, %parallel_loop3A_376 : vector<32xbf16>
        %parallel_loop3A_378 = vector.bitcast %parallel_loop3A_373 : vector<16xi32> to vector<32xbf16>
        %parallel_loop3A_379 = vector.bitcast %parallel_loop3A_374 : vector<16xi32> to vector<32xbf16>
        %parallel_loop3A_380 = arith.addf %parallel_loop3A_378, %parallel_loop3A_379 : vector<32xbf16>
        %parallel_loop3A_381 = arith.addf %parallel_loop3A_377, %parallel_loop3A_380 : vector<32xbf16>
        %parallel_loop3A_382 = vector.bitcast %parallel_loop3A_381 : vector<32xbf16> to vector<16xi32>
        %parallel_loop3A_383 = arith.constant 16 : i32
        %parallel_loop3A_384 = vector.broadcast %parallel_loop3A_383 : i32 to vector<16xi32>
        %parallel_loop3A_385 = arith.shli %parallel_loop3A_382, %parallel_loop3A_384 : vector<16xi32>
        %parallel_loop3A_386 = vector.bitcast %parallel_loop3A_385 : vector<16xi32> to vector<16xf32>
        %parallel_loop3A_387 = arith.andi %parallel_loop3A_382, %parallel_loop3A_192 : vector<16xi32>
        %parallel_loop3A_388 = vector.bitcast %parallel_loop3A_387 : vector<16xi32> to vector<16xf32>
        %parallel_loop3A_389 = arith.constant 8 : i32
        %parallel_loop3A_390 = arith.remsi %parallel_loop3A_151, %parallel_loop3A_389 : i32
        %parallel_loop3A_391 = arith.constant 16 : i32
        %parallel_loop3A_392 = arith.muli %parallel_loop3A_390, %parallel_loop3A_391 : i32
        %parallel_loop3A_393 = arith.constant 8 : i32
        %parallel_loop3A_394 = arith.divsi %parallel_loop3A_151, %parallel_loop3A_393 : i32
        %parallel_loop3A_395 = arith.constant 0 : i32
        %parallel_loop3A_396 = arith.cmpi sgt, %parallel_loop3A_151, %parallel_loop3A_395 : i32
        %parallel_loop3A_397 = arith.extui %parallel_loop3A_396 : i1 to i32
        %parallel_loop3A_398 = arith.constant 0 : i32
        %parallel_loop3A_399 = arith.cmpi slt, %parallel_loop3A_151, %parallel_loop3A_398 : i32
        %parallel_loop3A_400 = arith.extui %parallel_loop3A_399 : i1 to i32
        %parallel_loop3A_401 = arith.subi %parallel_loop3A_397, %parallel_loop3A_400 : i32
        %parallel_loop3A_402 = arith.constant 0 : i32
        %parallel_loop3A_403 = arith.cmpi sgt, %parallel_loop3A_393, %parallel_loop3A_402 : i32
        %parallel_loop3A_404 = arith.extui %parallel_loop3A_403 : i1 to i32
        %parallel_loop3A_405 = arith.constant 0 : i32
        %parallel_loop3A_406 = arith.cmpi slt, %parallel_loop3A_393, %parallel_loop3A_405 : i32
        %parallel_loop3A_407 = arith.extui %parallel_loop3A_406 : i1 to i32
        %parallel_loop3A_408 = arith.subi %parallel_loop3A_404, %parallel_loop3A_407 : i32
        %parallel_loop3A_409 = arith.cmpi ne, %parallel_loop3A_401, %parallel_loop3A_408 : i32
        %parallel_loop3A_410 = arith.remsi %parallel_loop3A_151, %parallel_loop3A_393 : i32
        %parallel_loop3A_411 = arith.constant 0 : i32
        %parallel_loop3A_412 = arith.cmpi ne, %parallel_loop3A_410, %parallel_loop3A_411 : i32
        %parallel_loop3A_413 = arith.andi %parallel_loop3A_409, %parallel_loop3A_412 : i1
        %parallel_loop3A_414 = arith.constant 1 : i32
        %parallel_loop3A_415 = arith.subi %parallel_loop3A_394, %parallel_loop3A_414 : i32
        %parallel_loop3A_416 = arith.select %parallel_loop3A_413, %parallel_loop3A_415, %parallel_loop3A_394 : i32
        %parallel_loop3A_417 = arith.constant 0 : i32
        %parallel_loop3A_418 = arith.constant 2 : i32
        %parallel_loop3A_419 = arith.index_cast %rem3A_95 : i32 to index
        %parallel_loop3A_420 = arith.index_cast %parallel_loop3A_417 : i32 to index
        %parallel_loop3A_421 = arith.index_cast %parallel_loop3A_416 : i32 to index
        %parallel_loop3A_422 = arith.index_cast %parallel_loop3A_418 : i32 to index
        %parallel_loop3A_423 = arith.index_cast %parallel_loop3A_392 : i32 to index
        %parallel_loop3A_424 = tpu.vector_load %arg7[%parallel_loop3A_419, %parallel_loop3A_420, %parallel_loop3A_421, %parallel_loop3A_422, %parallel_loop3A_423] {strides = array<i32>} : memref<2x4x8x8x128xf32, #tpu.memory_space<vmem>>, vector<16xf32>,
        tpu.vector_store %arg7[%parallel_loop3A_419, %parallel_loop3A_420, %parallel_loop3A_421, %parallel_loop3A_422, %parallel_loop3A_423], %parallel_loop3A_386 {strides = array<i32>} : memref<2x4x8x8x128xf32, #tpu.memory_space<vmem>>, vector<16xf32>,
        %parallel_loop3A_425 = arith.constant 8 : i32
        %parallel_loop3A_426 = arith.divsi %parallel_loop3A_151, %parallel_loop3A_425 : i32
        %parallel_loop3A_427 = arith.constant 0 : i32
        %parallel_loop3A_428 = arith.cmpi sgt, %parallel_loop3A_151, %parallel_loop3A_427 : i32
        %parallel_loop3A_429 = arith.extui %parallel_loop3A_428 : i1 to i32
        %parallel_loop3A_430 = arith.constant 0 : i32
        %parallel_loop3A_431 = arith.cmpi slt, %parallel_loop3A_151, %parallel_loop3A_430 : i32
        %parallel_loop3A_432 = arith.extui %parallel_loop3A_431 : i1 to i32
        %parallel_loop3A_433 = arith.subi %parallel_loop3A_429, %parallel_loop3A_432 : i32
        %parallel_loop3A_434 = arith.constant 0 : i32
        %parallel_loop3A_435 = arith.cmpi sgt, %parallel_loop3A_425, %parallel_loop3A_434 : i32
        %parallel_loop3A_436 = arith.extui %parallel_loop3A_435 : i1 to i32
        %parallel_loop3A_437 = arith.constant 0 : i32
        %parallel_loop3A_438 = arith.cmpi slt, %parallel_loop3A_425, %parallel_loop3A_437 : i32
        %parallel_loop3A_439 = arith.extui %parallel_loop3A_438 : i1 to i32
        %parallel_loop3A_440 = arith.subi %parallel_loop3A_436, %parallel_loop3A_439 : i32
        %parallel_loop3A_441 = arith.cmpi ne, %parallel_loop3A_433, %parallel_loop3A_440 : i32
        %parallel_loop3A_442 = arith.remsi %parallel_loop3A_151, %parallel_loop3A_425 : i32
        %parallel_loop3A_443 = arith.constant 0 : i32
        %parallel_loop3A_444 = arith.cmpi ne, %parallel_loop3A_442, %parallel_loop3A_443 : i32
        %parallel_loop3A_445 = arith.andi %parallel_loop3A_441, %parallel_loop3A_444 : i1
        %parallel_loop3A_446 = arith.constant 1 : i32
        %parallel_loop3A_447 = arith.subi %parallel_loop3A_426, %parallel_loop3A_446 : i32
        %parallel_loop3A_448 = arith.select %parallel_loop3A_445, %parallel_loop3A_447, %parallel_loop3A_426 : i32
        %parallel_loop3A_449 = arith.constant 0 : i32
        %parallel_loop3A_450 = arith.constant 6 : i32
        %parallel_loop3A_451 = arith.index_cast %rem3A_95 : i32 to index
        %parallel_loop3A_452 = arith.index_cast %parallel_loop3A_449 : i32 to index
        %parallel_loop3A_453 = arith.index_cast %parallel_loop3A_448 : i32 to index
        %parallel_loop3A_454 = arith.index_cast %parallel_loop3A_450 : i32 to index
        %parallel_loop3A_455 = arith.index_cast %parallel_loop3A_392 : i32 to index
        %parallel_loop3A_456 = tpu.vector_load %arg7[%parallel_loop3A_451, %parallel_loop3A_452, %parallel_loop3A_453, %parallel_loop3A_454, %parallel_loop3A_455] {strides = array<i32>} : memref<2x4x8x8x128xf32, #tpu.memory_space<vmem>>, vector<16xf32>,
        tpu.vector_store %arg7[%parallel_loop3A_451, %parallel_loop3A_452, %parallel_loop3A_453, %parallel_loop3A_454, %parallel_loop3A_455], %parallel_loop3A_388 {strides = array<i32>} : memref<2x4x8x8x128xf32, #tpu.memory_space<vmem>>, vector<16xf32>,
        %parallel_loop3A_457 = arith.constant 3 : i32
        %parallel_loop3A_458 = vector.broadcast %parallel_loop3A_457 : i32 to vector<16xi32>
        %parallel_loop3A_459 = tpu.vector_load_idx %arg5[%parallel_loop3A_160, %parallel_loop3A_458] : memref<2052x5xi32, #tpu.memory_space<vmem>>[vector<16xi32>, vector<16xi32>], vector<16xi32>,
        %parallel_loop3A_460 = tpu.vector_load_idx %arg5[%parallel_loop3A_170, %parallel_loop3A_458] : memref<2052x5xi32, #tpu.memory_space<vmem>>[vector<16xi32>, vector<16xi32>], vector<16xi32>,
        %parallel_loop3A_461 = tpu.vector_load_idx %arg5[%parallel_loop3A_180, %parallel_loop3A_458] : memref<2052x5xi32, #tpu.memory_space<vmem>>[vector<16xi32>, vector<16xi32>], vector<16xi32>,
        %parallel_loop3A_462 = tpu.vector_load_idx %arg5[%parallel_loop3A_190, %parallel_loop3A_458] : memref<2052x5xi32, #tpu.memory_space<vmem>>[vector<16xi32>, vector<16xi32>], vector<16xi32>,
        %parallel_loop3A_463 = vector.bitcast %parallel_loop3A_459 : vector<16xi32> to vector<32xbf16>
        %parallel_loop3A_464 = vector.bitcast %parallel_loop3A_460 : vector<16xi32> to vector<32xbf16>
        %parallel_loop3A_465 = arith.addf %parallel_loop3A_463, %parallel_loop3A_464 : vector<32xbf16>
        %parallel_loop3A_466 = vector.bitcast %parallel_loop3A_461 : vector<16xi32> to vector<32xbf16>
        %parallel_loop3A_467 = vector.bitcast %parallel_loop3A_462 : vector<16xi32> to vector<32xbf16>
        %parallel_loop3A_468 = arith.addf %parallel_loop3A_466, %parallel_loop3A_467 : vector<32xbf16>
        %parallel_loop3A_469 = arith.addf %parallel_loop3A_465, %parallel_loop3A_468 : vector<32xbf16>
        %parallel_loop3A_470 = vector.bitcast %parallel_loop3A_469 : vector<32xbf16> to vector<16xi32>
        %parallel_loop3A_471 = arith.constant 16 : i32
        %parallel_loop3A_472 = vector.broadcast %parallel_loop3A_471 : i32 to vector<16xi32>
        %parallel_loop3A_473 = arith.shli %parallel_loop3A_470, %parallel_loop3A_472 : vector<16xi32>
        %parallel_loop3A_474 = vector.bitcast %parallel_loop3A_473 : vector<16xi32> to vector<16xf32>
        %parallel_loop3A_475 = arith.andi %parallel_loop3A_470, %parallel_loop3A_192 : vector<16xi32>
        %parallel_loop3A_476 = vector.bitcast %parallel_loop3A_475 : vector<16xi32> to vector<16xf32>
        %parallel_loop3A_477 = arith.constant 8 : i32
        %parallel_loop3A_478 = arith.remsi %parallel_loop3A_151, %parallel_loop3A_477 : i32
        %parallel_loop3A_479 = arith.constant 16 : i32
        %parallel_loop3A_480 = arith.muli %parallel_loop3A_478, %parallel_loop3A_479 : i32
        %parallel_loop3A_481 = arith.constant 8 : i32
        %parallel_loop3A_482 = arith.divsi %parallel_loop3A_151, %parallel_loop3A_481 : i32
        %parallel_loop3A_483 = arith.constant 0 : i32
        %parallel_loop3A_484 = arith.cmpi sgt, %parallel_loop3A_151, %parallel_loop3A_483 : i32
        %parallel_loop3A_485 = arith.extui %parallel_loop3A_484 : i1 to i32
        %parallel_loop3A_486 = arith.constant 0 : i32
        %parallel_loop3A_487 = arith.cmpi slt, %parallel_loop3A_151, %parallel_loop3A_486 : i32
        %parallel_loop3A_488 = arith.extui %parallel_loop3A_487 : i1 to i32
        %parallel_loop3A_489 = arith.subi %parallel_loop3A_485, %parallel_loop3A_488 : i32
        %parallel_loop3A_490 = arith.constant 0 : i32
        %parallel_loop3A_491 = arith.cmpi sgt, %parallel_loop3A_481, %parallel_loop3A_490 : i32
        %parallel_loop3A_492 = arith.extui %parallel_loop3A_491 : i1 to i32
        %parallel_loop3A_493 = arith.constant 0 : i32
        %parallel_loop3A_494 = arith.cmpi slt, %parallel_loop3A_481, %parallel_loop3A_493 : i32
        %parallel_loop3A_495 = arith.extui %parallel_loop3A_494 : i1 to i32
        %parallel_loop3A_496 = arith.subi %parallel_loop3A_492, %parallel_loop3A_495 : i32
        %parallel_loop3A_497 = arith.cmpi ne, %parallel_loop3A_489, %parallel_loop3A_496 : i32
        %parallel_loop3A_498 = arith.remsi %parallel_loop3A_151, %parallel_loop3A_481 : i32
        %parallel_loop3A_499 = arith.constant 0 : i32
        %parallel_loop3A_500 = arith.cmpi ne, %parallel_loop3A_498, %parallel_loop3A_499 : i32
        %parallel_loop3A_501 = arith.andi %parallel_loop3A_497, %parallel_loop3A_500 : i1
        %parallel_loop3A_502 = arith.constant 1 : i32
        %parallel_loop3A_503 = arith.subi %parallel_loop3A_482, %parallel_loop3A_502 : i32
        %parallel_loop3A_504 = arith.select %parallel_loop3A_501, %parallel_loop3A_503, %parallel_loop3A_482 : i32
        %parallel_loop3A_505 = arith.constant 0 : i32
        %parallel_loop3A_506 = arith.constant 3 : i32
        %parallel_loop3A_507 = arith.index_cast %rem3A_95 : i32 to index
        %parallel_loop3A_508 = arith.index_cast %parallel_loop3A_505 : i32 to index
        %parallel_loop3A_509 = arith.index_cast %parallel_loop3A_504 : i32 to index
        %parallel_loop3A_510 = arith.index_cast %parallel_loop3A_506 : i32 to index
        %parallel_loop3A_511 = arith.index_cast %parallel_loop3A_480 : i32 to index
        %parallel_loop3A_512 = tpu.vector_load %arg7[%parallel_loop3A_507, %parallel_loop3A_508, %parallel_loop3A_509, %parallel_loop3A_510, %parallel_loop3A_511] {strides = array<i32>} : memref<2x4x8x8x128xf32, #tpu.memory_space<vmem>>, vector<16xf32>,
        tpu.vector_store %arg7[%parallel_loop3A_507, %parallel_loop3A_508, %parallel_loop3A_509, %parallel_loop3A_510, %parallel_loop3A_511], %parallel_loop3A_474 {strides = array<i32>} : memref<2x4x8x8x128xf32, #tpu.memory_space<vmem>>, vector<16xf32>,
        %parallel_loop3A_513 = arith.constant 8 : i32
        %parallel_loop3A_514 = arith.divsi %parallel_loop3A_151, %parallel_loop3A_513 : i32
        %parallel_loop3A_515 = arith.constant 0 : i32
        %parallel_loop3A_516 = arith.cmpi sgt, %parallel_loop3A_151, %parallel_loop3A_515 : i32
        %parallel_loop3A_517 = arith.extui %parallel_loop3A_516 : i1 to i32
        %parallel_loop3A_518 = arith.constant 0 : i32
        %parallel_loop3A_519 = arith.cmpi slt, %parallel_loop3A_151, %parallel_loop3A_518 : i32
        %parallel_loop3A_520 = arith.extui %parallel_loop3A_519 : i1 to i32
        %parallel_loop3A_521 = arith.subi %parallel_loop3A_517, %parallel_loop3A_520 : i32
        %parallel_loop3A_522 = arith.constant 0 : i32
        %parallel_loop3A_523 = arith.cmpi sgt, %parallel_loop3A_513, %parallel_loop3A_522 : i32
        %parallel_loop3A_524 = arith.extui %parallel_loop3A_523 : i1 to i32
        %parallel_loop3A_525 = arith.constant 0 : i32
        %parallel_loop3A_526 = arith.cmpi slt, %parallel_loop3A_513, %parallel_loop3A_525 : i32
        %parallel_loop3A_527 = arith.extui %parallel_loop3A_526 : i1 to i32
        %parallel_loop3A_528 = arith.subi %parallel_loop3A_524, %parallel_loop3A_527 : i32
        %parallel_loop3A_529 = arith.cmpi ne, %parallel_loop3A_521, %parallel_loop3A_528 : i32
        %parallel_loop3A_530 = arith.remsi %parallel_loop3A_151, %parallel_loop3A_513 : i32
        %parallel_loop3A_531 = arith.constant 0 : i32
        %parallel_loop3A_532 = arith.cmpi ne, %parallel_loop3A_530, %parallel_loop3A_531 : i32
        %parallel_loop3A_533 = arith.andi %parallel_loop3A_529, %parallel_loop3A_532 : i1
        %parallel_loop3A_534 = arith.constant 1 : i32
        %parallel_loop3A_535 = arith.subi %parallel_loop3A_514, %parallel_loop3A_534 : i32
        %parallel_loop3A_536 = arith.select %parallel_loop3A_533, %parallel_loop3A_535, %parallel_loop3A_514 : i32
        %parallel_loop3A_537 = arith.constant 0 : i32
        %parallel_loop3A_538 = arith.constant 7 : i32
        %parallel_loop3A_539 = arith.index_cast %rem3A_95 : i32 to index
        %parallel_loop3A_540 = arith.index_cast %parallel_loop3A_537 : i32 to index
        %parallel_loop3A_541 = arith.index_cast %parallel_loop3A_536 : i32 to index
        %parallel_loop3A_542 = arith.index_cast %parallel_loop3A_538 : i32 to index
        %parallel_loop3A_543 = arith.index_cast %parallel_loop3A_480 : i32 to index
        %parallel_loop3A_544 = tpu.vector_load %arg7[%parallel_loop3A_539, %parallel_loop3A_540, %parallel_loop3A_541, %parallel_loop3A_542, %parallel_loop3A_543] {strides = array<i32>} : memref<2x4x8x8x128xf32, #tpu.memory_space<vmem>>, vector<16xf32>,
        tpu.vector_store %arg7[%parallel_loop3A_539, %parallel_loop3A_540, %parallel_loop3A_541, %parallel_loop3A_542, %parallel_loop3A_543], %parallel_loop3A_476 {strides = array<i32>} : memref<2x4x8x8x128xf32, #tpu.memory_space<vmem>>, vector<16xf32>,
      } {sc.loop_unroll_factor = 4 : i64, sc.parallel_access}
      %parallel_loop3A_120 = arith.constant 0 : i32
      %parallel_loop3A_121 = arith.constant 64 : i32
      %parallel_loop3A_122 = arith.constant 1 : i32
      scf.for %parallel_loop3A_151 = %parallel_loop3A_120 to %parallel_loop3A_121 step %parallel_loop3A_122  : i32 {
        %parallel_loop3A_152 = arith.constant 16 : i32
        %parallel_loop3A_153 = arith.muli %parallel_loop3A_151, %parallel_loop3A_152 : i32
        %parallel_loop3A_154 = arith.constant 1 : i32
        %parallel_loop3A_155 = arith.constant 0 : i32
        %parallel_loop3A_156 = arith.index_cast %rem3A_95 : i32 to index
        %parallel_loop3A_157 = arith.index_cast %parallel_loop3A_154 : i32 to index
        %parallel_loop3A_158 = arith.index_cast %parallel_loop3A_155 : i32 to index
        %parallel_loop3A_159 = arith.index_cast %parallel_loop3A_153 : i32 to index
        %parallel_loop3A_160 = tpu.vector_load %arg6[%parallel_loop3A_156, %parallel_loop3A_157, %parallel_loop3A_158, %parallel_loop3A_159] {strides = array<i32>} : memref<2x4x4x1024xi32, #tpu.memory_space<vmem>>, vector<16xi32>,
        %parallel_loop3A_161 = arith.constant 1 : i32
        %parallel_loop3A_162 = arith.constant 1 : i32
        %parallel_loop3A_163 = arith.index_cast %rem3A_95 : i32 to index
        %parallel_loop3A_164 = arith.index_cast %parallel_loop3A_161 : i32 to index
        %parallel_loop3A_165 = arith.index_cast %parallel_loop3A_162 : i32 to index
        %parallel_loop3A_166 = arith.index_cast %parallel_loop3A_153 : i32 to index
        %parallel_loop3A_167 = tpu.vector_load %arg6[%parallel_loop3A_163, %parallel_loop3A_164, %parallel_loop3A_165, %parallel_loop3A_166] {strides = array<i32>} : memref<2x4x4x1024xi32, #tpu.memory_space<vmem>>, vector<16xi32>,
        %parallel_loop3A_168 = arith.constant 513 : i32
        %parallel_loop3A_169 = vector.broadcast %parallel_loop3A_168 : i32 to vector<16xi32>
        %parallel_loop3A_170 = arith.addi %parallel_loop3A_167, %parallel_loop3A_169 : vector<16xi32>
        %parallel_loop3A_171 = arith.constant 1 : i32
        %parallel_loop3A_172 = arith.constant 2 : i32
        %parallel_loop3A_173 = arith.index_cast %rem3A_95 : i32 to index
        %parallel_loop3A_174 = arith.index_cast %parallel_loop3A_171 : i32 to index
        %parallel_loop3A_175 = arith.index_cast %parallel_loop3A_172 : i32 to index
        %parallel_loop3A_176 = arith.index_cast %parallel_loop3A_153 : i32 to index
        %parallel_loop3A_177 = tpu.vector_load %arg6[%parallel_loop3A_173, %parallel_loop3A_174, %parallel_loop3A_175, %parallel_loop3A_176] {strides = array<i32>} : memref<2x4x4x1024xi32, #tpu.memory_space<vmem>>, vector<16xi32>,
        %parallel_loop3A_178 = arith.constant 1026 : i32
        %parallel_loop3A_179 = vector.broadcast %parallel_loop3A_178 : i32 to vector<16xi32>
        %parallel_loop3A_180 = arith.addi %parallel_loop3A_177, %parallel_loop3A_179 : vector<16xi32>
        %parallel_loop3A_181 = arith.constant 1 : i32
        %parallel_loop3A_182 = arith.constant 3 : i32
        %parallel_loop3A_183 = arith.index_cast %rem3A_95 : i32 to index
        %parallel_loop3A_184 = arith.index_cast %parallel_loop3A_181 : i32 to index
        %parallel_loop3A_185 = arith.index_cast %parallel_loop3A_182 : i32 to index
        %parallel_loop3A_186 = arith.index_cast %parallel_loop3A_153 : i32 to index
        %parallel_loop3A_187 = tpu.vector_load %arg6[%parallel_loop3A_183, %parallel_loop3A_184, %parallel_loop3A_185, %parallel_loop3A_186] {strides = array<i32>} : memref<2x4x4x1024xi32, #tpu.memory_space<vmem>>, vector<16xi32>,
        %parallel_loop3A_188 = arith.constant 1539 : i32
        %parallel_loop3A_189 = vector.broadcast %parallel_loop3A_188 : i32 to vector<16xi32>
        %parallel_loop3A_190 = arith.addi %parallel_loop3A_187, %parallel_loop3A_189 : vector<16xi32>
        %parallel_loop3A_191 = arith.constant -65536 : i32
        %parallel_loop3A_192 = vector.broadcast %parallel_loop3A_191 : i32 to vector<16xi32>
        %parallel_loop3A_193 = arith.constant 0 : i32
        %parallel_loop3A_194 = vector.broadcast %parallel_loop3A_193 : i32 to vector<16xi32>
        %parallel_loop3A_195 = tpu.vector_load_idx %arg5[%parallel_loop3A_160, %parallel_loop3A_194] : memref<2052x5xi32, #tpu.memory_space<vmem>>[vector<16xi32>, vector<16xi32>], vector<16xi32>,
        %parallel_loop3A_196 = tpu.vector_load_idx %arg5[%parallel_loop3A_170, %parallel_loop3A_194] : memref<2052x5xi32, #tpu.memory_space<vmem>>[vector<16xi32>, vector<16xi32>], vector<16xi32>,
        %parallel_loop3A_197 = tpu.vector_load_idx %arg5[%parallel_loop3A_180, %parallel_loop3A_194] : memref<2052x5xi32, #tpu.memory_space<vmem>>[vector<16xi32>, vector<16xi32>], vector<16xi32>,
        %parallel_loop3A_198 = tpu.vector_load_idx %arg5[%parallel_loop3A_190, %parallel_loop3A_194] : memref<2052x5xi32, #tpu.memory_space<vmem>>[vector<16xi32>, vector<16xi32>], vector<16xi32>,
        %parallel_loop3A_199 = vector.bitcast %parallel_loop3A_195 : vector<16xi32> to vector<32xbf16>
        %parallel_loop3A_200 = vector.bitcast %parallel_loop3A_196 : vector<16xi32> to vector<32xbf16>
        %parallel_loop3A_201 = arith.addf %parallel_loop3A_199, %parallel_loop3A_200 : vector<32xbf16>
        %parallel_loop3A_202 = vector.bitcast %parallel_loop3A_197 : vector<16xi32> to vector<32xbf16>
        %parallel_loop3A_203 = vector.bitcast %parallel_loop3A_198 : vector<16xi32> to vector<32xbf16>
        %parallel_loop3A_204 = arith.addf %parallel_loop3A_202, %parallel_loop3A_203 : vector<32xbf16>
        %parallel_loop3A_205 = arith.addf %parallel_loop3A_201, %parallel_loop3A_204 : vector<32xbf16>
        %parallel_loop3A_206 = vector.bitcast %parallel_loop3A_205 : vector<32xbf16> to vector<16xi32>
        %parallel_loop3A_207 = arith.constant 16 : i32
        %parallel_loop3A_208 = vector.broadcast %parallel_loop3A_207 : i32 to vector<16xi32>
        %parallel_loop3A_209 = arith.shli %parallel_loop3A_206, %parallel_loop3A_208 : vector<16xi32>
        %parallel_loop3A_210 = vector.bitcast %parallel_loop3A_209 : vector<16xi32> to vector<16xf32>
        %parallel_loop3A_211 = arith.andi %parallel_loop3A_206, %parallel_loop3A_192 : vector<16xi32>
        %parallel_loop3A_212 = vector.bitcast %parallel_loop3A_211 : vector<16xi32> to vector<16xf32>
        %parallel_loop3A_213 = arith.constant 8 : i32
        %parallel_loop3A_214 = arith.remsi %parallel_loop3A_151, %parallel_loop3A_213 : i32
        %parallel_loop3A_215 = arith.constant 16 : i32
        %parallel_loop3A_216 = arith.muli %parallel_loop3A_214, %parallel_loop3A_215 : i32
        %parallel_loop3A_217 = arith.constant 8 : i32
        %parallel_loop3A_218 = arith.divsi %parallel_loop3A_151, %parallel_loop3A_217 : i32
        %parallel_loop3A_219 = arith.constant 0 : i32
        %parallel_loop3A_220 = arith.cmpi sgt, %parallel_loop3A_151, %parallel_loop3A_219 : i32
        %parallel_loop3A_221 = arith.extui %parallel_loop3A_220 : i1 to i32
        %parallel_loop3A_222 = arith.constant 0 : i32
        %parallel_loop3A_223 = arith.cmpi slt, %parallel_loop3A_151, %parallel_loop3A_222 : i32
        %parallel_loop3A_224 = arith.extui %parallel_loop3A_223 : i1 to i32
        %parallel_loop3A_225 = arith.subi %parallel_loop3A_221, %parallel_loop3A_224 : i32
        %parallel_loop3A_226 = arith.constant 0 : i32
        %parallel_loop3A_227 = arith.cmpi sgt, %parallel_loop3A_217, %parallel_loop3A_226 : i32
        %parallel_loop3A_228 = arith.extui %parallel_loop3A_227 : i1 to i32
        %parallel_loop3A_229 = arith.constant 0 : i32
        %parallel_loop3A_230 = arith.cmpi slt, %parallel_loop3A_217, %parallel_loop3A_229 : i32
        %parallel_loop3A_231 = arith.extui %parallel_loop3A_230 : i1 to i32
        %parallel_loop3A_232 = arith.subi %parallel_loop3A_228, %parallel_loop3A_231 : i32
        %parallel_loop3A_233 = arith.cmpi ne, %parallel_loop3A_225, %parallel_loop3A_232 : i32
        %parallel_loop3A_234 = arith.remsi %parallel_loop3A_151, %parallel_loop3A_217 : i32
        %parallel_loop3A_235 = arith.constant 0 : i32
        %parallel_loop3A_236 = arith.cmpi ne, %parallel_loop3A_234, %parallel_loop3A_235 : i32
        %parallel_loop3A_237 = arith.andi %parallel_loop3A_233, %parallel_loop3A_236 : i1
        %parallel_loop3A_238 = arith.constant 1 : i32
        %parallel_loop3A_239 = arith.subi %parallel_loop3A_218, %parallel_loop3A_238 : i32
        %parallel_loop3A_240 = arith.select %parallel_loop3A_237, %parallel_loop3A_239, %parallel_loop3A_218 : i32
        %parallel_loop3A_241 = arith.constant 1 : i32
        %parallel_loop3A_242 = arith.constant 0 : i32
        %parallel_loop3A_243 = arith.index_cast %rem3A_95 : i32 to index
        %parallel_loop3A_244 = arith.index_cast %parallel_loop3A_241 : i32 to index
        %parallel_loop3A_245 = arith.index_cast %parallel_loop3A_240 : i32 to index
        %parallel_loop3A_246 = arith.index_cast %parallel_loop3A_242 : i32 to index
        %parallel_loop3A_247 = arith.index_cast %parallel_loop3A_216 : i32 to index
        %parallel_loop3A_248 = tpu.vector_load %arg7[%parallel_loop3A_243, %parallel_loop3A_244, %parallel_loop3A_245, %parallel_loop3A_246, %parallel_loop3A_247] {strides = array<i32>} : memref<2x4x8x8x128xf32, #tpu.memory_space<vmem>>, vector<16xf32>,
        tpu.vector_store %arg7[%parallel_loop3A_243, %parallel_loop3A_244, %parallel_loop3A_245, %parallel_loop3A_246, %parallel_loop3A_247], %parallel_loop3A_210 {strides = array<i32>} : memref<2x4x8x8x128xf32, #tpu.memory_space<vmem>>, vector<16xf32>,
        %parallel_loop3A_249 = arith.constant 8 : i32
        %parallel_loop3A_250 = arith.divsi %parallel_loop3A_151, %parallel_loop3A_249 : i32
        %parallel_loop3A_251 = arith.constant 0 : i32
        %parallel_loop3A_252 = arith.cmpi sgt, %parallel_loop3A_151, %parallel_loop3A_251 : i32
        %parallel_loop3A_253 = arith.extui %parallel_loop3A_252 : i1 to i32
        %parallel_loop3A_254 = arith.constant 0 : i32
        %parallel_loop3A_255 = arith.cmpi slt, %parallel_loop3A_151, %parallel_loop3A_254 : i32
        %parallel_loop3A_256 = arith.extui %parallel_loop3A_255 : i1 to i32
        %parallel_loop3A_257 = arith.subi %parallel_loop3A_253, %parallel_loop3A_256 : i32
        %parallel_loop3A_258 = arith.constant 0 : i32
        %parallel_loop3A_259 = arith.cmpi sgt, %parallel_loop3A_249, %parallel_loop3A_258 : i32
        %parallel_loop3A_260 = arith.extui %parallel_loop3A_259 : i1 to i32
        %parallel_loop3A_261 = arith.constant 0 : i32
        %parallel_loop3A_262 = arith.cmpi slt, %parallel_loop3A_249, %parallel_loop3A_261 : i32
        %parallel_loop3A_263 = arith.extui %parallel_loop3A_262 : i1 to i32
        %parallel_loop3A_264 = arith.subi %parallel_loop3A_260, %parallel_loop3A_263 : i32
        %parallel_loop3A_265 = arith.cmpi ne, %parallel_loop3A_257, %parallel_loop3A_264 : i32
        %parallel_loop3A_266 = arith.remsi %parallel_loop3A_151, %parallel_loop3A_249 : i32
        %parallel_loop3A_267 = arith.constant 0 : i32
        %parallel_loop3A_268 = arith.cmpi ne, %parallel_loop3A_266, %parallel_loop3A_267 : i32
        %parallel_loop3A_269 = arith.andi %parallel_loop3A_265, %parallel_loop3A_268 : i1
        %parallel_loop3A_270 = arith.constant 1 : i32
        %parallel_loop3A_271 = arith.subi %parallel_loop3A_250, %parallel_loop3A_270 : i32
        %parallel_loop3A_272 = arith.select %parallel_loop3A_269, %parallel_loop3A_271, %parallel_loop3A_250 : i32
        %parallel_loop3A_273 = arith.constant 1 : i32
        %parallel_loop3A_274 = arith.constant 4 : i32
        %parallel_loop3A_275 = arith.index_cast %rem3A_95 : i32 to index
        %parallel_loop3A_276 = arith.index_cast %parallel_loop3A_273 : i32 to index
        %parallel_loop3A_277 = arith.index_cast %parallel_loop3A_272 : i32 to index
        %parallel_loop3A_278 = arith.index_cast %parallel_loop3A_274 : i32 to index
        %parallel_loop3A_279 = arith.index_cast %parallel_loop3A_216 : i32 to index
        %parallel_loop3A_280 = tpu.vector_load %arg7[%parallel_loop3A_275, %parallel_loop3A_276, %parallel_loop3A_277, %parallel_loop3A_278, %parallel_loop3A_279] {strides = array<i32>} : memref<2x4x8x8x128xf32, #tpu.memory_space<vmem>>, vector<16xf32>,
        tpu.vector_store %arg7[%parallel_loop3A_275, %parallel_loop3A_276, %parallel_loop3A_277, %parallel_loop3A_278, %parallel_loop3A_279], %parallel_loop3A_212 {strides = array<i32>} : memref<2x4x8x8x128xf32, #tpu.memory_space<vmem>>, vector<16xf32>,
        %parallel_loop3A_281 = arith.constant 1 : i32
        %parallel_loop3A_282 = vector.broadcast %parallel_loop3A_281 : i32 to vector<16xi32>
        %parallel_loop3A_283 = tpu.vector_load_idx %arg5[%parallel_loop3A_160, %parallel_loop3A_282] : memref<2052x5xi32, #tpu.memory_space<vmem>>[vector<16xi32>, vector<16xi32>], vector<16xi32>,
        %parallel_loop3A_284 = tpu.vector_load_idx %arg5[%parallel_loop3A_170, %parallel_loop3A_282] : memref<2052x5xi32, #tpu.memory_space<vmem>>[vector<16xi32>, vector<16xi32>], vector<16xi32>,
        %parallel_loop3A_285 = tpu.vector_load_idx %arg5[%parallel_loop3A_180, %parallel_loop3A_282] : memref<2052x5xi32, #tpu.memory_space<vmem>>[vector<16xi32>, vector<16xi32>], vector<16xi32>,
        %parallel_loop3A_286 = tpu.vector_load_idx %arg5[%parallel_loop3A_190, %parallel_loop3A_282] : memref<2052x5xi32, #tpu.memory_space<vmem>>[vector<16xi32>, vector<16xi32>], vector<16xi32>,
        %parallel_loop3A_287 = vector.bitcast %parallel_loop3A_283 : vector<16xi32> to vector<32xbf16>
        %parallel_loop3A_288 = vector.bitcast %parallel_loop3A_284 : vector<16xi32> to vector<32xbf16>
        %parallel_loop3A_289 = arith.addf %parallel_loop3A_287, %parallel_loop3A_288 : vector<32xbf16>
        %parallel_loop3A_290 = vector.bitcast %parallel_loop3A_285 : vector<16xi32> to vector<32xbf16>
        %parallel_loop3A_291 = vector.bitcast %parallel_loop3A_286 : vector<16xi32> to vector<32xbf16>
        %parallel_loop3A_292 = arith.addf %parallel_loop3A_290, %parallel_loop3A_291 : vector<32xbf16>
        %parallel_loop3A_293 = arith.addf %parallel_loop3A_289, %parallel_loop3A_292 : vector<32xbf16>
        %parallel_loop3A_294 = vector.bitcast %parallel_loop3A_293 : vector<32xbf16> to vector<16xi32>
        %parallel_loop3A_295 = arith.constant 16 : i32
        %parallel_loop3A_296 = vector.broadcast %parallel_loop3A_295 : i32 to vector<16xi32>
        %parallel_loop3A_297 = arith.shli %parallel_loop3A_294, %parallel_loop3A_296 : vector<16xi32>
        %parallel_loop3A_298 = vector.bitcast %parallel_loop3A_297 : vector<16xi32> to vector<16xf32>
        %parallel_loop3A_299 = arith.andi %parallel_loop3A_294, %parallel_loop3A_192 : vector<16xi32>
        %parallel_loop3A_300 = vector.bitcast %parallel_loop3A_299 : vector<16xi32> to vector<16xf32>
        %parallel_loop3A_301 = arith.constant 8 : i32
        %parallel_loop3A_302 = arith.remsi %parallel_loop3A_151, %parallel_loop3A_301 : i32
        %parallel_loop3A_303 = arith.constant 16 : i32
        %parallel_loop3A_304 = arith.muli %parallel_loop3A_302, %parallel_loop3A_303 : i32
        %parallel_loop3A_305 = arith.constant 8 : i32
        %parallel_loop3A_306 = arith.divsi %parallel_loop3A_151, %parallel_loop3A_305 : i32
        %parallel_loop3A_307 = arith.constant 0 : i32
        %parallel_loop3A_308 = arith.cmpi sgt, %parallel_loop3A_151, %parallel_loop3A_307 : i32
        %parallel_loop3A_309 = arith.extui %parallel_loop3A_308 : i1 to i32
        %parallel_loop3A_310 = arith.constant 0 : i32
        %parallel_loop3A_311 = arith.cmpi slt, %parallel_loop3A_151, %parallel_loop3A_310 : i32
        %parallel_loop3A_312 = arith.extui %parallel_loop3A_311 : i1 to i32
        %parallel_loop3A_313 = arith.subi %parallel_loop3A_309, %parallel_loop3A_312 : i32
        %parallel_loop3A_314 = arith.constant 0 : i32
        %parallel_loop3A_315 = arith.cmpi sgt, %parallel_loop3A_305, %parallel_loop3A_314 : i32
        %parallel_loop3A_316 = arith.extui %parallel_loop3A_315 : i1 to i32
        %parallel_loop3A_317 = arith.constant 0 : i32
        %parallel_loop3A_318 = arith.cmpi slt, %parallel_loop3A_305, %parallel_loop3A_317 : i32
        %parallel_loop3A_319 = arith.extui %parallel_loop3A_318 : i1 to i32
        %parallel_loop3A_320 = arith.subi %parallel_loop3A_316, %parallel_loop3A_319 : i32
        %parallel_loop3A_321 = arith.cmpi ne, %parallel_loop3A_313, %parallel_loop3A_320 : i32
        %parallel_loop3A_322 = arith.remsi %parallel_loop3A_151, %parallel_loop3A_305 : i32
        %parallel_loop3A_323 = arith.constant 0 : i32
        %parallel_loop3A_324 = arith.cmpi ne, %parallel_loop3A_322, %parallel_loop3A_323 : i32
        %parallel_loop3A_325 = arith.andi %parallel_loop3A_321, %parallel_loop3A_324 : i1
        %parallel_loop3A_326 = arith.constant 1 : i32
        %parallel_loop3A_327 = arith.subi %parallel_loop3A_306, %parallel_loop3A_326 : i32
        %parallel_loop3A_328 = arith.select %parallel_loop3A_325, %parallel_loop3A_327, %parallel_loop3A_306 : i32
        %parallel_loop3A_329 = arith.constant 1 : i32
        %parallel_loop3A_330 = arith.constant 1 : i32
        %parallel_loop3A_331 = arith.index_cast %rem3A_95 : i32 to index
        %parallel_loop3A_332 = arith.index_cast %parallel_loop3A_329 : i32 to index
        %parallel_loop3A_333 = arith.index_cast %parallel_loop3A_328 : i32 to index
        %parallel_loop3A_334 = arith.index_cast %parallel_loop3A_330 : i32 to index
        %parallel_loop3A_335 = arith.index_cast %parallel_loop3A_304 : i32 to index
        %parallel_loop3A_336 = tpu.vector_load %arg7[%parallel_loop3A_331, %parallel_loop3A_332, %parallel_loop3A_333, %parallel_loop3A_334, %parallel_loop3A_335] {strides = array<i32>} : memref<2x4x8x8x128xf32, #tpu.memory_space<vmem>>, vector<16xf32>,
        tpu.vector_store %arg7[%parallel_loop3A_331, %parallel_loop3A_332, %parallel_loop3A_333, %parallel_loop3A_334, %parallel_loop3A_335], %parallel_loop3A_298 {strides = array<i32>} : memref<2x4x8x8x128xf32, #tpu.memory_space<vmem>>, vector<16xf32>,
        %parallel_loop3A_337 = arith.constant 8 : i32
        %parallel_loop3A_338 = arith.divsi %parallel_loop3A_151, %parallel_loop3A_337 : i32
        %parallel_loop3A_339 = arith.constant 0 : i32
        %parallel_loop3A_340 = arith.cmpi sgt, %parallel_loop3A_151, %parallel_loop3A_339 : i32
        %parallel_loop3A_341 = arith.extui %parallel_loop3A_340 : i1 to i32
        %parallel_loop3A_342 = arith.constant 0 : i32
        %parallel_loop3A_343 = arith.cmpi slt, %parallel_loop3A_151, %parallel_loop3A_342 : i32
        %parallel_loop3A_344 = arith.extui %parallel_loop3A_343 : i1 to i32
        %parallel_loop3A_345 = arith.subi %parallel_loop3A_341, %parallel_loop3A_344 : i32
        %parallel_loop3A_346 = arith.constant 0 : i32
        %parallel_loop3A_347 = arith.cmpi sgt, %parallel_loop3A_337, %parallel_loop3A_346 : i32
        %parallel_loop3A_348 = arith.extui %parallel_loop3A_347 : i1 to i32
        %parallel_loop3A_349 = arith.constant 0 : i32
        %parallel_loop3A_350 = arith.cmpi slt, %parallel_loop3A_337, %parallel_loop3A_349 : i32
        %parallel_loop3A_351 = arith.extui %parallel_loop3A_350 : i1 to i32
        %parallel_loop3A_352 = arith.subi %parallel_loop3A_348, %parallel_loop3A_351 : i32
        %parallel_loop3A_353 = arith.cmpi ne, %parallel_loop3A_345, %parallel_loop3A_352 : i32
        %parallel_loop3A_354 = arith.remsi %parallel_loop3A_151, %parallel_loop3A_337 : i32
        %parallel_loop3A_355 = arith.constant 0 : i32
        %parallel_loop3A_356 = arith.cmpi ne, %parallel_loop3A_354, %parallel_loop3A_355 : i32
        %parallel_loop3A_357 = arith.andi %parallel_loop3A_353, %parallel_loop3A_356 : i1
        %parallel_loop3A_358 = arith.constant 1 : i32
        %parallel_loop3A_359 = arith.subi %parallel_loop3A_338, %parallel_loop3A_358 : i32
        %parallel_loop3A_360 = arith.select %parallel_loop3A_357, %parallel_loop3A_359, %parallel_loop3A_338 : i32
        %parallel_loop3A_361 = arith.constant 1 : i32
        %parallel_loop3A_362 = arith.constant 5 : i32
        %parallel_loop3A_363 = arith.index_cast %rem3A_95 : i32 to index
        %parallel_loop3A_364 = arith.index_cast %parallel_loop3A_361 : i32 to index
        %parallel_loop3A_365 = arith.index_cast %parallel_loop3A_360 : i32 to index
        %parallel_loop3A_366 = arith.index_cast %parallel_loop3A_362 : i32 to index
        %parallel_loop3A_367 = arith.index_cast %parallel_loop3A_304 : i32 to index
        %parallel_loop3A_368 = tpu.vector_load %arg7[%parallel_loop3A_363, %parallel_loop3A_364, %parallel_loop3A_365, %parallel_loop3A_366, %parallel_loop3A_367] {strides = array<i32>} : memref<2x4x8x8x128xf32, #tpu.memory_space<vmem>>, vector<16xf32>,
        tpu.vector_store %arg7[%parallel_loop3A_363, %parallel_loop3A_364, %parallel_loop3A_365, %parallel_loop3A_366, %parallel_loop3A_367], %parallel_loop3A_300 {strides = array<i32>} : memref<2x4x8x8x128xf32, #tpu.memory_space<vmem>>, vector<16xf32>,
        %parallel_loop3A_369 = arith.constant 2 : i32
        %parallel_loop3A_370 = vector.broadcast %parallel_loop3A_369 : i32 to vector<16xi32>
        %parallel_loop3A_371 = tpu.vector_load_idx %arg5[%parallel_loop3A_160, %parallel_loop3A_370] : memref<2052x5xi32, #tpu.memory_space<vmem>>[vector<16xi32>, vector<16xi32>], vector<16xi32>,
        %parallel_loop3A_372 = tpu.vector_load_idx %arg5[%parallel_loop3A_170, %parallel_loop3A_370] : memref<2052x5xi32, #tpu.memory_space<vmem>>[vector<16xi32>, vector<16xi32>], vector<16xi32>,
        %parallel_loop3A_373 = tpu.vector_load_idx %arg5[%parallel_loop3A_180, %parallel_loop3A_370] : memref<2052x5xi32, #tpu.memory_space<vmem>>[vector<16xi32>, vector<16xi32>], vector<16xi32>,
        %parallel_loop3A_374 = tpu.vector_load_idx %arg5[%parallel_loop3A_190, %parallel_loop3A_370] : memref<2052x5xi32, #tpu.memory_space<vmem>>[vector<16xi32>, vector<16xi32>], vector<16xi32>,
        %parallel_loop3A_375 = vector.bitcast %parallel_loop3A_371 : vector<16xi32> to vector<32xbf16>
        %parallel_loop3A_376 = vector.bitcast %parallel_loop3A_372 : vector<16xi32> to vector<32xbf16>
        %parallel_loop3A_377 = arith.addf %parallel_loop3A_375, %parallel_loop3A_376 : vector<32xbf16>
        %parallel_loop3A_378 = vector.bitcast %parallel_loop3A_373 : vector<16xi32> to vector<32xbf16>
        %parallel_loop3A_379 = vector.bitcast %parallel_loop3A_374 : vector<16xi32> to vector<32xbf16>
        %parallel_loop3A_380 = arith.addf %parallel_loop3A_378, %parallel_loop3A_379 : vector<32xbf16>
        %parallel_loop3A_381 = arith.addf %parallel_loop3A_377, %parallel_loop3A_380 : vector<32xbf16>
        %parallel_loop3A_382 = vector.bitcast %parallel_loop3A_381 : vector<32xbf16> to vector<16xi32>
        %parallel_loop3A_383 = arith.constant 16 : i32
        %parallel_loop3A_384 = vector.broadcast %parallel_loop3A_383 : i32 to vector<16xi32>
        %parallel_loop3A_385 = arith.shli %parallel_loop3A_382, %parallel_loop3A_384 : vector<16xi32>
        %parallel_loop3A_386 = vector.bitcast %parallel_loop3A_385 : vector<16xi32> to vector<16xf32>
        %parallel_loop3A_387 = arith.andi %parallel_loop3A_382, %parallel_loop3A_192 : vector<16xi32>
        %parallel_loop3A_388 = vector.bitcast %parallel_loop3A_387 : vector<16xi32> to vector<16xf32>
        %parallel_loop3A_389 = arith.constant 8 : i32
        %parallel_loop3A_390 = arith.remsi %parallel_loop3A_151, %parallel_loop3A_389 : i32
        %parallel_loop3A_391 = arith.constant 16 : i32
        %parallel_loop3A_392 = arith.muli %parallel_loop3A_390, %parallel_loop3A_391 : i32
        %parallel_loop3A_393 = arith.constant 8 : i32
        %parallel_loop3A_394 = arith.divsi %parallel_loop3A_151, %parallel_loop3A_393 : i32
        %parallel_loop3A_395 = arith.constant 0 : i32
        %parallel_loop3A_396 = arith.cmpi sgt, %parallel_loop3A_151, %parallel_loop3A_395 : i32
        %parallel_loop3A_397 = arith.extui %parallel_loop3A_396 : i1 to i32
        %parallel_loop3A_398 = arith.constant 0 : i32
        %parallel_loop3A_399 = arith.cmpi slt, %parallel_loop3A_151, %parallel_loop3A_398 : i32
        %parallel_loop3A_400 = arith.extui %parallel_loop3A_399 : i1 to i32
        %parallel_loop3A_401 = arith.subi %parallel_loop3A_397, %parallel_loop3A_400 : i32
        %parallel_loop3A_402 = arith.constant 0 : i32
        %parallel_loop3A_403 = arith.cmpi sgt, %parallel_loop3A_393, %parallel_loop3A_402 : i32
        %parallel_loop3A_404 = arith.extui %parallel_loop3A_403 : i1 to i32
        %parallel_loop3A_405 = arith.constant 0 : i32
        %parallel_loop3A_406 = arith.cmpi slt, %parallel_loop3A_393, %parallel_loop3A_405 : i32
        %parallel_loop3A_407 = arith.extui %parallel_loop3A_406 : i1 to i32
        %parallel_loop3A_408 = arith.subi %parallel_loop3A_404, %parallel_loop3A_407 : i32
        %parallel_loop3A_409 = arith.cmpi ne, %parallel_loop3A_401, %parallel_loop3A_408 : i32
        %parallel_loop3A_410 = arith.remsi %parallel_loop3A_151, %parallel_loop3A_393 : i32
        %parallel_loop3A_411 = arith.constant 0 : i32
        %parallel_loop3A_412 = arith.cmpi ne, %parallel_loop3A_410, %parallel_loop3A_411 : i32
        %parallel_loop3A_413 = arith.andi %parallel_loop3A_409, %parallel_loop3A_412 : i1
        %parallel_loop3A_414 = arith.constant 1 : i32
        %parallel_loop3A_415 = arith.subi %parallel_loop3A_394, %parallel_loop3A_414 : i32
        %parallel_loop3A_416 = arith.select %parallel_loop3A_413, %parallel_loop3A_415, %parallel_loop3A_394 : i32
        %parallel_loop3A_417 = arith.constant 1 : i32
        %parallel_loop3A_418 = arith.constant 2 : i32
        %parallel_loop3A_419 = arith.index_cast %rem3A_95 : i32 to index
        %parallel_loop3A_420 = arith.index_cast %parallel_loop3A_417 : i32 to index
        %parallel_loop3A_421 = arith.index_cast %parallel_loop3A_416 : i32 to index
        %parallel_loop3A_422 = arith.index_cast %parallel_loop3A_418 : i32 to index
        %parallel_loop3A_423 = arith.index_cast %parallel_loop3A_392 : i32 to index
        %parallel_loop3A_424 = tpu.vector_load %arg7[%parallel_loop3A_419, %parallel_loop3A_420, %parallel_loop3A_421, %parallel_loop3A_422, %parallel_loop3A_423] {strides = array<i32>} : memref<2x4x8x8x128xf32, #tpu.memory_space<vmem>>, vector<16xf32>,
        tpu.vector_store %arg7[%parallel_loop3A_419, %parallel_loop3A_420, %parallel_loop3A_421, %parallel_loop3A_422, %parallel_loop3A_423], %parallel_loop3A_386 {strides = array<i32>} : memref<2x4x8x8x128xf32, #tpu.memory_space<vmem>>, vector<16xf32>,
        %parallel_loop3A_425 = arith.constant 8 : i32
        %parallel_loop3A_426 = arith.divsi %parallel_loop3A_151, %parallel_loop3A_425 : i32
        %parallel_loop3A_427 = arith.constant 0 : i32
        %parallel_loop3A_428 = arith.cmpi sgt, %parallel_loop3A_151, %parallel_loop3A_427 : i32
        %parallel_loop3A_429 = arith.extui %parallel_loop3A_428 : i1 to i32
        %parallel_loop3A_430 = arith.constant 0 : i32
        %parallel_loop3A_431 = arith.cmpi slt, %parallel_loop3A_151, %parallel_loop3A_430 : i32
        %parallel_loop3A_432 = arith.extui %parallel_loop3A_431 : i1 to i32
        %parallel_loop3A_433 = arith.subi %parallel_loop3A_429, %parallel_loop3A_432 : i32
        %parallel_loop3A_434 = arith.constant 0 : i32
        %parallel_loop3A_435 = arith.cmpi sgt, %parallel_loop3A_425, %parallel_loop3A_434 : i32
        %parallel_loop3A_436 = arith.extui %parallel_loop3A_435 : i1 to i32
        %parallel_loop3A_437 = arith.constant 0 : i32
        %parallel_loop3A_438 = arith.cmpi slt, %parallel_loop3A_425, %parallel_loop3A_437 : i32
        %parallel_loop3A_439 = arith.extui %parallel_loop3A_438 : i1 to i32
        %parallel_loop3A_440 = arith.subi %parallel_loop3A_436, %parallel_loop3A_439 : i32
        %parallel_loop3A_441 = arith.cmpi ne, %parallel_loop3A_433, %parallel_loop3A_440 : i32
        %parallel_loop3A_442 = arith.remsi %parallel_loop3A_151, %parallel_loop3A_425 : i32
        %parallel_loop3A_443 = arith.constant 0 : i32
        %parallel_loop3A_444 = arith.cmpi ne, %parallel_loop3A_442, %parallel_loop3A_443 : i32
        %parallel_loop3A_445 = arith.andi %parallel_loop3A_441, %parallel_loop3A_444 : i1
        %parallel_loop3A_446 = arith.constant 1 : i32
        %parallel_loop3A_447 = arith.subi %parallel_loop3A_426, %parallel_loop3A_446 : i32
        %parallel_loop3A_448 = arith.select %parallel_loop3A_445, %parallel_loop3A_447, %parallel_loop3A_426 : i32
        %parallel_loop3A_449 = arith.constant 1 : i32
        %parallel_loop3A_450 = arith.constant 6 : i32
        %parallel_loop3A_451 = arith.index_cast %rem3A_95 : i32 to index
        %parallel_loop3A_452 = arith.index_cast %parallel_loop3A_449 : i32 to index
        %parallel_loop3A_453 = arith.index_cast %parallel_loop3A_448 : i32 to index
        %parallel_loop3A_454 = arith.index_cast %parallel_loop3A_450 : i32 to index
        %parallel_loop3A_455 = arith.index_cast %parallel_loop3A_392 : i32 to index
        %parallel_loop3A_456 = tpu.vector_load %arg7[%parallel_loop3A_451, %parallel_loop3A_452, %parallel_loop3A_453, %parallel_loop3A_454, %parallel_loop3A_455] {strides = array<i32>} : memref<2x4x8x8x128xf32, #tpu.memory_space<vmem>>, vector<16xf32>,
        tpu.vector_store %arg7[%parallel_loop3A_451, %parallel_loop3A_452, %parallel_loop3A_453, %parallel_loop3A_454, %parallel_loop3A_455], %parallel_loop3A_388 {strides = array<i32>} : memref<2x4x8x8x128xf32, #tpu.memory_space<vmem>>, vector<16xf32>,
        %parallel_loop3A_457 = arith.constant 3 : i32
        %parallel_loop3A_458 = vector.broadcast %parallel_loop3A_457 : i32 to vector<16xi32>
        %parallel_loop3A_459 = tpu.vector_load_idx %arg5[%parallel_loop3A_160, %parallel_loop3A_458] : memref<2052x5xi32, #tpu.memory_space<vmem>>[vector<16xi32>, vector<16xi32>], vector<16xi32>,
        %parallel_loop3A_460 = tpu.vector_load_idx %arg5[%parallel_loop3A_170, %parallel_loop3A_458] : memref<2052x5xi32, #tpu.memory_space<vmem>>[vector<16xi32>, vector<16xi32>], vector<16xi32>,
        %parallel_loop3A_461 = tpu.vector_load_idx %arg5[%parallel_loop3A_180, %parallel_loop3A_458] : memref<2052x5xi32, #tpu.memory_space<vmem>>[vector<16xi32>, vector<16xi32>], vector<16xi32>,
        %parallel_loop3A_462 = tpu.vector_load_idx %arg5[%parallel_loop3A_190, %parallel_loop3A_458] : memref<2052x5xi32, #tpu.memory_space<vmem>>[vector<16xi32>, vector<16xi32>], vector<16xi32>,
        %parallel_loop3A_463 = vector.bitcast %parallel_loop3A_459 : vector<16xi32> to vector<32xbf16>
        %parallel_loop3A_464 = vector.bitcast %parallel_loop3A_460 : vector<16xi32> to vector<32xbf16>
        %parallel_loop3A_465 = arith.addf %parallel_loop3A_463, %parallel_loop3A_464 : vector<32xbf16>
        %parallel_loop3A_466 = vector.bitcast %parallel_loop3A_461 : vector<16xi32> to vector<32xbf16>
        %parallel_loop3A_467 = vector.bitcast %parallel_loop3A_462 : vector<16xi32> to vector<32xbf16>
        %parallel_loop3A_468 = arith.addf %parallel_loop3A_466, %parallel_loop3A_467 : vector<32xbf16>
        %parallel_loop3A_469 = arith.addf %parallel_loop3A_465, %parallel_loop3A_468 : vector<32xbf16>
        %parallel_loop3A_470 = vector.bitcast %parallel_loop3A_469 : vector<32xbf16> to vector<16xi32>
        %parallel_loop3A_471 = arith.constant 16 : i32
        %parallel_loop3A_472 = vector.broadcast %parallel_loop3A_471 : i32 to vector<16xi32>
        %parallel_loop3A_473 = arith.shli %parallel_loop3A_470, %parallel_loop3A_472 : vector<16xi32>
        %parallel_loop3A_474 = vector.bitcast %parallel_loop3A_473 : vector<16xi32> to vector<16xf32>
        %parallel_loop3A_475 = arith.andi %parallel_loop3A_470, %parallel_loop3A_192 : vector<16xi32>
        %parallel_loop3A_476 = vector.bitcast %parallel_loop3A_475 : vector<16xi32> to vector<16xf32>
        %parallel_loop3A_477 = arith.constant 8 : i32
        %parallel_loop3A_478 = arith.remsi %parallel_loop3A_151, %parallel_loop3A_477 : i32
        %parallel_loop3A_479 = arith.constant 16 : i32
        %parallel_loop3A_480 = arith.muli %parallel_loop3A_478, %parallel_loop3A_479 : i32
        %parallel_loop3A_481 = arith.constant 8 : i32
        %parallel_loop3A_482 = arith.divsi %parallel_loop3A_151, %parallel_loop3A_481 : i32
        %parallel_loop3A_483 = arith.constant 0 : i32
        %parallel_loop3A_484 = arith.cmpi sgt, %parallel_loop3A_151, %parallel_loop3A_483 : i32
        %parallel_loop3A_485 = arith.extui %parallel_loop3A_484 : i1 to i32
        %parallel_loop3A_486 = arith.constant 0 : i32
        %parallel_loop3A_487 = arith.cmpi slt, %parallel_loop3A_151, %parallel_loop3A_486 : i32
        %parallel_loop3A_488 = arith.extui %parallel_loop3A_487 : i1 to i32
        %parallel_loop3A_489 = arith.subi %parallel_loop3A_485, %parallel_loop3A_488 : i32
        %parallel_loop3A_490 = arith.constant 0 : i32
        %parallel_loop3A_491 = arith.cmpi sgt, %parallel_loop3A_481, %parallel_loop3A_490 : i32
        %parallel_loop3A_492 = arith.extui %parallel_loop3A_491 : i1 to i32
        %parallel_loop3A_493 = arith.constant 0 : i32
        %parallel_loop3A_494 = arith.cmpi slt, %parallel_loop3A_481, %parallel_loop3A_493 : i32
        %parallel_loop3A_495 = arith.extui %parallel_loop3A_494 : i1 to i32
        %parallel_loop3A_496 = arith.subi %parallel_loop3A_492, %parallel_loop3A_495 : i32
        %parallel_loop3A_497 = arith.cmpi ne, %parallel_loop3A_489, %parallel_loop3A_496 : i32
        %parallel_loop3A_498 = arith.remsi %parallel_loop3A_151, %parallel_loop3A_481 : i32
        %parallel_loop3A_499 = arith.constant 0 : i32
        %parallel_loop3A_500 = arith.cmpi ne, %parallel_loop3A_498, %parallel_loop3A_499 : i32
        %parallel_loop3A_501 = arith.andi %parallel_loop3A_497, %parallel_loop3A_500 : i1
        %parallel_loop3A_502 = arith.constant 1 : i32
        %parallel_loop3A_503 = arith.subi %parallel_loop3A_482, %parallel_loop3A_502 : i32
        %parallel_loop3A_504 = arith.select %parallel_loop3A_501, %parallel_loop3A_503, %parallel_loop3A_482 : i32
        %parallel_loop3A_505 = arith.constant 1 : i32
        %parallel_loop3A_506 = arith.constant 3 : i32
        %parallel_loop3A_507 = arith.index_cast %rem3A_95 : i32 to index
        %parallel_loop3A_508 = arith.index_cast %parallel_loop3A_505 : i32 to index
        %parallel_loop3A_509 = arith.index_cast %parallel_loop3A_504 : i32 to index
        %parallel_loop3A_510 = arith.index_cast %parallel_loop3A_506 : i32 to index
        %parallel_loop3A_511 = arith.index_cast %parallel_loop3A_480 : i32 to index
        %parallel_loop3A_512 = tpu.vector_load %arg7[%parallel_loop3A_507, %parallel_loop3A_508, %parallel_loop3A_509, %parallel_loop3A_510, %parallel_loop3A_511] {strides = array<i32>} : memref<2x4x8x8x128xf32, #tpu.memory_space<vmem>>, vector<16xf32>,
        tpu.vector_store %arg7[%parallel_loop3A_507, %parallel_loop3A_508, %parallel_loop3A_509, %parallel_loop3A_510, %parallel_loop3A_511], %parallel_loop3A_474 {strides = array<i32>} : memref<2x4x8x8x128xf32, #tpu.memory_space<vmem>>, vector<16xf32>,
        %parallel_loop3A_513 = arith.constant 8 : i32
        %parallel_loop3A_514 = arith.divsi %parallel_loop3A_151, %parallel_loop3A_513 : i32
        %parallel_loop3A_515 = arith.constant 0 : i32
        %parallel_loop3A_516 = arith.cmpi sgt, %parallel_loop3A_151, %parallel_loop3A_515 : i32
        %parallel_loop3A_517 = arith.extui %parallel_loop3A_516 : i1 to i32
        %parallel_loop3A_518 = arith.constant 0 : i32
        %parallel_loop3A_519 = arith.cmpi slt, %parallel_loop3A_151, %parallel_loop3A_518 : i32
        %parallel_loop3A_520 = arith.extui %parallel_loop3A_519 : i1 to i32
        %parallel_loop3A_521 = arith.subi %parallel_loop3A_517, %parallel_loop3A_520 : i32
        %parallel_loop3A_522 = arith.constant 0 : i32
        %parallel_loop3A_523 = arith.cmpi sgt, %parallel_loop3A_513, %parallel_loop3A_522 : i32
        %parallel_loop3A_524 = arith.extui %parallel_loop3A_523 : i1 to i32
        %parallel_loop3A_525 = arith.constant 0 : i32
        %parallel_loop3A_526 = arith.cmpi slt, %parallel_loop3A_513, %parallel_loop3A_525 : i32
        %parallel_loop3A_527 = arith.extui %parallel_loop3A_526 : i1 to i32
        %parallel_loop3A_528 = arith.subi %parallel_loop3A_524, %parallel_loop3A_527 : i32
        %parallel_loop3A_529 = arith.cmpi ne, %parallel_loop3A_521, %parallel_loop3A_528 : i32
        %parallel_loop3A_530 = arith.remsi %parallel_loop3A_151, %parallel_loop3A_513 : i32
        %parallel_loop3A_531 = arith.constant 0 : i32
        %parallel_loop3A_532 = arith.cmpi ne, %parallel_loop3A_530, %parallel_loop3A_531 : i32
        %parallel_loop3A_533 = arith.andi %parallel_loop3A_529, %parallel_loop3A_532 : i1
        %parallel_loop3A_534 = arith.constant 1 : i32
        %parallel_loop3A_535 = arith.subi %parallel_loop3A_514, %parallel_loop3A_534 : i32
        %parallel_loop3A_536 = arith.select %parallel_loop3A_533, %parallel_loop3A_535, %parallel_loop3A_514 : i32
        %parallel_loop3A_537 = arith.constant 1 : i32
        %parallel_loop3A_538 = arith.constant 7 : i32
        %parallel_loop3A_539 = arith.index_cast %rem3A_95 : i32 to index
        %parallel_loop3A_540 = arith.index_cast %parallel_loop3A_537 : i32 to index
        %parallel_loop3A_541 = arith.index_cast %parallel_loop3A_536 : i32 to index
        %parallel_loop3A_542 = arith.index_cast %parallel_loop3A_538 : i32 to index
        %parallel_loop3A_543 = arith.index_cast %parallel_loop3A_480 : i32 to index
        %parallel_loop3A_544 = tpu.vector_load %arg7[%parallel_loop3A_539, %parallel_loop3A_540, %parallel_loop3A_541, %parallel_loop3A_542, %parallel_loop3A_543] {strides = array<i32>} : memref<2x4x8x8x128xf32, #tpu.memory_space<vmem>>, vector<16xf32>,
        tpu.vector_store %arg7[%parallel_loop3A_539, %parallel_loop3A_540, %parallel_loop3A_541, %parallel_loop3A_542, %parallel_loop3A_543], %parallel_loop3A_476 {strides = array<i32>} : memref<2x4x8x8x128xf32, #tpu.memory_space<vmem>>, vector<16xf32>,
      } {sc.loop_unroll_factor = 4 : i64, sc.parallel_access}
      %parallel_loop3A_123 = arith.constant 0 : i32
      %parallel_loop3A_124 = arith.constant 64 : i32
      %parallel_loop3A_125 = arith.constant 1 : i32
      scf.for %parallel_loop3A_151 = %parallel_loop3A_123 to %parallel_loop3A_124 step %parallel_loop3A_125  : i32 {
        %parallel_loop3A_152 = arith.constant 16 : i32
        %parallel_loop3A_153 = arith.muli %parallel_loop3A_151, %parallel_loop3A_152 : i32
        %parallel_loop3A_154 = arith.constant 2 : i32
        %parallel_loop3A_155 = arith.constant 0 : i32
        %parallel_loop3A_156 = arith.index_cast %rem3A_95 : i32 to index
        %parallel_loop3A_157 = arith.index_cast %parallel_loop3A_154 : i32 to index
        %parallel_loop3A_158 = arith.index_cast %parallel_loop3A_155 : i32 to index
        %parallel_loop3A_159 = arith.index_cast %parallel_loop3A_153 : i32 to index
        %parallel_loop3A_160 = tpu.vector_load %arg6[%parallel_loop3A_156, %parallel_loop3A_157, %parallel_loop3A_158, %parallel_loop3A_159] {strides = array<i32>} : memref<2x4x4x1024xi32, #tpu.memory_space<vmem>>, vector<16xi32>,
        %parallel_loop3A_161 = arith.constant 2 : i32
        %parallel_loop3A_162 = arith.constant 1 : i32
        %parallel_loop3A_163 = arith.index_cast %rem3A_95 : i32 to index
        %parallel_loop3A_164 = arith.index_cast %parallel_loop3A_161 : i32 to index
        %parallel_loop3A_165 = arith.index_cast %parallel_loop3A_162 : i32 to index
        %parallel_loop3A_166 = arith.index_cast %parallel_loop3A_153 : i32 to index
        %parallel_loop3A_167 = tpu.vector_load %arg6[%parallel_loop3A_163, %parallel_loop3A_164, %parallel_loop3A_165, %parallel_loop3A_166] {strides = array<i32>} : memref<2x4x4x1024xi32, #tpu.memory_space<vmem>>, vector<16xi32>,
        %parallel_loop3A_168 = arith.constant 513 : i32
        %parallel_loop3A_169 = vector.broadcast %parallel_loop3A_168 : i32 to vector<16xi32>
        %parallel_loop3A_170 = arith.addi %parallel_loop3A_167, %parallel_loop3A_169 : vector<16xi32>
        %parallel_loop3A_171 = arith.constant 2 : i32
        %parallel_loop3A_172 = arith.constant 2 : i32
        %parallel_loop3A_173 = arith.index_cast %rem3A_95 : i32 to index
        %parallel_loop3A_174 = arith.index_cast %parallel_loop3A_171 : i32 to index
        %parallel_loop3A_175 = arith.index_cast %parallel_loop3A_172 : i32 to index
        %parallel_loop3A_176 = arith.index_cast %parallel_loop3A_153 : i32 to index
        %parallel_loop3A_177 = tpu.vector_load %arg6[%parallel_loop3A_173, %parallel_loop3A_174, %parallel_loop3A_175, %parallel_loop3A_176] {strides = array<i32>} : memref<2x4x4x1024xi32, #tpu.memory_space<vmem>>, vector<16xi32>,
        %parallel_loop3A_178 = arith.constant 1026 : i32
        %parallel_loop3A_179 = vector.broadcast %parallel_loop3A_178 : i32 to vector<16xi32>
        %parallel_loop3A_180 = arith.addi %parallel_loop3A_177, %parallel_loop3A_179 : vector<16xi32>
        %parallel_loop3A_181 = arith.constant 2 : i32
        %parallel_loop3A_182 = arith.constant 3 : i32
        %parallel_loop3A_183 = arith.index_cast %rem3A_95 : i32 to index
        %parallel_loop3A_184 = arith.index_cast %parallel_loop3A_181 : i32 to index
        %parallel_loop3A_185 = arith.index_cast %parallel_loop3A_182 : i32 to index
        %parallel_loop3A_186 = arith.index_cast %parallel_loop3A_153 : i32 to index
        %parallel_loop3A_187 = tpu.vector_load %arg6[%parallel_loop3A_183, %parallel_loop3A_184, %parallel_loop3A_185, %parallel_loop3A_186] {strides = array<i32>} : memref<2x4x4x1024xi32, #tpu.memory_space<vmem>>, vector<16xi32>,
        %parallel_loop3A_188 = arith.constant 1539 : i32
        %parallel_loop3A_189 = vector.broadcast %parallel_loop3A_188 : i32 to vector<16xi32>
        %parallel_loop3A_190 = arith.addi %parallel_loop3A_187, %parallel_loop3A_189 : vector<16xi32>
        %parallel_loop3A_191 = arith.constant -65536 : i32
        %parallel_loop3A_192 = vector.broadcast %parallel_loop3A_191 : i32 to vector<16xi32>
        %parallel_loop3A_193 = arith.constant 0 : i32
        %parallel_loop3A_194 = vector.broadcast %parallel_loop3A_193 : i32 to vector<16xi32>
        %parallel_loop3A_195 = tpu.vector_load_idx %arg5[%parallel_loop3A_160, %parallel_loop3A_194] : memref<2052x5xi32, #tpu.memory_space<vmem>>[vector<16xi32>, vector<16xi32>], vector<16xi32>,
        %parallel_loop3A_196 = tpu.vector_load_idx %arg5[%parallel_loop3A_170, %parallel_loop3A_194] : memref<2052x5xi32, #tpu.memory_space<vmem>>[vector<16xi32>, vector<16xi32>], vector<16xi32>,
        %parallel_loop3A_197 = tpu.vector_load_idx %arg5[%parallel_loop3A_180, %parallel_loop3A_194] : memref<2052x5xi32, #tpu.memory_space<vmem>>[vector<16xi32>, vector<16xi32>], vector<16xi32>,
        %parallel_loop3A_198 = tpu.vector_load_idx %arg5[%parallel_loop3A_190, %parallel_loop3A_194] : memref<2052x5xi32, #tpu.memory_space<vmem>>[vector<16xi32>, vector<16xi32>], vector<16xi32>,
        %parallel_loop3A_199 = vector.bitcast %parallel_loop3A_195 : vector<16xi32> to vector<32xbf16>
        %parallel_loop3A_200 = vector.bitcast %parallel_loop3A_196 : vector<16xi32> to vector<32xbf16>
        %parallel_loop3A_201 = arith.addf %parallel_loop3A_199, %parallel_loop3A_200 : vector<32xbf16>
        %parallel_loop3A_202 = vector.bitcast %parallel_loop3A_197 : vector<16xi32> to vector<32xbf16>
        %parallel_loop3A_203 = vector.bitcast %parallel_loop3A_198 : vector<16xi32> to vector<32xbf16>
        %parallel_loop3A_204 = arith.addf %parallel_loop3A_202, %parallel_loop3A_203 : vector<32xbf16>
        %parallel_loop3A_205 = arith.addf %parallel_loop3A_201, %parallel_loop3A_204 : vector<32xbf16>
        %parallel_loop3A_206 = vector.bitcast %parallel_loop3A_205 : vector<32xbf16> to vector<16xi32>
        %parallel_loop3A_207 = arith.constant 16 : i32
        %parallel_loop3A_208 = vector.broadcast %parallel_loop3A_207 : i32 to vector<16xi32>
        %parallel_loop3A_209 = arith.shli %parallel_loop3A_206, %parallel_loop3A_208 : vector<16xi32>
        %parallel_loop3A_210 = vector.bitcast %parallel_loop3A_209 : vector<16xi32> to vector<16xf32>
        %parallel_loop3A_211 = arith.andi %parallel_loop3A_206, %parallel_loop3A_192 : vector<16xi32>
        %parallel_loop3A_212 = vector.bitcast %parallel_loop3A_211 : vector<16xi32> to vector<16xf32>
        %parallel_loop3A_213 = arith.constant 8 : i32
        %parallel_loop3A_214 = arith.remsi %parallel_loop3A_151, %parallel_loop3A_213 : i32
        %parallel_loop3A_215 = arith.constant 16 : i32
        %parallel_loop3A_216 = arith.muli %parallel_loop3A_214, %parallel_loop3A_215 : i32
        %parallel_loop3A_217 = arith.constant 8 : i32
        %parallel_loop3A_218 = arith.divsi %parallel_loop3A_151, %parallel_loop3A_217 : i32
        %parallel_loop3A_219 = arith.constant 0 : i32
        %parallel_loop3A_220 = arith.cmpi sgt, %parallel_loop3A_151, %parallel_loop3A_219 : i32
        %parallel_loop3A_221 = arith.extui %parallel_loop3A_220 : i1 to i32
        %parallel_loop3A_222 = arith.constant 0 : i32
        %parallel_loop3A_223 = arith.cmpi slt, %parallel_loop3A_151, %parallel_loop3A_222 : i32
        %parallel_loop3A_224 = arith.extui %parallel_loop3A_223 : i1 to i32
        %parallel_loop3A_225 = arith.subi %parallel_loop3A_221, %parallel_loop3A_224 : i32
        %parallel_loop3A_226 = arith.constant 0 : i32
        %parallel_loop3A_227 = arith.cmpi sgt, %parallel_loop3A_217, %parallel_loop3A_226 : i32
        %parallel_loop3A_228 = arith.extui %parallel_loop3A_227 : i1 to i32
        %parallel_loop3A_229 = arith.constant 0 : i32
        %parallel_loop3A_230 = arith.cmpi slt, %parallel_loop3A_217, %parallel_loop3A_229 : i32
        %parallel_loop3A_231 = arith.extui %parallel_loop3A_230 : i1 to i32
        %parallel_loop3A_232 = arith.subi %parallel_loop3A_228, %parallel_loop3A_231 : i32
        %parallel_loop3A_233 = arith.cmpi ne, %parallel_loop3A_225, %parallel_loop3A_232 : i32
        %parallel_loop3A_234 = arith.remsi %parallel_loop3A_151, %parallel_loop3A_217 : i32
        %parallel_loop3A_235 = arith.constant 0 : i32
        %parallel_loop3A_236 = arith.cmpi ne, %parallel_loop3A_234, %parallel_loop3A_235 : i32
        %parallel_loop3A_237 = arith.andi %parallel_loop3A_233, %parallel_loop3A_236 : i1
        %parallel_loop3A_238 = arith.constant 1 : i32
        %parallel_loop3A_239 = arith.subi %parallel_loop3A_218, %parallel_loop3A_238 : i32
        %parallel_loop3A_240 = arith.select %parallel_loop3A_237, %parallel_loop3A_239, %parallel_loop3A_218 : i32
        %parallel_loop3A_241 = arith.constant 2 : i32
        %parallel_loop3A_242 = arith.constant 0 : i32
        %parallel_loop3A_243 = arith.index_cast %rem3A_95 : i32 to index
        %parallel_loop3A_244 = arith.index_cast %parallel_loop3A_241 : i32 to index
        %parallel_loop3A_245 = arith.index_cast %parallel_loop3A_240 : i32 to index
        %parallel_loop3A_246 = arith.index_cast %parallel_loop3A_242 : i32 to index
        %parallel_loop3A_247 = arith.index_cast %parallel_loop3A_216 : i32 to index
        %parallel_loop3A_248 = tpu.vector_load %arg7[%parallel_loop3A_243, %parallel_loop3A_244, %parallel_loop3A_245, %parallel_loop3A_246, %parallel_loop3A_247] {strides = array<i32>} : memref<2x4x8x8x128xf32, #tpu.memory_space<vmem>>, vector<16xf32>,
        tpu.vector_store %arg7[%parallel_loop3A_243, %parallel_loop3A_244, %parallel_loop3A_245, %parallel_loop3A_246, %parallel_loop3A_247], %parallel_loop3A_210 {strides = array<i32>} : memref<2x4x8x8x128xf32, #tpu.memory_space<vmem>>, vector<16xf32>,
        %parallel_loop3A_249 = arith.constant 8 : i32
        %parallel_loop3A_250 = arith.divsi %parallel_loop3A_151, %parallel_loop3A_249 : i32
        %parallel_loop3A_251 = arith.constant 0 : i32
        %parallel_loop3A_252 = arith.cmpi sgt, %parallel_loop3A_151, %parallel_loop3A_251 : i32
        %parallel_loop3A_253 = arith.extui %parallel_loop3A_252 : i1 to i32
        %parallel_loop3A_254 = arith.constant 0 : i32
        %parallel_loop3A_255 = arith.cmpi slt, %parallel_loop3A_151, %parallel_loop3A_254 : i32
        %parallel_loop3A_256 = arith.extui %parallel_loop3A_255 : i1 to i32
        %parallel_loop3A_257 = arith.subi %parallel_loop3A_253, %parallel_loop3A_256 : i32
        %parallel_loop3A_258 = arith.constant 0 : i32
        %parallel_loop3A_259 = arith.cmpi sgt, %parallel_loop3A_249, %parallel_loop3A_258 : i32
        %parallel_loop3A_260 = arith.extui %parallel_loop3A_259 : i1 to i32
        %parallel_loop3A_261 = arith.constant 0 : i32
        %parallel_loop3A_262 = arith.cmpi slt, %parallel_loop3A_249, %parallel_loop3A_261 : i32
        %parallel_loop3A_263 = arith.extui %parallel_loop3A_262 : i1 to i32
        %parallel_loop3A_264 = arith.subi %parallel_loop3A_260, %parallel_loop3A_263 : i32
        %parallel_loop3A_265 = arith.cmpi ne, %parallel_loop3A_257, %parallel_loop3A_264 : i32
        %parallel_loop3A_266 = arith.remsi %parallel_loop3A_151, %parallel_loop3A_249 : i32
        %parallel_loop3A_267 = arith.constant 0 : i32
        %parallel_loop3A_268 = arith.cmpi ne, %parallel_loop3A_266, %parallel_loop3A_267 : i32
        %parallel_loop3A_269 = arith.andi %parallel_loop3A_265, %parallel_loop3A_268 : i1
        %parallel_loop3A_270 = arith.constant 1 : i32
        %parallel_loop3A_271 = arith.subi %parallel_loop3A_250, %parallel_loop3A_270 : i32
        %parallel_loop3A_272 = arith.select %parallel_loop3A_269, %parallel_loop3A_271, %parallel_loop3A_250 : i32
        %parallel_loop3A_273 = arith.constant 2 : i32
        %parallel_loop3A_274 = arith.constant 4 : i32
        %parallel_loop3A_275 = arith.index_cast %rem3A_95 : i32 to index
        %parallel_loop3A_276 = arith.index_cast %parallel_loop3A_273 : i32 to index
        %parallel_loop3A_277 = arith.index_cast %parallel_loop3A_272 : i32 to index
        %parallel_loop3A_278 = arith.index_cast %parallel_loop3A_274 : i32 to index
        %parallel_loop3A_279 = arith.index_cast %parallel_loop3A_216 : i32 to index
        %parallel_loop3A_280 = tpu.vector_load %arg7[%parallel_loop3A_275, %parallel_loop3A_276, %parallel_loop3A_277, %parallel_loop3A_278, %parallel_loop3A_279] {strides = array<i32>} : memref<2x4x8x8x128xf32, #tpu.memory_space<vmem>>, vector<16xf32>,
        tpu.vector_store %arg7[%parallel_loop3A_275, %parallel_loop3A_276, %parallel_loop3A_277, %parallel_loop3A_278, %parallel_loop3A_279], %parallel_loop3A_212 {strides = array<i32>} : memref<2x4x8x8x128xf32, #tpu.memory_space<vmem>>, vector<16xf32>,
        %parallel_loop3A_281 = arith.constant 1 : i32
        %parallel_loop3A_282 = vector.broadcast %parallel_loop3A_281 : i32 to vector<16xi32>
        %parallel_loop3A_283 = tpu.vector_load_idx %arg5[%parallel_loop3A_160, %parallel_loop3A_282] : memref<2052x5xi32, #tpu.memory_space<vmem>>[vector<16xi32>, vector<16xi32>], vector<16xi32>,
        %parallel_loop3A_284 = tpu.vector_load_idx %arg5[%parallel_loop3A_170, %parallel_loop3A_282] : memref<2052x5xi32, #tpu.memory_space<vmem>>[vector<16xi32>, vector<16xi32>], vector<16xi32>,
        %parallel_loop3A_285 = tpu.vector_load_idx %arg5[%parallel_loop3A_180, %parallel_loop3A_282] : memref<2052x5xi32, #tpu.memory_space<vmem>>[vector<16xi32>, vector<16xi32>], vector<16xi32>,
        %parallel_loop3A_286 = tpu.vector_load_idx %arg5[%parallel_loop3A_190, %parallel_loop3A_282] : memref<2052x5xi32, #tpu.memory_space<vmem>>[vector<16xi32>, vector<16xi32>], vector<16xi32>,
        %parallel_loop3A_287 = vector.bitcast %parallel_loop3A_283 : vector<16xi32> to vector<32xbf16>
        %parallel_loop3A_288 = vector.bitcast %parallel_loop3A_284 : vector<16xi32> to vector<32xbf16>
        %parallel_loop3A_289 = arith.addf %parallel_loop3A_287, %parallel_loop3A_288 : vector<32xbf16>
        %parallel_loop3A_290 = vector.bitcast %parallel_loop3A_285 : vector<16xi32> to vector<32xbf16>
        %parallel_loop3A_291 = vector.bitcast %parallel_loop3A_286 : vector<16xi32> to vector<32xbf16>
        %parallel_loop3A_292 = arith.addf %parallel_loop3A_290, %parallel_loop3A_291 : vector<32xbf16>
        %parallel_loop3A_293 = arith.addf %parallel_loop3A_289, %parallel_loop3A_292 : vector<32xbf16>
        %parallel_loop3A_294 = vector.bitcast %parallel_loop3A_293 : vector<32xbf16> to vector<16xi32>
        %parallel_loop3A_295 = arith.constant 16 : i32
        %parallel_loop3A_296 = vector.broadcast %parallel_loop3A_295 : i32 to vector<16xi32>
        %parallel_loop3A_297 = arith.shli %parallel_loop3A_294, %parallel_loop3A_296 : vector<16xi32>
        %parallel_loop3A_298 = vector.bitcast %parallel_loop3A_297 : vector<16xi32> to vector<16xf32>
        %parallel_loop3A_299 = arith.andi %parallel_loop3A_294, %parallel_loop3A_192 : vector<16xi32>
        %parallel_loop3A_300 = vector.bitcast %parallel_loop3A_299 : vector<16xi32> to vector<16xf32>
        %parallel_loop3A_301 = arith.constant 8 : i32
        %parallel_loop3A_302 = arith.remsi %parallel_loop3A_151, %parallel_loop3A_301 : i32
        %parallel_loop3A_303 = arith.constant 16 : i32
        %parallel_loop3A_304 = arith.muli %parallel_loop3A_302, %parallel_loop3A_303 : i32
        %parallel_loop3A_305 = arith.constant 8 : i32
        %parallel_loop3A_306 = arith.divsi %parallel_loop3A_151, %parallel_loop3A_305 : i32
        %parallel_loop3A_307 = arith.constant 0 : i32
        %parallel_loop3A_308 = arith.cmpi sgt, %parallel_loop3A_151, %parallel_loop3A_307 : i32
        %parallel_loop3A_309 = arith.extui %parallel_loop3A_308 : i1 to i32
        %parallel_loop3A_310 = arith.constant 0 : i32
        %parallel_loop3A_311 = arith.cmpi slt, %parallel_loop3A_151, %parallel_loop3A_310 : i32
        %parallel_loop3A_312 = arith.extui %parallel_loop3A_311 : i1 to i32
        %parallel_loop3A_313 = arith.subi %parallel_loop3A_309, %parallel_loop3A_312 : i32
        %parallel_loop3A_314 = arith.constant 0 : i32
        %parallel_loop3A_315 = arith.cmpi sgt, %parallel_loop3A_305, %parallel_loop3A_314 : i32
        %parallel_loop3A_316 = arith.extui %parallel_loop3A_315 : i1 to i32
        %parallel_loop3A_317 = arith.constant 0 : i32
        %parallel_loop3A_318 = arith.cmpi slt, %parallel_loop3A_305, %parallel_loop3A_317 : i32
        %parallel_loop3A_319 = arith.extui %parallel_loop3A_318 : i1 to i32
        %parallel_loop3A_320 = arith.subi %parallel_loop3A_316, %parallel_loop3A_319 : i32
        %parallel_loop3A_321 = arith.cmpi ne, %parallel_loop3A_313, %parallel_loop3A_320 : i32
        %parallel_loop3A_322 = arith.remsi %parallel_loop3A_151, %parallel_loop3A_305 : i32
        %parallel_loop3A_323 = arith.constant 0 : i32
        %parallel_loop3A_324 = arith.cmpi ne, %parallel_loop3A_322, %parallel_loop3A_323 : i32
        %parallel_loop3A_325 = arith.andi %parallel_loop3A_321, %parallel_loop3A_324 : i1
        %parallel_loop3A_326 = arith.constant 1 : i32
        %parallel_loop3A_327 = arith.subi %parallel_loop3A_306, %parallel_loop3A_326 : i32
        %parallel_loop3A_328 = arith.select %parallel_loop3A_325, %parallel_loop3A_327, %parallel_loop3A_306 : i32
        %parallel_loop3A_329 = arith.constant 2 : i32
        %parallel_loop3A_330 = arith.constant 1 : i32
        %parallel_loop3A_331 = arith.index_cast %rem3A_95 : i32 to index
        %parallel_loop3A_332 = arith.index_cast %parallel_loop3A_329 : i32 to index
        %parallel_loop3A_333 = arith.index_cast %parallel_loop3A_328 : i32 to index
        %parallel_loop3A_334 = arith.index_cast %parallel_loop3A_330 : i32 to index
        %parallel_loop3A_335 = arith.index_cast %parallel_loop3A_304 : i32 to index
        %parallel_loop3A_336 = tpu.vector_load %arg7[%parallel_loop3A_331, %parallel_loop3A_332, %parallel_loop3A_333, %parallel_loop3A_334, %parallel_loop3A_335] {strides = array<i32>} : memref<2x4x8x8x128xf32, #tpu.memory_space<vmem>>, vector<16xf32>,
        tpu.vector_store %arg7[%parallel_loop3A_331, %parallel_loop3A_332, %parallel_loop3A_333, %parallel_loop3A_334, %parallel_loop3A_335], %parallel_loop3A_298 {strides = array<i32>} : memref<2x4x8x8x128xf32, #tpu.memory_space<vmem>>, vector<16xf32>,
        %parallel_loop3A_337 = arith.constant 8 : i32
        %parallel_loop3A_338 = arith.divsi %parallel_loop3A_151, %parallel_loop3A_337 : i32
        %parallel_loop3A_339 = arith.constant 0 : i32
        %parallel_loop3A_340 = arith.cmpi sgt, %parallel_loop3A_151, %parallel_loop3A_339 : i32
        %parallel_loop3A_341 = arith.extui %parallel_loop3A_340 : i1 to i32
        %parallel_loop3A_342 = arith.constant 0 : i32
        %parallel_loop3A_343 = arith.cmpi slt, %parallel_loop3A_151, %parallel_loop3A_342 : i32
        %parallel_loop3A_344 = arith.extui %parallel_loop3A_343 : i1 to i32
        %parallel_loop3A_345 = arith.subi %parallel_loop3A_341, %parallel_loop3A_344 : i32
        %parallel_loop3A_346 = arith.constant 0 : i32
        %parallel_loop3A_347 = arith.cmpi sgt, %parallel_loop3A_337, %parallel_loop3A_346 : i32
        %parallel_loop3A_348 = arith.extui %parallel_loop3A_347 : i1 to i32
        %parallel_loop3A_349 = arith.constant 0 : i32
        %parallel_loop3A_350 = arith.cmpi slt, %parallel_loop3A_337, %parallel_loop3A_349 : i32
        %parallel_loop3A_351 = arith.extui %parallel_loop3A_350 : i1 to i32
        %parallel_loop3A_352 = arith.subi %parallel_loop3A_348, %parallel_loop3A_351 : i32
        %parallel_loop3A_353 = arith.cmpi ne, %parallel_loop3A_345, %parallel_loop3A_352 : i32
        %parallel_loop3A_354 = arith.remsi %parallel_loop3A_151, %parallel_loop3A_337 : i32
        %parallel_loop3A_355 = arith.constant 0 : i32
        %parallel_loop3A_356 = arith.cmpi ne, %parallel_loop3A_354, %parallel_loop3A_355 : i32
        %parallel_loop3A_357 = arith.andi %parallel_loop3A_353, %parallel_loop3A_356 : i1
        %parallel_loop3A_358 = arith.constant 1 : i32
        %parallel_loop3A_359 = arith.subi %parallel_loop3A_338, %parallel_loop3A_358 : i32
        %parallel_loop3A_360 = arith.select %parallel_loop3A_357, %parallel_loop3A_359, %parallel_loop3A_338 : i32
        %parallel_loop3A_361 = arith.constant 2 : i32
        %parallel_loop3A_362 = arith.constant 5 : i32
        %parallel_loop3A_363 = arith.index_cast %rem3A_95 : i32 to index
        %parallel_loop3A_364 = arith.index_cast %parallel_loop3A_361 : i32 to index
        %parallel_loop3A_365 = arith.index_cast %parallel_loop3A_360 : i32 to index
        %parallel_loop3A_366 = arith.index_cast %parallel_loop3A_362 : i32 to index
        %parallel_loop3A_367 = arith.index_cast %parallel_loop3A_304 : i32 to index
        %parallel_loop3A_368 = tpu.vector_load %arg7[%parallel_loop3A_363, %parallel_loop3A_364, %parallel_loop3A_365, %parallel_loop3A_366, %parallel_loop3A_367] {strides = array<i32>} : memref<2x4x8x8x128xf32, #tpu.memory_space<vmem>>, vector<16xf32>,
        tpu.vector_store %arg7[%parallel_loop3A_363, %parallel_loop3A_364, %parallel_loop3A_365, %parallel_loop3A_366, %parallel_loop3A_367], %parallel_loop3A_300 {strides = array<i32>} : memref<2x4x8x8x128xf32, #tpu.memory_space<vmem>>, vector<16xf32>,
        %parallel_loop3A_369 = arith.constant 2 : i32
        %parallel_loop3A_370 = vector.broadcast %parallel_loop3A_369 : i32 to vector<16xi32>
        %parallel_loop3A_371 = tpu.vector_load_idx %arg5[%parallel_loop3A_160, %parallel_loop3A_370] : memref<2052x5xi32, #tpu.memory_space<vmem>>[vector<16xi32>, vector<16xi32>], vector<16xi32>,
        %parallel_loop3A_372 = tpu.vector_load_idx %arg5[%parallel_loop3A_170, %parallel_loop3A_370] : memref<2052x5xi32, #tpu.memory_space<vmem>>[vector<16xi32>, vector<16xi32>], vector<16xi32>,
        %parallel_loop3A_373 = tpu.vector_load_idx %arg5[%parallel_loop3A_180, %parallel_loop3A_370] : memref<2052x5xi32, #tpu.memory_space<vmem>>[vector<16xi32>, vector<16xi32>], vector<16xi32>,
        %parallel_loop3A_374 = tpu.vector_load_idx %arg5[%parallel_loop3A_190, %parallel_loop3A_370] : memref<2052x5xi32, #tpu.memory_space<vmem>>[vector<16xi32>, vector<16xi32>], vector<16xi32>,
        %parallel_loop3A_375 = vector.bitcast %parallel_loop3A_371 : vector<16xi32> to vector<32xbf16>
        %parallel_loop3A_376 = vector.bitcast %parallel_loop3A_372 : vector<16xi32> to vector<32xbf16>
        %parallel_loop3A_377 = arith.addf %parallel_loop3A_375, %parallel_loop3A_376 : vector<32xbf16>
        %parallel_loop3A_378 = vector.bitcast %parallel_loop3A_373 : vector<16xi32> to vector<32xbf16>
        %parallel_loop3A_379 = vector.bitcast %parallel_loop3A_374 : vector<16xi32> to vector<32xbf16>
        %parallel_loop3A_380 = arith.addf %parallel_loop3A_378, %parallel_loop3A_379 : vector<32xbf16>
        %parallel_loop3A_381 = arith.addf %parallel_loop3A_377, %parallel_loop3A_380 : vector<32xbf16>
        %parallel_loop3A_382 = vector.bitcast %parallel_loop3A_381 : vector<32xbf16> to vector<16xi32>
        %parallel_loop3A_383 = arith.constant 16 : i32
        %parallel_loop3A_384 = vector.broadcast %parallel_loop3A_383 : i32 to vector<16xi32>
        %parallel_loop3A_385 = arith.shli %parallel_loop3A_382, %parallel_loop3A_384 : vector<16xi32>
        %parallel_loop3A_386 = vector.bitcast %parallel_loop3A_385 : vector<16xi32> to vector<16xf32>
        %parallel_loop3A_387 = arith.andi %parallel_loop3A_382, %parallel_loop3A_192 : vector<16xi32>
        %parallel_loop3A_388 = vector.bitcast %parallel_loop3A_387 : vector<16xi32> to vector<16xf32>
        %parallel_loop3A_389 = arith.constant 8 : i32
        %parallel_loop3A_390 = arith.remsi %parallel_loop3A_151, %parallel_loop3A_389 : i32
        %parallel_loop3A_391 = arith.constant 16 : i32
        %parallel_loop3A_392 = arith.muli %parallel_loop3A_390, %parallel_loop3A_391 : i32
        %parallel_loop3A_393 = arith.constant 8 : i32
        %parallel_loop3A_394 = arith.divsi %parallel_loop3A_151, %parallel_loop3A_393 : i32
        %parallel_loop3A_395 = arith.constant 0 : i32
        %parallel_loop3A_396 = arith.cmpi sgt, %parallel_loop3A_151, %parallel_loop3A_395 : i32
        %parallel_loop3A_397 = arith.extui %parallel_loop3A_396 : i1 to i32
        %parallel_loop3A_398 = arith.constant 0 : i32
        %parallel_loop3A_399 = arith.cmpi slt, %parallel_loop3A_151, %parallel_loop3A_398 : i32
        %parallel_loop3A_400 = arith.extui %parallel_loop3A_399 : i1 to i32
        %parallel_loop3A_401 = arith.subi %parallel_loop3A_397, %parallel_loop3A_400 : i32
        %parallel_loop3A_402 = arith.constant 0 : i32
        %parallel_loop3A_403 = arith.cmpi sgt, %parallel_loop3A_393, %parallel_loop3A_402 : i32
        %parallel_loop3A_404 = arith.extui %parallel_loop3A_403 : i1 to i32
        %parallel_loop3A_405 = arith.constant 0 : i32
        %parallel_loop3A_406 = arith.cmpi slt, %parallel_loop3A_393, %parallel_loop3A_405 : i32
        %parallel_loop3A_407 = arith.extui %parallel_loop3A_406 : i1 to i32
        %parallel_loop3A_408 = arith.subi %parallel_loop3A_404, %parallel_loop3A_407 : i32
        %parallel_loop3A_409 = arith.cmpi ne, %parallel_loop3A_401, %parallel_loop3A_408 : i32
        %parallel_loop3A_410 = arith.remsi %parallel_loop3A_151, %parallel_loop3A_393 : i32
        %parallel_loop3A_411 = arith.constant 0 : i32
        %parallel_loop3A_412 = arith.cmpi ne, %parallel_loop3A_410, %parallel_loop3A_411 : i32
        %parallel_loop3A_413 = arith.andi %parallel_loop3A_409, %parallel_loop3A_412 : i1
        %parallel_loop3A_414 = arith.constant 1 : i32
        %parallel_loop3A_415 = arith.subi %parallel_loop3A_394, %parallel_loop3A_414 : i32
        %parallel_loop3A_416 = arith.select %parallel_loop3A_413, %parallel_loop3A_415, %parallel_loop3A_394 : i32
        %parallel_loop3A_417 = arith.constant 2 : i32
        %parallel_loop3A_418 = arith.constant 2 : i32
        %parallel_loop3A_419 = arith.index_cast %rem3A_95 : i32 to index
        %parallel_loop3A_420 = arith.index_cast %parallel_loop3A_417 : i32 to index
        %parallel_loop3A_421 = arith.index_cast %parallel_loop3A_416 : i32 to index
        %parallel_loop3A_422 = arith.index_cast %parallel_loop3A_418 : i32 to index
        %parallel_loop3A_423 = arith.index_cast %parallel_loop3A_392 : i32 to index
        %parallel_loop3A_424 = tpu.vector_load %arg7[%parallel_loop3A_419, %parallel_loop3A_420, %parallel_loop3A_421, %parallel_loop3A_422, %parallel_loop3A_423] {strides = array<i32>} : memref<2x4x8x8x128xf32, #tpu.memory_space<vmem>>, vector<16xf32>,
        tpu.vector_store %arg7[%parallel_loop3A_419, %parallel_loop3A_420, %parallel_loop3A_421, %parallel_loop3A_422, %parallel_loop3A_423], %parallel_loop3A_386 {strides = array<i32>} : memref<2x4x8x8x128xf32, #tpu.memory_space<vmem>>, vector<16xf32>,
        %parallel_loop3A_425 = arith.constant 8 : i32
        %parallel_loop3A_426 = arith.divsi %parallel_loop3A_151, %parallel_loop3A_425 : i32
        %parallel_loop3A_427 = arith.constant 0 : i32
        %parallel_loop3A_428 = arith.cmpi sgt, %parallel_loop3A_151, %parallel_loop3A_427 : i32
        %parallel_loop3A_429 = arith.extui %parallel_loop3A_428 : i1 to i32
        %parallel_loop3A_430 = arith.constant 0 : i32
        %parallel_loop3A_431 = arith.cmpi slt, %parallel_loop3A_151, %parallel_loop3A_430 : i32
        %parallel_loop3A_432 = arith.extui %parallel_loop3A_431 : i1 to i32
        %parallel_loop3A_433 = arith.subi %parallel_loop3A_429, %parallel_loop3A_432 : i32
        %parallel_loop3A_434 = arith.constant 0 : i32
        %parallel_loop3A_435 = arith.cmpi sgt, %parallel_loop3A_425, %parallel_loop3A_434 : i32
        %parallel_loop3A_436 = arith.extui %parallel_loop3A_435 : i1 to i32
        %parallel_loop3A_437 = arith.constant 0 : i32
        %parallel_loop3A_438 = arith.cmpi slt, %parallel_loop3A_425, %parallel_loop3A_437 : i32
        %parallel_loop3A_439 = arith.extui %parallel_loop3A_438 : i1 to i32
        %parallel_loop3A_440 = arith.subi %parallel_loop3A_436, %parallel_loop3A_439 : i32
        %parallel_loop3A_441 = arith.cmpi ne, %parallel_loop3A_433, %parallel_loop3A_440 : i32
        %parallel_loop3A_442 = arith.remsi %parallel_loop3A_151, %parallel_loop3A_425 : i32
        %parallel_loop3A_443 = arith.constant 0 : i32
        %parallel_loop3A_444 = arith.cmpi ne, %parallel_loop3A_442, %parallel_loop3A_443 : i32
        %parallel_loop3A_445 = arith.andi %parallel_loop3A_441, %parallel_loop3A_444 : i1
        %parallel_loop3A_446 = arith.constant 1 : i32
        %parallel_loop3A_447 = arith.subi %parallel_loop3A_426, %parallel_loop3A_446 : i32
        %parallel_loop3A_448 = arith.select %parallel_loop3A_445, %parallel_loop3A_447, %parallel_loop3A_426 : i32
        %parallel_loop3A_449 = arith.constant 2 : i32
        %parallel_loop3A_450 = arith.constant 6 : i32
        %parallel_loop3A_451 = arith.index_cast %rem3A_95 : i32 to index
        %parallel_loop3A_452 = arith.index_cast %parallel_loop3A_449 : i32 to index
        %parallel_loop3A_453 = arith.index_cast %parallel_loop3A_448 : i32 to index
        %parallel_loop3A_454 = arith.index_cast %parallel_loop3A_450 : i32 to index
        %parallel_loop3A_455 = arith.index_cast %parallel_loop3A_392 : i32 to index
        %parallel_loop3A_456 = tpu.vector_load %arg7[%parallel_loop3A_451, %parallel_loop3A_452, %parallel_loop3A_453, %parallel_loop3A_454, %parallel_loop3A_455] {strides = array<i32>} : memref<2x4x8x8x128xf32, #tpu.memory_space<vmem>>, vector<16xf32>,
        tpu.vector_store %arg7[%parallel_loop3A_451, %parallel_loop3A_452, %parallel_loop3A_453, %parallel_loop3A_454, %parallel_loop3A_455], %parallel_loop3A_388 {strides = array<i32>} : memref<2x4x8x8x128xf32, #tpu.memory_space<vmem>>, vector<16xf32>,
        %parallel_loop3A_457 = arith.constant 3 : i32
        %parallel_loop3A_458 = vector.broadcast %parallel_loop3A_457 : i32 to vector<16xi32>
        %parallel_loop3A_459 = tpu.vector_load_idx %arg5[%parallel_loop3A_160, %parallel_loop3A_458] : memref<2052x5xi32, #tpu.memory_space<vmem>>[vector<16xi32>, vector<16xi32>], vector<16xi32>,
        %parallel_loop3A_460 = tpu.vector_load_idx %arg5[%parallel_loop3A_170, %parallel_loop3A_458] : memref<2052x5xi32, #tpu.memory_space<vmem>>[vector<16xi32>, vector<16xi32>], vector<16xi32>,
        %parallel_loop3A_461 = tpu.vector_load_idx %arg5[%parallel_loop3A_180, %parallel_loop3A_458] : memref<2052x5xi32, #tpu.memory_space<vmem>>[vector<16xi32>, vector<16xi32>], vector<16xi32>,
        %parallel_loop3A_462 = tpu.vector_load_idx %arg5[%parallel_loop3A_190, %parallel_loop3A_458] : memref<2052x5xi32, #tpu.memory_space<vmem>>[vector<16xi32>, vector<16xi32>], vector<16xi32>,
        %parallel_loop3A_463 = vector.bitcast %parallel_loop3A_459 : vector<16xi32> to vector<32xbf16>
        %parallel_loop3A_464 = vector.bitcast %parallel_loop3A_460 : vector<16xi32> to vector<32xbf16>
        %parallel_loop3A_465 = arith.addf %parallel_loop3A_463, %parallel_loop3A_464 : vector<32xbf16>
        %parallel_loop3A_466 = vector.bitcast %parallel_loop3A_461 : vector<16xi32> to vector<32xbf16>
        %parallel_loop3A_467 = vector.bitcast %parallel_loop3A_462 : vector<16xi32> to vector<32xbf16>
        %parallel_loop3A_468 = arith.addf %parallel_loop3A_466, %parallel_loop3A_467 : vector<32xbf16>
        %parallel_loop3A_469 = arith.addf %parallel_loop3A_465, %parallel_loop3A_468 : vector<32xbf16>
        %parallel_loop3A_470 = vector.bitcast %parallel_loop3A_469 : vector<32xbf16> to vector<16xi32>
        %parallel_loop3A_471 = arith.constant 16 : i32
        %parallel_loop3A_472 = vector.broadcast %parallel_loop3A_471 : i32 to vector<16xi32>
        %parallel_loop3A_473 = arith.shli %parallel_loop3A_470, %parallel_loop3A_472 : vector<16xi32>
        %parallel_loop3A_474 = vector.bitcast %parallel_loop3A_473 : vector<16xi32> to vector<16xf32>
        %parallel_loop3A_475 = arith.andi %parallel_loop3A_470, %parallel_loop3A_192 : vector<16xi32>
        %parallel_loop3A_476 = vector.bitcast %parallel_loop3A_475 : vector<16xi32> to vector<16xf32>
        %parallel_loop3A_477 = arith.constant 8 : i32
        %parallel_loop3A_478 = arith.remsi %parallel_loop3A_151, %parallel_loop3A_477 : i32
        %parallel_loop3A_479 = arith.constant 16 : i32
        %parallel_loop3A_480 = arith.muli %parallel_loop3A_478, %parallel_loop3A_479 : i32
        %parallel_loop3A_481 = arith.constant 8 : i32
        %parallel_loop3A_482 = arith.divsi %parallel_loop3A_151, %parallel_loop3A_481 : i32
        %parallel_loop3A_483 = arith.constant 0 : i32
        %parallel_loop3A_484 = arith.cmpi sgt, %parallel_loop3A_151, %parallel_loop3A_483 : i32
        %parallel_loop3A_485 = arith.extui %parallel_loop3A_484 : i1 to i32
        %parallel_loop3A_486 = arith.constant 0 : i32
        %parallel_loop3A_487 = arith.cmpi slt, %parallel_loop3A_151, %parallel_loop3A_486 : i32
        %parallel_loop3A_488 = arith.extui %parallel_loop3A_487 : i1 to i32
        %parallel_loop3A_489 = arith.subi %parallel_loop3A_485, %parallel_loop3A_488 : i32
        %parallel_loop3A_490 = arith.constant 0 : i32
        %parallel_loop3A_491 = arith.cmpi sgt, %parallel_loop3A_481, %parallel_loop3A_490 : i32
        %parallel_loop3A_492 = arith.extui %parallel_loop3A_491 : i1 to i32
        %parallel_loop3A_493 = arith.constant 0 : i32
        %parallel_loop3A_494 = arith.cmpi slt, %parallel_loop3A_481, %parallel_loop3A_493 : i32
        %parallel_loop3A_495 = arith.extui %parallel_loop3A_494 : i1 to i32
        %parallel_loop3A_496 = arith.subi %parallel_loop3A_492, %parallel_loop3A_495 : i32
        %parallel_loop3A_497 = arith.cmpi ne, %parallel_loop3A_489, %parallel_loop3A_496 : i32
        %parallel_loop3A_498 = arith.remsi %parallel_loop3A_151, %parallel_loop3A_481 : i32
        %parallel_loop3A_499 = arith.constant 0 : i32
        %parallel_loop3A_500 = arith.cmpi ne, %parallel_loop3A_498, %parallel_loop3A_499 : i32
        %parallel_loop3A_501 = arith.andi %parallel_loop3A_497, %parallel_loop3A_500 : i1
        %parallel_loop3A_502 = arith.constant 1 : i32
        %parallel_loop3A_503 = arith.subi %parallel_loop3A_482, %parallel_loop3A_502 : i32
        %parallel_loop3A_504 = arith.select %parallel_loop3A_501, %parallel_loop3A_503, %parallel_loop3A_482 : i32
        %parallel_loop3A_505 = arith.constant 2 : i32
        %parallel_loop3A_506 = arith.constant 3 : i32
        %parallel_loop3A_507 = arith.index_cast %rem3A_95 : i32 to index
        %parallel_loop3A_508 = arith.index_cast %parallel_loop3A_505 : i32 to index
        %parallel_loop3A_509 = arith.index_cast %parallel_loop3A_504 : i32 to index
        %parallel_loop3A_510 = arith.index_cast %parallel_loop3A_506 : i32 to index
        %parallel_loop3A_511 = arith.index_cast %parallel_loop3A_480 : i32 to index
        %parallel_loop3A_512 = tpu.vector_load %arg7[%parallel_loop3A_507, %parallel_loop3A_508, %parallel_loop3A_509, %parallel_loop3A_510, %parallel_loop3A_511] {strides = array<i32>} : memref<2x4x8x8x128xf32, #tpu.memory_space<vmem>>, vector<16xf32>,
        tpu.vector_store %arg7[%parallel_loop3A_507, %parallel_loop3A_508, %parallel_loop3A_509, %parallel_loop3A_510, %parallel_loop3A_511], %parallel_loop3A_474 {strides = array<i32>} : memref<2x4x8x8x128xf32, #tpu.memory_space<vmem>>, vector<16xf32>,
        %parallel_loop3A_513 = arith.constant 8 : i32
        %parallel_loop3A_514 = arith.divsi %parallel_loop3A_151, %parallel_loop3A_513 : i32
        %parallel_loop3A_515 = arith.constant 0 : i32
        %parallel_loop3A_516 = arith.cmpi sgt, %parallel_loop3A_151, %parallel_loop3A_515 : i32
        %parallel_loop3A_517 = arith.extui %parallel_loop3A_516 : i1 to i32
        %parallel_loop3A_518 = arith.constant 0 : i32
        %parallel_loop3A_519 = arith.cmpi slt, %parallel_loop3A_151, %parallel_loop3A_518 : i32
        %parallel_loop3A_520 = arith.extui %parallel_loop3A_519 : i1 to i32
        %parallel_loop3A_521 = arith.subi %parallel_loop3A_517, %parallel_loop3A_520 : i32
        %parallel_loop3A_522 = arith.constant 0 : i32
        %parallel_loop3A_523 = arith.cmpi sgt, %parallel_loop3A_513, %parallel_loop3A_522 : i32
        %parallel_loop3A_524 = arith.extui %parallel_loop3A_523 : i1 to i32
        %parallel_loop3A_525 = arith.constant 0 : i32
        %parallel_loop3A_526 = arith.cmpi slt, %parallel_loop3A_513, %parallel_loop3A_525 : i32
        %parallel_loop3A_527 = arith.extui %parallel_loop3A_526 : i1 to i32
        %parallel_loop3A_528 = arith.subi %parallel_loop3A_524, %parallel_loop3A_527 : i32
        %parallel_loop3A_529 = arith.cmpi ne, %parallel_loop3A_521, %parallel_loop3A_528 : i32
        %parallel_loop3A_530 = arith.remsi %parallel_loop3A_151, %parallel_loop3A_513 : i32
        %parallel_loop3A_531 = arith.constant 0 : i32
        %parallel_loop3A_532 = arith.cmpi ne, %parallel_loop3A_530, %parallel_loop3A_531 : i32
        %parallel_loop3A_533 = arith.andi %parallel_loop3A_529, %parallel_loop3A_532 : i1
        %parallel_loop3A_534 = arith.constant 1 : i32
        %parallel_loop3A_535 = arith.subi %parallel_loop3A_514, %parallel_loop3A_534 : i32
        %parallel_loop3A_536 = arith.select %parallel_loop3A_533, %parallel_loop3A_535, %parallel_loop3A_514 : i32
        %parallel_loop3A_537 = arith.constant 2 : i32
        %parallel_loop3A_538 = arith.constant 7 : i32
        %parallel_loop3A_539 = arith.index_cast %rem3A_95 : i32 to index
        %parallel_loop3A_540 = arith.index_cast %parallel_loop3A_537 : i32 to index
        %parallel_loop3A_541 = arith.index_cast %parallel_loop3A_536 : i32 to index
        %parallel_loop3A_542 = arith.index_cast %parallel_loop3A_538 : i32 to index
        %parallel_loop3A_543 = arith.index_cast %parallel_loop3A_480 : i32 to index
        %parallel_loop3A_544 = tpu.vector_load %arg7[%parallel_loop3A_539, %parallel_loop3A_540, %parallel_loop3A_541, %parallel_loop3A_542, %parallel_loop3A_543] {strides = array<i32>} : memref<2x4x8x8x128xf32, #tpu.memory_space<vmem>>, vector<16xf32>,
        tpu.vector_store %arg7[%parallel_loop3A_539, %parallel_loop3A_540, %parallel_loop3A_541, %parallel_loop3A_542, %parallel_loop3A_543], %parallel_loop3A_476 {strides = array<i32>} : memref<2x4x8x8x128xf32, #tpu.memory_space<vmem>>, vector<16xf32>,
      } {sc.loop_unroll_factor = 4 : i64, sc.parallel_access}
      %parallel_loop3A_126 = arith.constant 0 : i32
      %parallel_loop3A_127 = arith.constant 64 : i32
      %parallel_loop3A_128 = arith.constant 1 : i32
      scf.for %parallel_loop3A_151 = %parallel_loop3A_126 to %parallel_loop3A_127 step %parallel_loop3A_128  : i32 {
        %parallel_loop3A_152 = arith.constant 16 : i32
        %parallel_loop3A_153 = arith.muli %parallel_loop3A_151, %parallel_loop3A_152 : i32
        %parallel_loop3A_154 = arith.constant 3 : i32
        %parallel_loop3A_155 = arith.constant 0 : i32
        %parallel_loop3A_156 = arith.index_cast %rem3A_95 : i32 to index
        %parallel_loop3A_157 = arith.index_cast %parallel_loop3A_154 : i32 to index
        %parallel_loop3A_158 = arith.index_cast %parallel_loop3A_155 : i32 to index
        %parallel_loop3A_159 = arith.index_cast %parallel_loop3A_153 : i32 to index
        %parallel_loop3A_160 = tpu.vector_load %arg6[%parallel_loop3A_156, %parallel_loop3A_157, %parallel_loop3A_158, %parallel_loop3A_159] {strides = array<i32>} : memref<2x4x4x1024xi32, #tpu.memory_space<vmem>>, vector<16xi32>,
        %parallel_loop3A_161 = arith.constant 3 : i32
        %parallel_loop3A_162 = arith.constant 1 : i32
        %parallel_loop3A_163 = arith.index_cast %rem3A_95 : i32 to index
        %parallel_loop3A_164 = arith.index_cast %parallel_loop3A_161 : i32 to index
        %parallel_loop3A_165 = arith.index_cast %parallel_loop3A_162 : i32 to index
        %parallel_loop3A_166 = arith.index_cast %parallel_loop3A_153 : i32 to index
        %parallel_loop3A_167 = tpu.vector_load %arg6[%parallel_loop3A_163, %parallel_loop3A_164, %parallel_loop3A_165, %parallel_loop3A_166] {strides = array<i32>} : memref<2x4x4x1024xi32, #tpu.memory_space<vmem>>, vector<16xi32>,
        %parallel_loop3A_168 = arith.constant 513 : i32
        %parallel_loop3A_169 = vector.broadcast %parallel_loop3A_168 : i32 to vector<16xi32>
        %parallel_loop3A_170 = arith.addi %parallel_loop3A_167, %parallel_loop3A_169 : vector<16xi32>
        %parallel_loop3A_171 = arith.constant 3 : i32
        %parallel_loop3A_172 = arith.constant 2 : i32
        %parallel_loop3A_173 = arith.index_cast %rem3A_95 : i32 to index
        %parallel_loop3A_174 = arith.index_cast %parallel_loop3A_171 : i32 to index
        %parallel_loop3A_175 = arith.index_cast %parallel_loop3A_172 : i32 to index
        %parallel_loop3A_176 = arith.index_cast %parallel_loop3A_153 : i32 to index
        %parallel_loop3A_177 = tpu.vector_load %arg6[%parallel_loop3A_173, %parallel_loop3A_174, %parallel_loop3A_175, %parallel_loop3A_176] {strides = array<i32>} : memref<2x4x4x1024xi32, #tpu.memory_space<vmem>>, vector<16xi32>,
        %parallel_loop3A_178 = arith.constant 1026 : i32
        %parallel_loop3A_179 = vector.broadcast %parallel_loop3A_178 : i32 to vector<16xi32>
        %parallel_loop3A_180 = arith.addi %parallel_loop3A_177, %parallel_loop3A_179 : vector<16xi32>
        %parallel_loop3A_181 = arith.constant 3 : i32
        %parallel_loop3A_182 = arith.constant 3 : i32
        %parallel_loop3A_183 = arith.index_cast %rem3A_95 : i32 to index
        %parallel_loop3A_184 = arith.index_cast %parallel_loop3A_181 : i32 to index
        %parallel_loop3A_185 = arith.index_cast %parallel_loop3A_182 : i32 to index
        %parallel_loop3A_186 = arith.index_cast %parallel_loop3A_153 : i32 to index
        %parallel_loop3A_187 = tpu.vector_load %arg6[%parallel_loop3A_183, %parallel_loop3A_184, %parallel_loop3A_185, %parallel_loop3A_186] {strides = array<i32>} : memref<2x4x4x1024xi32, #tpu.memory_space<vmem>>, vector<16xi32>,
        %parallel_loop3A_188 = arith.constant 1539 : i32
        %parallel_loop3A_189 = vector.broadcast %parallel_loop3A_188 : i32 to vector<16xi32>
        %parallel_loop3A_190 = arith.addi %parallel_loop3A_187, %parallel_loop3A_189 : vector<16xi32>
        %parallel_loop3A_191 = arith.constant -65536 : i32
        %parallel_loop3A_192 = vector.broadcast %parallel_loop3A_191 : i32 to vector<16xi32>
        %parallel_loop3A_193 = arith.constant 0 : i32
        %parallel_loop3A_194 = vector.broadcast %parallel_loop3A_193 : i32 to vector<16xi32>
        %parallel_loop3A_195 = tpu.vector_load_idx %arg5[%parallel_loop3A_160, %parallel_loop3A_194] : memref<2052x5xi32, #tpu.memory_space<vmem>>[vector<16xi32>, vector<16xi32>], vector<16xi32>,
        %parallel_loop3A_196 = tpu.vector_load_idx %arg5[%parallel_loop3A_170, %parallel_loop3A_194] : memref<2052x5xi32, #tpu.memory_space<vmem>>[vector<16xi32>, vector<16xi32>], vector<16xi32>,
        %parallel_loop3A_197 = tpu.vector_load_idx %arg5[%parallel_loop3A_180, %parallel_loop3A_194] : memref<2052x5xi32, #tpu.memory_space<vmem>>[vector<16xi32>, vector<16xi32>], vector<16xi32>,
        %parallel_loop3A_198 = tpu.vector_load_idx %arg5[%parallel_loop3A_190, %parallel_loop3A_194] : memref<2052x5xi32, #tpu.memory_space<vmem>>[vector<16xi32>, vector<16xi32>], vector<16xi32>,
        %parallel_loop3A_199 = vector.bitcast %parallel_loop3A_195 : vector<16xi32> to vector<32xbf16>
        %parallel_loop3A_200 = vector.bitcast %parallel_loop3A_196 : vector<16xi32> to vector<32xbf16>
        %parallel_loop3A_201 = arith.addf %parallel_loop3A_199, %parallel_loop3A_200 : vector<32xbf16>
        %parallel_loop3A_202 = vector.bitcast %parallel_loop3A_197 : vector<16xi32> to vector<32xbf16>
        %parallel_loop3A_203 = vector.bitcast %parallel_loop3A_198 : vector<16xi32> to vector<32xbf16>
        %parallel_loop3A_204 = arith.addf %parallel_loop3A_202, %parallel_loop3A_203 : vector<32xbf16>
        %parallel_loop3A_205 = arith.addf %parallel_loop3A_201, %parallel_loop3A_204 : vector<32xbf16>
        %parallel_loop3A_206 = vector.bitcast %parallel_loop3A_205 : vector<32xbf16> to vector<16xi32>
        %parallel_loop3A_207 = arith.constant 16 : i32
        %parallel_loop3A_208 = vector.broadcast %parallel_loop3A_207 : i32 to vector<16xi32>
        %parallel_loop3A_209 = arith.shli %parallel_loop3A_206, %parallel_loop3A_208 : vector<16xi32>
        %parallel_loop3A_210 = vector.bitcast %parallel_loop3A_209 : vector<16xi32> to vector<16xf32>
        %parallel_loop3A_211 = arith.andi %parallel_loop3A_206, %parallel_loop3A_192 : vector<16xi32>
        %parallel_loop3A_212 = vector.bitcast %parallel_loop3A_211 : vector<16xi32> to vector<16xf32>
        %parallel_loop3A_213 = arith.constant 8 : i32
        %parallel_loop3A_214 = arith.remsi %parallel_loop3A_151, %parallel_loop3A_213 : i32
        %parallel_loop3A_215 = arith.constant 16 : i32
        %parallel_loop3A_216 = arith.muli %parallel_loop3A_214, %parallel_loop3A_215 : i32
        %parallel_loop3A_217 = arith.constant 8 : i32
        %parallel_loop3A_218 = arith.divsi %parallel_loop3A_151, %parallel_loop3A_217 : i32
        %parallel_loop3A_219 = arith.constant 0 : i32
        %parallel_loop3A_220 = arith.cmpi sgt, %parallel_loop3A_151, %parallel_loop3A_219 : i32
        %parallel_loop3A_221 = arith.extui %parallel_loop3A_220 : i1 to i32
        %parallel_loop3A_222 = arith.constant 0 : i32
        %parallel_loop3A_223 = arith.cmpi slt, %parallel_loop3A_151, %parallel_loop3A_222 : i32
        %parallel_loop3A_224 = arith.extui %parallel_loop3A_223 : i1 to i32
        %parallel_loop3A_225 = arith.subi %parallel_loop3A_221, %parallel_loop3A_224 : i32
        %parallel_loop3A_226 = arith.constant 0 : i32
        %parallel_loop3A_227 = arith.cmpi sgt, %parallel_loop3A_217, %parallel_loop3A_226 : i32
        %parallel_loop3A_228 = arith.extui %parallel_loop3A_227 : i1 to i32
        %parallel_loop3A_229 = arith.constant 0 : i32
        %parallel_loop3A_230 = arith.cmpi slt, %parallel_loop3A_217, %parallel_loop3A_229 : i32
        %parallel_loop3A_231 = arith.extui %parallel_loop3A_230 : i1 to i32
        %parallel_loop3A_232 = arith.subi %parallel_loop3A_228, %parallel_loop3A_231 : i32
        %parallel_loop3A_233 = arith.cmpi ne, %parallel_loop3A_225, %parallel_loop3A_232 : i32
        %parallel_loop3A_234 = arith.remsi %parallel_loop3A_151, %parallel_loop3A_217 : i32
        %parallel_loop3A_235 = arith.constant 0 : i32
        %parallel_loop3A_236 = arith.cmpi ne, %parallel_loop3A_234, %parallel_loop3A_235 : i32
        %parallel_loop3A_237 = arith.andi %parallel_loop3A_233, %parallel_loop3A_236 : i1
        %parallel_loop3A_238 = arith.constant 1 : i32
        %parallel_loop3A_239 = arith.subi %parallel_loop3A_218, %parallel_loop3A_238 : i32
        %parallel_loop3A_240 = arith.select %parallel_loop3A_237, %parallel_loop3A_239, %parallel_loop3A_218 : i32
        %parallel_loop3A_241 = arith.constant 3 : i32
        %parallel_loop3A_242 = arith.constant 0 : i32
        %parallel_loop3A_243 = arith.index_cast %rem3A_95 : i32 to index
        %parallel_loop3A_244 = arith.index_cast %parallel_loop3A_241 : i32 to index
        %parallel_loop3A_245 = arith.index_cast %parallel_loop3A_240 : i32 to index
        %parallel_loop3A_246 = arith.index_cast %parallel_loop3A_242 : i32 to index
        %parallel_loop3A_247 = arith.index_cast %parallel_loop3A_216 : i32 to index
        %parallel_loop3A_248 = tpu.vector_load %arg7[%parallel_loop3A_243, %parallel_loop3A_244, %parallel_loop3A_245, %parallel_loop3A_246, %parallel_loop3A_247] {strides = array<i32>} : memref<2x4x8x8x128xf32, #tpu.memory_space<vmem>>, vector<16xf32>,
        tpu.vector_store %arg7[%parallel_loop3A_243, %parallel_loop3A_244, %parallel_loop3A_245, %parallel_loop3A_246, %parallel_loop3A_247], %parallel_loop3A_210 {strides = array<i32>} : memref<2x4x8x8x128xf32, #tpu.memory_space<vmem>>, vector<16xf32>,
        %parallel_loop3A_249 = arith.constant 8 : i32
        %parallel_loop3A_250 = arith.divsi %parallel_loop3A_151, %parallel_loop3A_249 : i32
        %parallel_loop3A_251 = arith.constant 0 : i32
        %parallel_loop3A_252 = arith.cmpi sgt, %parallel_loop3A_151, %parallel_loop3A_251 : i32
        %parallel_loop3A_253 = arith.extui %parallel_loop3A_252 : i1 to i32
        %parallel_loop3A_254 = arith.constant 0 : i32
        %parallel_loop3A_255 = arith.cmpi slt, %parallel_loop3A_151, %parallel_loop3A_254 : i32
        %parallel_loop3A_256 = arith.extui %parallel_loop3A_255 : i1 to i32
        %parallel_loop3A_257 = arith.subi %parallel_loop3A_253, %parallel_loop3A_256 : i32
        %parallel_loop3A_258 = arith.constant 0 : i32
        %parallel_loop3A_259 = arith.cmpi sgt, %parallel_loop3A_249, %parallel_loop3A_258 : i32
        %parallel_loop3A_260 = arith.extui %parallel_loop3A_259 : i1 to i32
        %parallel_loop3A_261 = arith.constant 0 : i32
        %parallel_loop3A_262 = arith.cmpi slt, %parallel_loop3A_249, %parallel_loop3A_261 : i32
        %parallel_loop3A_263 = arith.extui %parallel_loop3A_262 : i1 to i32
        %parallel_loop3A_264 = arith.subi %parallel_loop3A_260, %parallel_loop3A_263 : i32
        %parallel_loop3A_265 = arith.cmpi ne, %parallel_loop3A_257, %parallel_loop3A_264 : i32
        %parallel_loop3A_266 = arith.remsi %parallel_loop3A_151, %parallel_loop3A_249 : i32
        %parallel_loop3A_267 = arith.constant 0 : i32
        %parallel_loop3A_268 = arith.cmpi ne, %parallel_loop3A_266, %parallel_loop3A_267 : i32
        %parallel_loop3A_269 = arith.andi %parallel_loop3A_265, %parallel_loop3A_268 : i1
        %parallel_loop3A_270 = arith.constant 1 : i32
        %parallel_loop3A_271 = arith.subi %parallel_loop3A_250, %parallel_loop3A_270 : i32
        %parallel_loop3A_272 = arith.select %parallel_loop3A_269, %parallel_loop3A_271, %parallel_loop3A_250 : i32
        %parallel_loop3A_273 = arith.constant 3 : i32
        %parallel_loop3A_274 = arith.constant 4 : i32
        %parallel_loop3A_275 = arith.index_cast %rem3A_95 : i32 to index
        %parallel_loop3A_276 = arith.index_cast %parallel_loop3A_273 : i32 to index
        %parallel_loop3A_277 = arith.index_cast %parallel_loop3A_272 : i32 to index
        %parallel_loop3A_278 = arith.index_cast %parallel_loop3A_274 : i32 to index
        %parallel_loop3A_279 = arith.index_cast %parallel_loop3A_216 : i32 to index
        %parallel_loop3A_280 = tpu.vector_load %arg7[%parallel_loop3A_275, %parallel_loop3A_276, %parallel_loop3A_277, %parallel_loop3A_278, %parallel_loop3A_279] {strides = array<i32>} : memref<2x4x8x8x128xf32, #tpu.memory_space<vmem>>, vector<16xf32>,
        tpu.vector_store %arg7[%parallel_loop3A_275, %parallel_loop3A_276, %parallel_loop3A_277, %parallel_loop3A_278, %parallel_loop3A_279], %parallel_loop3A_212 {strides = array<i32>} : memref<2x4x8x8x128xf32, #tpu.memory_space<vmem>>, vector<16xf32>,
        %parallel_loop3A_281 = arith.constant 1 : i32
        %parallel_loop3A_282 = vector.broadcast %parallel_loop3A_281 : i32 to vector<16xi32>
        %parallel_loop3A_283 = tpu.vector_load_idx %arg5[%parallel_loop3A_160, %parallel_loop3A_282] : memref<2052x5xi32, #tpu.memory_space<vmem>>[vector<16xi32>, vector<16xi32>], vector<16xi32>,
        %parallel_loop3A_284 = tpu.vector_load_idx %arg5[%parallel_loop3A_170, %parallel_loop3A_282] : memref<2052x5xi32, #tpu.memory_space<vmem>>[vector<16xi32>, vector<16xi32>], vector<16xi32>,
        %parallel_loop3A_285 = tpu.vector_load_idx %arg5[%parallel_loop3A_180, %parallel_loop3A_282] : memref<2052x5xi32, #tpu.memory_space<vmem>>[vector<16xi32>, vector<16xi32>], vector<16xi32>,
        %parallel_loop3A_286 = tpu.vector_load_idx %arg5[%parallel_loop3A_190, %parallel_loop3A_282] : memref<2052x5xi32, #tpu.memory_space<vmem>>[vector<16xi32>, vector<16xi32>], vector<16xi32>,
        %parallel_loop3A_287 = vector.bitcast %parallel_loop3A_283 : vector<16xi32> to vector<32xbf16>
        %parallel_loop3A_288 = vector.bitcast %parallel_loop3A_284 : vector<16xi32> to vector<32xbf16>
        %parallel_loop3A_289 = arith.addf %parallel_loop3A_287, %parallel_loop3A_288 : vector<32xbf16>
        %parallel_loop3A_290 = vector.bitcast %parallel_loop3A_285 : vector<16xi32> to vector<32xbf16>
        %parallel_loop3A_291 = vector.bitcast %parallel_loop3A_286 : vector<16xi32> to vector<32xbf16>
        %parallel_loop3A_292 = arith.addf %parallel_loop3A_290, %parallel_loop3A_291 : vector<32xbf16>
        %parallel_loop3A_293 = arith.addf %parallel_loop3A_289, %parallel_loop3A_292 : vector<32xbf16>
        %parallel_loop3A_294 = vector.bitcast %parallel_loop3A_293 : vector<32xbf16> to vector<16xi32>
        %parallel_loop3A_295 = arith.constant 16 : i32
        %parallel_loop3A_296 = vector.broadcast %parallel_loop3A_295 : i32 to vector<16xi32>
        %parallel_loop3A_297 = arith.shli %parallel_loop3A_294, %parallel_loop3A_296 : vector<16xi32>
        %parallel_loop3A_298 = vector.bitcast %parallel_loop3A_297 : vector<16xi32> to vector<16xf32>
        %parallel_loop3A_299 = arith.andi %parallel_loop3A_294, %parallel_loop3A_192 : vector<16xi32>
        %parallel_loop3A_300 = vector.bitcast %parallel_loop3A_299 : vector<16xi32> to vector<16xf32>
        %parallel_loop3A_301 = arith.constant 8 : i32
        %parallel_loop3A_302 = arith.remsi %parallel_loop3A_151, %parallel_loop3A_301 : i32
        %parallel_loop3A_303 = arith.constant 16 : i32
        %parallel_loop3A_304 = arith.muli %parallel_loop3A_302, %parallel_loop3A_303 : i32
        %parallel_loop3A_305 = arith.constant 8 : i32
        %parallel_loop3A_306 = arith.divsi %parallel_loop3A_151, %parallel_loop3A_305 : i32
        %parallel_loop3A_307 = arith.constant 0 : i32
        %parallel_loop3A_308 = arith.cmpi sgt, %parallel_loop3A_151, %parallel_loop3A_307 : i32
        %parallel_loop3A_309 = arith.extui %parallel_loop3A_308 : i1 to i32
        %parallel_loop3A_310 = arith.constant 0 : i32
        %parallel_loop3A_311 = arith.cmpi slt, %parallel_loop3A_151, %parallel_loop3A_310 : i32
        %parallel_loop3A_312 = arith.extui %parallel_loop3A_311 : i1 to i32
        %parallel_loop3A_313 = arith.subi %parallel_loop3A_309, %parallel_loop3A_312 : i32
        %parallel_loop3A_314 = arith.constant 0 : i32
        %parallel_loop3A_315 = arith.cmpi sgt, %parallel_loop3A_305, %parallel_loop3A_314 : i32
        %parallel_loop3A_316 = arith.extui %parallel_loop3A_315 : i1 to i32
        %parallel_loop3A_317 = arith.constant 0 : i32
        %parallel_loop3A_318 = arith.cmpi slt, %parallel_loop3A_305, %parallel_loop3A_317 : i32
        %parallel_loop3A_319 = arith.extui %parallel_loop3A_318 : i1 to i32
        %parallel_loop3A_320 = arith.subi %parallel_loop3A_316, %parallel_loop3A_319 : i32
        %parallel_loop3A_321 = arith.cmpi ne, %parallel_loop3A_313, %parallel_loop3A_320 : i32
        %parallel_loop3A_322 = arith.remsi %parallel_loop3A_151, %parallel_loop3A_305 : i32
        %parallel_loop3A_323 = arith.constant 0 : i32
        %parallel_loop3A_324 = arith.cmpi ne, %parallel_loop3A_322, %parallel_loop3A_323 : i32
        %parallel_loop3A_325 = arith.andi %parallel_loop3A_321, %parallel_loop3A_324 : i1
        %parallel_loop3A_326 = arith.constant 1 : i32
        %parallel_loop3A_327 = arith.subi %parallel_loop3A_306, %parallel_loop3A_326 : i32
        %parallel_loop3A_328 = arith.select %parallel_loop3A_325, %parallel_loop3A_327, %parallel_loop3A_306 : i32
        %parallel_loop3A_329 = arith.constant 3 : i32
        %parallel_loop3A_330 = arith.constant 1 : i32
        %parallel_loop3A_331 = arith.index_cast %rem3A_95 : i32 to index
        %parallel_loop3A_332 = arith.index_cast %parallel_loop3A_329 : i32 to index
        %parallel_loop3A_333 = arith.index_cast %parallel_loop3A_328 : i32 to index
        %parallel_loop3A_334 = arith.index_cast %parallel_loop3A_330 : i32 to index
        %parallel_loop3A_335 = arith.index_cast %parallel_loop3A_304 : i32 to index
        %parallel_loop3A_336 = tpu.vector_load %arg7[%parallel_loop3A_331, %parallel_loop3A_332, %parallel_loop3A_333, %parallel_loop3A_334, %parallel_loop3A_335] {strides = array<i32>} : memref<2x4x8x8x128xf32, #tpu.memory_space<vmem>>, vector<16xf32>,
        tpu.vector_store %arg7[%parallel_loop3A_331, %parallel_loop3A_332, %parallel_loop3A_333, %parallel_loop3A_334, %parallel_loop3A_335], %parallel_loop3A_298 {strides = array<i32>} : memref<2x4x8x8x128xf32, #tpu.memory_space<vmem>>, vector<16xf32>,
        %parallel_loop3A_337 = arith.constant 8 : i32
        %parallel_loop3A_338 = arith.divsi %parallel_loop3A_151, %parallel_loop3A_337 : i32
        %parallel_loop3A_339 = arith.constant 0 : i32
        %parallel_loop3A_340 = arith.cmpi sgt, %parallel_loop3A_151, %parallel_loop3A_339 : i32
        %parallel_loop3A_341 = arith.extui %parallel_loop3A_340 : i1 to i32
        %parallel_loop3A_342 = arith.constant 0 : i32
        %parallel_loop3A_343 = arith.cmpi slt, %parallel_loop3A_151, %parallel_loop3A_342 : i32
        %parallel_loop3A_344 = arith.extui %parallel_loop3A_343 : i1 to i32
        %parallel_loop3A_345 = arith.subi %parallel_loop3A_341, %parallel_loop3A_344 : i32
        %parallel_loop3A_346 = arith.constant 0 : i32
        %parallel_loop3A_347 = arith.cmpi sgt, %parallel_loop3A_337, %parallel_loop3A_346 : i32
        %parallel_loop3A_348 = arith.extui %parallel_loop3A_347 : i1 to i32
        %parallel_loop3A_349 = arith.constant 0 : i32
        %parallel_loop3A_350 = arith.cmpi slt, %parallel_loop3A_337, %parallel_loop3A_349 : i32
        %parallel_loop3A_351 = arith.extui %parallel_loop3A_350 : i1 to i32
        %parallel_loop3A_352 = arith.subi %parallel_loop3A_348, %parallel_loop3A_351 : i32
        %parallel_loop3A_353 = arith.cmpi ne, %parallel_loop3A_345, %parallel_loop3A_352 : i32
        %parallel_loop3A_354 = arith.remsi %parallel_loop3A_151, %parallel_loop3A_337 : i32
        %parallel_loop3A_355 = arith.constant 0 : i32
        %parallel_loop3A_356 = arith.cmpi ne, %parallel_loop3A_354, %parallel_loop3A_355 : i32
        %parallel_loop3A_357 = arith.andi %parallel_loop3A_353, %parallel_loop3A_356 : i1
        %parallel_loop3A_358 = arith.constant 1 : i32
        %parallel_loop3A_359 = arith.subi %parallel_loop3A_338, %parallel_loop3A_358 : i32
        %parallel_loop3A_360 = arith.select %parallel_loop3A_357, %parallel_loop3A_359, %parallel_loop3A_338 : i32
        %parallel_loop3A_361 = arith.constant 3 : i32
        %parallel_loop3A_362 = arith.constant 5 : i32
        %parallel_loop3A_363 = arith.index_cast %rem3A_95 : i32 to index
        %parallel_loop3A_364 = arith.index_cast %parallel_loop3A_361 : i32 to index
        %parallel_loop3A_365 = arith.index_cast %parallel_loop3A_360 : i32 to index
        %parallel_loop3A_366 = arith.index_cast %parallel_loop3A_362 : i32 to index
        %parallel_loop3A_367 = arith.index_cast %parallel_loop3A_304 : i32 to index
        %parallel_loop3A_368 = tpu.vector_load %arg7[%parallel_loop3A_363, %parallel_loop3A_364, %parallel_loop3A_365, %parallel_loop3A_366, %parallel_loop3A_367] {strides = array<i32>} : memref<2x4x8x8x128xf32, #tpu.memory_space<vmem>>, vector<16xf32>,
        tpu.vector_store %arg7[%parallel_loop3A_363, %parallel_loop3A_364, %parallel_loop3A_365, %parallel_loop3A_366, %parallel_loop3A_367], %parallel_loop3A_300 {strides = array<i32>} : memref<2x4x8x8x128xf32, #tpu.memory_space<vmem>>, vector<16xf32>,
        %parallel_loop3A_369 = arith.constant 2 : i32
        %parallel_loop3A_370 = vector.broadcast %parallel_loop3A_369 : i32 to vector<16xi32>
        %parallel_loop3A_371 = tpu.vector_load_idx %arg5[%parallel_loop3A_160, %parallel_loop3A_370] : memref<2052x5xi32, #tpu.memory_space<vmem>>[vector<16xi32>, vector<16xi32>], vector<16xi32>,
        %parallel_loop3A_372 = tpu.vector_load_idx %arg5[%parallel_loop3A_170, %parallel_loop3A_370] : memref<2052x5xi32, #tpu.memory_space<vmem>>[vector<16xi32>, vector<16xi32>], vector<16xi32>,
        %parallel_loop3A_373 = tpu.vector_load_idx %arg5[%parallel_loop3A_180, %parallel_loop3A_370] : memref<2052x5xi32, #tpu.memory_space<vmem>>[vector<16xi32>, vector<16xi32>], vector<16xi32>,
        %parallel_loop3A_374 = tpu.vector_load_idx %arg5[%parallel_loop3A_190, %parallel_loop3A_370] : memref<2052x5xi32, #tpu.memory_space<vmem>>[vector<16xi32>, vector<16xi32>], vector<16xi32>,
        %parallel_loop3A_375 = vector.bitcast %parallel_loop3A_371 : vector<16xi32> to vector<32xbf16>
        %parallel_loop3A_376 = vector.bitcast %parallel_loop3A_372 : vector<16xi32> to vector<32xbf16>
        %parallel_loop3A_377 = arith.addf %parallel_loop3A_375, %parallel_loop3A_376 : vector<32xbf16>
        %parallel_loop3A_378 = vector.bitcast %parallel_loop3A_373 : vector<16xi32> to vector<32xbf16>
        %parallel_loop3A_379 = vector.bitcast %parallel_loop3A_374 : vector<16xi32> to vector<32xbf16>
        %parallel_loop3A_380 = arith.addf %parallel_loop3A_378, %parallel_loop3A_379 : vector<32xbf16>
        %parallel_loop3A_381 = arith.addf %parallel_loop3A_377, %parallel_loop3A_380 : vector<32xbf16>
        %parallel_loop3A_382 = vector.bitcast %parallel_loop3A_381 : vector<32xbf16> to vector<16xi32>
        %parallel_loop3A_383 = arith.constant 16 : i32
        %parallel_loop3A_384 = vector.broadcast %parallel_loop3A_383 : i32 to vector<16xi32>
        %parallel_loop3A_385 = arith.shli %parallel_loop3A_382, %parallel_loop3A_384 : vector<16xi32>
        %parallel_loop3A_386 = vector.bitcast %parallel_loop3A_385 : vector<16xi32> to vector<16xf32>
        %parallel_loop3A_387 = arith.andi %parallel_loop3A_382, %parallel_loop3A_192 : vector<16xi32>
        %parallel_loop3A_388 = vector.bitcast %parallel_loop3A_387 : vector<16xi32> to vector<16xf32>
        %parallel_loop3A_389 = arith.constant 8 : i32
        %parallel_loop3A_390 = arith.remsi %parallel_loop3A_151, %parallel_loop3A_389 : i32
        %parallel_loop3A_391 = arith.constant 16 : i32
        %parallel_loop3A_392 = arith.muli %parallel_loop3A_390, %parallel_loop3A_391 : i32
        %parallel_loop3A_393 = arith.constant 8 : i32
        %parallel_loop3A_394 = arith.divsi %parallel_loop3A_151, %parallel_loop3A_393 : i32
        %parallel_loop3A_395 = arith.constant 0 : i32
        %parallel_loop3A_396 = arith.cmpi sgt, %parallel_loop3A_151, %parallel_loop3A_395 : i32
        %parallel_loop3A_397 = arith.extui %parallel_loop3A_396 : i1 to i32
        %parallel_loop3A_398 = arith.constant 0 : i32
        %parallel_loop3A_399 = arith.cmpi slt, %parallel_loop3A_151, %parallel_loop3A_398 : i32
        %parallel_loop3A_400 = arith.extui %parallel_loop3A_399 : i1 to i32
        %parallel_loop3A_401 = arith.subi %parallel_loop3A_397, %parallel_loop3A_400 : i32
        %parallel_loop3A_402 = arith.constant 0 : i32
        %parallel_loop3A_403 = arith.cmpi sgt, %parallel_loop3A_393, %parallel_loop3A_402 : i32
        %parallel_loop3A_404 = arith.extui %parallel_loop3A_403 : i1 to i32
        %parallel_loop3A_405 = arith.constant 0 : i32
        %parallel_loop3A_406 = arith.cmpi slt, %parallel_loop3A_393, %parallel_loop3A_405 : i32
        %parallel_loop3A_407 = arith.extui %parallel_loop3A_406 : i1 to i32
        %parallel_loop3A_408 = arith.subi %parallel_loop3A_404, %parallel_loop3A_407 : i32
        %parallel_loop3A_409 = arith.cmpi ne, %parallel_loop3A_401, %parallel_loop3A_408 : i32
        %parallel_loop3A_410 = arith.remsi %parallel_loop3A_151, %parallel_loop3A_393 : i32
        %parallel_loop3A_411 = arith.constant 0 : i32
        %parallel_loop3A_412 = arith.cmpi ne, %parallel_loop3A_410, %parallel_loop3A_411 : i32
        %parallel_loop3A_413 = arith.andi %parallel_loop3A_409, %parallel_loop3A_412 : i1
        %parallel_loop3A_414 = arith.constant 1 : i32
        %parallel_loop3A_415 = arith.subi %parallel_loop3A_394, %parallel_loop3A_414 : i32
        %parallel_loop3A_416 = arith.select %parallel_loop3A_413, %parallel_loop3A_415, %parallel_loop3A_394 : i32
        %parallel_loop3A_417 = arith.constant 3 : i32
        %parallel_loop3A_418 = arith.constant 2 : i32
        %parallel_loop3A_419 = arith.index_cast %rem3A_95 : i32 to index
        %parallel_loop3A_420 = arith.index_cast %parallel_loop3A_417 : i32 to index
        %parallel_loop3A_421 = arith.index_cast %parallel_loop3A_416 : i32 to index
        %parallel_loop3A_422 = arith.index_cast %parallel_loop3A_418 : i32 to index
        %parallel_loop3A_423 = arith.index_cast %parallel_loop3A_392 : i32 to index
        %parallel_loop3A_424 = tpu.vector_load %arg7[%parallel_loop3A_419, %parallel_loop3A_420, %parallel_loop3A_421, %parallel_loop3A_422, %parallel_loop3A_423] {strides = array<i32>} : memref<2x4x8x8x128xf32, #tpu.memory_space<vmem>>, vector<16xf32>,
        tpu.vector_store %arg7[%parallel_loop3A_419, %parallel_loop3A_420, %parallel_loop3A_421, %parallel_loop3A_422, %parallel_loop3A_423], %parallel_loop3A_386 {strides = array<i32>} : memref<2x4x8x8x128xf32, #tpu.memory_space<vmem>>, vector<16xf32>,
        %parallel_loop3A_425 = arith.constant 8 : i32
        %parallel_loop3A_426 = arith.divsi %parallel_loop3A_151, %parallel_loop3A_425 : i32
        %parallel_loop3A_427 = arith.constant 0 : i32
        %parallel_loop3A_428 = arith.cmpi sgt, %parallel_loop3A_151, %parallel_loop3A_427 : i32
        %parallel_loop3A_429 = arith.extui %parallel_loop3A_428 : i1 to i32
        %parallel_loop3A_430 = arith.constant 0 : i32
        %parallel_loop3A_431 = arith.cmpi slt, %parallel_loop3A_151, %parallel_loop3A_430 : i32
        %parallel_loop3A_432 = arith.extui %parallel_loop3A_431 : i1 to i32
        %parallel_loop3A_433 = arith.subi %parallel_loop3A_429, %parallel_loop3A_432 : i32
        %parallel_loop3A_434 = arith.constant 0 : i32
        %parallel_loop3A_435 = arith.cmpi sgt, %parallel_loop3A_425, %parallel_loop3A_434 : i32
        %parallel_loop3A_436 = arith.extui %parallel_loop3A_435 : i1 to i32
        %parallel_loop3A_437 = arith.constant 0 : i32
        %parallel_loop3A_438 = arith.cmpi slt, %parallel_loop3A_425, %parallel_loop3A_437 : i32
        %parallel_loop3A_439 = arith.extui %parallel_loop3A_438 : i1 to i32
        %parallel_loop3A_440 = arith.subi %parallel_loop3A_436, %parallel_loop3A_439 : i32
        %parallel_loop3A_441 = arith.cmpi ne, %parallel_loop3A_433, %parallel_loop3A_440 : i32
        %parallel_loop3A_442 = arith.remsi %parallel_loop3A_151, %parallel_loop3A_425 : i32
        %parallel_loop3A_443 = arith.constant 0 : i32
        %parallel_loop3A_444 = arith.cmpi ne, %parallel_loop3A_442, %parallel_loop3A_443 : i32
        %parallel_loop3A_445 = arith.andi %parallel_loop3A_441, %parallel_loop3A_444 : i1
        %parallel_loop3A_446 = arith.constant 1 : i32
        %parallel_loop3A_447 = arith.subi %parallel_loop3A_426, %parallel_loop3A_446 : i32
        %parallel_loop3A_448 = arith.select %parallel_loop3A_445, %parallel_loop3A_447, %parallel_loop3A_426 : i32
        %parallel_loop3A_449 = arith.constant 3 : i32
        %parallel_loop3A_450 = arith.constant 6 : i32
        %parallel_loop3A_451 = arith.index_cast %rem3A_95 : i32 to index
        %parallel_loop3A_452 = arith.index_cast %parallel_loop3A_449 : i32 to index
        %parallel_loop3A_453 = arith.index_cast %parallel_loop3A_448 : i32 to index
        %parallel_loop3A_454 = arith.index_cast %parallel_loop3A_450 : i32 to index
        %parallel_loop3A_455 = arith.index_cast %parallel_loop3A_392 : i32 to index
        %parallel_loop3A_456 = tpu.vector_load %arg7[%parallel_loop3A_451, %parallel_loop3A_452, %parallel_loop3A_453, %parallel_loop3A_454, %parallel_loop3A_455] {strides = array<i32>} : memref<2x4x8x8x128xf32, #tpu.memory_space<vmem>>, vector<16xf32>,
        tpu.vector_store %arg7[%parallel_loop3A_451, %parallel_loop3A_452, %parallel_loop3A_453, %parallel_loop3A_454, %parallel_loop3A_455], %parallel_loop3A_388 {strides = array<i32>} : memref<2x4x8x8x128xf32, #tpu.memory_space<vmem>>, vector<16xf32>,
        %parallel_loop3A_457 = arith.constant 3 : i32
        %parallel_loop3A_458 = vector.broadcast %parallel_loop3A_457 : i32 to vector<16xi32>
        %parallel_loop3A_459 = tpu.vector_load_idx %arg5[%parallel_loop3A_160, %parallel_loop3A_458] : memref<2052x5xi32, #tpu.memory_space<vmem>>[vector<16xi32>, vector<16xi32>], vector<16xi32>,
        %parallel_loop3A_460 = tpu.vector_load_idx %arg5[%parallel_loop3A_170, %parallel_loop3A_458] : memref<2052x5xi32, #tpu.memory_space<vmem>>[vector<16xi32>, vector<16xi32>], vector<16xi32>,
        %parallel_loop3A_461 = tpu.vector_load_idx %arg5[%parallel_loop3A_180, %parallel_loop3A_458] : memref<2052x5xi32, #tpu.memory_space<vmem>>[vector<16xi32>, vector<16xi32>], vector<16xi32>,
        %parallel_loop3A_462 = tpu.vector_load_idx %arg5[%parallel_loop3A_190, %parallel_loop3A_458] : memref<2052x5xi32, #tpu.memory_space<vmem>>[vector<16xi32>, vector<16xi32>], vector<16xi32>,
        %parallel_loop3A_463 = vector.bitcast %parallel_loop3A_459 : vector<16xi32> to vector<32xbf16>
        %parallel_loop3A_464 = vector.bitcast %parallel_loop3A_460 : vector<16xi32> to vector<32xbf16>
        %parallel_loop3A_465 = arith.addf %parallel_loop3A_463, %parallel_loop3A_464 : vector<32xbf16>
        %parallel_loop3A_466 = vector.bitcast %parallel_loop3A_461 : vector<16xi32> to vector<32xbf16>
        %parallel_loop3A_467 = vector.bitcast %parallel_loop3A_462 : vector<16xi32> to vector<32xbf16>
        %parallel_loop3A_468 = arith.addf %parallel_loop3A_466, %parallel_loop3A_467 : vector<32xbf16>
        %parallel_loop3A_469 = arith.addf %parallel_loop3A_465, %parallel_loop3A_468 : vector<32xbf16>
        %parallel_loop3A_470 = vector.bitcast %parallel_loop3A_469 : vector<32xbf16> to vector<16xi32>
        %parallel_loop3A_471 = arith.constant 16 : i32
        %parallel_loop3A_472 = vector.broadcast %parallel_loop3A_471 : i32 to vector<16xi32>
        %parallel_loop3A_473 = arith.shli %parallel_loop3A_470, %parallel_loop3A_472 : vector<16xi32>
        %parallel_loop3A_474 = vector.bitcast %parallel_loop3A_473 : vector<16xi32> to vector<16xf32>
        %parallel_loop3A_475 = arith.andi %parallel_loop3A_470, %parallel_loop3A_192 : vector<16xi32>
        %parallel_loop3A_476 = vector.bitcast %parallel_loop3A_475 : vector<16xi32> to vector<16xf32>
        %parallel_loop3A_477 = arith.constant 8 : i32
        %parallel_loop3A_478 = arith.remsi %parallel_loop3A_151, %parallel_loop3A_477 : i32
        %parallel_loop3A_479 = arith.constant 16 : i32
        %parallel_loop3A_480 = arith.muli %parallel_loop3A_478, %parallel_loop3A_479 : i32
        %parallel_loop3A_481 = arith.constant 8 : i32
        %parallel_loop3A_482 = arith.divsi %parallel_loop3A_151, %parallel_loop3A_481 : i32
        %parallel_loop3A_483 = arith.constant 0 : i32
        %parallel_loop3A_484 = arith.cmpi sgt, %parallel_loop3A_151, %parallel_loop3A_483 : i32
        %parallel_loop3A_485 = arith.extui %parallel_loop3A_484 : i1 to i32
        %parallel_loop3A_486 = arith.constant 0 : i32
        %parallel_loop3A_487 = arith.cmpi slt, %parallel_loop3A_151, %parallel_loop3A_486 : i32
        %parallel_loop3A_488 = arith.extui %parallel_loop3A_487 : i1 to i32
        %parallel_loop3A_489 = arith.subi %parallel_loop3A_485, %parallel_loop3A_488 : i32
        %parallel_loop3A_490 = arith.constant 0 : i32
        %parallel_loop3A_491 = arith.cmpi sgt, %parallel_loop3A_481, %parallel_loop3A_490 : i32
        %parallel_loop3A_492 = arith.extui %parallel_loop3A_491 : i1 to i32
        %parallel_loop3A_493 = arith.constant 0 : i32
        %parallel_loop3A_494 = arith.cmpi slt, %parallel_loop3A_481, %parallel_loop3A_493 : i32
        %parallel_loop3A_495 = arith.extui %parallel_loop3A_494 : i1 to i32
        %parallel_loop3A_496 = arith.subi %parallel_loop3A_492, %parallel_loop3A_495 : i32
        %parallel_loop3A_497 = arith.cmpi ne, %parallel_loop3A_489, %parallel_loop3A_496 : i32
        %parallel_loop3A_498 = arith.remsi %parallel_loop3A_151, %parallel_loop3A_481 : i32
        %parallel_loop3A_499 = arith.constant 0 : i32
        %parallel_loop3A_500 = arith.cmpi ne, %parallel_loop3A_498, %parallel_loop3A_499 : i32
        %parallel_loop3A_501 = arith.andi %parallel_loop3A_497, %parallel_loop3A_500 : i1
        %parallel_loop3A_502 = arith.constant 1 : i32
        %parallel_loop3A_503 = arith.subi %parallel_loop3A_482, %parallel_loop3A_502 : i32
        %parallel_loop3A_504 = arith.select %parallel_loop3A_501, %parallel_loop3A_503, %parallel_loop3A_482 : i32
        %parallel_loop3A_505 = arith.constant 3 : i32
        %parallel_loop3A_506 = arith.constant 3 : i32
        %parallel_loop3A_507 = arith.index_cast %rem3A_95 : i32 to index
        %parallel_loop3A_508 = arith.index_cast %parallel_loop3A_505 : i32 to index
        %parallel_loop3A_509 = arith.index_cast %parallel_loop3A_504 : i32 to index
        %parallel_loop3A_510 = arith.index_cast %parallel_loop3A_506 : i32 to index
        %parallel_loop3A_511 = arith.index_cast %parallel_loop3A_480 : i32 to index
        %parallel_loop3A_512 = tpu.vector_load %arg7[%parallel_loop3A_507, %parallel_loop3A_508, %parallel_loop3A_509, %parallel_loop3A_510, %parallel_loop3A_511] {strides = array<i32>} : memref<2x4x8x8x128xf32, #tpu.memory_space<vmem>>, vector<16xf32>,
        tpu.vector_store %arg7[%parallel_loop3A_507, %parallel_loop3A_508, %parallel_loop3A_509, %parallel_loop3A_510, %parallel_loop3A_511], %parallel_loop3A_474 {strides = array<i32>} : memref<2x4x8x8x128xf32, #tpu.memory_space<vmem>>, vector<16xf32>,
        %parallel_loop3A_513 = arith.constant 8 : i32
        %parallel_loop3A_514 = arith.divsi %parallel_loop3A_151, %parallel_loop3A_513 : i32
        %parallel_loop3A_515 = arith.constant 0 : i32
        %parallel_loop3A_516 = arith.cmpi sgt, %parallel_loop3A_151, %parallel_loop3A_515 : i32
        %parallel_loop3A_517 = arith.extui %parallel_loop3A_516 : i1 to i32
        %parallel_loop3A_518 = arith.constant 0 : i32
        %parallel_loop3A_519 = arith.cmpi slt, %parallel_loop3A_151, %parallel_loop3A_518 : i32
        %parallel_loop3A_520 = arith.extui %parallel_loop3A_519 : i1 to i32
        %parallel_loop3A_521 = arith.subi %parallel_loop3A_517, %parallel_loop3A_520 : i32
        %parallel_loop3A_522 = arith.constant 0 : i32
        %parallel_loop3A_523 = arith.cmpi sgt, %parallel_loop3A_513, %parallel_loop3A_522 : i32
        %parallel_loop3A_524 = arith.extui %parallel_loop3A_523 : i1 to i32
        %parallel_loop3A_525 = arith.constant 0 : i32
        %parallel_loop3A_526 = arith.cmpi slt, %parallel_loop3A_513, %parallel_loop3A_525 : i32
        %parallel_loop3A_527 = arith.extui %parallel_loop3A_526 : i1 to i32
        %parallel_loop3A_528 = arith.subi %parallel_loop3A_524, %parallel_loop3A_527 : i32
        %parallel_loop3A_529 = arith.cmpi ne, %parallel_loop3A_521, %parallel_loop3A_528 : i32
        %parallel_loop3A_530 = arith.remsi %parallel_loop3A_151, %parallel_loop3A_513 : i32
        %parallel_loop3A_531 = arith.constant 0 : i32
        %parallel_loop3A_532 = arith.cmpi ne, %parallel_loop3A_530, %parallel_loop3A_531 : i32
        %parallel_loop3A_533 = arith.andi %parallel_loop3A_529, %parallel_loop3A_532 : i1
        %parallel_loop3A_534 = arith.constant 1 : i32
        %parallel_loop3A_535 = arith.subi %parallel_loop3A_514, %parallel_loop3A_534 : i32
        %parallel_loop3A_536 = arith.select %parallel_loop3A_533, %parallel_loop3A_535, %parallel_loop3A_514 : i32
        %parallel_loop3A_537 = arith.constant 3 : i32
        %parallel_loop3A_538 = arith.constant 7 : i32
        %parallel_loop3A_539 = arith.index_cast %rem3A_95 : i32 to index
        %parallel_loop3A_540 = arith.index_cast %parallel_loop3A_537 : i32 to index
        %parallel_loop3A_541 = arith.index_cast %parallel_loop3A_536 : i32 to index
        %parallel_loop3A_542 = arith.index_cast %parallel_loop3A_538 : i32 to index
        %parallel_loop3A_543 = arith.index_cast %parallel_loop3A_480 : i32 to index
        %parallel_loop3A_544 = tpu.vector_load %arg7[%parallel_loop3A_539, %parallel_loop3A_540, %parallel_loop3A_541, %parallel_loop3A_542, %parallel_loop3A_543] {strides = array<i32>} : memref<2x4x8x8x128xf32, #tpu.memory_space<vmem>>, vector<16xf32>,
        tpu.vector_store %arg7[%parallel_loop3A_539, %parallel_loop3A_540, %parallel_loop3A_541, %parallel_loop3A_542, %parallel_loop3A_543], %parallel_loop3A_476 {strides = array<i32>} : memref<2x4x8x8x128xf32, #tpu.memory_space<vmem>>, vector<16xf32>,
      } {sc.loop_unroll_factor = 4 : i64, sc.parallel_access}
      %mul3A_129 = arith.constant 4 : i32
      %mul3A_130 = arith.muli %scan3A_93, %mul3A_129 : i32
      %dma_start3A_131 = arith.constant 0 : i32
      %dma_start3A_132 = arith.constant 0 : i32
      %dma_start3A_133 = arith.constant 0 : i32
      %dma_start3A_134 = arith.constant 0 : i32
      %dma_start3A_135 = tpu.memref_slice %arg7[%rem3A_95, %dma_start3A_131, %dma_start3A_132, %dma_start3A_133, %dma_start3A_134] : memref<2x4x8x8x128xf32, #tpu.memory_space<vmem>> -> memref<1x4x8x8x128xf32, #tpu.memory_space<vmem>>
      %dma_start3A_136 = tpu.memref_squeeze %dma_start3A_135 : memref<1x4x8x8x128xf32, #tpu.memory_space<vmem>> -> memref<4x8x8x128xf32, #tpu.memory_space<vmem>>
      %dma_start3A_137 = arith.constant 0 : i32
      %dma_start3A_138 = arith.constant 0 : i32
      %dma_start3A_139 = tpu.memref_slice %arg4[%mul3A_130, %rem3A_1, %mul3A_22, %dma_start3A_137, %dma_start3A_138] : memref<200x8x32x8x128xf32, #tpu.memory_space<hbm>> -> memref<4x1x8x8x128xf32, #tpu.memory_space<hbm>>
      %dma_start3A_140 = tpu.memref_squeeze %dma_start3A_139 : memref<4x1x8x8x128xf32, #tpu.memory_space<hbm>> -> memref<4x8x8x128xf32, #tpu.memory_space<hbm>>
      %dma_start3A_141 = arith.constant 0 : i32
      %dma_start3A_142 = arith.constant 0 : i32
      %dma_start3A_143 = tpu.memref_slice %arg4[%mul3A_130, %rem3A_1, %mul3A_22, %dma_start3A_141, %dma_start3A_142] : memref<200x8x32x8x128xf32, #tpu.memory_space<hbm>> -> memref<4x1x8x8x128xf32, #tpu.memory_space<hbm>>
      %dma_start3A_144 = tpu.memref_squeeze %dma_start3A_143 : memref<4x1x8x8x128xf32, #tpu.memory_space<hbm>> -> memref<4x8x8x128xf32, #tpu.memory_space<hbm>>
      %dma_start3A_145 = arith.constant 0 : i32
      %dma_start3A_146 = arith.constant 0 : i32
      %dma_start3A_147 = arith.constant 0 : i32
      %dma_start3A_148 = arith.constant 0 : i32
      %dma_start3A_149 = tpu.memref_slice %arg7[%rem3A_95, %dma_start3A_145, %dma_start3A_146, %dma_start3A_147, %dma_start3A_148] : memref<2x4x8x8x128xf32, #tpu.memory_space<vmem>> -> memref<1x4x8x8x128xf32, #tpu.memory_space<vmem>>
      %dma_start3A_150 = tpu.memref_squeeze %dma_start3A_149 : memref<1x4x8x8x128xf32, #tpu.memory_space<vmem>> -> memref<4x8x8x128xf32, #tpu.memory_space<vmem>>
      tpu.enqueue_dma source(%dma_start3A_150 : memref<4x8x8x128xf32, #tpu.memory_space<vmem>>) target(%dma_start3A_144 : memref<4x8x8x128xf32, #tpu.memory_space<hbm>>) target_semaphore(%arg9 : memref<!tpu.dma_semaphore, #tpu.memory_space<semaphore_mem>>)
    }
    %scan3A_43 = arith.constant 50 : i32
    %rem3A_44 = arith.constant 48 : i32
    %rem3A_45 = arith.constant 2 : i32
    %rem3A_46 = arith.remsi %rem3A_44, %rem3A_45 : i32
    %dma_wait3A = arith.constant 0 : i32
    %dma_wait3A_47 = arith.constant 0 : i32
    %dma_wait3A_48 = arith.constant 0 : i32
    %dma_wait3A_49 = arith.constant 0 : i32
    %dma_wait3A_50 = tpu.memref_slice %arg7[%rem3A_46, %dma_wait3A, %dma_wait3A_47, %dma_wait3A_48, %dma_wait3A_49] : memref<2x4x8x8x128xf32, #tpu.memory_space<vmem>> -> memref<1x4x8x8x128xf32, #tpu.memory_space<vmem>>
    %dma_wait3A_51 = tpu.memref_squeeze %dma_wait3A_50 : memref<1x4x8x8x128xf32, #tpu.memory_space<vmem>> -> memref<4x8x8x128xf32, #tpu.memory_space<vmem>>
    %dma_wait3A_52 = arith.constant 192 : i32
    %dma_wait3A_53 = arith.constant 0 : i32
    %dma_wait3A_54 = arith.constant 0 : i32
    %dma_wait3A_55 = tpu.memref_slice %arg4[%dma_wait3A_52, %rem3A_1, %mul3A_22, %dma_wait3A_53, %dma_wait3A_54] : memref<200x8x32x8x128xf32, #tpu.memory_space<hbm>> -> memref<4x1x8x8x128xf32, #tpu.memory_space<hbm>>
    %dma_wait3A_56 = tpu.memref_squeeze %dma_wait3A_55 : memref<4x1x8x8x128xf32, #tpu.memory_space<hbm>> -> memref<4x8x8x128xf32, #tpu.memory_space<hbm>>
    %dma_wait3A_57 = arith.constant 192 : i32
    %dma_wait3A_58 = arith.constant 0 : i32
    %dma_wait3A_59 = arith.constant 0 : i32
    %dma_wait3A_60 = tpu.memref_slice %arg4[%dma_wait3A_57, %rem3A_1, %mul3A_22, %dma_wait3A_58, %dma_wait3A_59] : memref<200x8x32x8x128xf32, #tpu.memory_space<hbm>> -> memref<4x1x8x8x128xf32, #tpu.memory_space<hbm>>
    %dma_wait3A_61 = tpu.memref_squeeze %dma_wait3A_60 : memref<4x1x8x8x128xf32, #tpu.memory_space<hbm>> -> memref<4x8x8x128xf32, #tpu.memory_space<hbm>>
    %dma_wait3A_62 = arith.constant 0 : i32
    %dma_wait3A_63 = arith.constant 0 : i32
    %dma_wait3A_64 = arith.constant 0 : i32
    %dma_wait3A_65 = arith.constant 0 : i32
    %dma_wait3A_66 = tpu.memref_slice %arg7[%rem3A_46, %dma_wait3A_62, %dma_wait3A_63, %dma_wait3A_64, %dma_wait3A_65] : memref<2x4x8x8x128xf32, #tpu.memory_space<vmem>> -> memref<1x4x8x8x128xf32, #tpu.memory_space<vmem>>
    %dma_wait3A_67 = tpu.memref_squeeze %dma_wait3A_66 : memref<1x4x8x8x128xf32, #tpu.memory_space<vmem>> -> memref<4x8x8x128xf32, #tpu.memory_space<vmem>>
    tpu.wait_dma2 semaphore(%arg9 : memref<!tpu.dma_semaphore, #tpu.memory_space<semaphore_mem>>) src(%dma_wait3A_67 : memref<4x8x8x128xf32, #tpu.memory_space<vmem>>) dst(%dma_wait3A_61 : memref<4x8x8x128xf32, #tpu.memory_space<hbm>>)
    %rem3A_68 = arith.constant 49 : i32
    %rem3A_69 = arith.constant 2 : i32
    %rem3A_70 = arith.remsi %rem3A_68, %rem3A_69 : i32
    %dma_wait3A_71 = arith.constant 0 : i32
    %dma_wait3A_72 = arith.constant 0 : i32
    %dma_wait3A_73 = arith.constant 0 : i32
    %dma_wait3A_74 = arith.constant 0 : i32
    %dma_wait3A_75 = tpu.memref_slice %arg7[%rem3A_70, %dma_wait3A_71, %dma_wait3A_72, %dma_wait3A_73, %dma_wait3A_74] : memref<2x4x8x8x128xf32, #tpu.memory_space<vmem>> -> memref<1x4x8x8x128xf32, #tpu.memory_space<vmem>>
    %dma_wait3A_76 = tpu.memref_squeeze %dma_wait3A_75 : memref<1x4x8x8x128xf32, #tpu.memory_space<vmem>> -> memref<4x8x8x128xf32, #tpu.memory_space<vmem>>
    %dma_wait3A_77 = arith.constant 196 : i32
    %dma_wait3A_78 = arith.constant 0 : i32
    %dma_wait3A_79 = arith.constant 0 : i32
    %dma_wait3A_80 = tpu.memref_slice %arg4[%dma_wait3A_77, %rem3A_1, %mul3A_22, %dma_wait3A_78, %dma_wait3A_79] : memref<200x8x32x8x128xf32, #tpu.memory_space<hbm>> -> memref<4x1x8x8x128xf32, #tpu.memory_space<hbm>>
    %dma_wait3A_81 = tpu.memref_squeeze %dma_wait3A_80 : memref<4x1x8x8x128xf32, #tpu.memory_space<hbm>> -> memref<4x8x8x128xf32, #tpu.memory_space<hbm>>
    %dma_wait3A_82 = arith.constant 196 : i32
    %dma_wait3A_83 = arith.constant 0 : i32
    %dma_wait3A_84 = arith.constant 0 : i32
    %dma_wait3A_85 = tpu.memref_slice %arg4[%dma_wait3A_82, %rem3A_1, %mul3A_22, %dma_wait3A_83, %dma_wait3A_84] : memref<200x8x32x8x128xf32, #tpu.memory_space<hbm>> -> memref<4x1x8x8x128xf32, #tpu.memory_space<hbm>>
    %dma_wait3A_86 = tpu.memref_squeeze %dma_wait3A_85 : memref<4x1x8x8x128xf32, #tpu.memory_space<hbm>> -> memref<4x8x8x128xf32, #tpu.memory_space<hbm>>
    %dma_wait3A_87 = arith.constant 0 : i32
    %dma_wait3A_88 = arith.constant 0 : i32
    %dma_wait3A_89 = arith.constant 0 : i32
    %dma_wait3A_90 = arith.constant 0 : i32
    %dma_wait3A_91 = tpu.memref_slice %arg7[%rem3A_70, %dma_wait3A_87, %dma_wait3A_88, %dma_wait3A_89, %dma_wait3A_90] : memref<2x4x8x8x128xf32, #tpu.memory_space<vmem>> -> memref<1x4x8x8x128xf32, #tpu.memory_space<vmem>>
    %dma_wait3A_92 = tpu.memref_squeeze %dma_wait3A_91 : memref<1x4x8x8x128xf32, #tpu.memory_space<vmem>> -> memref<4x8x8x128xf32, #tpu.memory_space<vmem>>
    tpu.wait_dma2 semaphore(%arg9 : memref<!tpu.dma_semaphore, #tpu.memory_space<semaphore_mem>>) src(%dma_wait3A_92 : memref<4x8x8x128xf32, #tpu.memory_space<vmem>>) dst(%dma_wait3A_86 : memref<4x8x8x128xf32, #tpu.memory_space<hbm>>)
    return
  }
}

module attributes {stable_mosaic.version = 14 : i64} {
  func.func @_t2_body(%arg0: memref<2052x1xf32, #tpu.memory_space<vmem>>, %arg1: memref<257x64xf32, #tpu.memory_space<vmem>>, %arg2: memref<8x2052x5xi32, #tpu.memory_space<vmem>>) attributes {dimension_semantics = [], scalar_prefetch = 0 : i64, scratch_operands = 0 : i64, tpu.core_type = #tpu.core_type<tc>} {
    %iota3A = tpu.iota {dimensions = array<i32: 0>} : vector<2052x257xi32>
    %iota3A_0 = tpu.iota {dimensions = array<i32: 1>} : vector<2052x257xi32>
    %rem3A = arith.constant 513 : i32
    %rem3A_1 = vector.broadcast %rem3A : i32 to vector<2052x257xi32>
    %rem3A_2 = arith.remsi %iota3A, %rem3A_1 : vector<2052x257xi32>
    %jit3A = arith.constant 2 : i32
    %div3A = vector.broadcast %jit3A : i32 to vector<2052x257xi32>
    %div3A_3 = arith.divsi %rem3A_2, %div3A : vector<2052x257xi32>
    %sign3A = arith.constant 0 : i32
    %sign3A_4 = vector.broadcast %sign3A : i32 to vector<2052x257xi32>
    %sign3A_5 = arith.cmpi sgt, %rem3A_2, %sign3A_4 : vector<2052x257xi32>
    %sign3A_6 = arith.extui %sign3A_5 : vector<2052x257xi1> to vector<2052x257xi32>
    %sign3A_7 = arith.constant 0 : i32
    %sign3A_8 = vector.broadcast %sign3A_7 : i32 to vector<2052x257xi32>
    %sign3A_9 = arith.cmpi slt, %rem3A_2, %sign3A_8 : vector<2052x257xi32>
    %sign3A_10 = arith.extui %sign3A_9 : vector<2052x257xi1> to vector<2052x257xi32>
    %sign3A_11 = arith.subi %sign3A_6, %sign3A_10 : vector<2052x257xi32>
    %sign3A_12 = arith.constant 0 : i32
    %sign3A_13 = arith.cmpi sgt, %jit3A, %sign3A_12 : i32
    %sign3A_14 = arith.extui %sign3A_13 : i1 to i32
    %sign3A_15 = arith.constant 0 : i32
    %sign3A_16 = arith.cmpi slt, %jit3A, %sign3A_15 : i32
    %sign3A_17 = arith.extui %sign3A_16 : i1 to i32
    %sign3A_18 = arith.subi %sign3A_14, %sign3A_17 : i32
    %ne3A = vector.broadcast %sign3A_18 : i32 to vector<2052x257xi32>
    %ne3A_19 = arith.cmpi ne, %sign3A_11, %ne3A : vector<2052x257xi32>
    %rem3A_20 = vector.broadcast %jit3A : i32 to vector<2052x257xi32>
    %rem3A_21 = arith.remsi %rem3A_2, %rem3A_20 : vector<2052x257xi32>
    %ne3A_22 = arith.constant 0 : i32
    %ne3A_23 = vector.broadcast %ne3A_22 : i32 to vector<2052x257xi32>
    %ne3A_24 = arith.cmpi ne, %rem3A_21, %ne3A_23 : vector<2052x257xi32>
    %and3A = arith.andi %ne3A_19, %ne3A_24 : vector<2052x257xi1>
    %sub3A = arith.constant 1 : i32
    %sub3A_25 = vector.broadcast %sub3A : i32 to vector<2052x257xi32>
    %sub3A_26 = arith.subi %div3A_3, %sub3A_25 : vector<2052x257xi32>
    %select_n3A = arith.select %and3A, %sub3A_26, %div3A_3 : vector<2052x257xi1>, vector<2052x257xi32>
    %eq3A = arith.cmpi eq, %iota3A_0, %select_n3A : vector<2052x257xi32>
    %jit3A_27 = arith.constant 1.000000e+00 : f32
    %jit3A_28 = arith.constant 0.000000e+00 : f32
    %broadcast_in_dim3A = vector.broadcast %jit3A_27 : f32 to vector<2052x257xf32>
    %broadcast_in_dim3A_29 = vector.broadcast %jit3A_28 : f32 to vector<2052x257xf32>
    %select_n3A_30 = arith.select %eq3A, %broadcast_in_dim3A, %broadcast_in_dim3A_29 : vector<2052x257xi1>, vector<2052x257xf32>
    %get3A = arith.constant 0 : index
    %get3A_31 = arith.constant 0 : index
    %get3A_32 = vector.load %arg1[%get3A, %get3A_31] : memref<257x64xf32, #tpu.memory_space<vmem>>, vector<257x64xf32>
    %dot_general3A = arith.constant dense<0.000000e+00> : vector<2052x64xf32>
    %dot_general3A_33 = tpu.matmul %select_n3A_30, %get3A_32, %dot_general3A {dimension_numbers = #tpu.dot_dimension_numbers<[1], [0], [0], [1], [0, 0, 1, 1], [], []>, transpose_lhs_hint = false} : vector<2052x257xf32>, vector<257x64xf32>, vector<2052x64xf32> -> vector<2052x64xf32>
    %get3A_34 = arith.constant 0 : index
    %get3A_35 = arith.constant 0 : index
    %get3A_36 = vector.load %arg0[%get3A_34, %get3A_35] : memref<2052x1xf32, #tpu.memory_space<vmem>>, vector<2052x1xf32>
    %mul3A = vector.broadcast %get3A_36 : vector<2052x1xf32> to vector<2052x64xf32>
    %mul3A_37 = arith.mulf %dot_general3A_33, %mul3A : vector<2052x64xf32>
    %reshape3A = vector.shape_cast %mul3A_37 : vector<2052x64xf32> to vector<2052x8x8xf32>
    %transpose3A = tpu.transpose %reshape3A, [1, 0, 2] : vector<2052x8x8xf32> -> vector<8x2052x8xf32>
    %convert_element_type3A = arith.truncf %transpose3A : vector<8x2052x8xf32> to vector<8x2052x8xbf16>
    %bitcast_convert_type3A = tpu.bitcast %convert_element_type3A : vector<8x2052x8xbf16> -> vector<8x2052x8xi16>
    %convert_element_type3A_38 = arith.extui %bitcast_convert_type3A : vector<8x2052x8xi16> to vector<8x2052x8xi32>
    %slice3A = vector.extract_strided_slice %convert_element_type3A_38 {offsets = [0, 0, 4], sizes = [8, 2052, 4], strides = [1, 1, 1]} : vector<8x2052x8xi32> to vector<8x2052x4xi32>
    %shift_left3A = arith.constant 16 : i32
    %shift_left3A_39 = vector.broadcast %shift_left3A : i32 to vector<8x2052x4xi32>
    %shift_left3A_40 = arith.shli %slice3A, %shift_left3A_39 : vector<8x2052x4xi32>
    %slice3A_41 = vector.extract_strided_slice %convert_element_type3A_38 {offsets = [0, 0, 0], sizes = [8, 2052, 4], strides = [1, 1, 1]} : vector<8x2052x8xi32> to vector<8x2052x4xi32>
    %or3A = arith.ori %shift_left3A_40, %slice3A_41 : vector<8x2052x4xi32>
    %jit3A_42 = arith.constant 0 : i32
    %pad3A = vector.broadcast %jit3A_42 : i32 to vector<8x2052x1xi32>
    %pad3A_43 = tpu.concatenate %or3A, %pad3A in 2 : vector<8x2052x4xi32>, vector<8x2052x1xi32> -> vector<8x2052x5xi32>
    %bitcast_convert_type3A_44 = tpu.bitcast %pad3A_43 : vector<8x2052x5xi32> -> vector<8x2052x5xi32>
    %swap3A = arith.constant 0 : index
    %swap3A_45 = arith.constant 0 : index
    %swap3A_46 = arith.constant 0 : index
    %swap3A_47 = vector.load %arg2[%swap3A, %swap3A_45, %swap3A_46] : memref<8x2052x5xi32, #tpu.memory_space<vmem>>, vector<8x2052x5xi32>
    tpu.vector_store %arg2[%swap3A, %swap3A_45, %swap3A_46], %bitcast_convert_type3A_44 {strides = array<i32>} : memref<8x2052x5xi32, #tpu.memory_space<vmem>>, vector<8x2052x5xi32>,
    return
  }
}

</mosaic_0001>

<sc_bundles>
// kernel: kernel.4.cloned.1.call-start
scs
__scs_entry_jumppad:
0x0: {  	(pc) =	sbr.rel $0x88, $3  }
0x1: {  	(tag) =	ssettag $0x0;
	lr =	simm.s32 $0x1  }
0x2: {  	[smem:$0x3F9E] =	sst lr;
	_ =	strace $0xD0000000  }
0x3: {  	_ = 	snop  }
0x4: {  	_ = 	snop  }
0x5: {  	_ = 	snop  }
0x6: {  	_ = 	snop  }
0x7: {  	_ = 	snop  }
__scs_overlays_trampoline_lowered:
0x8: {  	[smem:$0x3FAD] =	sst s0  }
0x9: {  	[smem:$0x3FAE] =	sst s1  }
0xa: {  	[smem:$0x3FAF] =	sst s2  }
0xb: {  	[smem:$0x3FB0] =	sst s3  }
0xc: {  	[smem:$0x3FB1] =	sst s4  }
0xd: {  	[smem:$0x3FB2] =	sst s5  }
0xe: {  	[smem:$0x3FB3] =	sst s6  }
0xf: {  	[smem:$0x3FB4] =	sst s7  }
0x10: {  	[smem:$0x3FB5] =	sst s8  }
0x11: {  	[smem:$0x3FB6] =	sst s9;
	s0 =	simm.s32 @!p0 $0x0  }
0x12: {  	s1 =	sld [smem:$0x3F9C];
	s0 =	simm.s32 @p0 $0x1  }
0x13: {  	[smem:$0x3FB7] =	sst s0;
	s0 =	simm.s32 @!p1 $0x0  }
0x14: {  	s2 =	sld [smem:$0x3F9B];
	s0 =	simm.s32 @p1 $0x1  }
0x15: {  	[smem:$0x3FB8] =	sst s0;
	s0 =	simm.s32 @!p2 $0x0  }
0x16: {  	s3 =	sld [smem:$0x3FDB];
	s0 =	simm.s32 @p2 $0x1  }
0x17: {  	s4 =	simm.s32 $0x1BF5;
	[smem:$0x3FBA] =	sst s0  }
0x18: {  	s0 =	sld [smem:$0x3F9D];
	_ =	swait.ge [sflag:s4], $0x0  }
0x19: {  	s7 =	sld [smem:$0x3F9E]  }
0x1a: {  	s8 =	sadd.s32 $0xFFFFE003, lr  }
0x1b: {  	s9 =	sadd.s32 $0xFFFFFEF7, lr;
	s5 =	simm.s32 $0xFFFFFFFF;
	p2 =	slt.u32 s8, $0xFFFFF086  }
0x1c: {  	p1 =	slt.u32 s9, $0xF7A;
	s5 =	simm.s32 @!p2 $0x0  }
0x1d: {  	s5 =	simm.s32 @p1 $0x1;
	p0 =	seq.s32 s7, s2  }
0x1e: {  	s7 =	smul.u32 @!p0 $0xF7A, s2;
	p2 =	seq.s32 @!p0 s5, $0x0  }
0x1f: {  	s9 =	smul.u32 $0xF7A, s1;
	s8 =	simm.s32 @!p0 $0x1BF5;
	p2 =	por !p2, p0  }
0x20: {  	[sflag:s8] =	ssyncset.s32 @!p0 $0xFFFFF086;
	s6 =	sadd.s32 @!p0 s3, s7;
	s7 =	simm.s32 @!p0 $0x108  }
0x21: {  	s3 =	sadd.s32 s3, s9;
	s6 =	sadd.s32 @!p0 $0x88, s6;
	s7 =	simm.s32 @p2 $0x1082  }
0x22: {  	[simem:s7], [sflag:s8] =	dma.local @!p0 [hbm:s6], $0xF7A  }
0x23: {  	s9 =	sor.u32 $0xD0000000, s2;
	s6 =	simm.s32 $0x108;
	_ =	swait.ge @!p0 [sflag:s8], $0x0  }
0x24: {  	s3 =	sadd.s32 $0x88, s3;
	s6 =	simm.s32 @!p1 $0x1082;
	[sflag:s4] =	ssyncset.s32 $0xFFFFF086  }
0x25: {  	[simem:s6], [sflag:s4] =	dma.local [hbm:s3], $0xF7A  }
0x26: {  	[smem:$0x3F9E] =	sst s1;
	(tag) =	ssettag s2;
	_ =	strace s9  }
0x27: {  	s1 =	sld [smem:$0x3FAE]  }
0x28: {  	s2 =	sld [smem:$0x3FAF]  }
0x29: {  	s4 =	sld [smem:$0x3FB1]  }
0x2a: {  	p0 =	seq.s32 s5, $0x0;
	s5 =	sld [smem:$0x3FB2]  }
0x2b: {  	s6 =	sld [smem:$0x3FB3]  }
0x2c: {  	s7 =	sld [smem:$0x3FB4]  }
0x2d: {  	s3 =	simm.s32 $0x108;
	s8 =	sld [smem:$0x3FB5]  }
0x2e: {  	s3 =	simm.s32 @!p0 $0x1082;
	s9 =	sld [smem:$0x3FB6]  }
0x2f: {  	lr =	sadd.s32 s0, s3;
	s0 =	sld [smem:$0x3FAD]  }
0x30: {  	s3 =	sld [smem:$0x3FB0]  }
0x31: {  	[smem:$0x3FB9] =	sst s10  }
0x32: {  	s10 =	sld [smem:$0x3FB7];
	_ =	sdelay $0x3  }
0x33: {  	p0 =	seq.s32 s10, $0x1;
	s10 =	sld [smem:$0x3FB9];
	_ =	sdelay $0x3  }
0x34: {  	[smem:$0x3FB9] =	sst s10  }
0x35: {  	s10 =	sld [smem:$0x3FB8];
	_ =	sdelay $0x3  }
0x36: {  	p1 =	seq.s32 s10, $0x1;
	s10 =	sld [smem:$0x3FB9];
	_ =	sdelay $0x3  }
0x37: {  	[smem:$0x3FB9] =	sst s10  }
0x38: {  	s10 =	sld [smem:$0x3FBA]  }
0x39: {  	_ = 	snop;
	(pc) =	sbr.ind lr, $3  }
0x3a: {  	_ = 	snop  }
0x3b: {  	_ = 	snop  }
0x3c: {  	p2 =	seq.s32 s10, $0x1;
	s10 =	sld [smem:$0x3FB9]  }
0x3d: {  	_ =	shalt  }
0x3e: {  	_ =	shalt  }
0x3f: {  	_ =	shalt  }
0x40: {  	_ =	shalt  }
0x41: {  	_ =	shalt  }
0x42: {  	_ =	shalt  }
0x43: {  	_ =	shalt  }
0x44: {  	_ =	shalt  }
0x45: {  	_ =	shalt  }
0x46: {  	_ =	shalt  }
0x47: {  	_ =	shalt  }
0x48: {  	_ =	shalt  }
0x49: {  	_ =	shalt  }
0x4a: {  	_ =	shalt  }
0x4b: {  	_ =	shalt  }
0x4c: {  	_ =	shalt  }
0x4d: {  	_ =	shalt  }
0x4e: {  	_ =	shalt  }
0x4f: {  	_ =	shalt  }
0x50: {  	_ =	shalt  }
0x51: {  	_ =	shalt  }
0x52: {  	_ =	shalt  }
0x53: {  	_ =	shalt  }
0x54: {  	_ =	shalt  }
0x55: {  	_ =	shalt  }
0x56: {  	_ =	shalt  }
0x57: {  	_ =	shalt  }
0x58: {  	_ =	shalt  }
0x59: {  	_ =	shalt  }
0x5a: {  	_ =	shalt  }
0x5b: {  	_ =	shalt  }
0x5c: {  	_ =	shalt  }
0x5d: {  	_ =	shalt  }
0x5e: {  	_ =	shalt  }
0x5f: {  	_ =	shalt  }
0x60: {  	_ =	shalt  }
0x61: {  	_ =	shalt  }
0x62: {  	_ =	shalt  }
0x63: {  	_ =	shalt  }
0x64: {  	_ =	shalt  }
0x65: {  	_ =	shalt  }
0x66: {  	_ =	shalt  }
0x67: {  	_ =	shalt  }
0x68: {  	_ =	shalt  }
0x69: {  	_ =	shalt  }
0x6a: {  	_ =	shalt  }
0x6b: {  	_ =	shalt  }
0x6c: {  	_ =	shalt  }
0x6d: {  	_ =	shalt  }
0x6e: {  	_ =	shalt  }
0x6f: {  	_ =	shalt  }
0x70: {  	_ =	shalt  }
0x71: {  	_ =	shalt  }
0x72: {  	_ =	shalt  }
0x73: {  	_ =	shalt  }
0x74: {  	_ =	shalt  }
0x75: {  	_ =	shalt  }
0x76: {  	_ =	shalt  }
0x77: {  	_ =	shalt  }
0x78: {  	_ =	shalt  }
0x79: {  	_ =	shalt  }
0x7a: {  	_ =	shalt  }
0x7b: {  	_ =	shalt  }
0x7c: {  	_ =	shalt  }
0x7d: {  	_ =	shalt  }
0x7e: {  	_ =	shalt  }
0x7f: {  	_ =	shalt  }
0x80: {  	_ =	shalt  }
0x81: {  	_ =	shalt  }
0x82: {  	_ =	shalt  }
0x83: {  	_ =	shalt  }
0x84: {  	_ =	shalt  }
0x85: {  	_ =	shalt  }
0x86: {  	_ =	shalt  }
0x87: {  	_ =	shalt  }
.Lfunc_end0:
.L_simem_size_0:
called_computation_lowered:
.L_overlay_start_0:
0x88: {  	s2 =	sld [smem:$0x3FD9]  }
0x89: {  	s3 =	sld [smem:$0x3FFE];
	_ =	sdelay $0x1  }
0x8a: {  	s1 =	srdreg.scid  }
0x8b: {  	s0 =	sand.u32 $0x1, s1  }
0x8c: {  	s17 =	sshll.u32 s0, $0xA;
	s2 =	sadd.s32 s3, s2  }
0x8d: {  	s2 =	sadd.s32 s2, s17  }
0x8e: {  	[smem:$0x3FC5] =	sst s2  }
0x8f: {  	_ = 	snop  }
0x90: {  	s2 =	sld [smem:$0x3FD0];
	(tm) =	ssettm $0x1  }
0x91: {  	s18 =	sld [smem:$0x3FFB];
	_ =	sdelay $0x3  }
0x92: {  	_ =	strace s18  }
0x93: {  	s3 =	sld [smem:$0x3FFC];
	_ =	sdelay $0x3  }
0x94: {  	_ =	strace s3  }
0x95: {  	s3 =	sld [smem:$0x3FFD];
	_ =	sdelay $0x3  }
0x96: {  	_ =	strace s3  }
0x97: {  	_ =	strace $0x8FFFFFFF  }
0x98: {  	s19 =	sld [smem:$0x3FDB];
	_ =	sdelay $0x1  }
0x99: {  	s4 =	simm.s32 $_scs_section_size  }
0x9a: {  	s5 =	simm.s32 $_size__tile_overlayer_lowered;
	s6 =	simm.s32 $_tile_overlayer_lowered  }
0x9b: {  	s22 =	simm.s32 $0x1BFF;
	s21 =	sshll.u32 s6, $0x1;
	s3 =	sadd.s32 s4, s19  }
0x9c: {  	s7 =	simm.s32 $0x0;
	s20 =	sshll.u32 s5, $0x1;
	s5 =	sadd.s32 s21, s3  }
0x9d: {  	[timem:s7], [sflag:s22] =	dma.local [hbm:s5], s20  }
0x9e: {  	_ =	swait.ge [sflag:s22], s20  }
0x9f: {  	s4 =	ssub.s32 $0x0, s20;
	[sflag:s22] =	ssyncset.done $0x0  }
0xa0: {  	[sflag:s22] =	ssyncadd.s32 s4;
	_ =	sdelay $0x1  }
0xa1: {  	s23 =	simm.s32 $0x1B8B  }
0xa2: {  	_ =	swait.ge [sflag:s23], $0x1  }
0xa3: {  	[sflag:s23] =	ssyncset.done $0x0  }
0xa4: {  	s25 =	simm.s32 $0x1B8E;
	s24 =	sld [smem:$0x3FFE];
	[sflag:s23] =	ssyncadd.s32 $0xFFFFFFFF  }
0xa5: {  	s26 =	simm.s32 $execute0_lowered;
	[smem:$0x3FD2] =	sst s25  }
0xa6: {  	s5 =	sshll.u32 s26, $0x1;
	_ =	strace $0x80000046;
	[dreg:$0x1] =	wrdreg $0xFFFFFFFF  }
0xa7: {  	s28 =	simm.s32 $_size_execute0_lowered;
	s3 =	sadd.s32 s3, s5;
	[dreg:$0x0] =	wrdreg $0x0  }
0xa8: {  	s5 =	sshll.u32 s28, $0x1;
	[dreg:$0x2] =	wrdreg s3  }
0xa9: {  	[dreg:$0x3] =	wrdreg s5  }
0xaa: {  	[dreg:$0x4] =	wrdreg $0xC0  }
0xab: {  	_ =	task [dreg:s7], $0x5FFFF  }
0xac: {  	[dreg:$0x1] =	wrdreg $0xFFFFFFFF  }
0xad: {  	[dreg:$0x0] =	wrdreg $0x60  }
0xae: {  	[dreg:$0x2] =	wrdreg s24  }
0xaf: {  	[dreg:$0x3] =	wrdreg s2  }
0xb0: {  	[dreg:$0x4] =	wrdreg $0x9  }
0xb1: {  	_ =	task.clear_ibuf [dreg:s7], $0x5FFFF;
	_ =	strace $0x90000046  }
0xb2: {  	s29 =	simm.s32 $0x9;
	_ =	strace $0x80000048  }
0xb3: {  	_ =	swait.ge [sflag:s29], $0x1  }
0xb4: {  	[sflag:s29] =	ssyncadd.s32 $0xFFFFFFFF  }
0xb5: {  	_ =	strace $0x90000048  }
0xb6: {  	_ =	sfence  }
0xb7: {  	s30 =	sld [smem:$0x0];
	_ =	sdelay $0x2  }
0xb8: {  	s31 =	sshll.u32 s1, $0xD;
	s1 =	sshrl.u32 s1, $0x2  }
0xb9: {  	s3 =	sand.u32 $0x4000, s31;
	s1 =	sadd.s32 s1, s30  }
0xba: {  	s0 =	sor.u32 s3, s0;
	s1 =	sshll.u32 s1, $0x11  }
0xbb: {  	s0 =	sor.u32 s1, s0  }
0xbc: {  	s0 =	sadd.s32 $0x8F2B, s0  }
0xbd: {  	[sflag:s0] =	ssyncadd.remote.s32 $0x1  }
0xbe: {  	_ =	sfence.sel $0xFFFF  }
0xbf: {  	[dreg:$0x0] =	wrdreg $0xFFFFFFFF;
	(pc) =	sbr.abs _section_cstart, $3  }
0xc0: {  	[dreg:$0x1] =	wrdreg $0xFFFFFFFF  }
0xc1: {  	_ =	task.clear_ibuf [dreg:s7], $0x2FFFF;
	_ =	strace $0x9FFFFFFF  }
0xc2: {  	(tm) =	ssettm $0x7FFFFFFF  }
0xc3: {  	_ =	shalt  }
tec
execute0_lowered:
.L_overlay_start_1:
0x0: {  	(tag) =	ssettag $0x1  }
0x1: {  	s5 =	stileid.u32;
	s0 =	rddreg [dreg:$0x0]  }
0x2: {  	s1 =	srdreg.scid;
	s3 =	rddreg [dreg:$0x1];
	s2 =	sshll.u32 s5, $0x1  }
0x3: {  	s1 =	sand.u32 $0x1, s1;
	s5 =	sshrl.u32 s5, $0x2;
	s4 =	sand.u32 $0x6, s2  }
0x4: {  	s2 =	simm.s32 $0x0;
	s7 =	sshll.u32 s5, $0x7;
	s28 =	sshll.u32 s5, $0xA  }
0x5: {  	s4 =	sor.u32 s1, s4;
	[smem:$0x7FF] =	sst s2;
	s1 =	ssub.s32 $0x2, s1  }
0x6: {  	s7 =	sadd.s32 s7, s0;
	s6 =	smul.u32 $0x804, s4;
	_ =	strace $0x80000047  }
0x7: {  	s26 =	sshrl.u32 s1, $0x1;
	s29 =	sadd.s32 $0x5600, s7;
	s4 =	sshll.u32 s4, $0xC  }
0x8: {  	s30 =	sadd.s32 $0x7600, s7;
	[dreg:$0xd] =	wrdreg s29;
	s0 =	sadd.s32 s6, s0  }
0x9: {  	s1 =	ssub.s32 s1, s26;
	[dreg:$0xe] =	wrdreg s30;
	s0 =	sadd.s32 $0x1400, s0  }
0xa: {  	s31 =	smax.u32 s1, $0x1;
	[dreg:$0xc] =	wrdreg s0;
	s0 =	sadd.s32 s3, s28  }
0xb: {  	[dreg:$0x10] =	wrdreg s31;
	s0 =	sadd.s32 s4, s0  }
0xc: {  	s3 =	simm.s32 $0x0;
	[dreg:$0xf] =	wrdreg s0  }
.LBB2_1:
0xd: {  	[dreg:$0x11] =	wrdreg s3  }
0xe: {  	s0 =	rddreg [dreg:$0xc];
	s29 =	simm.s32 $0x3  }
0xf: {  	[tilespmem:s2], [sflag:$0x3] =	stream.linear.gather [hbm4b:s0+s2], $0x4020, $0x38;
	[tilespmem:$0x1C020] =	vst v63  }
0x10: {  	s1 =	simm.s32 $0x400;
	_ =	swait.ge [sflag:s29], $0x4020  }
0x11: {  	s31 =	simm.s32 $0x1000;
	s4 =	simm.s32 $0x4020;
	[sflag:s29] =	ssyncset.done $0x0  }
0x12: {  	s6 =	simm.s32 $0x0;
	s30 =	rddreg [dreg:$0xd];
	[sflag:s29] =	ssyncadd.s32 $0xFFFFBFE0  }
0x13: {  	[tilespmem:s4], [sflag:$0x1] =	stream.strided.gather [hbm4b:s30+s1], $0x4000, s31, s1, $0x38;
	[tilespmem:$0x1C020] =	vst v63  }
.LBB2_2:
0x14: {  	p0 =	seq.s32 s6, $0x31  }
0x15: {  	p1 =	slt.u32 @!p0 s6, $0x2  }
0x16: {  	s1 =	simm.s32 $0x1;
	p1 =	por p0, !p1  }
.Ltmp0:
0x17: {  	s0 =	sand.u32 $0x1, s6;
	_ =	swait.ge [sflag:s1], $0x4000;
	(pc) =	sbr.rel @!p1 .LBB2_4-.Ltmp0, $4  }
0x18: {  	s7 =	sshll.u32 @!p0 s0, $0xE;
	s5 =	simm.s32 @!p0 $0x1000;
	[sflag:s1] =	ssyncset.done $0x0  }
0x19: {  	s4 =	rddreg [dreg:$0xe];
	[sflag:s1] =	ssyncadd.s32 $0xFFFFC000;
	s1 =	sshll.u32 @!p0 s6, $0xD  }
0x1a: {  	s3 =	ssub.s32 @!p0 $0x8020, s7;
	s1 =	sadd.s32 @!p0 s1, s4;
	s4 =	simm.s32 @!p0 $0x400  }
0x1b: {  	[tilespmem:s3], [sflag:$0x1] =	stream.strided.gather @!p0 [hbm4b:s1+s4], $0x4000, s5, s4, $0x38;
	[tilespmem:$0x1C020] =	vst v63  }
0x1c: {  	s1 =	simm.s32 $0x2  }
0x1d: {  	_ =	swait.ge [sflag:s1], $0x8000  }
0x1e: {  	[sflag:s1] =	ssyncset.done $0x0  }
0x1f: {  	s7 =	simm.s32 @p0 $0x4000;
	[sflag:s1] =	ssyncadd.s32 $0xFFFF8000  }
.LBB2_4:
0x20: {  	[dreg:$0x12] =	wrdreg s6  }
0x21: {  	s1 =	sshll.u32 s0, $0xF;
	[dreg:$0x13] =	wrdreg s7;
	s0 =	sadd.s32 $0x4820, s7  }
0x22: {  	v0 =	vld [tilespmem:s0+$0xFFFFF830]  }
0x23: {  	v1 =	vld [tilespmem:s0+$0xFFFFFC30]  }
0x24: {  	v2 =	vld [tilespmem:s0+$0x30]  }
0x25: {  	v3 =	vld [tilespmem:s0+$0x430];
	_ =	sdelay $0x2  }
0x26: {  	v9 =	vshll.u32 v0, $0x3;
	v7 =	vshll.u32 v1, $0x3  }
0x27: {  	v6 =	vshll.u32 v2, $0x3;
	v0 =	vadd.s32 $0x1008, v7  }
0x28: {  	v5 =	vshll.u32 v3, $0x3;
	v1 =	vadd.s32 $0x2010, v6  }
0x29: {  	v8 =	vld [tilespmem:s0+$0x0];
	v3 =	vadd.s32 $0x3018, v5  }
0x2a: {  	v2 =	vld [tilespmem:s0+$0xFFFFFC00]  }
0x2b: {  	v10 =	vld.idx.msk [tilespmem:v9+s2+$0x0], $0xffff  }
0x2c: {  	v0 =	vld.idx.msk [tilespmem:v0+s2+$0x0], $0xffff  }
0x2d: {  	v1 =	vld.idx.msk [tilespmem:v1+s2+$0x0], $0xffff  }
0x2e: {  	v3 =	vld.idx.msk [tilespmem:v3+s2+$0x0], $0xffff  }
0x2f: {  	v12 =	vld [tilespmem:s0+$0x400]  }
0x30: {  	v13 =	vld [tilespmem:s0+$0xFFFFFC10]  }
0x31: {  	v14 =	vld [tilespmem:s0+$0x10]  }
0x32: {  	v18 =	vld [tilespmem:s0+$0x410]  }
0x33: {  	v19 =	vld [tilespmem:s0+$0x420];
	v4 =	vshll.u32 v2, $0x3;
	v0 =	vadd.bf16 v0, v10;
	v1 =	vadd.bf16 v3, v1  }
0x34: {  	s5 =	simm.s32 $0x0;
	v21 =	vld [tilespmem:s0+$0xFFFFF800];
	v3 =	vadd.s32 $0x1008, v4  }
0x35: {  	s3 =	simm.s32 $0x30;
	s12 =	sadd.s32 $0xC020, s1;
	s18 =	sand.u32 $0x1C00, s5;
	v20 =	vld [tilespmem:s0+$0xFFFFF810];
	v0 =	vadd.bf16 v1, v0;
	v1 =	vor.u32 $0x1, v9  }
0x36: {  	s22 =	sand.u32 $0x70, s3;
	v23 =	vld [tilespmem:s0+$0xFFFFF820];
	s23 =	sadd.s32 s18, s12;
	v17 =	vadd.s32 $0x1009, v7  }
0x37: {  	s4 =	sadd.s32 $0x200, s23;
	s1 =	sadd.s32 s22, s23;
	v22 =	vadd.s32 $0x2011, v6;
	v2 =	vld [tilespmem:s0+$0xFFFFFC20];
	v15 =	vshll.u32 v0, $0x10  }
0x38: {  	s19 =	sadd.s32 s22, s4;
	v24 =	vadd.s32 $0x3019, v5;
	v10 =	vld [tilespmem:s0+$0x20];
	v0 =	vand.u32 $0xFFFF0000, v0;
	[tilespmem:s1+$0x0] =	vst v15  }
0x39: {  	v11 =	vshll.u32 v8, $0x3;
	v16 =	vshll.u32 v12, $0x3;
	v8 =	vshll.u32 v21, $0x3;
	v12 =	vld.idx.msk [tilespmem:v3+s2+$0x0], $0xffff;
	[tilespmem:s19+$0x0] =	vst v0  }
0x3a: {  	v20 =	vshll.u32 v20, $0x3;
	v15 =	vshll.u32 v13, $0x3;
	v13 =	vld.idx.msk [tilespmem:v1+s2+$0x0], $0xffff  }
0x3b: {  	v25 =	vadd.s32 $0x2010, v11;
	v27 =	vld.idx.msk [tilespmem:v17+s2+$0x0], $0xffff  }
0x3c: {  	v2 =	vshll.u32 v2, $0x3;
	v3 =	vadd.s32 $0x3018, v16;
	v21 =	vld.idx.msk [tilespmem:v22+s2+$0x0], $0xffff  }
0x3d: {  	v28 =	vadd.s32 $0x1008, v2;
	v17 =	vshll.u32 v14, $0x3;
	v14 =	vshll.u32 v18, $0x3;
	v18 =	vld.idx.msk [tilespmem:v24+s2+$0x0], $0xffff  }
0x3e: {  	v30 =	vld.idx.msk [tilespmem:v8+s2+$0x0], $0xffff;
	v26 =	vadd.s32 $0x1008, v15;
	v0 =	vshll.u32 v10, $0x3  }
0x3f: {  	v40 =	vld.idx.msk [tilespmem:v20+s2+$0x0], $0xffff;
	v29 =	vadd.s32 $0x2010, v0  }
0x40: {  	v25 =	vld.idx.msk [tilespmem:v25+s2+$0x0], $0xffff;
	v1 =	vshll.u32 v19, $0x3;
	v22 =	vadd.s32 $0x2010, v17  }
0x41: {  	v34 =	vadd.s32 $0x3018, v14;
	v35 =	vadd.s32 $0x3018, v1;
	v10 =	vld.idx.msk [tilespmem:v3+s2+$0x0], $0xffff  }
0x42: {  	v3 =	vshll.u32 v23, $0x3;
	v23 =	vld.idx.msk [tilespmem:v28+s2+$0x0], $0xffff;
	v13 =	vadd.bf16 v27, v13;
	v18 =	vadd.bf16 v18, v21  }
0x43: {  	v19 =	vld.idx.msk [tilespmem:v26+s2+$0x0], $0xffff  }
0x44: {  	v36 =	vld.idx.msk [tilespmem:v29+s2+$0x0], $0xffff;
	v13 =	vadd.bf16 v18, v13;
	v18 =	vor.u32 $0x2, v9  }
0x45: {  	s20 =	sadd.s32 $0x80, s23;
	v37 =	vadd.s32 $0x100A, v7;
	v39 =	vadd.s32 $0x2012, v6;
	v22 =	vld.idx.msk [tilespmem:v22+s2+$0x0], $0xffff  }
0x46: {  	s21 =	sadd.s32 $0x280, s23;
	s7 =	sadd.s32 s22, s20;
	v12 =	vadd.bf16 v12, v30;
	v21 =	vld.idx.msk [tilespmem:v34+s2+$0x0], $0xffff;
	v10 =	vadd.bf16 v10, v25;
	v38 =	vshll.u32 v13, $0x10  }
0x47: {  	s8 =	sadd.s32 s22, s21;
	v41 =	vadd.s32 $0x301A, v5;
	v26 =	vld.idx.msk [tilespmem:v35+s2+$0x0], $0xffff;
	v13 =	vand.u32 $0xFFFF0000, v13;
	[tilespmem:s7+$0x0] =	vst v38  }
0x48: {  	v42 =	vor.u32 $0x1, v8;
	v31 =	vld.idx.msk [tilespmem:v3+s2+$0x0], $0xffff;
	v10 =	vadd.bf16 v10, v12;
	[tilespmem:s8+$0x0] =	vst v13  }
0x49: {  	s24 =	sand.u32 $0x40, s5;
	v12 =	vadd.s32 $0x1009, v4;
	v13 =	vld.idx.msk [tilespmem:v18+s2+$0x0], $0xffff  }
0x4a: {  	s5 =	sadd.s32 s24, s23;
	v33 =	vadd.s32 $0x3019, v16;
	v19 =	vadd.bf16 v19, v40;
	v32 =	vshll.u32 v10, $0x10;
	v25 =	vld.idx.msk [tilespmem:v37+s2+$0x0], $0xffff  }
0x4b: {  	s9 =	sadd.s32 s24, s4;
	v21 =	vadd.bf16 v21, v22;
	v18 =	vadd.s32 $0x2011, v11;
	v10 =	vand.u32 $0xFFFF0000, v10;
	v28 =	vld.idx.msk [tilespmem:v39+s2+$0x0], $0xffff;
	[tilespmem:s5+$0x0] =	vst v32  }
0x4c: {  	[tilespmem:s9+$0x0] =	vst v10;
	v10 =	vld.idx.msk [tilespmem:v41+s2+$0x0], $0xffff  }
0x4d: {  	s10 =	simm.s32 $0x10;
	v43 =	vor.u32 $0x1, v20;
	v19 =	vadd.bf16 v21, v19;
	v22 =	vld.idx.msk [tilespmem:v42+s2+$0x0], $0xffff  }
0x4e: {  	s25 =	sand.u32 $0x50, s10;
	v44 =	vadd.s32 $0x2011, v17;
	v21 =	vadd.s32 $0x1009, v15;
	v12 =	vld.idx.msk [tilespmem:v12+s2+$0x0], $0xffff  }
0x4f: {  	v24 =	vadd.bf16 v26, v36;
	s5 =	sadd.s32 s25, s23;
	v23 =	vadd.bf16 v23, v31;
	v45 =	vshll.u32 v19, $0x10;
	v46 =	vld.idx.msk [tilespmem:v33+s2+$0x0], $0xffff  }
0x50: {  	s11 =	sadd.s32 s25, s4;
	v47 =	vadd.s32 $0x3019, v14;
	v19 =	vand.u32 $0xFFFF0000, v19;
	[tilespmem:s5+$0x0] =	vst v45;
	v18 =	vld.idx.msk [tilespmem:v18+s2+$0x0], $0xffff  }
0x51: {  	s13 =	simm.s32 $0x20;
	v49 =	vor.u32 $0x1, v3;
	v23 =	vadd.bf16 v24, v23;
	[tilespmem:s11+$0x0] =	vst v19  }
0x52: {  	s26 =	sand.u32 $0x60, s13;
	v48 =	vadd.s32 $0x1009, v2;
	v19 =	vadd.s32 $0x2011, v0;
	v50 =	vld.idx.msk [tilespmem:v43+s2+$0x0], $0xffff  }
0x53: {  	s5 =	sadd.s32 s26, s23;
	v13 =	vadd.bf16 v25, v13;
	v52 =	vshll.u32 v23, $0x10;
	v21 =	vld.idx.msk [tilespmem:v21+s2+$0x0], $0xffff;
	v10 =	vadd.bf16 v10, v28  }
0x54: {  	s4 =	sadd.s32 s26, s4;
	v51 =	vadd.s32 $0x3019, v1;
	[tilespmem:s5+$0x0] =	vst v52;
	v12 =	vadd.bf16 v12, v22;
	v22 =	vand.u32 $0xFFFF0000, v23;
	v23 =	vld.idx.msk [tilespmem:v44+s2+$0x0], $0xffff  }
0x55: {  	v9 =	vor.u32 $0x3, v9;
	v10 =	vadd.bf16 v10, v13;
	[tilespmem:s4+$0x0] =	vst v22;
	v13 =	vadd.bf16 v46, v18;
	v18 =	vld.idx.msk [tilespmem:v47+s2+$0x0], $0xffff  }
0x56: {  	s29 =	sadd.s32 $0x100, s23;
	v7 =	vadd.s32 $0x100B, v7;
	v54 =	vld.idx.msk [tilespmem:v49+s2+$0x0], $0xffff  }
0x57: {  	s28 =	sadd.s32 $0x300, s23;
	s14 =	sadd.s32 s22, s29;
	v5 =	vadd.s32 $0x301B, v5;
	v26 =	vld.idx.msk [tilespmem:v48+s2+$0x0], $0xffff;
	v22 =	vshll.u32 v10, $0x10  }
0x58: {  	s15 =	sadd.s32 s22, s28;
	v6 =	vadd.s32 $0x2013, v6;
	v19 =	vld.idx.msk [tilespmem:v19+s2+$0x0], $0xffff;
	v10 =	vand.u32 $0xFFFF0000, v10;
	v12 =	vadd.bf16 v13, v12;
	[tilespmem:s14+$0x0] =	vst v22  }
0x59: {  	v53 =	vor.u32 $0x2, v8;
	v57 =	vld.idx.msk [tilespmem:v51+s2+$0x0], $0xffff;
	[tilespmem:s15+$0x0] =	vst v10  }
0x5a: {  	s16 =	sadd.s32 s24, s20;
	v13 =	vadd.s32 $0x100A, v4;
	v10 =	vshll.u32 v12, $0x10;
	v22 =	vld.idx.msk [tilespmem:v9+s2+$0x0], $0xffff  }
0x5b: {  	v55 =	vadd.s32 $0x2012, v11;
	v9 =	vadd.bf16 v21, v50;
	v25 =	vld.idx.msk [tilespmem:v7+s2+$0x0], $0xffff;
	[tilespmem:s16+$0x0] =	vst v10;
	v10 =	vadd.bf16 v18, v23  }
0x5c: {  	s17 =	sadd.s32 s24, s21;
	v56 =	vadd.s32 $0x301A, v16;
	v12 =	vand.u32 $0xFFFF0000, v12;
	v28 =	vld.idx.msk [tilespmem:v5+s2+$0x0], $0xffff  }
0x5d: {  	v18 =	vor.u32 $0x2, v20;
	v7 =	vadd.bf16 v26, v54;
	v26 =	vld.idx.msk [tilespmem:v6+s2+$0x0], $0xffff;
	[tilespmem:s17+$0x0] =	vst v12;
	v9 =	vadd.bf16 v10, v9  }
0x5e: {  	v21 =	vadd.s32 $0x100A, v15;
	v12 =	vld.idx.msk [tilespmem:v53+s2+$0x0], $0xffff  }
0x5f: {  	s18 =	sadd.s32 s25, s20;
	v23 =	vadd.s32 $0x2012, v17;
	v19 =	vadd.bf16 v57, v19;
	v13 =	vld.idx.msk [tilespmem:v13+s2+$0x0], $0xffff;
	v59 =	vshll.u32 v9, $0x10  }
0x60: {  	s19 =	sadd.s32 s25, s21;
	v60 =	vadd.s32 $0x301A, v14;
	v10 =	vld.idx.msk [tilespmem:v55+s2+$0x0], $0xffff;
	v6 =	vand.u32 $0xFFFF0000, v9;
	[tilespmem:s18+$0x0] =	vst v59  }
0x61: {  	v58 =	vld.idx.msk [tilespmem:v56+s2+$0x0], $0xffff;
	v5 =	vadd.bf16 v19, v7;
	v9 =	vor.u32 $0x2, v3;
	[tilespmem:s19+$0x0] =	vst v6  }
0x62: {  	v7 =	vadd.s32 $0x2012, v0;
	v36 =	vld.idx.msk [tilespmem:v18+s2+$0x0], $0xffff  }
0x63: {  	s3 =	sadd.s32 s26, s20;
	v37 =	vld.idx.msk [tilespmem:v21+s2+$0x0], $0xffff;
	v18 =	vshll.u32 v5, $0x10  }
0x64: {  	s1 =	sadd.s32 s26, s21;
	v38 =	vld.idx.msk [tilespmem:v23+s2+$0x0], $0xffff;
	v5 =	vand.u32 $0xFFFF0000, v5;
	[tilespmem:s3+$0x0] =	vst v18  }
0x65: {  	v39 =	vld.idx.msk [tilespmem:v60+s2+$0x0], $0xffff;
	[tilespmem:s1+$0x0] =	vst v5  }
0x66: {  	v6 =	vadd.s32 $0x100A, v2;
	v27 =	vld.idx.msk [tilespmem:v9+s2+$0x0], $0xffff  }
0x67: {  	v12 =	vadd.bf16 v13, v12;
	v13 =	vadd.s32 $0x301A, v1;
	s1 =	sadd.s32 $0x40, s0;
	v30 =	vld.idx.msk [tilespmem:v7+s2+$0x0], $0xffff  }
0x68: {  	v10 =	vadd.bf16 v58, v10;
	v7 =	vld [tilespmem:s1+$0x30]  }
0x69: {  	v9 =	vld [tilespmem:s1+$0xFFFFFC00]  }
0x6a: {  	v8 =	vor.u32 $0x3, v8;
	v5 =	vadd.bf16 v10, v12;
	v10 =	vld [tilespmem:s1+$0x0]  }
0x6b: {  	v29 =	vld.idx.msk [tilespmem:v6+s2+$0x0], $0xffff  }
0x6c: {  	s20 =	sadd.s32 s24, s29;
	v6 =	vshll.u32 v5, $0x10;
	v31 =	vld.idx.msk [tilespmem:v13+s2+$0x0], $0xffff  }
0x6d: {  	s21 =	sadd.s32 s24, s28;
	v5 =	vand.u32 $0xFFFF0000, v5;
	[tilespmem:s20+$0x0] =	vst v6;
	v6 =	vld [tilespmem:s1+$0xFFFFFC30]  }
0x6e: {  	[tilespmem:s21+$0x0] =	vst v5;
	v5 =	vld [tilespmem:s1+$0xFFFFF830]  }
0x6f: {  	v24 =	vld.idx.msk [tilespmem:v8+s2+$0x0], $0xffff  }
0x70: {  	v8 =	vld [tilespmem:s1+$0x430]  }
0x71: {  	v13 =	vld [tilespmem:s1+$0x400]  }
0x72: {  	v21 =	vld [tilespmem:s1+$0xFFFFFC20];
	v33 =	vshll.u32 v7, $0x3  }
0x73: {  	v45 =	vld [tilespmem:s1+$0xFFFFF810];
	v12 =	vadd.s32 $0x2010, v33  }
0x74: {  	v47 =	vld [tilespmem:s1+$0xFFFFF820];
	v34 =	vshll.u32 v6, $0x3;
	v35 =	vshll.u32 v5, $0x3  }
0x75: {  	v50 =	vld [tilespmem:s1+$0xFFFFF800];
	v6 =	vadd.s32 $0x1008, v34;
	v32 =	vshll.u32 v8, $0x3  }
0x76: {  	v18 =	vshll.u32 v9, $0x3;
	v9 =	vshll.u32 v13, $0x3;
	v13 =	vld [tilespmem:s1+$0x420];
	v19 =	vadd.s32 $0x3018, v32  }
0x77: {  	v4 =	vadd.s32 $0x100B, v4;
	v8 =	vld [tilespmem:s1+$0x410]  }
0x78: {  	v11 =	vadd.s32 $0x2013, v11;
	v41 =	vld.idx.msk [tilespmem:v12+s2+$0x0], $0xffff  }
0x79: {  	v16 =	vadd.s32 $0x301B, v16;
	v23 =	vld.idx.msk [tilespmem:v35+s2+$0x0], $0xffff  }
0x7a: {  	v40 =	vld.idx.msk [tilespmem:v6+s2+$0x0], $0xffff  }
0x7b: {  	v19 =	vld.idx.msk [tilespmem:v19+s2+$0x0], $0xffff  }
0x7c: {  	v4 =	vld.idx.msk [tilespmem:v4+s2+$0x0], $0xffff  }
0x7d: {  	v11 =	vld.idx.msk [tilespmem:v11+s2+$0x0], $0xffff;
	v42 =	vadd.s32 $0x1008, v18;
	v12 =	vshll.u32 v10, $0x3  }
0x7e: {  	v16 =	vld.idx.msk [tilespmem:v16+s2+$0x0], $0xffff;
	v43 =	vadd.s32 $0x2010, v12;
	v13 =	vshll.u32 v13, $0x3  }
0x7f: {  	v7 =	vld [tilespmem:s1+$0x10];
	v44 =	vadd.s32 $0x3018, v9;
	v54 =	vadd.s32 $0x3018, v13;
	v6 =	vshll.u32 v8, $0x3  }
0x80: {  	v5 =	vld [tilespmem:s1+$0xFFFFFC10];
	v8 =	vshll.u32 v21, $0x3;
	v21 =	vadd.bf16 v40, v23;
	v19 =	vadd.bf16 v19, v41  }
0x81: {  	s20 =	simm.s32 $0x200;
	v10 =	vld [tilespmem:s1+$0x20];
	v23 =	vadd.s32 $0x1008, v8  }
0x82: {  	s5 =	simm.s32 $0x70;
	s4 =	sand.u32 $0x1C00, s20;
	v42 =	vld.idx.msk [tilespmem:v42+s2+$0x0], $0xffff;
	v19 =	vadd.bf16 v19, v21;
	v21 =	vor.u32 $0x1, v35  }
0x83: {  	s30 =	sand.u32 $0x70, s5;
	s0 =	sadd.s32 s4, s12;
	v61 =	vadd.s32 $0x1009, v34;
	v40 =	vld.idx.msk [tilespmem:v43+s2+$0x0], $0xffff  }
0x84: {  	v58 =	vadd.bf16 v39, v38;
	s4 =	sadd.s32 $0x200, s0;
	s3 =	sadd.s32 s30, s0;
	v51 =	vadd.s32 $0x2011, v33;
	v38 =	vld.idx.msk [tilespmem:v54+s2+$0x0], $0xffff;
	v62 =	vshll.u32 v19, $0x10  }
0x85: {  	s6 =	sadd.s32 s30, s4;
	v63 =	vadd.s32 $0x3019, v32;
	v5 =	vshll.u32 v5, $0x3;
	v41 =	vld.idx.msk [tilespmem:v44+s2+$0x0], $0xffff;
	v19 =	vand.u32 $0xFFFF0000, v19;
	[tilespmem:s3+$0x0] =	vst v62  }
0x86: {  	v7 =	vshll.u32 v7, $0x3;
	v46 =	vadd.s32 $0x1008, v5;
	v53 =	vld.idx.msk [tilespmem:v23+s2+$0x0], $0xffff;
	[tilespmem:s6+$0x0] =	vst v19  }
0x87: {  	v48 =	vadd.s32 $0x2010, v7;
	v55 =	vld.idx.msk [tilespmem:v21+s2+$0x0], $0xffff  }
0x88: {  	v49 =	vadd.s32 $0x3018, v6;
	v44 =	vld.idx.msk [tilespmem:v61+s2+$0x0], $0xffff  }
0x89: {  	v36 =	vadd.bf16 v37, v36;
	v10 =	vshll.u32 v10, $0x3;
	v23 =	vshll.u32 v50, $0x3;
	v56 =	vld.idx.msk [tilespmem:v51+s2+$0x0], $0xffff  }
0x8a: {  	v52 =	vadd.s32 $0x2010, v10;
	v57 =	vld.idx.msk [tilespmem:v63+s2+$0x0], $0xffff  }
0x8b: {  	v20 =	vor.u32 $0x3, v20;
	v36 =	vadd.bf16 v58, v36;
	v43 =	vld.idx.msk [tilespmem:v46+s2+$0x0], $0xffff  }
0x8c: {  	v15 =	vadd.s32 $0x100B, v15;
	v46 =	vld.idx.msk [tilespmem:v48+s2+$0x0], $0xffff  }
0x8d: {  	s7 =	sadd.s32 s25, s29;
	v49 =	vld.idx.msk [tilespmem:v49+s2+$0x0], $0xffff;
	v21 =	vshll.u32 v45, $0x3;
	v61 =	vshll.u32 v36, $0x10  }
0x8e: {  	s8 =	sadd.s32 s25, s28;
	v17 =	vadd.s32 $0x2013, v17;
	v36 =	vand.u32 $0xFFFF0000, v36;
	v59 =	vld.idx.msk [tilespmem:v23+s2+$0x0], $0xffff;
	[tilespmem:s7+$0x0] =	vst v61  }
0x8f: {  	v14 =	vadd.s32 $0x301B, v14;
	v48 =	vld.idx.msk [tilespmem:v52+s2+$0x0], $0xffff;
	[tilespmem:s8+$0x0] =	vst v36;
	v44 =	vadd.bf16 v44, v55;
	v45 =	vadd.bf16 v57, v56  }
0x90: {  	v19 =	vshll.u32 v47, $0x3;
	v20 =	vld.idx.msk [tilespmem:v20+s2+$0x0], $0xffff  }
0x91: {  	v63 =	vor.u32 $0x2, v35;
	v15 =	vld.idx.msk [tilespmem:v15+s2+$0x0], $0xffff;
	v62 =	vadd.bf16 v45, v44  }
0x92: {  	s31 =	sadd.s32 $0x80, s0;
	v54 =	vadd.s32 $0x2012, v33;
	v51 =	vadd.s32 $0x100A, v34;
	v60 =	vld.idx.msk [tilespmem:v21+s2+$0x0], $0xffff  }
0x93: {  	s11 =	sadd.s32 $0x280, s0;
	s9 =	sadd.s32 s30, s31;
	v40 =	vadd.bf16 v41, v40;
	v17 =	vld.idx.msk [tilespmem:v17+s2+$0x0], $0xffff;
	v39 =	vadd.bf16 v42, v59;
	v52 =	vshll.u32 v62, $0x10  }
0x94: {  	s10 =	sadd.s32 s30, s11;
	v14 =	vld.idx.msk [tilespmem:v14+s2+$0x0], $0xffff;
	v55 =	vadd.s32 $0x301A, v32;
	v36 =	vand.u32 $0xFFFF0000, v62;
	[tilespmem:s9+$0x0] =	vst v52  }
0x95: {  	s21 =	simm.s32 $0x40;
	v50 =	vld.idx.msk [tilespmem:v19+s2+$0x0], $0xffff;
	v56 =	vor.u32 $0x1, v23;
	v39 =	vadd.bf16 v40, v39;
	[tilespmem:s10+$0x0] =	vst v36  }
0x96: {  	v58 =	vadd.s32 $0x2011, v12;
	s3 =	sand.u32 $0x40, s21;
	v57 =	vadd.s32 $0x1009, v18;
	v44 =	vld.idx.msk [tilespmem:v63+s2+$0x0], $0xffff  }
0x97: {  	v46 =	vadd.bf16 v49, v46;
	s13 =	sadd.s32 s3, s0;
	v37 =	vadd.bf16 v43, v60;
	v59 =	vshll.u32 v39, $0x10;
	v41 =	vld.idx.msk [tilespmem:v51+s2+$0x0], $0xffff  }
0x98: {  	s14 =	sadd.s32 s3, s4;
	v60 =	vadd.s32 $0x3019, v9;
	v39 =	vand.u32 $0xFFFF0000, v39;
	[tilespmem:s13+$0x0] =	vst v59;
	v45 =	vld.idx.msk [tilespmem:v54+s2+$0x0], $0xffff  }
0x99: {  	s15 =	simm.s32 $0x50;
	v61 =	vor.u32 $0x1, v21;
	v37 =	vadd.bf16 v46, v37;
	[tilespmem:s14+$0x0] =	vst v39;
	v62 =	vld.idx.msk [tilespmem:v55+s2+$0x0], $0xffff  }
0x9a: {  	v38 =	vadd.bf16 v38, v48;
	s9 =	sand.u32 $0x50, s15;
	v63 =	vadd.s32 $0x1009, v5;
	v40 =	vld.idx.msk [tilespmem:v56+s2+$0x0], $0xffff  }
0x9b: {  	v53 =	vadd.bf16 v53, v50;
	v52 =	vadd.s32 $0x2011, v7;
	s16 =	sadd.s32 s9, s0;
	v36 =	vld.idx.msk [tilespmem:v57+s2+$0x0], $0xffff;
	v54 =	vshll.u32 v37, $0x10  }
0x9c: {  	s17 =	sadd.s32 s9, s4;
	v55 =	vadd.s32 $0x3019, v6;
	v47 =	vld.idx.msk [tilespmem:v58+s2+$0x0], $0xffff;
	v37 =	vand.u32 $0xFFFF0000, v37;
	[tilespmem:s16+$0x0] =	vst v54  }
0x9d: {  	s18 =	simm.s32 $0x60;
	v38 =	vadd.bf16 v38, v53;
	v56 =	vor.u32 $0x1, v19;
	v57 =	vld.idx.msk [tilespmem:v60+s2+$0x0], $0xffff;
	[tilespmem:s17+$0x0] =	vst v37  }
0x9e: {  	s10 =	sand.u32 $0x60, s18;
	v59 =	vadd.s32 $0x2011, v10;
	v58 =	vadd.s32 $0x1009, v8;
	v46 =	vld.idx.msk [tilespmem:v61+s2+$0x0], $0xffff  }
0x9f: {  	s19 =	sadd.s32 s10, s0;
	v60 =	vshll.u32 v38, $0x10;
	v41 =	vadd.bf16 v41, v44;
	v39 =	vadd.bf16 v62, v45;
	v42 =	vld.idx.msk [tilespmem:v63+s2+$0x0], $0xffff  }
0xa0: {  	s4 =	sadd.s32 s10, s4;
	v38 =	vand.u32 $0xFFFF0000, v38;
	[tilespmem:s19+$0x0] =	vst v60;
	v61 =	vadd.s32 $0x3019, v13;
	v48 =	vld.idx.msk [tilespmem:v52+s2+$0x0], $0xffff  }
0xa1: {  	v22 =	vadd.bf16 v25, v22;
	v35 =	vor.u32 $0x3, v35;
	[tilespmem:s4+$0x0] =	vst v38;
	v38 =	vld.idx.msk [tilespmem:v55+s2+$0x0], $0xffff;
	v62 =	vadd.bf16 v39, v41  }
0xa2: {  	v26 =	vadd.bf16 v28, v26;
	v33 =	vadd.s32 $0x2013, v33;
	v34 =	vadd.s32 $0x100B, v34;
	s4 =	sadd.s32 $0x100, s0;
	v50 =	vld.idx.msk [tilespmem:v56+s2+$0x0], $0xffff  }
0xa3: {  	s7 =	sadd.s32 $0x300, s0;
	v63 =	vadd.bf16 v36, v40;
	v51 =	vld.idx.msk [tilespmem:v58+s2+$0x0], $0xffff;
	s6 =	sadd.s32 s30, s4;
	v37 =	vadd.bf16 v57, v47;
	v52 =	vshll.u32 v62, $0x10  }
0xa4: {  	v22 =	vadd.bf16 v26, v22;
	s8 =	sadd.s32 s30, s7;
	v32 =	vadd.s32 $0x301B, v32;
	v53 =	vld.idx.msk [tilespmem:v59+s2+$0x0], $0xffff;
	v25 =	vand.u32 $0xFFFF0000, v62;
	[tilespmem:s6+$0x0] =	vst v52  }
0xa5: {  	v4 =	vadd.bf16 v4, v24;
	v55 =	vor.u32 $0x2, v23;
	v54 =	vadd.bf16 v37, v63;
	v56 =	vld.idx.msk [tilespmem:v61+s2+$0x0], $0xffff;
	[tilespmem:s8+$0x0] =	vst v25  }
0xa6: {  	v11 =	vadd.bf16 v16, v11;
	v60 =	vadd.s32 $0x2012, v12;
	v58 =	vadd.s32 $0x100A, v18;
	v59 =	vld.idx.msk [tilespmem:v35+s2+$0x0], $0xffff  }
0xa7: {  	s13 =	sadd.s32 s3, s31;
	v61 =	vadd.bf16 v42, v46;
	v38 =	vadd.bf16 v38, v48;
	v62 =	vshll.u32 v54, $0x10;
	v34 =	vld.idx.msk [tilespmem:v34+s2+$0x0], $0xffff  }
0xa8: {  	v27 =	vadd.bf16 v29, v27;
	s14 =	sadd.s32 s3, s11;
	v63 =	vadd.s32 $0x301A, v9;
	v26 =	vand.u32 $0xFFFF0000, v54;
	v33 =	vld.idx.msk [tilespmem:v33+s2+$0x0], $0xffff;
	[tilespmem:s13+$0x0] =	vst v62  }
0xa9: {  	v4 =	vadd.bf16 v11, v4;
	v45 =	vor.u32 $0x2, v21;
	v44 =	vld.idx.msk [tilespmem:v32+s2+$0x0], $0xffff;
	v16 =	vadd.bf16 v38, v61;
	[tilespmem:s14+$0x0] =	vst v26  }
0xaa: {  	v49 =	vadd.s32 $0x301A, v6;
	v15 =	vadd.bf16 v15, v20;
	v20 =	vadd.s32 $0x100A, v5;
	v25 =	vld.idx.msk [tilespmem:v55+s2+$0x0], $0xffff  }
0xab: {  	v14 =	vadd.bf16 v14, v17;
	s15 =	sadd.s32 s9, s31;
	v46 =	vadd.s32 $0x2012, v7;
	v48 =	vshll.u32 v16, $0x10;
	v17 =	vld.idx.msk [tilespmem:v58+s2+$0x0], $0xffff  }
0xac: {  	s16 =	sadd.s32 s9, s11;
	s6 =	sadd.s32 $0x380, s23;
	v47 =	vadd.bf16 v51, v50;
	v16 =	vand.u32 $0xFFFF0000, v16;
	v35 =	vld.idx.msk [tilespmem:v60+s2+$0x0], $0xffff;
	v28 =	vadd.bf16 v56, v53;
	[tilespmem:s15+$0x0] =	vst v48  }
0xad: {  	v11 =	vand.u32 $0xFFFF0000, v22;
	v14 =	vadd.bf16 v14, v15;
	s17 =	sadd.s32 $0x180, s23;
	v57 =	vadd.bf16 v31, v30;
	s8 =	sadd.s32 s22, s6;
	v50 =	vld.idx.msk [tilespmem:v63+s2+$0x0], $0xffff;
	[tilespmem:s16+$0x0] =	vst v16  }
0xae: {  	s18 =	sadd.s32 s22, s17;
	[tilespmem:s8+$0x0] =	vst v11;
	v11 =	vshll.u32 v22, $0x10;
	v16 =	vor.u32 $0x2, v19;
	v15 =	vadd.bf16 v28, v47;
	v26 =	vld.idx.msk [tilespmem:v45+s2+$0x0], $0xffff  }
0xaf: {  	[tilespmem:s18+$0x0] =	vst v11;
	s15 =	sadd.s32 s25, s17;
	v22 =	vadd.bf16 v34, v59;
	v20 =	vld.idx.msk [tilespmem:v20+s2+$0x0], $0xffff;
	v59 =	vadd.s32 $0x301B, v1;
	v1 =	vshll.u32 v14, $0x10  }
0xb0: {  	s19 =	sadd.s32 s10, s31;
	v27 =	vadd.bf16 v57, v27;
	v53 =	vld.idx.msk [tilespmem:v46+s2+$0x0], $0xffff;
	[tilespmem:s15+$0x0] =	vst v1;
	v52 =	vshll.u32 v15, $0x10  }
0xb1: {  	v51 =	vadd.s32 $0x100A, v8;
	s22 =	sadd.s32 s10, s11;
	v11 =	vadd.bf16 v44, v33;
	v56 =	vld.idx.msk [tilespmem:v49+s2+$0x0], $0xffff;
	v15 =	vand.u32 $0xFFFF0000, v15;
	[tilespmem:s19+$0x0] =	vst v52  }
0xb2: {  	v3 =	vor.u32 $0x3, v3;
	s23 =	sadd.s32 s26, s29;
	v55 =	vadd.s32 $0x2012, v10;
	[tilespmem:s22+$0x0] =	vst v15;
	v15 =	vshll.u32 v27, $0x10  }
0xb3: {  	s13 =	sadd.s32 s26, s28;
	v31 =	vadd.bf16 v11, v22;
	v22 =	vadd.s32 $0x301A, v13;
	v11 =	vand.u32 $0xFFFF0000, v27;
	[tilespmem:s23+$0x0] =	vst v15  }
0xb4: {  	s14 =	sadd.s32 s24, s17;
	v58 =	vadd.s32 $0x2013, v0;
	v15 =	vld.idx.msk [tilespmem:v16+s2+$0x0], $0xffff;
	v16 =	vadd.s32 $0x100B, v2;
	v2 =	vshll.u32 v4, $0x10;
	[tilespmem:s13+$0x0] =	vst v11  }
0xb5: {  	v0 =	vand.u32 $0xFFFF0000, v4;
	s16 =	sadd.s32 s24, s6;
	v17 =	vadd.bf16 v17, v25;
	v54 =	vadd.bf16 v50, v35;
	[tilespmem:s14+$0x0] =	vst v2  }
0xb6: {  	s18 =	sadd.s32 $0x180, s0;
	v20 =	vadd.bf16 v20, v26;
	v57 =	vld.idx.msk [tilespmem:v51+s2+$0x0], $0xffff;
	v4 =	vadd.bf16 v56, v53;
	[tilespmem:s16+$0x0] =	vst v0;
	v0 =	vadd.s32 $0x2013, v12  }
0xb7: {  	s0 =	sadd.s32 $0x380, s0;
	v17 =	vadd.bf16 v54, v17;
	s13 =	sadd.s32 s26, s17;
	s17 =	sadd.s32 s25, s6;
	v11 =	vld.idx.msk [tilespmem:v55+s2+$0x0], $0xffff;
	v2 =	vand.u32 $0xFFFF0000, v14;
	[tilespmem:$0x1FFF0] =	vst v0  }
0xb8: {  	v23 =	vor.u32 $0x3, v23;
	s8 =	sadd.s32 s9, s4;
	s28 =	sadd.s32 $0x40, s1;
	s19 =	sadd.s32 s30, s0;
	v14 =	vld.idx.msk [tilespmem:v22+s2+$0x0], $0xffff;
	[tilespmem:s17+$0x0] =	vst v2;
	v22 =	vadd.bf16 v4, v20;
	v4 =	vand.u32 $0xFFFF0000, v31  }
0xb9: {  	v6 =	vadd.s32 $0x301B, v6;
	s31 =	sadd.s32 s10, s18;
	s29 =	sadd.s32 s9, s0;
	s23 =	sadd.s32 s3, s4;
	v12 =	vld.idx.msk [tilespmem:v3+s2+$0x0], $0xffff;
	[tilespmem:s19+$0x0] =	vst v4;
	v4 =	vshll.u32 v17, $0x10  }
0xba: {  	v63 =	vadd.s32 $0x100B, v18;
	s24 =	sadd.s32 s3, s18;
	s15 =	sadd.s32 s26, s6;
	s22 =	sadd.s32 s30, s18;
	v2 =	vadd.s32 $0x301B, v9;
	v9 =	vshll.u32 v31, $0x10;
	v18 =	vld.idx.msk [tilespmem:v59+s2+$0x0], $0xffff;
	[tilespmem:s23+$0x0] =	vst v4  }
0xbb: {  	s30 =	sadd.s32 s3, s0;
	s0 =	sadd.s32 s10, s0;
	s26 =	sadd.s32 s3, s7;
	v20 =	vadd.bf16 v57, v15;
	v15 =	vld.idx.msk [tilespmem:v16+s2+$0x0], $0xffff;
	v4 =	vadd.s32 $0x2013, v7;
	v7 =	vand.u32 $0xFFFF0000, v17;
	[tilespmem:s22+$0x0] =	vst v9  }
0xbc: {  	v62 =	vadd.s32 $0x100B, v5;
	v10 =	vadd.s32 $0x2013, v10;
	s4 =	sadd.s32 s10, s4;
	s25 =	sadd.s32 s9, s18;
	s14 =	sadd.s32 s9, s7;
	v3 =	vor.u32 $0x3, v21;
	v17 =	vld.idx.msk [tilespmem:v58+s2+$0x0], $0xffff;
	[tilespmem:s26+$0x0] =	vst v7  }
0xbd: {  	s7 =	sadd.s32 s10, s7;
	v9 =	vadd.s32 $0x100B, v8;
	v8 =	vadd.s32 $0x301B, v13;
	v7 =	vor.u32 $0x3, v19;
	s26 =	simm.s32 $0x4;
	v16 =	vld.idx.msk [tilespmem:v23+s2+$0x0], $0xffff;
	[dreg:$0x3] =	wrdreg s12  }
.LBB2_5:
0xbe: {  	v13 =	vld [tilespmem:s28+$0xFFFFF830];
	v19 =	vshll.u32 v22, $0x10  }
0xbf: {  	v21 =	vand.u32 $0xFFFF0000, v22;
	[tilespmem:s8+$0x0] =	vst v19;
	v19 =	vld [tilespmem:s28+$0x30]  }
0xc0: {  	[tilespmem:s14+$0x0] =	vst v21;
	v21 =	vld [tilespmem:s28+$0xFFFFFC00];
	v11 =	vadd.bf16 v14, v11  }
0xc1: {  	v14 =	vld [tilespmem:s28+$0xFFFFFC30]  }
0xc2: {  	v11 =	vadd.bf16 v11, v20;
	v20 =	vld [tilespmem:s28+$0x430]  }
0xc3: {  	v23 =	vld [tilespmem:s28+$0x400];
	v12 =	vadd.bf16 v15, v12;
	v17 =	vadd.bf16 v18, v17;
	v18 =	vshll.u32 v13, $0x3  }
0xc4: {  	v22 =	vld [tilespmem:s28+$0x0];
	v15 =	vshll.u32 v11, $0x10;
	v11 =	vand.u32 $0xFFFF0000, v11  }
0xc5: {  	v13 =	vld [tilespmem:s28+$0xFFFFFC10];
	[tilespmem:s7+$0x0] =	vst v11;
	v11 =	vadd.bf16 v17, v12  }
0xc6: {  	v25 =	vshll.u32 v21, $0x3;
	v21 =	vld [tilespmem:s28+$0x410];
	[tilespmem:s4+$0x0] =	vst v15;
	v15 =	vshll.u32 v14, $0x3;
	v14 =	vshll.u32 v19, $0x3  }
0xc7: {  	v19 =	vld [tilespmem:s28+$0x10];
	v17 =	vadd.s32 $0x1008, v15;
	v12 =	vshll.u32 v20, $0x3;
	v20 =	vshll.u32 v11, $0x10  }
0xc8: {  	v24 =	vadd.s32 $0x2010, v14;
	v34 =	vld.idx.msk [tilespmem:v18+s2+$0x0], $0xffff;
	v11 =	vand.u32 $0xFFFF0000, v11;
	[tilespmem:s13+$0x0] =	vst v20  }
0xc9: {  	v26 =	vadd.s32 $0x3018, v12;
	v20 =	vld [tilespmem:s28+$0xFFFFFC20];
	[tilespmem:s15+$0x0] =	vst v11  }
0xca: {  	v43 =	vld [tilespmem:s28+$0x20]  }
0xcb: {  	v48 =	vld [tilespmem:s28+$0x420]  }
0xcc: {  	v28 =	vadd.s32 $0x1008, v25;
	v46 =	vshll.u32 v21, $0x3;
	v38 =	vld.idx.msk [tilespmem:v17+s2+$0x0], $0xffff  }
0xcd: {  	v23 =	vshll.u32 v23, $0x3;
	v42 =	vadd.s32 $0x3018, v46;
	v45 =	vshll.u32 v19, $0x3;
	v40 =	vld.idx.msk [tilespmem:v24+s2+$0x0], $0xffff  }
0xce: {  	v30 =	vshll.u32 v22, $0x3;
	v36 =	vadd.s32 $0x3018, v23;
	v41 =	vadd.s32 $0x2010, v45;
	v26 =	vld.idx.msk [tilespmem:v26+s2+$0x0], $0xffff  }
0xcf: {  	v52 =	vld [tilespmem:s28+$0xFFFFF800];
	v37 =	vadd.s32 $0x3019, v23;
	v55 =	vadd.s32 $0x301B, v23;
	v33 =	vadd.s32 $0x2010, v30  }
0xd0: {  	v50 =	vld [tilespmem:s28+$0xFFFFF810];
	v35 =	vadd.s32 $0x2011, v30;
	v22 =	vadd.s32 $0x2012, v30;
	v44 =	vshll.u32 v13, $0x3  }
0xd1: {  	v54 =	vadd.s32 $0x2013, v30;
	v39 =	vadd.s32 $0x1008, v44;
	v56 =	vld.idx.msk [tilespmem:v28+s2+$0x0], $0xffff;
	v47 =	vshll.u32 v20, $0x3  }
0xd2: {  	[tilespmem:$0x1FFE0] =	vst v7;
	v7 =	vmovc v6;
	v6 =	vmovc v62;
	v20 =	vadd.s32 $0x301A, v23;
	v62 =	vld.idx.msk [tilespmem:v42+s2+$0x0], $0xffff;
	v30 =	vshll.u32 v43, $0x3;
	v48 =	vshll.u32 v48, $0x3  }
0xd3: {  	v23 =	vadd.bf16 v38, v34;
	v34 =	vadd.s32 $0x2010, v30;
	v59 =	vld.idx.msk [tilespmem:v41+s2+$0x0], $0xffff;
	v40 =	vadd.bf16 v26, v40  }
0xd4: {  	s1 =	smov.u32 s31;
	s20 =	sadd.s32 $0x200, s20;
	s21 =	sadd.s32 $0x40, s21;
	v32 =	vadd.s32 $0x1009, v25;
	v53 =	vadd.s32 $0x100B, v25;
	v28 =	vld.idx.msk [tilespmem:v36+s2+$0x0], $0xffff;
	v57 =	vadd.s32 $0x3018, v48  }
0xd5: {  	s16 =	smov.u32 s0;
	s17 =	sand.u32 $0x1C00, s20;
	s18 =	sadd.s32 $0x30, s21;
	v21 =	vadd.s32 $0x100A, v25;
	v25 =	vor.u32 $0x1, v18;
	v51 =	vld [tilespmem:s28+$0xFFFFF820];
	v23 =	vadd.bf16 v40, v23  }
0xd6: {  	[dreg:$0x8] =	wrdreg s1;
	s0 =	sadd.s32 s17, s12;
	s1 =	sand.u32 $0x70, s18;
	v26 =	vld.idx.msk [tilespmem:v33+s2+$0x0], $0xffff;
	v33 =	vadd.s32 $0x1009, v15  }
0xd7: {  	v5 =	vmovc v4;
	v4 =	vmovc v3;
	v3 =	vmov v2;
	s5 =	sadd.s32 $0x200, s0;
	s22 =	sadd.s32 s1, s0;
	v60 =	vadd.s32 $0x2011, v14;
	v58 =	vld.idx.msk [tilespmem:v39+s2+$0x0], $0xffff;
	v43 =	vshll.u32 v23, $0x10  }
0xd8: {  	v2 =	vmovc v63;
	s23 =	sadd.s32 s1, s5;
	v63 =	vadd.s32 $0x3019, v12;
	v59 =	vadd.bf16 v62, v59;
	v62 =	vld.idx.msk [tilespmem:v34+s2+$0x0], $0xffff;
	v23 =	vand.u32 $0xFFFF0000, v23;
	[tilespmem:s22+$0x0] =	vst v43  }
0xd9: {  	v52 =	vshll.u32 v52, $0x3;
	v0 =	vadd.s32 $0x100A, v47;
	v57 =	vld.idx.msk [tilespmem:v57+s2+$0x0], $0xffff;
	[tilespmem:s23+$0x0] =	vst v23  }
0xda: {  	[tilespmem:$0x1FFD0] =	vst v0;
	v0 =	vld.idx.msk [tilespmem:v25+s2+$0x0], $0xffff  }
0xdb: {  	v1 =	vld.idx.msk [tilespmem:v33+s2+$0x0], $0xffff  }
0xdc: {  	v50 =	vshll.u32 v50, $0x3;
	v49 =	vadd.s32 $0x1008, v47;
	v60 =	vld.idx.msk [tilespmem:v60+s2+$0x0], $0xffff  }
0xdd: {  	v24 =	vadd.s32 $0x1009, v47;
	v51 =	vshll.u32 v51, $0x3;
	v41 =	vadd.s32 $0x3019, v48;
	v63 =	vld.idx.msk [tilespmem:v63+s2+$0x0], $0xffff  }
0xde: {  	v34 =	vadd.s32 $0x100B, v47;
	v47 =	vadd.s32 $0x301B, v48;
	v25 =	vadd.s32 $0x301A, v48;
	v48 =	vld.idx.msk [tilespmem:v52+s2+$0x0], $0xffff  }
0xdf: {  	v61 =	vor.u32 $0x1, v52;
	v40 =	vor.u32 $0x2, v52;
	v23 =	vor.u32 $0x3, v52;
	v52 =	vld.idx.msk [tilespmem:v2+s2+$0x0], $0xffff  }
0xe0: {  	v2 =	vld [tilespmem:$0x1FFF0]  }
0xe1: {  	v49 =	vld.idx.msk [tilespmem:v49+s2+$0x0], $0xffff  }
0xe2: {  	v27 =	vor.u32 $0x3, v50;
	v39 =	vor.u32 $0x2, v50;
	v43 =	vor.u32 $0x1, v50;
	v50 =	vld.idx.msk [tilespmem:v50+s2+$0x0], $0xffff  }
0xe3: {  	v42 =	vor.u32 $0x1, v51;
	v36 =	vor.u32 $0x2, v51;
	v33 =	vor.u32 $0x3, v51;
	v51 =	vld.idx.msk [tilespmem:v51+s2+$0x0], $0xffff  }
0xe4: {  	[dreg:$0x7] =	wrdreg s16;
	s3 =	sadd.s32 $0x10, s21;
	v0 =	vadd.bf16 v1, v0;
	v1 =	vadd.bf16 v63, v60  }
0xe5: {  	s19 =	sadd.s32 $0x20, s21;
	s11 =	sand.u32 $0x40, s21;
	s9 =	sand.u32 $0x50, s3;
	v31 =	vadd.s32 $0x1009, v44;
	v26 =	vadd.bf16 v28, v26;
	v60 =	vmovc v54;
	v54 =	vadd.bf16 v57, v62;
	v57 =	vld.idx.msk [tilespmem:v3+s2+$0x0], $0xffff  }
0xe6: {  	s10 =	sand.u32 $0x60, s19;
	s6 =	sadd.s32 $0x180, s0;
	s16 =	sadd.s32 $0x280, s0;
	v19 =	vadd.s32 $0x100A, v44;
	v48 =	vadd.bf16 v56, v48;
	v56 =	vld.idx.msk [tilespmem:v4+s2+$0x0], $0xffff;
	v0 =	vadd.bf16 v1, v0  }
0xe7: {  	s19 =	sadd.s32 s11, s6;
	s8 =	sadd.s32 s9, s6;
	s15 =	sadd.s32 $0x80, s0;
	v44 =	vadd.s32 $0x100B, v44;
	v3 =	vmovc v27;
	v27 =	vadd.bf16 v58, v50;
	v58 =	vadd.s32 $0x2012, v14;
	[tilespmem:$0x1FFF0] =	vst v60;
	v60 =	vld.idx.msk [tilespmem:v6+s2+$0x0], $0xffff  }
0xe8: {  	s31 =	sadd.s32 s10, s6;
	s3 =	sadd.s32 s1, s6;
	s6 =	sadd.s32 s1, s15;
	v63 =	vmovc v53;
	v62 =	vmovc v44;
	v44 =	vadd.bf16 v49, v51;
	v49 =	vadd.s32 $0x301A, v12;
	v53 =	vld.idx.msk [tilespmem:v2+s2+$0x0], $0xffff;
	v50 =	vshll.u32 v0, $0x10  }
0xe9: {  	s23 =	sadd.s32 s1, s16;
	v26 =	vadd.bf16 v26, v48;
	v0 =	vand.u32 $0xFFFF0000, v0;
	[tilespmem:s6+$0x0] =	vst v50;
	v50 =	vld.idx.msk [tilespmem:v5+s2+$0x0], $0xffff  }
0xea: {  	v1 =	vor.u32 $0x2, v18;
	[tilespmem:s23+$0x0] =	vst v0;
	v0 =	vld.idx.msk [tilespmem:v7+s2+$0x0], $0xffff  }
0xeb: {  	s22 =	sadd.s32 s11, s0;
	v44 =	vadd.bf16 v54, v44;
	v2 =	vmovc v55;
	v55 =	vadd.s32 $0x100A, v15;
	v54 =	vshll.u32 v26, $0x10;
	v5 =	vld [tilespmem:$0x1FFD0]  }
0xec: {  	s17 =	sadd.s32 s11, s5;
	v26 =	vand.u32 $0xFFFF0000, v26;
	[tilespmem:s22+$0x0] =	vst v54;
	v51 =	vld.idx.msk [tilespmem:v58+s2+$0x0], $0xffff  }
0xed: {  	[tilespmem:s17+$0x0] =	vst v26;
	v58 =	vld.idx.msk [tilespmem:v49+s2+$0x0], $0xffff  }
0xee: {  	v27 =	vadd.bf16 v59, v27;
	v61 =	vld.idx.msk [tilespmem:v61+s2+$0x0], $0xffff  }
0xef: {  	v11 =	vadd.s32 $0x3019, v46;
	v13 =	vadd.s32 $0x301A, v46;
	v46 =	vadd.s32 $0x301B, v46;
	v1 =	vld.idx.msk [tilespmem:v1+s2+$0x0], $0xffff  }
0xf0: {  	s18 =	sadd.s32 s9, s0;
	v29 =	vadd.s32 $0x2011, v45;
	v17 =	vadd.s32 $0x2012, v45;
	v6 =	vmovc v46;
	v46 =	vshll.u32 v27, $0x10;
	v48 =	vld.idx.msk [tilespmem:v55+s2+$0x0], $0xffff  }
0xf1: {  	s7 =	sadd.s32 s9, s5;
	v16 =	vadd.bf16 v52, v16;
	v27 =	vand.u32 $0xFFFF0000, v27;
	[tilespmem:s18+$0x0] =	vst v46;
	v32 =	vld.idx.msk [tilespmem:v32+s2+$0x0], $0xffff;
	v59 =	vadd.bf16 v57, v53  }
0xf2: {  	v45 =	vadd.s32 $0x2013, v45;
	[tilespmem:s7+$0x0] =	vst v27;
	v60 =	vadd.bf16 v60, v56;
	v54 =	vld.idx.msk [tilespmem:v37+s2+$0x0], $0xffff;
	v0 =	vadd.bf16 v0, v50  }
0xf3: {  	s14 =	sadd.s32 s10, s0;
	v38 =	vadd.s32 $0x2011, v30;
	v4 =	vmovc v45;
	v45 =	vshll.u32 v44, $0x10;
	v43 =	vld.idx.msk [tilespmem:v43+s2+$0x0], $0xffff;
	v16 =	vadd.bf16 v59, v16  }
0xf4: {  	s4 =	sadd.s32 s10, s5;
	v44 =	vand.u32 $0xFFFF0000, v44;
	[tilespmem:s14+$0x0] =	vst v45;
	v50 =	vld.idx.msk [tilespmem:v35+s2+$0x0], $0xffff;
	v26 =	vadd.bf16 v58, v51;
	v0 =	vadd.bf16 v0, v60  }
0xf5: {  	[tilespmem:s4+$0x0] =	vst v44;
	v31 =	vld.idx.msk [tilespmem:v31+s2+$0x0], $0xffff;
	v55 =	vshll.u32 v16, $0x10;
	v16 =	vand.u32 $0xFFFF0000, v16;
	v1 =	vadd.bf16 v48, v1  }
0xf6: {  	v29 =	vld.idx.msk [tilespmem:v29+s2+$0x0], $0xffff;
	[tilespmem:s30+$0x0] =	vst v16;
	v16 =	vshll.u32 v0, $0x10  }
0xf7: {  	v18 =	vor.u32 $0x3, v18;
	v24 =	vld.idx.msk [tilespmem:v24+s2+$0x0], $0xffff;
	[tilespmem:s25+$0x0] =	vst v16;
	v1 =	vadd.bf16 v26, v1  }
0xf8: {  	v14 =	vadd.s32 $0x2013, v14;
	v15 =	vadd.s32 $0x100B, v15;
	s7 =	sadd.s32 $0x100, s0;
	[tilespmem:s24+$0x0] =	vst v55;
	v0 =	vand.u32 $0xFFFF0000, v0;
	v11 =	vld.idx.msk [tilespmem:v11+s2+$0x0], $0xffff  }
0xf9: {  	s18 =	sadd.s32 $0x300, s0;
	v58 =	vld.idx.msk [tilespmem:v38+s2+$0x0], $0xffff;
	s24 =	smov.u32 s19;
	s19 =	sadd.s32 s1, s7;
	v16 =	vadd.bf16 v32, v61;
	v56 =	vadd.bf16 v54, v50;
	[tilespmem:s29+$0x0] =	vst v0;
	v57 =	vshll.u32 v1, $0x10  }
0xfa: {  	v12 =	vadd.s32 $0x301B, v12;
	s23 =	sadd.s32 s1, s18;
	v60 =	vld.idx.msk [tilespmem:v41+s2+$0x0], $0xffff;
	v1 =	vand.u32 $0xFFFF0000, v1;
	[tilespmem:s19+$0x0] =	vst v57  }
0xfb: {  	v0 =	vld.idx.msk [tilespmem:v42+s2+$0x0], $0xffff;
	v16 =	vadd.bf16 v56, v16;
	[tilespmem:s23+$0x0] =	vst v1  }
0xfc: {  	v1 =	vld.idx.msk [tilespmem:v18+s2+$0x0], $0xffff  }
0xfd: {  	s5 =	sadd.s32 s11, s15;
	v59 =	vadd.bf16 v31, v43;
	v18 =	vshll.u32 v16, $0x10;
	v15 =	vld.idx.msk [tilespmem:v15+s2+$0x0], $0xffff;
	v11 =	vadd.bf16 v11, v29  }
0xfe: {  	s12 =	sadd.s32 s11, s16;
	v16 =	vand.u32 $0xFFFF0000, v16;
	v14 =	vld.idx.msk [tilespmem:v14+s2+$0x0], $0xffff;
	[tilespmem:s5+$0x0] =	vst v18  }
0xff: {  	v12 =	vld.idx.msk [tilespmem:v12+s2+$0x0], $0xffff;
	[tilespmem:s12+$0x0] =	vst v16;
	v11 =	vadd.bf16 v11, v59  }
0x100: {  	v16 =	vld.idx.msk [tilespmem:v40+s2+$0x0], $0xffff  }
0x101: {  	s13 =	sadd.s32 s9, s15;
	v61 =	vadd.bf16 v60, v58;
	v0 =	vadd.bf16 v24, v0;
	v18 =	vld.idx.msk [tilespmem:v21+s2+$0x0], $0xffff;
	v21 =	vshll.u32 v11, $0x10  }
0x102: {  	s6 =	sadd.s32 s9, s16;
	v22 =	vld.idx.msk [tilespmem:v22+s2+$0x0], $0xffff;
	v11 =	vand.u32 $0xFFFF0000, v11;
	[tilespmem:s13+$0x0] =	vst v21  }
0x103: {  	v20 =	vld.idx.msk [tilespmem:v20+s2+$0x0], $0xffff;
	v0 =	vadd.bf16 v61, v0;
	[tilespmem:s6+$0x0] =	vst v11  }
0x104: {  	v21 =	vld.idx.msk [tilespmem:v39+s2+$0x0], $0xffff  }
0x105: {  	s15 =	sadd.s32 s10, s15;
	v28 =	vadd.s32 $0x2012, v30;
	v11 =	vshll.u32 v0, $0x10;
	v19 =	vld.idx.msk [tilespmem:v19+s2+$0x0], $0xffff  }
0x106: {  	s16 =	sadd.s32 s10, s16;
	v1 =	vadd.bf16 v15, v1;
	v12 =	vadd.bf16 v12, v14;
	v0 =	vand.u32 $0xFFFF0000, v0;
	v15 =	vld.idx.msk [tilespmem:v17+s2+$0x0], $0xffff;
	[tilespmem:s15+$0x0] =	vst v11  }
0x107: {  	v13 =	vld.idx.msk [tilespmem:v13+s2+$0x0], $0xffff;
	[tilespmem:s16+$0x0] =	vst v0  }
0x108: {  	v14 =	vadd.bf16 v18, v16;
	v0 =	vadd.bf16 v12, v1;
	v16 =	vld.idx.msk [tilespmem:v5+s2+$0x0], $0xffff  }
0x109: {  	s0 =	sadd.s32 $0x380, s0;
	v12 =	vadd.bf16 v20, v22;
	v5 =	vld [tilespmem:$0x1FFE0]  }
0x10a: {  	s1 =	sadd.s32 s1, s0;
	v1 =	vld.idx.msk [tilespmem:v36+s2+$0x0], $0xffff;
	v17 =	vshll.u32 v0, $0x10;
	v0 =	vand.u32 $0xFFFF0000, v0  }
0x10b: {  	s26 =	sadd.s32 $0x4, s26;
	v11 =	vld.idx.msk [tilespmem:v28+s2+$0x0], $0xffff;
	[tilespmem:s1+$0x0] =	vst v0;
	v0 =	vadd.bf16 v12, v14  }
0x10c: {  	p0 =	slt.u32 s26, $0x3C;
	v14 =	vld.idx.msk [tilespmem:v25+s2+$0x0], $0xffff  }
.Ltmp1:
0x10d: {  	s28 =	sadd.s32 $0x40, s28;
	s17 =	sadd.s32 s11, s7;
	[tilespmem:s3+$0x0] =	vst v17;
	v18 =	vadd.bf16 v19, v21;
	v17 =	vshll.u32 v0, $0x10;
	v13 =	vadd.bf16 v13, v15;
	v15 =	vld.idx.msk [tilespmem:v9+s2+$0x0], $0xffff;
	(pc) =	sbr.rel @p0 .LBB2_5-.Ltmp1, $4  }
0x10e: {  	s22 =	sadd.s32 s11, s18;
	s14 =	sadd.s32 s9, s18;
	s4 =	sadd.s32 s10, s7;
	v0 =	vand.u32 $0xFFFF0000, v0;
	[tilespmem:s17+$0x0] =	vst v17;
	v17 =	vld.idx.msk [tilespmem:v10+s2+$0x0], $0xffff  }
0x10f: {  	s30 =	sadd.s32 s11, s0;
	s25 =	smov.u32 s8;
	s12 =	rddreg [dreg:$0x3];
	[tilespmem:s22+$0x0] =	vst v0;
	v22 =	vadd.bf16 v13, v18;
	v18 =	vld.idx.msk [tilespmem:v8+s2+$0x0], $0xffff  }
0x110: {  	v30 =	vadd.s32 $0x2013, v30;
	s8 =	sadd.s32 s9, s7;
	s7 =	sadd.s32 s10, s18;
	s13 =	rddreg [dreg:$0x8];
	v20 =	vadd.bf16 v16, v1;
	v16 =	vld.idx.msk [tilespmem:v23+s2+$0x0], $0xffff  }
0x111: {  	v7 =	vmovc v33;
	s29 =	sadd.s32 s9, s0;
	s0 =	sadd.s32 s10, s0;
	s15 =	rddreg [dreg:$0x7];
	v9 =	vmov v34;
	v10 =	vmov v30;
	v8 =	vmov v47;
	v12 =	vld.idx.msk [tilespmem:v5+s2+$0x0], $0xffff  }
0x112: {  	v0 =	vshll.u32 v22, $0x10  }
0x113: {  	[tilespmem:s8+$0x0] =	vst v0  }
0x114: {  	v0 =	vld [tilespmem:$0x1FFF0]  }
0x115: {  	v1 =	vadd.bf16 v14, v11  }
0x116: {  	v11 =	vld.idx.msk [tilespmem:v63+s2+$0x0], $0xffff;
	v13 =	vand.u32 $0xFFFF0000, v22  }
0x117: {  	v2 =	vld.idx.msk [tilespmem:v2+s2+$0x0], $0xffff;
	[tilespmem:s14+$0x0] =	vst v13;
	v1 =	vadd.bf16 v1, v20  }
0x118: {  	v3 =	vld.idx.msk [tilespmem:v3+s2+$0x0], $0xffff  }
0x119: {  	v5 =	vld.idx.msk [tilespmem:v62+s2+$0x0], $0xffff;
	v13 =	vshll.u32 v1, $0x10  }
0x11a: {  	v4 =	vld.idx.msk [tilespmem:v4+s2+$0x0], $0xffff;
	v1 =	vand.u32 $0xFFFF0000, v1;
	[tilespmem:s4+$0x0] =	vst v13  }
0x11b: {  	[tilespmem:s7+$0x0] =	vst v1;
	v1 =	vld.idx.msk [tilespmem:v6+s2+$0x0], $0xffff  }
0x11c: {  	v0 =	vld.idx.msk [tilespmem:v0+s2+$0x0], $0xffff  }
0x11d: {  	v6 =	vld.idx.msk [tilespmem:v7+s2+$0x0], $0xffff  }
0x11e: {  	v9 =	vld.idx.msk [tilespmem:v9+s2+$0x0], $0xffff  }
0x11f: {  	v7 =	vadd.bf16 v15, v12;
	v12 =	vadd.bf16 v18, v17;
	v10 =	vld.idx.msk [tilespmem:v10+s2+$0x0], $0xffff  }
0x120: {  	v11 =	vadd.bf16 v11, v16;
	v8 =	vld.idx.msk [tilespmem:v8+s2+$0x0], $0xffff  }
0x121: {  	v7 =	vadd.bf16 v12, v7;
	v0 =	vadd.bf16 v2, v0  }
0x122: {  	v1 =	vadd.bf16 v1, v4  }
0x123: {  	v2 =	vadd.bf16 v5, v3;
	v3 =	vshll.u32 v7, $0x10;
	v0 =	vadd.bf16 v0, v11  }
0x124: {  	v4 =	vand.u32 $0xFFFF0000, v7;
	[tilespmem:s13+$0x0] =	vst v3;
	v3 =	vadd.bf16 v9, v6  }
0x125: {  	v1 =	vadd.bf16 v1, v2;
	[tilespmem:s15+$0x0] =	vst v4;
	v4 =	vadd.bf16 v8, v10;
	v2 =	vshll.u32 v0, $0x10  }
0x126: {  	v0 =	vand.u32 $0xFFFF0000, v0;
	[tilespmem:s24+$0x0] =	vst v2  }
0x127: {  	v2 =	vadd.bf16 v4, v3;
	[tilespmem:s30+$0x0] =	vst v0;
	v0 =	vshll.u32 v1, $0x10  }
0x128: {  	v1 =	vand.u32 $0xFFFF0000, v1;
	[tilespmem:s25+$0x0] =	vst v0  }
0x129: {  	v0 =	vshll.u32 v2, $0x10;
	[tilespmem:s29+$0x0] =	vst v1  }
0x12a: {  	v1 =	vand.u32 $0xFFFF0000, v2;
	[tilespmem:s31+$0x0] =	vst v0  }
0x12b: {  	[tilespmem:s0+$0x0] =	vst v1  }
0x12c: {  	s0 =	rddreg [dreg:$0x13]  }
0x12d: {  	s1 =	sshll.u32 s0, $0x2  }
0x12e: {  	s0 =	sadd.s32 $0x5C50, s0;
	[dreg:$0x14] =	wrdreg s1  }
0x12f: {  	v0 =	vld [tilespmem:s0+$0xFFFFF400]  }
0x130: {  	v1 =	vld [tilespmem:s0+$0xFFFFF800]  }
0x131: {  	v2 =	vld [tilespmem:s0+$0xFFFFFC00]  }
0x132: {  	v3 =	vld [tilespmem:s0+$0x0];
	_ =	sdelay $0x2  }
0x133: {  	v9 =	vshll.u32 v0, $0x3;
	v7 =	vshll.u32 v1, $0x3  }
0x134: {  	v6 =	vshll.u32 v2, $0x3;
	v0 =	vadd.s32 $0x1008, v7  }
0x135: {  	v5 =	vshll.u32 v3, $0x3;
	v1 =	vadd.s32 $0x2010, v6  }
0x136: {  	v8 =	vld [tilespmem:s0+$0xFFFFFBD0];
	v3 =	vadd.s32 $0x3018, v5  }
0x137: {  	v2 =	vld [tilespmem:s0+$0xFFFFF7D0]  }
0x138: {  	v10 =	vld.idx.msk [tilespmem:v9+s2+$0x0], $0xffff  }
0x139: {  	v0 =	vld.idx.msk [tilespmem:v0+s2+$0x0], $0xffff  }
0x13a: {  	v1 =	vld.idx.msk [tilespmem:v1+s2+$0x0], $0xffff  }
0x13b: {  	v3 =	vld.idx.msk [tilespmem:v3+s2+$0x0], $0xffff  }
0x13c: {  	v12 =	vld [tilespmem:s0+$0xFFFFFFD0]  }
0x13d: {  	v13 =	vld [tilespmem:s0+$0xFFFFF7E0]  }
0x13e: {  	v14 =	vld [tilespmem:s0+$0xFFFFFBE0]  }
0x13f: {  	v18 =	vld [tilespmem:s0+$0xFFFFFFE0]  }
0x140: {  	s6 =	simm.s32 $0x0;
	v19 =	vld [tilespmem:s0+$0xFFFFFFF0];
	v4 =	vshll.u32 v2, $0x3;
	v0 =	vadd.bf16 v0, v10;
	v1 =	vadd.bf16 v3, v1  }
0x141: {  	s17 =	sand.u32 $0x1C00, s6;
	v21 =	vld [tilespmem:s0+$0xFFFFF3D0];
	v3 =	vadd.s32 $0x1008, v4  }
0x142: {  	s18 =	simm.s32 $0x30;
	s23 =	sadd.s32 s17, s12;
	v20 =	vld [tilespmem:s0+$0xFFFFF3E0];
	v0 =	vadd.bf16 v1, v0;
	v1 =	vor.u32 $0x1, v9  }
0x143: {  	s22 =	sand.u32 $0x70, s18;
	s19 =	sadd.s32 $0x2000, s23;
	v17 =	vadd.s32 $0x1009, v7;
	v2 =	vld [tilespmem:s0+$0xFFFFF7F0]  }
0x144: {  	s5 =	sadd.s32 $0x2200, s23;
	s1 =	sadd.s32 s22, s19;
	v23 =	vld [tilespmem:s0+$0xFFFFF3F0];
	v22 =	vadd.s32 $0x2011, v6;
	v15 =	vshll.u32 v0, $0x10  }
0x145: {  	s20 =	sadd.s32 s22, s5;
	v24 =	vadd.s32 $0x3019, v5;
	v10 =	vld [tilespmem:s0+$0xFFFFFBF0];
	v0 =	vand.u32 $0xFFFF0000, v0;
	[tilespmem:s1+$0x0] =	vst v15  }
0x146: {  	v11 =	vshll.u32 v8, $0x3;
	v16 =	vshll.u32 v12, $0x3;
	v8 =	vshll.u32 v21, $0x3;
	v12 =	vld.idx.msk [tilespmem:v3+s2+$0x0], $0xffff;
	[tilespmem:s20+$0x0] =	vst v0  }
0x147: {  	v25 =	vadd.s32 $0x2010, v11;
	v15 =	vshll.u32 v13, $0x3;
	v13 =	vld.idx.msk [tilespmem:v1+s2+$0x0], $0xffff  }
0x148: {  	v2 =	vshll.u32 v2, $0x3;
	v3 =	vadd.s32 $0x3018, v16;
	v27 =	vld.idx.msk [tilespmem:v17+s2+$0x0], $0xffff  }
0x149: {  	v28 =	vadd.s32 $0x1008, v2;
	v26 =	vadd.s32 $0x1008, v15;
	v21 =	vld.idx.msk [tilespmem:v22+s2+$0x0], $0xffff  }
0x14a: {  	v0 =	vshll.u32 v10, $0x3;
	v17 =	vshll.u32 v14, $0x3;
	v14 =	vshll.u32 v18, $0x3;
	v18 =	vld.idx.msk [tilespmem:v24+s2+$0x0], $0xffff  }
0x14b: {  	v30 =	vld.idx.msk [tilespmem:v8+s2+$0x0], $0xffff;
	v29 =	vadd.s32 $0x2010, v0  }
0x14c: {  	v20 =	vshll.u32 v20, $0x3;
	v25 =	vld.idx.msk [tilespmem:v25+s2+$0x0], $0xffff  }
0x14d: {  	v22 =	vadd.s32 $0x2010, v17;
	v10 =	vld.idx.msk [tilespmem:v3+s2+$0x0], $0xffff  }
0x14e: {  	v1 =	vshll.u32 v19, $0x3;
	v42 =	vadd.s32 $0x3018, v14;
	v3 =	vshll.u32 v23, $0x3;
	v23 =	vld.idx.msk [tilespmem:v28+s2+$0x0], $0xffff  }
0x14f: {  	v43 =	vadd.s32 $0x3018, v1;
	v19 =	vld.idx.msk [tilespmem:v26+s2+$0x0], $0xffff;
	v13 =	vadd.bf16 v27, v13;
	v18 =	vadd.bf16 v18, v21  }
0x150: {  	v44 =	vld.idx.msk [tilespmem:v29+s2+$0x0], $0xffff  }
0x151: {  	v29 =	vld.idx.msk [tilespmem:v20+s2+$0x0], $0xffff;
	v13 =	vadd.bf16 v18, v13;
	v18 =	vor.u32 $0x2, v9  }
0x152: {  	s3 =	sadd.s32 $0x2080, s23;
	v45 =	vadd.s32 $0x100A, v7;
	v12 =	vadd.bf16 v12, v30;
	v22 =	vld.idx.msk [tilespmem:v22+s2+$0x0], $0xffff  }
0x153: {  	s21 =	sadd.s32 $0x2280, s23;
	s25 =	sadd.s32 s22, s3;
	v28 =	vadd.s32 $0x2012, v6;
	v21 =	vld.idx.msk [tilespmem:v42+s2+$0x0], $0xffff;
	v10 =	vadd.bf16 v10, v25;
	v46 =	vshll.u32 v13, $0x10  }
0x154: {  	s26 =	sadd.s32 s22, s21;
	v47 =	vadd.s32 $0x301A, v5;
	v26 =	vld.idx.msk [tilespmem:v43+s2+$0x0], $0xffff;
	v13 =	vand.u32 $0xFFFF0000, v13;
	[tilespmem:s25+$0x0] =	vst v46  }
0x155: {  	v30 =	vor.u32 $0x1, v8;
	v31 =	vld.idx.msk [tilespmem:v3+s2+$0x0], $0xffff;
	v10 =	vadd.bf16 v10, v12;
	[tilespmem:s26+$0x0] =	vst v13  }
0x156: {  	s24 =	sand.u32 $0x40, s6;
	v12 =	vadd.s32 $0x1009, v4;
	v13 =	vld.idx.msk [tilespmem:v18+s2+$0x0], $0xffff  }
0x157: {  	s6 =	sadd.s32 s24, s19;
	v33 =	vadd.s32 $0x3019, v16;
	v19 =	vadd.bf16 v19, v29;
	v32 =	vshll.u32 v10, $0x10;
	v25 =	vld.idx.msk [tilespmem:v45+s2+$0x0], $0xffff  }
0x158: {  	s8 =	sadd.s32 s24, s5;
	v21 =	vadd.bf16 v21, v22;
	v18 =	vadd.s32 $0x2011, v11;
	v10 =	vand.u32 $0xFFFF0000, v10;
	v28 =	vld.idx.msk [tilespmem:v28+s2+$0x0], $0xffff;
	[tilespmem:s6+$0x0] =	vst v32  }
0x159: {  	[tilespmem:s8+$0x0] =	vst v10;
	v10 =	vld.idx.msk [tilespmem:v47+s2+$0x0], $0xffff  }
0x15a: {  	s9 =	simm.s32 $0x10;
	v48 =	vor.u32 $0x1, v20;
	v19 =	vadd.bf16 v21, v19;
	v22 =	vld.idx.msk [tilespmem:v30+s2+$0x0], $0xffff  }
0x15b: {  	v29 =	vadd.s32 $0x2011, v17;
	s25 =	sand.u32 $0x50, s9;
	v21 =	vadd.s32 $0x1009, v15;
	v12 =	vld.idx.msk [tilespmem:v12+s2+$0x0], $0xffff  }
0x15c: {  	v24 =	vadd.bf16 v26, v44;
	s6 =	sadd.s32 s25, s19;
	v23 =	vadd.bf16 v23, v31;
	v49 =	vshll.u32 v19, $0x10;
	v30 =	vld.idx.msk [tilespmem:v33+s2+$0x0], $0xffff  }
0x15d: {  	s10 =	sadd.s32 s25, s5;
	v31 =	vadd.s32 $0x3019, v14;
	v19 =	vand.u32 $0xFFFF0000, v19;
	[tilespmem:s6+$0x0] =	vst v49;
	v18 =	vld.idx.msk [tilespmem:v18+s2+$0x0], $0xffff  }
0x15e: {  	s11 =	simm.s32 $0x20;
	v51 =	vor.u32 $0x1, v3;
	v23 =	vadd.bf16 v24, v23;
	[tilespmem:s10+$0x0] =	vst v19  }
0x15f: {  	v50 =	vadd.s32 $0x1009, v2;
	s26 =	sand.u32 $0x60, s11;
	v19 =	vadd.s32 $0x2011, v0;
	v52 =	vld.idx.msk [tilespmem:v48+s2+$0x0], $0xffff  }
0x160: {  	s4 =	sadd.s32 s26, s19;
	v13 =	vadd.bf16 v25, v13;
	v54 =	vshll.u32 v23, $0x10;
	v21 =	vld.idx.msk [tilespmem:v21+s2+$0x0], $0xffff;
	v10 =	vadd.bf16 v10, v28  }
0x161: {  	v53 =	vadd.s32 $0x3019, v1;
	s5 =	sadd.s32 s26, s5;
	[tilespmem:s4+$0x0] =	vst v54;
	v12 =	vadd.bf16 v12, v22;
	v22 =	vand.u32 $0xFFFF0000, v23;
	v23 =	vld.idx.msk [tilespmem:v29+s2+$0x0], $0xffff  }
0x162: {  	v9 =	vor.u32 $0x3, v9;
	v10 =	vadd.bf16 v10, v13;
	[tilespmem:s5+$0x0] =	vst v22;
	v13 =	vadd.bf16 v30, v18;
	v18 =	vld.idx.msk [tilespmem:v31+s2+$0x0], $0xffff  }
0x163: {  	s29 =	sadd.s32 $0x2100, s23;
	v7 =	vadd.s32 $0x100B, v7;
	v28 =	vld.idx.msk [tilespmem:v51+s2+$0x0], $0xffff  }
0x164: {  	s28 =	sadd.s32 $0x2300, s23;
	s13 =	sadd.s32 s22, s29;
	v6 =	vadd.s32 $0x2013, v6;
	v26 =	vld.idx.msk [tilespmem:v50+s2+$0x0], $0xffff;
	v22 =	vshll.u32 v10, $0x10  }
0x165: {  	s14 =	sadd.s32 s22, s28;
	v5 =	vadd.s32 $0x301B, v5;
	v19 =	vld.idx.msk [tilespmem:v19+s2+$0x0], $0xffff;
	v10 =	vand.u32 $0xFFFF0000, v10;
	v12 =	vadd.bf16 v13, v12;
	[tilespmem:s13+$0x0] =	vst v22  }
0x166: {  	v55 =	vor.u32 $0x2, v8;
	v31 =	vld.idx.msk [tilespmem:v53+s2+$0x0], $0xffff;
	[tilespmem:s14+$0x0] =	vst v10  }
0x167: {  	s15 =	sadd.s32 s24, s3;
	v13 =	vadd.s32 $0x100A, v4;
	v10 =	vshll.u32 v12, $0x10;
	v22 =	vld.idx.msk [tilespmem:v9+s2+$0x0], $0xffff  }
0x168: {  	v29 =	vadd.s32 $0x2012, v11;
	v9 =	vadd.bf16 v21, v52;
	v25 =	vld.idx.msk [tilespmem:v7+s2+$0x0], $0xffff;
	[tilespmem:s15+$0x0] =	vst v10;
	v10 =	vadd.bf16 v18, v23  }
0x169: {  	s16 =	sadd.s32 s24, s21;
	v30 =	vadd.s32 $0x301A, v16;
	v12 =	vand.u32 $0xFFFF0000, v12;
	v7 =	vadd.bf16 v26, v28;
	v26 =	vld.idx.msk [tilespmem:v6+s2+$0x0], $0xffff  }
0x16a: {  	v18 =	vor.u32 $0x2, v20;
	v28 =	vld.idx.msk [tilespmem:v5+s2+$0x0], $0xffff;
	[tilespmem:s16+$0x0] =	vst v12;
	v9 =	vadd.bf16 v10, v9  }
0x16b: {  	v21 =	vadd.s32 $0x100A, v15;
	v12 =	vld.idx.msk [tilespmem:v55+s2+$0x0], $0xffff  }
0x16c: {  	s17 =	sadd.s32 s25, s3;
	v23 =	vadd.s32 $0x2012, v17;
	v19 =	vadd.bf16 v31, v19;
	v13 =	vld.idx.msk [tilespmem:v13+s2+$0x0], $0xffff;
	v57 =	vshll.u32 v9, $0x10  }
0x16d: {  	s18 =	sadd.s32 s25, s21;
	v10 =	vld.idx.msk [tilespmem:v29+s2+$0x0], $0xffff;
	v29 =	vadd.s32 $0x301A, v14;
	v6 =	vand.u32 $0xFFFF0000, v9;
	[tilespmem:s17+$0x0] =	vst v57  }
0x16e: {  	v56 =	vld.idx.msk [tilespmem:v30+s2+$0x0], $0xffff;
	v5 =	vadd.bf16 v19, v7;
	v9 =	vor.u32 $0x2, v3;
	[tilespmem:s18+$0x0] =	vst v6  }
0x16f: {  	v7 =	vadd.s32 $0x2012, v0;
	v36 =	vld.idx.msk [tilespmem:v18+s2+$0x0], $0xffff  }
0x170: {  	s3 =	sadd.s32 s26, s3;
	v37 =	vld.idx.msk [tilespmem:v21+s2+$0x0], $0xffff;
	v18 =	vshll.u32 v5, $0x10  }
0x171: {  	s1 =	sadd.s32 s26, s21;
	v38 =	vld.idx.msk [tilespmem:v23+s2+$0x0], $0xffff;
	v5 =	vand.u32 $0xFFFF0000, v5;
	[tilespmem:s3+$0x0] =	vst v18  }
0x172: {  	v39 =	vld.idx.msk [tilespmem:v29+s2+$0x0], $0xffff;
	[tilespmem:s1+$0x0] =	vst v5  }
0x173: {  	v27 =	vld.idx.msk [tilespmem:v9+s2+$0x0], $0xffff  }
0x174: {  	v6 =	vadd.s32 $0x100A, v2;
	s1 =	sadd.s32 $0x40, s0;
	v30 =	vld.idx.msk [tilespmem:v7+s2+$0x0], $0xffff  }
0x175: {  	v12 =	vadd.bf16 v13, v12;
	v10 =	vadd.bf16 v56, v10;
	v7 =	vld [tilespmem:s1+$0xFFFFFC00]  }
0x176: {  	v9 =	vld [tilespmem:s1+$0xFFFFF7D0]  }
0x177: {  	v8 =	vor.u32 $0x3, v8;
	v5 =	vadd.bf16 v10, v12;
	v10 =	vld [tilespmem:s1+$0xFFFFFBD0]  }
0x178: {  	v21 =	vld [tilespmem:s1+$0xFFFFF7F0]  }
0x179: {  	s19 =	sadd.s32 s24, s29;
	v29 =	vld.idx.msk [tilespmem:v6+s2+$0x0], $0xffff;
	v6 =	vshll.u32 v5, $0x10  }
0x17a: {  	s20 =	sadd.s32 s24, s28;
	v5 =	vand.u32 $0xFFFF0000, v5;
	[tilespmem:s19+$0x0] =	vst v6;
	v6 =	vld [tilespmem:s1+$0xFFFFF800]  }
0x17b: {  	[tilespmem:s20+$0x0] =	vst v5;
	v5 =	vld [tilespmem:s1+$0xFFFFF400]  }
0x17c: {  	v13 =	vadd.s32 $0x301A, v1;
	v24 =	vld.idx.msk [tilespmem:v8+s2+$0x0], $0xffff  }
0x17d: {  	v8 =	vld [tilespmem:s1+$0x0]  }
0x17e: {  	v45 =	vld [tilespmem:s1+$0xFFFFF3E0]  }
0x17f: {  	v47 =	vld [tilespmem:s1+$0xFFFFF3F0];
	v33 =	vshll.u32 v7, $0x3  }
0x180: {  	v50 =	vld [tilespmem:s1+$0xFFFFF3D0];
	v12 =	vadd.s32 $0x2010, v33  }
0x181: {  	v31 =	vld.idx.msk [tilespmem:v13+s2+$0x0], $0xffff;
	v34 =	vshll.u32 v6, $0x3;
	v35 =	vshll.u32 v5, $0x3  }
0x182: {  	v13 =	vld [tilespmem:s1+$0xFFFFFFD0];
	v6 =	vadd.s32 $0x1008, v34;
	v32 =	vshll.u32 v8, $0x3  }
0x183: {  	v5 =	vld [tilespmem:s1+$0xFFFFF7E0];
	v19 =	vadd.s32 $0x3018, v32  }
0x184: {  	v4 =	vadd.s32 $0x100B, v4;
	v8 =	vld [tilespmem:s1+$0xFFFFFFE0]  }
0x185: {  	v11 =	vadd.s32 $0x2013, v11;
	v41 =	vld.idx.msk [tilespmem:v12+s2+$0x0], $0xffff  }
0x186: {  	v16 =	vadd.s32 $0x301B, v16;
	v23 =	vld.idx.msk [tilespmem:v35+s2+$0x0], $0xffff  }
0x187: {  	v40 =	vld.idx.msk [tilespmem:v6+s2+$0x0], $0xffff  }
0x188: {  	v19 =	vld.idx.msk [tilespmem:v19+s2+$0x0], $0xffff  }
0x189: {  	v4 =	vld.idx.msk [tilespmem:v4+s2+$0x0], $0xffff;
	v18 =	vshll.u32 v9, $0x3  }
0x18a: {  	v11 =	vld.idx.msk [tilespmem:v11+s2+$0x0], $0xffff;
	v42 =	vadd.s32 $0x1008, v18;
	v9 =	vshll.u32 v13, $0x3  }
0x18b: {  	v16 =	vld.idx.msk [tilespmem:v16+s2+$0x0], $0xffff;
	v44 =	vadd.s32 $0x3018, v9;
	v12 =	vshll.u32 v10, $0x3;
	v5 =	vshll.u32 v5, $0x3  }
0x18c: {  	v7 =	vld [tilespmem:s1+$0xFFFFFBE0];
	v43 =	vadd.s32 $0x2010, v12;
	v46 =	vadd.s32 $0x1008, v5;
	v6 =	vshll.u32 v8, $0x3  }
0x18d: {  	s19 =	simm.s32 $0x200;
	v13 =	vld [tilespmem:s1+$0xFFFFFFF0];
	v8 =	vshll.u32 v21, $0x3;
	v21 =	vadd.bf16 v40, v23;
	v19 =	vadd.bf16 v19, v41  }
0x18e: {  	s21 =	sand.u32 $0x1C00, s19;
	v10 =	vld [tilespmem:s1+$0xFFFFFBF0];
	v23 =	vadd.s32 $0x1008, v8  }
0x18f: {  	s3 =	simm.s32 $0x70;
	s31 =	sadd.s32 s21, s12;
	v42 =	vld.idx.msk [tilespmem:v42+s2+$0x0], $0xffff;
	v19 =	vadd.bf16 v19, v21;
	v21 =	vor.u32 $0x1, v35  }
0x190: {  	s30 =	sand.u32 $0x70, s3;
	s4 =	sadd.s32 $0x2000, s31;
	v59 =	vadd.s32 $0x1009, v34;
	v58 =	vld.idx.msk [tilespmem:v44+s2+$0x0], $0xffff  }
0x191: {  	s20 =	sadd.s32 $0x2200, s31;
	s0 =	sadd.s32 s30, s4;
	v51 =	vadd.s32 $0x2011, v33;
	v40 =	vld.idx.msk [tilespmem:v43+s2+$0x0], $0xffff;
	v60 =	vshll.u32 v19, $0x10  }
0x192: {  	s6 =	sadd.s32 s30, s20;
	v7 =	vshll.u32 v7, $0x3;
	v61 =	vadd.s32 $0x3019, v32;
	v43 =	vld.idx.msk [tilespmem:v46+s2+$0x0], $0xffff;
	v19 =	vand.u32 $0xFFFF0000, v19;
	[tilespmem:s0+$0x0] =	vst v60  }
0x193: {  	v48 =	vadd.s32 $0x2010, v7;
	v53 =	vld.idx.msk [tilespmem:v23+s2+$0x0], $0xffff;
	[tilespmem:s6+$0x0] =	vst v19  }
0x194: {  	v49 =	vadd.s32 $0x3018, v6;
	v10 =	vshll.u32 v10, $0x3;
	v55 =	vld.idx.msk [tilespmem:v21+s2+$0x0], $0xffff  }
0x195: {  	v52 =	vadd.s32 $0x2010, v10;
	v44 =	vld.idx.msk [tilespmem:v59+s2+$0x0], $0xffff  }
0x196: {  	v13 =	vshll.u32 v13, $0x3;
	v23 =	vshll.u32 v50, $0x3;
	v62 =	vld.idx.msk [tilespmem:v51+s2+$0x0], $0xffff  }
0x197: {  	v54 =	vadd.s32 $0x3018, v13;
	v63 =	vld.idx.msk [tilespmem:v61+s2+$0x0], $0xffff  }
0x198: {  	v36 =	vadd.bf16 v37, v36;
	v46 =	vld.idx.msk [tilespmem:v48+s2+$0x0], $0xffff;
	v19 =	vshll.u32 v47, $0x3;
	v51 =	vadd.bf16 v39, v38  }
0x199: {  	v49 =	vld.idx.msk [tilespmem:v49+s2+$0x0], $0xffff;
	v21 =	vshll.u32 v45, $0x3  }
0x19a: {  	v20 =	vor.u32 $0x3, v20;
	v48 =	vld.idx.msk [tilespmem:v52+s2+$0x0], $0xffff;
	v36 =	vadd.bf16 v51, v36  }
0x19b: {  	v15 =	vadd.s32 $0x100B, v15;
	v17 =	vadd.s32 $0x2013, v17;
	v52 =	vld.idx.msk [tilespmem:v23+s2+$0x0], $0xffff  }
0x19c: {  	s7 =	sadd.s32 s25, s29;
	v38 =	vld.idx.msk [tilespmem:v54+s2+$0x0], $0xffff;
	v44 =	vadd.bf16 v44, v55;
	v45 =	vadd.bf16 v63, v62;
	v55 =	vshll.u32 v36, $0x10  }
0x19d: {  	s8 =	sadd.s32 s25, s28;
	v14 =	vadd.s32 $0x301B, v14;
	v50 =	vld.idx.msk [tilespmem:v19+s2+$0x0], $0xffff;
	v36 =	vand.u32 $0xFFFF0000, v36;
	[tilespmem:s7+$0x0] =	vst v55  }
0x19e: {  	v57 =	vor.u32 $0x2, v35;
	v54 =	vld.idx.msk [tilespmem:v21+s2+$0x0], $0xffff;
	[tilespmem:s8+$0x0] =	vst v36;
	v56 =	vadd.bf16 v45, v44  }
0x19f: {  	s11 =	sadd.s32 $0x2080, s31;
	v40 =	vadd.bf16 v58, v40;
	v58 =	vadd.s32 $0x100A, v34;
	v20 =	vld.idx.msk [tilespmem:v20+s2+$0x0], $0xffff  }
0x1a0: {  	s10 =	sadd.s32 $0x2280, s31;
	s9 =	sadd.s32 s30, s11;
	v60 =	vadd.s32 $0x2012, v33;
	v39 =	vadd.bf16 v42, v52;
	v15 =	vld.idx.msk [tilespmem:v15+s2+$0x0], $0xffff;
	v59 =	vshll.u32 v56, $0x10  }
0x1a1: {  	s13 =	sadd.s32 s30, s10;
	v61 =	vadd.s32 $0x301A, v32;
	v17 =	vld.idx.msk [tilespmem:v17+s2+$0x0], $0xffff;
	v36 =	vand.u32 $0xFFFF0000, v56;
	[tilespmem:s9+$0x0] =	vst v59  }
0x1a2: {  	s21 =	simm.s32 $0x40;
	v62 =	vor.u32 $0x1, v23;
	v39 =	vadd.bf16 v40, v39;
	v14 =	vld.idx.msk [tilespmem:v14+s2+$0x0], $0xffff;
	[tilespmem:s13+$0x0] =	vst v36  }
0x1a3: {  	s0 =	sand.u32 $0x40, s21;
	v46 =	vadd.bf16 v49, v46;
	v63 =	vadd.s32 $0x1009, v18;
	v44 =	vld.idx.msk [tilespmem:v57+s2+$0x0], $0xffff  }
0x1a4: {  	s14 =	sadd.s32 s0, s4;
	v52 =	vadd.s32 $0x2011, v12;
	v37 =	vadd.bf16 v43, v54;
	v54 =	vshll.u32 v39, $0x10;
	v41 =	vld.idx.msk [tilespmem:v58+s2+$0x0], $0xffff  }
0x1a5: {  	s15 =	sadd.s32 s0, s20;
	v55 =	vadd.s32 $0x3019, v9;
	v39 =	vand.u32 $0xFFFF0000, v39;
	[tilespmem:s14+$0x0] =	vst v54;
	v45 =	vld.idx.msk [tilespmem:v60+s2+$0x0], $0xffff  }
0x1a6: {  	s16 =	simm.s32 $0x50;
	v56 =	vor.u32 $0x1, v21;
	v37 =	vadd.bf16 v46, v37;
	[tilespmem:s15+$0x0] =	vst v39;
	v57 =	vld.idx.msk [tilespmem:v61+s2+$0x0], $0xffff  }
0x1a7: {  	s3 =	sand.u32 $0x50, s16;
	v38 =	vadd.bf16 v38, v48;
	v58 =	vadd.s32 $0x1009, v5;
	v40 =	vld.idx.msk [tilespmem:v62+s2+$0x0], $0xffff  }
0x1a8: {  	s6 =	sadd.s32 s3, s4;
	v59 =	vadd.s32 $0x2011, v7;
	v60 =	vadd.bf16 v53, v50;
	v36 =	vld.idx.msk [tilespmem:v63+s2+$0x0], $0xffff;
	v61 =	vshll.u32 v37, $0x10  }
0x1a9: {  	s17 =	sadd.s32 s3, s20;
	v62 =	vadd.s32 $0x3019, v6;
	v47 =	vld.idx.msk [tilespmem:v52+s2+$0x0], $0xffff;
	v37 =	vand.u32 $0xFFFF0000, v37;
	[tilespmem:s6+$0x0] =	vst v61  }
0x1aa: {  	s18 =	simm.s32 $0x60;
	v63 =	vor.u32 $0x1, v19;
	v52 =	vld.idx.msk [tilespmem:v55+s2+$0x0], $0xffff;
	v38 =	vadd.bf16 v38, v60;
	[tilespmem:s17+$0x0] =	vst v37  }
0x1ab: {  	s9 =	sand.u32 $0x60, s18;
	v54 =	vadd.s32 $0x2011, v10;
	v53 =	vadd.s32 $0x1009, v8;
	v46 =	vld.idx.msk [tilespmem:v56+s2+$0x0], $0xffff  }
0x1ac: {  	s5 =	sadd.s32 s9, s4;
	v55 =	vshll.u32 v38, $0x10;
	v41 =	vadd.bf16 v41, v44;
	v39 =	vadd.bf16 v57, v45;
	v42 =	vld.idx.msk [tilespmem:v58+s2+$0x0], $0xffff  }
0x1ad: {  	v22 =	vadd.bf16 v25, v22;
	s4 =	sadd.s32 s9, s20;
	v38 =	vand.u32 $0xFFFF0000, v38;
	[tilespmem:s5+$0x0] =	vst v55;
	v56 =	vadd.s32 $0x3019, v13;
	v48 =	vld.idx.msk [tilespmem:v59+s2+$0x0], $0xffff  }
0x1ae: {  	v26 =	vadd.bf16 v28, v26;
	v35 =	vor.u32 $0x3, v35;
	[tilespmem:s4+$0x0] =	vst v38;
	v58 =	vld.idx.msk [tilespmem:v62+s2+$0x0], $0xffff;
	v57 =	vadd.bf16 v39, v41  }
0x1af: {  	v27 =	vadd.bf16 v29, v27;
	v34 =	vadd.s32 $0x100B, v34;
	v33 =	vadd.s32 $0x2013, v33;
	s4 =	sadd.s32 $0x2100, s31;
	v59 =	vld.idx.msk [tilespmem:v63+s2+$0x0], $0xffff  }
0x1b0: {  	s7 =	sadd.s32 $0x2300, s31;
	v28 =	vadd.bf16 v36, v40;
	v37 =	vadd.bf16 v52, v47;
	v60 =	vld.idx.msk [tilespmem:v53+s2+$0x0], $0xffff;
	s20 =	sadd.s32 s30, s4;
	v61 =	vshll.u32 v57, $0x10  }
0x1b1: {  	v29 =	vadd.bf16 v31, v30;
	v32 =	vadd.s32 $0x301B, v32;
	s6 =	sadd.s32 s30, s7;
	v62 =	vld.idx.msk [tilespmem:v54+s2+$0x0], $0xffff;
	v25 =	vand.u32 $0xFFFF0000, v57;
	[tilespmem:s20+$0x0] =	vst v61  }
0x1b2: {  	v22 =	vadd.bf16 v26, v22;
	v44 =	vor.u32 $0x2, v23;
	v63 =	vadd.bf16 v37, v28;
	v28 =	vld.idx.msk [tilespmem:v56+s2+$0x0], $0xffff;
	[tilespmem:s6+$0x0] =	vst v25  }
0x1b3: {  	v30 =	vadd.s32 $0x100A, v18;
	v27 =	vadd.bf16 v29, v27;
	v45 =	vadd.s32 $0x2012, v12;
	v31 =	vld.idx.msk [tilespmem:v35+s2+$0x0], $0xffff  }
0x1b4: {  	s8 =	sadd.s32 s0, s11;
	v46 =	vadd.bf16 v42, v46;
	v47 =	vshll.u32 v63, $0x10;
	v38 =	vadd.bf16 v58, v48;
	v34 =	vld.idx.msk [tilespmem:v34+s2+$0x0], $0xffff  }
0x1b5: {  	v4 =	vadd.bf16 v4, v24;
	s13 =	sadd.s32 s0, s10;
	v26 =	vand.u32 $0xFFFF0000, v63;
	[tilespmem:s8+$0x0] =	vst v47;
	v48 =	vadd.s32 $0x301A, v9;
	v33 =	vld.idx.msk [tilespmem:v33+s2+$0x0], $0xffff  }
0x1b6: {  	v11 =	vadd.bf16 v16, v11;
	v50 =	vor.u32 $0x2, v21;
	[tilespmem:s13+$0x0] =	vst v26;
	v49 =	vld.idx.msk [tilespmem:v32+s2+$0x0], $0xffff;
	v16 =	vadd.bf16 v38, v46  }
0x1b7: {  	v15 =	vadd.bf16 v15, v20;
	v20 =	vadd.s32 $0x100A, v5;
	v14 =	vadd.bf16 v14, v17;
	v25 =	vld.idx.msk [tilespmem:v44+s2+$0x0], $0xffff  }
0x1b8: {  	v29 =	vadd.s32 $0x2012, v7;
	v4 =	vadd.bf16 v11, v4;
	s14 =	sadd.s32 s3, s11;
	v17 =	vld.idx.msk [tilespmem:v30+s2+$0x0], $0xffff;
	v51 =	vshll.u32 v16, $0x10  }
0x1b9: {  	s15 =	sadd.s32 s3, s10;
	v14 =	vadd.bf16 v14, v15;
	v52 =	vadd.s32 $0x301A, v6;
	s6 =	sadd.s32 $0x2380, s23;
	v35 =	vld.idx.msk [tilespmem:v45+s2+$0x0], $0xffff;
	v16 =	vand.u32 $0xFFFF0000, v16;
	[tilespmem:s14+$0x0] =	vst v51  }
0x1ba: {  	v11 =	vand.u32 $0xFFFF0000, v22;
	s17 =	sadd.s32 s22, s6;
	v30 =	vadd.bf16 v60, v59;
	v28 =	vadd.bf16 v28, v62;
	v53 =	vld.idx.msk [tilespmem:v48+s2+$0x0], $0xffff;
	[tilespmem:s15+$0x0] =	vst v16  }
0x1bb: {  	s16 =	sadd.s32 $0x2180, s23;
	[tilespmem:s17+$0x0] =	vst v11;
	v11 =	vshll.u32 v22, $0x10;
	v59 =	vadd.s32 $0x301B, v1;
	v26 =	vld.idx.msk [tilespmem:v50+s2+$0x0], $0xffff  }
0x1bc: {  	s18 =	sadd.s32 s22, s16;
	v1 =	vshll.u32 v14, $0x10;
	v15 =	vadd.bf16 v28, v30;
	v16 =	vor.u32 $0x2, v19;
	v20 =	vld.idx.msk [tilespmem:v20+s2+$0x0], $0xffff  }
0x1bd: {  	[tilespmem:s18+$0x0] =	vst v11;
	s14 =	sadd.s32 s25, s16;
	v22 =	vadd.bf16 v34, v31;
	v28 =	vadd.s32 $0x100A, v8;
	v11 =	vadd.bf16 v49, v33;
	v55 =	vld.idx.msk [tilespmem:v29+s2+$0x0], $0xffff  }
0x1be: {  	v3 =	vor.u32 $0x3, v3;
	s20 =	sadd.s32 s9, s11;
	[tilespmem:s14+$0x0] =	vst v1;
	v29 =	vadd.s32 $0x2012, v10;
	v30 =	vld.idx.msk [tilespmem:v52+s2+$0x0], $0xffff;
	v54 =	vshll.u32 v15, $0x10  }
0x1bf: {  	s22 =	sadd.s32 s9, s10;
	v15 =	vand.u32 $0xFFFF0000, v15;
	v31 =	vadd.bf16 v11, v22;
	v22 =	vadd.s32 $0x301A, v13;
	[tilespmem:s20+$0x0] =	vst v54  }
0x1c0: {  	v5 =	vadd.s32 $0x100B, v5;
	v23 =	vor.u32 $0x3, v23;
	s23 =	sadd.s32 s26, s29;
	[tilespmem:s22+$0x0] =	vst v15;
	v15 =	vshll.u32 v27, $0x10  }
0x1c1: {  	s11 =	sadd.s32 s26, s28;
	v58 =	vadd.s32 $0x2013, v0;
	v17 =	vadd.bf16 v17, v25;
	v11 =	vand.u32 $0xFFFF0000, v27;
	[tilespmem:s23+$0x0] =	vst v15;
	v15 =	vld.idx.msk [tilespmem:v16+s2+$0x0], $0xffff  }
0x1c2: {  	s28 =	sadd.s32 $0x40, s1;
	s13 =	sadd.s32 s24, s16;
	v56 =	vadd.bf16 v53, v35;
	v16 =	vadd.s32 $0x100B, v2;
	v2 =	vshll.u32 v4, $0x10;
	v57 =	vld.idx.msk [tilespmem:v28+s2+$0x0], $0xffff;
	[tilespmem:s11+$0x0] =	vst v11  }
0x1c3: {  	v0 =	vand.u32 $0xFFFF0000, v4;
	s8 =	sadd.s32 s3, s4;
	s17 =	sadd.s32 $0x2180, s31;
	s15 =	sadd.s32 s24, s6;
	v20 =	vadd.bf16 v20, v26;
	[tilespmem:s13+$0x0] =	vst v2;
	v4 =	vadd.bf16 v30, v55;
	v11 =	vld.idx.msk [tilespmem:v29+s2+$0x0], $0xffff  }
0x1c4: {  	v6 =	vadd.s32 $0x301B, v6;
	s18 =	sadd.s32 $0x2380, s31;
	v17 =	vadd.bf16 v56, v17;
	s11 =	sadd.s32 s26, s16;
	s16 =	sadd.s32 s25, s6;
	v2 =	vand.u32 $0xFFFF0000, v14;
	[tilespmem:s15+$0x0] =	vst v0;
	v14 =	vld.idx.msk [tilespmem:v22+s2+$0x0], $0xffff  }
0x1c5: {  	s31 =	sadd.s32 s9, s17;
	s29 =	sadd.s32 s3, s18;
	s20 =	sadd.s32 s30, s18;
	v30 =	vadd.s32 $0x2013, v12;
	[tilespmem:s16+$0x0] =	vst v2;
	v12 =	vld.idx.msk [tilespmem:v3+s2+$0x0], $0xffff;
	v22 =	vadd.bf16 v4, v20;
	v4 =	vand.u32 $0xFFFF0000, v31  }
0x1c6: {  	v60 =	vadd.s32 $0x100B, v18;
	v62 =	vadd.s32 $0x301B, v9;
	s24 =	sadd.s32 s0, s17;
	s14 =	sadd.s32 s3, s7;
	s23 =	sadd.s32 s0, s4;
	v18 =	vld.idx.msk [tilespmem:v59+s2+$0x0], $0xffff;
	[tilespmem:s20+$0x0] =	vst v4;
	v4 =	vshll.u32 v17, $0x10  }
0x1c7: {  	s22 =	sadd.s32 s30, s17;
	s13 =	sadd.s32 s26, s6;
	s26 =	sadd.s32 s0, s7;
	v20 =	vadd.bf16 v57, v15;
	v15 =	vld.idx.msk [tilespmem:v16+s2+$0x0], $0xffff;
	[tilespmem:s23+$0x0] =	vst v4;
	v4 =	vadd.s32 $0x2013, v7;
	v7 =	vand.u32 $0xFFFF0000, v17  }
0x1c8: {  	v10 =	vadd.s32 $0x2013, v10;
	s30 =	sadd.s32 s0, s18;
	v9 =	vshll.u32 v31, $0x10;
	s4 =	sadd.s32 s9, s4;
	s25 =	sadd.s32 s3, s17;
	v3 =	vor.u32 $0x3, v21;
	v17 =	vld.idx.msk [tilespmem:v58+s2+$0x0], $0xffff;
	[tilespmem:s26+$0x0] =	vst v7  }
0x1c9: {  	s7 =	sadd.s32 s9, s7;
	s0 =	sadd.s32 s9, s18;
	[tilespmem:s22+$0x0] =	vst v9;
	v9 =	vadd.s32 $0x100B, v8;
	v8 =	vadd.s32 $0x301B, v13;
	v7 =	vor.u32 $0x3, v19;
	s26 =	simm.s32 $0x4;
	v16 =	vld.idx.msk [tilespmem:v23+s2+$0x0], $0xffff  }
.LBB2_7:
0x1ca: {  	v13 =	vld [tilespmem:s28+$0xFFFFF400]  }
0x1cb: {  	v19 =	vshll.u32 v22, $0x10;
	v11 =	vadd.bf16 v14, v11;
	v14 =	vld [tilespmem:s28+$0xFFFFF800]  }
0x1cc: {  	[tilespmem:s8+$0x0] =	vst v19;
	v19 =	vld [tilespmem:s28+$0xFFFFFC00]  }
0x1cd: {  	v21 =	vand.u32 $0xFFFF0000, v22;
	v11 =	vadd.bf16 v11, v20;
	v20 =	vld [tilespmem:s28+$0x0]  }
0x1ce: {  	[tilespmem:s14+$0x0] =	vst v21;
	v21 =	vld [tilespmem:s28+$0xFFFFF7D0]  }
0x1cf: {  	v22 =	vld [tilespmem:s28+$0xFFFFFBD0];
	v12 =	vadd.bf16 v15, v12;
	v17 =	vadd.bf16 v18, v17;
	v15 =	vshll.u32 v11, $0x10  }
0x1d0: {  	v23 =	vld [tilespmem:s28+$0xFFFFFFD0];
	v18 =	vshll.u32 v13, $0x3;
	v11 =	vand.u32 $0xFFFF0000, v11;
	[tilespmem:s4+$0x0] =	vst v15;
	v15 =	vshll.u32 v14, $0x3  }
0x1d1: {  	v52 =	vld [tilespmem:s28+$0xFFFFF3D0];
	[tilespmem:s7+$0x0] =	vst v11;
	v11 =	vadd.bf16 v17, v12;
	v14 =	vshll.u32 v19, $0x3;
	v17 =	vadd.s32 $0x1008, v15  }
0x1d2: {  	v13 =	vld [tilespmem:s28+$0xFFFFF7E0];
	v24 =	vadd.s32 $0x2010, v14;
	v12 =	vshll.u32 v20, $0x3  }
0x1d3: {  	v25 =	vshll.u32 v21, $0x3;
	v21 =	vld [tilespmem:s28+$0xFFFFFFE0];
	v26 =	vadd.s32 $0x3018, v12  }
0x1d4: {  	v29 =	vshll.u32 v22, $0x3;
	v19 =	vld [tilespmem:s28+$0xFFFFFBE0]  }
0x1d5: {  	v31 =	vadd.s32 $0x2010, v29;
	v34 =	vld.idx.msk [tilespmem:v18+s2+$0x0], $0xffff  }
0x1d6: {  	v23 =	vshll.u32 v23, $0x3;
	v37 =	vld.idx.msk [tilespmem:v17+s2+$0x0], $0xffff  }
0x1d7: {  	v35 =	vadd.s32 $0x3018, v23;
	v38 =	vld.idx.msk [tilespmem:v24+s2+$0x0], $0xffff  }
0x1d8: {  	v36 =	vadd.s32 $0x3019, v23;
	v55 =	vadd.s32 $0x301B, v23;
	v33 =	vadd.s32 $0x2011, v29;
	v41 =	vld.idx.msk [tilespmem:v26+s2+$0x0], $0xffff  }
0x1d9: {  	v50 =	vld [tilespmem:s28+$0xFFFFF3E0];
	v22 =	vadd.s32 $0x2012, v29;
	v27 =	vadd.s32 $0x1008, v25;
	v20 =	vshll.u32 v11, $0x10  }
0x1da: {  	v54 =	vadd.s32 $0x2013, v29;
	v32 =	vadd.s32 $0x1009, v25;
	v11 =	vand.u32 $0xFFFF0000, v11;
	[tilespmem:s11+$0x0] =	vst v20;
	v29 =	vld.idx.msk [tilespmem:v31+s2+$0x0], $0xffff  }
0x1db: {  	v53 =	vadd.s32 $0x100B, v25;
	v44 =	vshll.u32 v13, $0x3;
	v46 =	vshll.u32 v21, $0x3;
	v20 =	vld [tilespmem:s28+$0xFFFFF7F0];
	[tilespmem:s13+$0x0] =	vst v11  }
0x1dc: {  	v39 =	vadd.s32 $0x1008, v44;
	v42 =	vadd.s32 $0x3018, v46;
	v45 =	vshll.u32 v19, $0x3;
	v43 =	vld [tilespmem:s28+$0xFFFFFBF0]  }
0x1dd: {  	s19 =	sadd.s32 $0x200, s19;
	v48 =	vld [tilespmem:s28+$0xFFFFFFF0];
	v17 =	vadd.s32 $0x301A, v23;
	v23 =	vadd.bf16 v37, v34;
	v41 =	vadd.bf16 v41, v38  }
0x1de: {  	[tilespmem:$0x1FFC0] =	vst v8;
	s1 =	smov.u32 s31;
	s21 =	sadd.s32 $0x40, s21;
	v21 =	vadd.s32 $0x100A, v25;
	s11 =	sand.u32 $0x1C00, s19;
	v56 =	vld.idx.msk [tilespmem:v27+s2+$0x0], $0xffff;
	v40 =	vadd.s32 $0x2010, v45;
	v0 =	vadd.s32 $0x2012, v45  }
0x1df: {  	v8 =	vmovc v6;
	[dreg:$0x4] =	wrdreg s1;
	v25 =	vor.u32 $0x1, v18;
	s1 =	sadd.s32 s11, s12;
	s12 =	sadd.s32 $0x30, s21;
	v51 =	vld [tilespmem:s28+$0xFFFFF3F0];
	[tilespmem:$0x1FF90] =	vst v0;
	v0 =	vadd.s32 $0x301A, v46;
	v23 =	vadd.bf16 v41, v23  }
0x1e0: {  	s10 =	smov.u32 s0;
	s13 =	sadd.s32 $0x2000, s1;
	s0 =	sand.u32 $0x70, s12;
	v47 =	vshll.u32 v20, $0x3;
	v20 =	vmovc v7;
	v7 =	vmovc v5;
	v5 =	vmov v3;
	v34 =	vld.idx.msk [tilespmem:v35+s2+$0x0], $0xffff;
	v35 =	vadd.s32 $0x1009, v15  }
0x1e1: {  	s6 =	sadd.s32 $0x2200, s1;
	s14 =	sadd.s32 s0, s13;
	v58 =	vld.idx.msk [tilespmem:v39+s2+$0x0], $0xffff;
	[tilespmem:$0x1FFA0] =	vst v0;
	v3 =	vmovc v30;
	v30 =	vmovc v60;
	v60 =	vadd.s32 $0x2011, v14;
	v27 =	vshll.u32 v43, $0x3;
	v43 =	vshll.u32 v23, $0x10  }
0x1e2: {  	v6 =	vmovc v4;
	v4 =	vmovc v62;
	v63 =	vadd.s32 $0x3019, v12;
	s15 =	sadd.s32 s0, s6;
	v62 =	vld.idx.msk [tilespmem:v42+s2+$0x0], $0xffff;
	v48 =	vshll.u32 v48, $0x3;
	v23 =	vand.u32 $0xFFFF0000, v23;
	[tilespmem:s14+$0x0] =	vst v43  }
0x1e3: {  	v0 =	vadd.s32 $0x100A, v47;
	v57 =	vadd.s32 $0x3018, v48;
	v59 =	vld.idx.msk [tilespmem:v40+s2+$0x0], $0xffff;
	[tilespmem:s15+$0x0] =	vst v23  }
0x1e4: {  	v52 =	vshll.u32 v52, $0x3;
	[tilespmem:$0x1FFB0] =	vst v0;
	v0 =	vld.idx.msk [tilespmem:v25+s2+$0x0], $0xffff  }
0x1e5: {  	v49 =	vadd.s32 $0x1008, v47;
	v2 =	vld.idx.msk [tilespmem:v35+s2+$0x0], $0xffff  }
0x1e6: {  	v50 =	vshll.u32 v50, $0x3;
	v31 =	vadd.s32 $0x2010, v27;
	v60 =	vld.idx.msk [tilespmem:v60+s2+$0x0], $0xffff  }
0x1e7: {  	v61 =	vor.u32 $0x1, v52;
	v28 =	vor.u32 $0x3, v50;
	v63 =	vld.idx.msk [tilespmem:v63+s2+$0x0], $0xffff  }
0x1e8: {  	v24 =	vadd.s32 $0x1009, v47;
	v51 =	vshll.u32 v51, $0x3;
	v35 =	vadd.s32 $0x100B, v47;
	v47 =	vld.idx.msk [tilespmem:v57+s2+$0x0], $0xffff  }
0x1e9: {  	v39 =	vor.u32 $0x2, v50;
	v42 =	vor.u32 $0x1, v51;
	v40 =	vor.u32 $0x2, v52;
	v57 =	vld.idx.msk [tilespmem:v52+s2+$0x0], $0xffff  }
0x1ea: {  	v37 =	vor.u32 $0x2, v51;
	v38 =	vadd.s32 $0x2011, v27;
	v49 =	vld.idx.msk [tilespmem:v49+s2+$0x0], $0xffff;
	v41 =	vadd.s32 $0x3019, v48  }
0x1eb: {  	v1 =	vadd.bf16 v34, v29;
	v29 =	vadd.s32 $0x2012, v27;
	v59 =	vadd.bf16 v62, v59;
	v62 =	vld.idx.msk [tilespmem:v31+s2+$0x0], $0xffff  }
0x1ec: {  	v34 =	vor.u32 $0x3, v51;
	v31 =	vadd.s32 $0x2013, v27;
	v43 =	vor.u32 $0x1, v50;
	v50 =	vld.idx.msk [tilespmem:v50+s2+$0x0], $0xffff  }
0x1ed: {  	v23 =	vor.u32 $0x3, v52;
	v52 =	vld.idx.msk [tilespmem:v30+s2+$0x0], $0xffff;
	v0 =	vadd.bf16 v2, v0;
	v2 =	vadd.bf16 v63, v60  }
0x1ee: {  	s3 =	sadd.s32 $0x10, s21;
	v27 =	vadd.s32 $0x301B, v48;
	v51 =	vld.idx.msk [tilespmem:v51+s2+$0x0], $0xffff;
	v25 =	vadd.s32 $0x301A, v48;
	v48 =	vadd.bf16 v56, v57  }
0x1ef: {  	[dreg:$0x9] =	wrdreg s10;
	s5 =	sadd.s32 $0x20, s21;
	s9 =	sand.u32 $0x50, s3;
	v30 =	vmov v54;
	v54 =	vld.idx.msk [tilespmem:v4+s2+$0x0], $0xffff;
	v0 =	vadd.bf16 v2, v0  }
0x1f0: {  	s10 =	sand.u32 $0x60, s5;
	v11 =	vadd.s32 $0x1009, v44;
	s11 =	sand.u32 $0x40, s21;
	s15 =	sadd.s32 $0x2080, s1;
	v60 =	vmov v53;
	v53 =	vld.idx.msk [tilespmem:v3+s2+$0x0], $0xffff;
	v1 =	vadd.bf16 v1, v48  }
0x1f1: {  	v19 =	vadd.s32 $0x100A, v44;
	s16 =	sadd.s32 $0x2180, s1;
	v44 =	vadd.s32 $0x100B, v44;
	s22 =	sadd.s32 s11, s13;
	s23 =	sadd.s32 s0, s15;
	v56 =	vld.idx.msk [tilespmem:v5+s2+$0x0], $0xffff;
	v63 =	vshll.u32 v0, $0x10  }
0x1f2: {  	s20 =	sadd.s32 s11, s6;
	s17 =	sadd.s32 s11, s16;
	s4 =	sadd.s32 s9, s16;
	v3 =	vmovc v28;
	v28 =	vadd.bf16 v58, v50;
	v16 =	vadd.bf16 v52, v16;
	v52 =	vshll.u32 v1, $0x10;
	[tilespmem:s23+$0x0] =	vst v63  }
0x1f3: {  	s31 =	sadd.s32 s10, s16;
	s3 =	sadd.s32 s0, s16;
	s16 =	sadd.s32 $0x2280, s1;
	v47 =	vadd.bf16 v47, v62;
	v58 =	vld.idx.msk [tilespmem:v7+s2+$0x0], $0xffff;
	v2 =	vor.u32 $0x2, v18;
	v1 =	vand.u32 $0xFFFF0000, v1;
	[tilespmem:s22+$0x0] =	vst v52  }
0x1f4: {  	v62 =	vmovc v55;
	v55 =	vadd.s32 $0x100A, v15;
	v50 =	vld.idx.msk [tilespmem:v6+s2+$0x0], $0xffff;
	v28 =	vadd.bf16 v59, v28;
	v0 =	vand.u32 $0xFFFF0000, v0;
	s23 =	sadd.s32 s0, s16;
	[tilespmem:s20+$0x0] =	vst v1  }
0x1f5: {  	v26 =	vadd.s32 $0x3019, v46;
	v46 =	vadd.s32 $0x301B, v46;
	v63 =	vadd.s32 $0x301A, v12;
	[tilespmem:s23+$0x0] =	vst v0;
	v0 =	vld.idx.msk [tilespmem:v8+s2+$0x0], $0xffff  }
0x1f6: {  	s18 =	sadd.s32 s9, s6;
	v57 =	vadd.s32 $0x2012, v14;
	v6 =	vmovc v46;
	v46 =	vshll.u32 v28, $0x10;
	v28 =	vand.u32 $0xFFFF0000, v28;
	v32 =	vld.idx.msk [tilespmem:v32+s2+$0x0], $0xffff  }
0x1f7: {  	v5 =	vmov v44;
	v44 =	vadd.bf16 v49, v51;
	[tilespmem:s18+$0x0] =	vst v28;
	v28 =	vld.idx.msk [tilespmem:v33+s2+$0x0], $0xffff  }
0x1f8: {  	v2 =	vld.idx.msk [tilespmem:v2+s2+$0x0], $0xffff  }
0x1f9: {  	v44 =	vadd.bf16 v47, v44;
	v47 =	vld.idx.msk [tilespmem:v55+s2+$0x0], $0xffff  }
0x1fa: {  	v13 =	vadd.s32 $0x2011, v45;
	v1 =	vld.idx.msk [tilespmem:v63+s2+$0x0], $0xffff;
	v63 =	vadd.bf16 v54, v53  }
0x1fb: {  	s14 =	sadd.s32 s10, s13;
	v59 =	vshll.u32 v44, $0x10;
	v48 =	vld.idx.msk [tilespmem:v57+s2+$0x0], $0xffff;
	v57 =	vadd.bf16 v58, v56;
	v0 =	vadd.bf16 v0, v50  }
0x1fc: {  	s7 =	sadd.s32 s9, s13;
	[tilespmem:s14+$0x0] =	vst v59;
	v59 =	vld.idx.msk [tilespmem:v36+s2+$0x0], $0xffff;
	v16 =	vadd.bf16 v63, v16  }
0x1fd: {  	[tilespmem:s7+$0x0] =	vst v46;
	v58 =	vld.idx.msk [tilespmem:v61+s2+$0x0], $0xffff;
	v0 =	vadd.bf16 v0, v57  }
0x1fe: {  	v43 =	vld.idx.msk [tilespmem:v43+s2+$0x0], $0xffff;
	v61 =	vshll.u32 v16, $0x10;
	v16 =	vand.u32 $0xFFFF0000, v16  }
0x1ff: {  	v11 =	vld.idx.msk [tilespmem:v11+s2+$0x0], $0xffff;
	[tilespmem:s30+$0x0] =	vst v16;
	v16 =	vshll.u32 v0, $0x10  }
0x200: {  	v13 =	vld.idx.msk [tilespmem:v13+s2+$0x0], $0xffff;
	v2 =	vadd.bf16 v47, v2;
	v1 =	vadd.bf16 v1, v48;
	[tilespmem:s25+$0x0] =	vst v16  }
0x201: {  	v26 =	vld.idx.msk [tilespmem:v26+s2+$0x0], $0xffff  }
0x202: {  	s8 =	sadd.s32 s10, s6;
	v15 =	vadd.s32 $0x100B, v15;
	v44 =	vand.u32 $0xFFFF0000, v44;
	v1 =	vadd.bf16 v1, v2  }
0x203: {  	v7 =	vld [tilespmem:$0x1FF90];
	[tilespmem:s8+$0x0] =	vst v44;
	s7 =	sadd.s32 $0x2100, s1;
	v0 =	vand.u32 $0xFFFF0000, v0;
	v2 =	vor.u32 $0x3, v18  }
0x204: {  	s23 =	sadd.s32 $0x2300, s1;
	v24 =	vld.idx.msk [tilespmem:v24+s2+$0x0], $0xffff;
	s20 =	sadd.s32 s0, s7;
	v16 =	vadd.bf16 v32, v58;
	[tilespmem:s29+$0x0] =	vst v0;
	v18 =	vadd.bf16 v59, v28;
	v28 =	vshll.u32 v1, $0x10  }
0x205: {  	v12 =	vadd.s32 $0x301B, v12;
	s22 =	sadd.s32 s0, s23;
	v63 =	vld.idx.msk [tilespmem:v38+s2+$0x0], $0xffff;
	v11 =	vadd.bf16 v11, v43;
	v1 =	vand.u32 $0xFFFF0000, v1;
	[tilespmem:s20+$0x0] =	vst v28  }
0x206: {  	v14 =	vadd.s32 $0x2013, v14;
	v0 =	vld.idx.msk [tilespmem:v42+s2+$0x0], $0xffff;
	v16 =	vadd.bf16 v18, v16;
	[tilespmem:s22+$0x0] =	vst v1;
	v13 =	vadd.bf16 v26, v13  }
0x207: {  	v15 =	vld.idx.msk [tilespmem:v15+s2+$0x0], $0xffff  }
0x208: {  	s5 =	sadd.s32 s11, s15;
	[tilespmem:s24+$0x0] =	vst v61;
	v1 =	vld.idx.msk [tilespmem:v2+s2+$0x0], $0xffff;
	v2 =	vshll.u32 v16, $0x10;
	v11 =	vadd.bf16 v13, v11  }
0x209: {  	s12 =	sadd.s32 s11, s16;
	v18 =	vld.idx.msk [tilespmem:v41+s2+$0x0], $0xffff;
	v16 =	vand.u32 $0xFFFF0000, v16;
	[tilespmem:s5+$0x0] =	vst v2  }
0x20a: {  	s13 =	sadd.s32 s9, s15;
	v12 =	vld.idx.msk [tilespmem:v12+s2+$0x0], $0xffff;
	[tilespmem:s12+$0x0] =	vst v16;
	v16 =	vshll.u32 v11, $0x10  }
0x20b: {  	s6 =	sadd.s32 s9, s16;
	v2 =	vld.idx.msk [tilespmem:v14+s2+$0x0], $0xffff;
	v11 =	vand.u32 $0xFFFF0000, v11;
	[tilespmem:s13+$0x0] =	vst v16  }
0x20c: {  	v13 =	vld.idx.msk [tilespmem:v40+s2+$0x0], $0xffff;
	[tilespmem:s6+$0x0] =	vst v11  }
0x20d: {  	v1 =	vadd.bf16 v15, v1;
	v15 =	vld.idx.msk [tilespmem:v7+s2+$0x0], $0xffff  }
0x20e: {  	v7 =	vld [tilespmem:$0x1FFA0]  }
0x20f: {  	v14 =	vld.idx.msk [tilespmem:v21+s2+$0x0], $0xffff  }
0x210: {  	v0 =	vadd.bf16 v24, v0;
	v18 =	vadd.bf16 v18, v63;
	v21 =	vld.idx.msk [tilespmem:v22+s2+$0x0], $0xffff  }
0x211: {  	v16 =	vld.idx.msk [tilespmem:v17+s2+$0x0], $0xffff  }
0x212: {  	v0 =	vadd.bf16 v18, v0  }
0x213: {  	v2 =	vadd.bf16 v12, v2  }
0x214: {  	s16 =	sadd.s32 s10, s16;
	s1 =	sadd.s32 $0x2380, s1;
	v11 =	vshll.u32 v0, $0x10;
	v0 =	vand.u32 $0xFFFF0000, v0  }
0x215: {  	s18 =	sadd.s32 s11, s23;
	s8 =	sadd.s32 s9, s7;
	s14 =	sadd.s32 s9, s23;
	[tilespmem:s16+$0x0] =	vst v0;
	v0 =	vadd.bf16 v2, v1  }
0x216: {  	s24 =	smov.u32 s17;
	s17 =	sadd.s32 s11, s7;
	s25 =	smov.u32 s4;
	v12 =	vadd.bf16 v14, v13;
	v2 =	vadd.bf16 v16, v21;
	v13 =	vld.idx.msk [tilespmem:v7+s2+$0x0], $0xffff  }
0x217: {  	s4 =	sadd.s32 s10, s7;
	s7 =	sadd.s32 s10, s23;
	s23 =	sadd.s32 s0, s1;
	v17 =	vshll.u32 v0, $0x10;
	v0 =	vand.u32 $0xFFFF0000, v0;
	v7 =	vld [tilespmem:$0x1FFB0]  }
0x218: {  	s15 =	sadd.s32 s10, s15;
	[tilespmem:s23+$0x0] =	vst v0;
	v0 =	vadd.bf16 v2, v12  }
0x219: {  	v18 =	vld.idx.msk [tilespmem:v39+s2+$0x0], $0xffff;
	[tilespmem:s15+$0x0] =	vst v11  }
0x21a: {  	v19 =	vld.idx.msk [tilespmem:v19+s2+$0x0], $0xffff;
	[tilespmem:s3+$0x0] =	vst v17;
	v17 =	vshll.u32 v0, $0x10;
	v0 =	vand.u32 $0xFFFF0000, v0  }
0x21b: {  	[tilespmem:s18+$0x0] =	vst v0;
	v0 =	vld [tilespmem:$0x1FFC0]  }
0x21c: {  	v1 =	vld.idx.msk [tilespmem:v37+s2+$0x0], $0xffff  }
0x21d: {  	v11 =	vld.idx.msk [tilespmem:v29+s2+$0x0], $0xffff  }
0x21e: {  	s26 =	sadd.s32 $0x4, s26;
	v14 =	vld.idx.msk [tilespmem:v25+s2+$0x0], $0xffff  }
0x21f: {  	p0 =	slt.u32 s26, $0x3C;
	v16 =	vld.idx.msk [tilespmem:v7+s2+$0x0], $0xffff  }
.Ltmp2:
0x220: {  	v12 =	vld.idx.msk [tilespmem:v20+s2+$0x0], $0xffff;
	(pc) =	sbr.rel @p0 .LBB2_7-.Ltmp2, $4  }
0x221: {  	[tilespmem:s17+$0x0] =	vst v17;
	v17 =	vld.idx.msk [tilespmem:v10+s2+$0x0], $0xffff  }
0x222: {  	v45 =	vadd.s32 $0x2013, v45;
	s30 =	sadd.s32 s11, s1;
	s11 =	rddreg [dreg:$0x4];
	v2 =	vadd.bf16 v19, v18;
	v13 =	vadd.bf16 v13, v15;
	v15 =	vld.idx.msk [tilespmem:v9+s2+$0x0], $0xffff  }
0x223: {  	s28 =	sadd.s32 $0x40, s28;
	v4 =	vmov v45;
	v8 =	vmov v27;
	s12 =	rddreg [dreg:$0x3];
	v10 =	vmov v31;
	v18 =	vld.idx.msk [tilespmem:v0+s2+$0x0], $0xffff  }
0x224: {  	s0 =	sadd.s32 s10, s1;
	s29 =	sadd.s32 s9, s1;
	s13 =	rddreg [dreg:$0x9];
	v9 =	vmovc v35;
	v22 =	vadd.bf16 v13, v2;
	v7 =	vmov v34;
	v20 =	vadd.bf16 v16, v1;
	v16 =	vld.idx.msk [tilespmem:v23+s2+$0x0], $0xffff  }
0x225: {  	_ =	sdelay $0x3  }
0x226: {  	v1 =	vadd.bf16 v14, v11;
	v2 =	vld.idx.msk [tilespmem:v60+s2+$0x0], $0xffff;
	v0 =	vshll.u32 v22, $0x10  }
0x227: {  	v11 =	vand.u32 $0xFFFF0000, v22;
	[tilespmem:s8+$0x0] =	vst v0;
	v0 =	vld.idx.msk [tilespmem:v30+s2+$0x0], $0xffff  }
0x228: {  	v1 =	vadd.bf16 v1, v20;
	[tilespmem:s14+$0x0] =	vst v11;
	v11 =	vld.idx.msk [tilespmem:v62+s2+$0x0], $0xffff  }
0x229: {  	v3 =	vld.idx.msk [tilespmem:v3+s2+$0x0], $0xffff  }
0x22a: {  	v13 =	vshll.u32 v1, $0x10;
	v5 =	vld.idx.msk [tilespmem:v5+s2+$0x0], $0xffff  }
0x22b: {  	v1 =	vand.u32 $0xFFFF0000, v1;
	v4 =	vld.idx.msk [tilespmem:v4+s2+$0x0], $0xffff;
	[tilespmem:s4+$0x0] =	vst v13  }
0x22c: {  	[tilespmem:s7+$0x0] =	vst v1;
	v1 =	vld.idx.msk [tilespmem:v6+s2+$0x0], $0xffff  }
0x22d: {  	v6 =	vld.idx.msk [tilespmem:v7+s2+$0x0], $0xffff  }
0x22e: {  	v10 =	vld.idx.msk [tilespmem:v10+s2+$0x0], $0xffff  }
0x22f: {  	v7 =	vadd.bf16 v15, v12;
	v12 =	vadd.bf16 v18, v17;
	v8 =	vld.idx.msk [tilespmem:v8+s2+$0x0], $0xffff  }
0x230: {  	v2 =	vadd.bf16 v2, v16;
	v9 =	vld.idx.msk [tilespmem:v9+s2+$0x0], $0xffff  }
0x231: {  	v0 =	vadd.bf16 v11, v0;
	v7 =	vadd.bf16 v12, v7  }
0x232: {  	v3 =	vadd.bf16 v5, v3  }
0x233: {  	v0 =	vadd.bf16 v0, v2;
	v1 =	vadd.bf16 v1, v4;
	v4 =	vshll.u32 v7, $0x10  }
0x234: {  	v2 =	vand.u32 $0xFFFF0000, v7;
	[tilespmem:s11+$0x0] =	vst v4;
	v4 =	vadd.bf16 v8, v10  }
0x235: {  	v1 =	vadd.bf16 v1, v3;
	[tilespmem:s13+$0x0] =	vst v2;
	v2 =	vshll.u32 v0, $0x10;
	v3 =	vadd.bf16 v9, v6  }
0x236: {  	v0 =	vand.u32 $0xFFFF0000, v0;
	[tilespmem:s24+$0x0] =	vst v2  }
0x237: {  	[tilespmem:s30+$0x0] =	vst v0;
	v0 =	vshll.u32 v1, $0x10;
	v2 =	vadd.bf16 v4, v3  }
0x238: {  	v1 =	vand.u32 $0xFFFF0000, v1;
	[tilespmem:s25+$0x0] =	vst v0  }
0x239: {  	[tilespmem:s29+$0x0] =	vst v1;
	v0 =	vshll.u32 v2, $0x10  }
0x23a: {  	v1 =	vand.u32 $0xFFFF0000, v2;
	[tilespmem:s31+$0x0] =	vst v0  }
0x23b: {  	[tilespmem:s0+$0x0] =	vst v1  }
0x23c: {  	s0 =	rddreg [dreg:$0x14]  }
0x23d: {  	s0 =	sshrl.u32 s0, $0x2  }
0x23e: {  	[dreg:$0x15] =	wrdreg s0;
	s0 =	sadd.s32 $0x6C50, s0  }
0x23f: {  	v0 =	vld [tilespmem:s0+$0xFFFFF400]  }
0x240: {  	v1 =	vld [tilespmem:s0+$0xFFFFF800]  }
0x241: {  	v2 =	vld [tilespmem:s0+$0xFFFFFC00]  }
0x242: {  	v3 =	vld [tilespmem:s0+$0x0];
	_ =	sdelay $0x2  }
0x243: {  	v9 =	vshll.u32 v0, $0x3;
	v7 =	vshll.u32 v1, $0x3  }
0x244: {  	v6 =	vshll.u32 v2, $0x3;
	v0 =	vadd.s32 $0x1008, v7  }
0x245: {  	v5 =	vshll.u32 v3, $0x3;
	v1 =	vadd.s32 $0x2010, v6  }
0x246: {  	v8 =	vld [tilespmem:s0+$0xFFFFFBD0];
	v3 =	vadd.s32 $0x3018, v5  }
0x247: {  	v2 =	vld [tilespmem:s0+$0xFFFFF7D0]  }
0x248: {  	v10 =	vld.idx.msk [tilespmem:v9+s2+$0x0], $0xffff  }
0x249: {  	v0 =	vld.idx.msk [tilespmem:v0+s2+$0x0], $0xffff  }
0x24a: {  	v1 =	vld.idx.msk [tilespmem:v1+s2+$0x0], $0xffff  }
0x24b: {  	v3 =	vld.idx.msk [tilespmem:v3+s2+$0x0], $0xffff  }
0x24c: {  	v12 =	vld [tilespmem:s0+$0xFFFFFFD0]  }
0x24d: {  	v13 =	vld [tilespmem:s0+$0xFFFFF7E0]  }
0x24e: {  	v14 =	vld [tilespmem:s0+$0xFFFFFBE0]  }
0x24f: {  	v18 =	vld [tilespmem:s0+$0xFFFFFFE0]  }
0x250: {  	s6 =	simm.s32 $0x0;
	v19 =	vld [tilespmem:s0+$0xFFFFFFF0];
	v4 =	vshll.u32 v2, $0x3;
	v0 =	vadd.bf16 v0, v10;
	v1 =	vadd.bf16 v3, v1  }
0x251: {  	s1 =	sand.u32 $0x1C00, s6;
	v21 =	vld [tilespmem:s0+$0xFFFFF3D0];
	v3 =	vadd.s32 $0x1008, v4  }
0x252: {  	s18 =	simm.s32 $0x30;
	s23 =	sadd.s32 s1, s12;
	v20 =	vld [tilespmem:s0+$0xFFFFF3E0];
	v0 =	vadd.bf16 v1, v0;
	v1 =	vor.u32 $0x1, v9  }
0x253: {  	s22 =	sand.u32 $0x70, s18;
	s19 =	sadd.s32 $0x4000, s23;
	v17 =	vadd.s32 $0x1009, v7;
	v2 =	vld [tilespmem:s0+$0xFFFFF7F0]  }
0x254: {  	s5 =	sadd.s32 $0x4200, s23;
	s1 =	sadd.s32 s22, s19;
	v23 =	vld [tilespmem:s0+$0xFFFFF3F0];
	v22 =	vadd.s32 $0x2011, v6;
	v15 =	vshll.u32 v0, $0x10  }
0x255: {  	s20 =	sadd.s32 s22, s5;
	v24 =	vadd.s32 $0x3019, v5;
	v10 =	vld [tilespmem:s0+$0xFFFFFBF0];
	v0 =	vand.u32 $0xFFFF0000, v0;
	[tilespmem:s1+$0x0] =	vst v15  }
0x256: {  	v11 =	vshll.u32 v8, $0x3;
	v16 =	vshll.u32 v12, $0x3;
	v8 =	vshll.u32 v21, $0x3;
	v12 =	vld.idx.msk [tilespmem:v3+s2+$0x0], $0xffff;
	[tilespmem:s20+$0x0] =	vst v0  }
0x257: {  	v25 =	vadd.s32 $0x2010, v11;
	v15 =	vshll.u32 v13, $0x3;
	v13 =	vld.idx.msk [tilespmem:v1+s2+$0x0], $0xffff  }
0x258: {  	v2 =	vshll.u32 v2, $0x3;
	v3 =	vadd.s32 $0x3018, v16;
	v27 =	vld.idx.msk [tilespmem:v17+s2+$0x0], $0xffff  }
0x259: {  	v28 =	vadd.s32 $0x1008, v2;
	v26 =	vadd.s32 $0x1008, v15;
	v21 =	vld.idx.msk [tilespmem:v22+s2+$0x0], $0xffff  }
0x25a: {  	v0 =	vshll.u32 v10, $0x3;
	v17 =	vshll.u32 v14, $0x3;
	v14 =	vshll.u32 v18, $0x3;
	v18 =	vld.idx.msk [tilespmem:v24+s2+$0x0], $0xffff  }
0x25b: {  	v30 =	vld.idx.msk [tilespmem:v8+s2+$0x0], $0xffff;
	v29 =	vadd.s32 $0x2010, v0  }
0x25c: {  	v20 =	vshll.u32 v20, $0x3;
	v25 =	vld.idx.msk [tilespmem:v25+s2+$0x0], $0xffff  }
0x25d: {  	v22 =	vadd.s32 $0x2010, v17;
	v10 =	vld.idx.msk [tilespmem:v3+s2+$0x0], $0xffff  }
0x25e: {  	v1 =	vshll.u32 v19, $0x3;
	v42 =	vadd.s32 $0x3018, v14;
	v3 =	vshll.u32 v23, $0x3;
	v23 =	vld.idx.msk [tilespmem:v28+s2+$0x0], $0xffff  }
0x25f: {  	v43 =	vadd.s32 $0x3018, v1;
	v19 =	vld.idx.msk [tilespmem:v26+s2+$0x0], $0xffff;
	v13 =	vadd.bf16 v27, v13;
	v18 =	vadd.bf16 v18, v21  }
0x260: {  	v44 =	vld.idx.msk [tilespmem:v29+s2+$0x0], $0xffff  }
0x261: {  	v29 =	vld.idx.msk [tilespmem:v20+s2+$0x0], $0xffff;
	v13 =	vadd.bf16 v18, v13;
	v18 =	vor.u32 $0x2, v9  }
0x262: {  	s3 =	sadd.s32 $0x4080, s23;
	v45 =	vadd.s32 $0x100A, v7;
	v12 =	vadd.bf16 v12, v30;
	v22 =	vld.idx.msk [tilespmem:v22+s2+$0x0], $0xffff  }
0x263: {  	s21 =	sadd.s32 $0x4280, s23;
	s25 =	sadd.s32 s22, s3;
	v28 =	vadd.s32 $0x2012, v6;
	v21 =	vld.idx.msk [tilespmem:v42+s2+$0x0], $0xffff;
	v10 =	vadd.bf16 v10, v25;
	v46 =	vshll.u32 v13, $0x10  }
0x264: {  	s26 =	sadd.s32 s22, s21;
	v47 =	vadd.s32 $0x301A, v5;
	v26 =	vld.idx.msk [tilespmem:v43+s2+$0x0], $0xffff;
	v13 =	vand.u32 $0xFFFF0000, v13;
	[tilespmem:s25+$0x0] =	vst v46  }
0x265: {  	v30 =	vor.u32 $0x1, v8;
	v31 =	vld.idx.msk [tilespmem:v3+s2+$0x0], $0xffff;
	v10 =	vadd.bf16 v10, v12;
	[tilespmem:s26+$0x0] =	vst v13  }
0x266: {  	s24 =	sand.u32 $0x40, s6;
	v12 =	vadd.s32 $0x1009, v4;
	v13 =	vld.idx.msk [tilespmem:v18+s2+$0x0], $0xffff  }
0x267: {  	s6 =	sadd.s32 s24, s19;
	v33 =	vadd.s32 $0x3019, v16;
	v19 =	vadd.bf16 v19, v29;
	v32 =	vshll.u32 v10, $0x10;
	v25 =	vld.idx.msk [tilespmem:v45+s2+$0x0], $0xffff  }
0x268: {  	s8 =	sadd.s32 s24, s5;
	v21 =	vadd.bf16 v21, v22;
	v18 =	vadd.s32 $0x2011, v11;
	v10 =	vand.u32 $0xFFFF0000, v10;
	v28 =	vld.idx.msk [tilespmem:v28+s2+$0x0], $0xffff;
	[tilespmem:s6+$0x0] =	vst v32  }
0x269: {  	[tilespmem:s8+$0x0] =	vst v10;
	v10 =	vld.idx.msk [tilespmem:v47+s2+$0x0], $0xffff  }
0x26a: {  	s9 =	simm.s32 $0x10;
	v48 =	vor.u32 $0x1, v20;
	v19 =	vadd.bf16 v21, v19;
	v22 =	vld.idx.msk [tilespmem:v30+s2+$0x0], $0xffff  }
0x26b: {  	v29 =	vadd.s32 $0x2011, v17;
	s25 =	sand.u32 $0x50, s9;
	v21 =	vadd.s32 $0x1009, v15;
	v12 =	vld.idx.msk [tilespmem:v12+s2+$0x0], $0xffff  }
0x26c: {  	v24 =	vadd.bf16 v26, v44;
	s6 =	sadd.s32 s25, s19;
	v23 =	vadd.bf16 v23, v31;
	v49 =	vshll.u32 v19, $0x10;
	v30 =	vld.idx.msk [tilespmem:v33+s2+$0x0], $0xffff  }
0x26d: {  	s10 =	sadd.s32 s25, s5;
	v31 =	vadd.s32 $0x3019, v14;
	v19 =	vand.u32 $0xFFFF0000, v19;
	[tilespmem:s6+$0x0] =	vst v49;
	v18 =	vld.idx.msk [tilespmem:v18+s2+$0x0], $0xffff  }
0x26e: {  	s11 =	simm.s32 $0x20;
	v51 =	vor.u32 $0x1, v3;
	v23 =	vadd.bf16 v24, v23;
	[tilespmem:s10+$0x0] =	vst v19  }
0x26f: {  	v50 =	vadd.s32 $0x1009, v2;
	s26 =	sand.u32 $0x60, s11;
	v19 =	vadd.s32 $0x2011, v0;
	v52 =	vld.idx.msk [tilespmem:v48+s2+$0x0], $0xffff  }
0x270: {  	s4 =	sadd.s32 s26, s19;
	v13 =	vadd.bf16 v25, v13;
	v54 =	vshll.u32 v23, $0x10;
	v21 =	vld.idx.msk [tilespmem:v21+s2+$0x0], $0xffff;
	v10 =	vadd.bf16 v10, v28  }
0x271: {  	v53 =	vadd.s32 $0x3019, v1;
	s5 =	sadd.s32 s26, s5;
	[tilespmem:s4+$0x0] =	vst v54;
	v12 =	vadd.bf16 v12, v22;
	v22 =	vand.u32 $0xFFFF0000, v23;
	v23 =	vld.idx.msk [tilespmem:v29+s2+$0x0], $0xffff  }
0x272: {  	v9 =	vor.u32 $0x3, v9;
	v10 =	vadd.bf16 v10, v13;
	[tilespmem:s5+$0x0] =	vst v22;
	v13 =	vadd.bf16 v30, v18;
	v18 =	vld.idx.msk [tilespmem:v31+s2+$0x0], $0xffff  }
0x273: {  	s29 =	sadd.s32 $0x4100, s23;
	v7 =	vadd.s32 $0x100B, v7;
	v28 =	vld.idx.msk [tilespmem:v51+s2+$0x0], $0xffff  }
0x274: {  	s28 =	sadd.s32 $0x4300, s23;
	s13 =	sadd.s32 s22, s29;
	v6 =	vadd.s32 $0x2013, v6;
	v26 =	vld.idx.msk [tilespmem:v50+s2+$0x0], $0xffff;
	v22 =	vshll.u32 v10, $0x10  }
0x275: {  	s14 =	sadd.s32 s22, s28;
	v5 =	vadd.s32 $0x301B, v5;
	v19 =	vld.idx.msk [tilespmem:v19+s2+$0x0], $0xffff;
	v10 =	vand.u32 $0xFFFF0000, v10;
	v12 =	vadd.bf16 v13, v12;
	[tilespmem:s13+$0x0] =	vst v22  }
0x276: {  	v55 =	vor.u32 $0x2, v8;
	v31 =	vld.idx.msk [tilespmem:v53+s2+$0x0], $0xffff;
	[tilespmem:s14+$0x0] =	vst v10  }
0x277: {  	s15 =	sadd.s32 s24, s3;
	v13 =	vadd.s32 $0x100A, v4;
	v10 =	vshll.u32 v12, $0x10;
	v22 =	vld.idx.msk [tilespmem:v9+s2+$0x0], $0xffff  }
0x278: {  	v29 =	vadd.s32 $0x2012, v11;
	v9 =	vadd.bf16 v21, v52;
	v25 =	vld.idx.msk [tilespmem:v7+s2+$0x0], $0xffff;
	[tilespmem:s15+$0x0] =	vst v10;
	v10 =	vadd.bf16 v18, v23  }
0x279: {  	s16 =	sadd.s32 s24, s21;
	v30 =	vadd.s32 $0x301A, v16;
	v12 =	vand.u32 $0xFFFF0000, v12;
	v7 =	vadd.bf16 v26, v28;
	v26 =	vld.idx.msk [tilespmem:v6+s2+$0x0], $0xffff  }
0x27a: {  	v18 =	vor.u32 $0x2, v20;
	v28 =	vld.idx.msk [tilespmem:v5+s2+$0x0], $0xffff;
	[tilespmem:s16+$0x0] =	vst v12;
	v9 =	vadd.bf16 v10, v9  }
0x27b: {  	v21 =	vadd.s32 $0x100A, v15;
	v12 =	vld.idx.msk [tilespmem:v55+s2+$0x0], $0xffff  }
0x27c: {  	s17 =	sadd.s32 s25, s3;
	v23 =	vadd.s32 $0x2012, v17;
	v19 =	vadd.bf16 v31, v19;
	v13 =	vld.idx.msk [tilespmem:v13+s2+$0x0], $0xffff;
	v57 =	vshll.u32 v9, $0x10  }
0x27d: {  	s18 =	sadd.s32 s25, s21;
	v10 =	vld.idx.msk [tilespmem:v29+s2+$0x0], $0xffff;
	v29 =	vadd.s32 $0x301A, v14;
	v6 =	vand.u32 $0xFFFF0000, v9;
	[tilespmem:s17+$0x0] =	vst v57  }
0x27e: {  	v56 =	vld.idx.msk [tilespmem:v30+s2+$0x0], $0xffff;
	v5 =	vadd.bf16 v19, v7;
	v9 =	vor.u32 $0x2, v3;
	[tilespmem:s18+$0x0] =	vst v6  }
0x27f: {  	v7 =	vadd.s32 $0x2012, v0;
	v36 =	vld.idx.msk [tilespmem:v18+s2+$0x0], $0xffff  }
0x280: {  	s3 =	sadd.s32 s26, s3;
	v37 =	vld.idx.msk [tilespmem:v21+s2+$0x0], $0xffff;
	v18 =	vshll.u32 v5, $0x10  }
0x281: {  	s1 =	sadd.s32 s26, s21;
	v38 =	vld.idx.msk [tilespmem:v23+s2+$0x0], $0xffff;
	v5 =	vand.u32 $0xFFFF0000, v5;
	[tilespmem:s3+$0x0] =	vst v18  }
0x282: {  	v39 =	vld.idx.msk [tilespmem:v29+s2+$0x0], $0xffff;
	[tilespmem:s1+$0x0] =	vst v5  }
0x283: {  	v27 =	vld.idx.msk [tilespmem:v9+s2+$0x0], $0xffff  }
0x284: {  	v6 =	vadd.s32 $0x100A, v2;
	s1 =	sadd.s32 $0x40, s0;
	v30 =	vld.idx.msk [tilespmem:v7+s2+$0x0], $0xffff  }
0x285: {  	v12 =	vadd.bf16 v13, v12;
	v10 =	vadd.bf16 v56, v10;
	v7 =	vld [tilespmem:s1+$0xFFFFFC00]  }
0x286: {  	v9 =	vld [tilespmem:s1+$0xFFFFF7D0]  }
0x287: {  	v8 =	vor.u32 $0x3, v8;
	v5 =	vadd.bf16 v10, v12;
	v10 =	vld [tilespmem:s1+$0xFFFFFBD0]  }
0x288: {  	v21 =	vld [tilespmem:s1+$0xFFFFF7F0]  }
0x289: {  	s19 =	sadd.s32 s24, s29;
	v29 =	vld.idx.msk [tilespmem:v6+s2+$0x0], $0xffff;
	v6 =	vshll.u32 v5, $0x10  }
0x28a: {  	s20 =	sadd.s32 s24, s28;
	v5 =	vand.u32 $0xFFFF0000, v5;
	[tilespmem:s19+$0x0] =	vst v6;
	v6 =	vld [tilespmem:s1+$0xFFFFF800]  }
0x28b: {  	[tilespmem:s20+$0x0] =	vst v5;
	v5 =	vld [tilespmem:s1+$0xFFFFF400]  }
0x28c: {  	v13 =	vadd.s32 $0x301A, v1;
	v24 =	vld.idx.msk [tilespmem:v8+s2+$0x0], $0xffff  }
0x28d: {  	v8 =	vld [tilespmem:s1+$0x0]  }
0x28e: {  	v45 =	vld [tilespmem:s1+$0xFFFFF3E0]  }
0x28f: {  	v47 =	vld [tilespmem:s1+$0xFFFFF3F0];
	v33 =	vshll.u32 v7, $0x3  }
0x290: {  	v50 =	vld [tilespmem:s1+$0xFFFFF3D0];
	v12 =	vadd.s32 $0x2010, v33  }
0x291: {  	v31 =	vld.idx.msk [tilespmem:v13+s2+$0x0], $0xffff;
	v34 =	vshll.u32 v6, $0x3;
	v35 =	vshll.u32 v5, $0x3  }
0x292: {  	v13 =	vld [tilespmem:s1+$0xFFFFFFD0];
	v6 =	vadd.s32 $0x1008, v34;
	v32 =	vshll.u32 v8, $0x3  }
0x293: {  	v5 =	vld [tilespmem:s1+$0xFFFFF7E0];
	v19 =	vadd.s32 $0x3018, v32  }
0x294: {  	v4 =	vadd.s32 $0x100B, v4;
	v8 =	vld [tilespmem:s1+$0xFFFFFFE0]  }
0x295: {  	v11 =	vadd.s32 $0x2013, v11;
	v41 =	vld.idx.msk [tilespmem:v12+s2+$0x0], $0xffff  }
0x296: {  	v16 =	vadd.s32 $0x301B, v16;
	v23 =	vld.idx.msk [tilespmem:v35+s2+$0x0], $0xffff  }
0x297: {  	v40 =	vld.idx.msk [tilespmem:v6+s2+$0x0], $0xffff  }
0x298: {  	v19 =	vld.idx.msk [tilespmem:v19+s2+$0x0], $0xffff  }
0x299: {  	v4 =	vld.idx.msk [tilespmem:v4+s2+$0x0], $0xffff;
	v18 =	vshll.u32 v9, $0x3  }
0x29a: {  	v11 =	vld.idx.msk [tilespmem:v11+s2+$0x0], $0xffff;
	v42 =	vadd.s32 $0x1008, v18;
	v9 =	vshll.u32 v13, $0x3  }
0x29b: {  	v16 =	vld.idx.msk [tilespmem:v16+s2+$0x0], $0xffff;
	v44 =	vadd.s32 $0x3018, v9;
	v12 =	vshll.u32 v10, $0x3;
	v5 =	vshll.u32 v5, $0x3  }
0x29c: {  	v7 =	vld [tilespmem:s1+$0xFFFFFBE0];
	v43 =	vadd.s32 $0x2010, v12;
	v46 =	vadd.s32 $0x1008, v5;
	v6 =	vshll.u32 v8, $0x3  }
0x29d: {  	s20 =	simm.s32 $0x200;
	v13 =	vld [tilespmem:s1+$0xFFFFFFF0];
	v8 =	vshll.u32 v21, $0x3;
	v21 =	vadd.bf16 v40, v23;
	v19 =	vadd.bf16 v19, v41  }
0x29e: {  	s21 =	sand.u32 $0x1C00, s20;
	v10 =	vld [tilespmem:s1+$0xFFFFFBF0];
	v23 =	vadd.s32 $0x1008, v8  }
0x29f: {  	s3 =	simm.s32 $0x70;
	s31 =	sadd.s32 s21, s12;
	v42 =	vld.idx.msk [tilespmem:v42+s2+$0x0], $0xffff;
	v19 =	vadd.bf16 v19, v21;
	v21 =	vor.u32 $0x1, v35  }
0x2a0: {  	s30 =	sand.u32 $0x70, s3;
	s4 =	sadd.s32 $0x4000, s31;
	v59 =	vadd.s32 $0x1009, v34;
	v58 =	vld.idx.msk [tilespmem:v44+s2+$0x0], $0xffff  }
0x2a1: {  	s19 =	sadd.s32 $0x4200, s31;
	v51 =	vadd.s32 $0x2011, v33;
	s0 =	sadd.s32 s30, s4;
	v40 =	vld.idx.msk [tilespmem:v43+s2+$0x0], $0xffff;
	v60 =	vshll.u32 v19, $0x10  }
0x2a2: {  	s6 =	sadd.s32 s30, s19;
	v7 =	vshll.u32 v7, $0x3;
	v61 =	vadd.s32 $0x3019, v32;
	v43 =	vld.idx.msk [tilespmem:v46+s2+$0x0], $0xffff;
	v19 =	vand.u32 $0xFFFF0000, v19;
	[tilespmem:s0+$0x0] =	vst v60  }
0x2a3: {  	v48 =	vadd.s32 $0x2010, v7;
	v53 =	vld.idx.msk [tilespmem:v23+s2+$0x0], $0xffff;
	[tilespmem:s6+$0x0] =	vst v19  }
0x2a4: {  	v49 =	vadd.s32 $0x3018, v6;
	v10 =	vshll.u32 v10, $0x3;
	v55 =	vld.idx.msk [tilespmem:v21+s2+$0x0], $0xffff  }
0x2a5: {  	v52 =	vadd.s32 $0x2010, v10;
	v44 =	vld.idx.msk [tilespmem:v59+s2+$0x0], $0xffff  }
0x2a6: {  	v13 =	vshll.u32 v13, $0x3;
	v23 =	vshll.u32 v50, $0x3;
	v62 =	vld.idx.msk [tilespmem:v51+s2+$0x0], $0xffff  }
0x2a7: {  	v54 =	vadd.s32 $0x3018, v13;
	v63 =	vld.idx.msk [tilespmem:v61+s2+$0x0], $0xffff  }
0x2a8: {  	v36 =	vadd.bf16 v37, v36;
	v46 =	vld.idx.msk [tilespmem:v48+s2+$0x0], $0xffff;
	v19 =	vshll.u32 v47, $0x3;
	v51 =	vadd.bf16 v39, v38  }
0x2a9: {  	v49 =	vld.idx.msk [tilespmem:v49+s2+$0x0], $0xffff;
	v21 =	vshll.u32 v45, $0x3  }
0x2aa: {  	v20 =	vor.u32 $0x3, v20;
	v48 =	vld.idx.msk [tilespmem:v52+s2+$0x0], $0xffff;
	v36 =	vadd.bf16 v51, v36  }
0x2ab: {  	v15 =	vadd.s32 $0x100B, v15;
	v17 =	vadd.s32 $0x2013, v17;
	v52 =	vld.idx.msk [tilespmem:v23+s2+$0x0], $0xffff  }
0x2ac: {  	s7 =	sadd.s32 s25, s29;
	v38 =	vld.idx.msk [tilespmem:v54+s2+$0x0], $0xffff;
	v44 =	vadd.bf16 v44, v55;
	v45 =	vadd.bf16 v63, v62;
	v55 =	vshll.u32 v36, $0x10  }
0x2ad: {  	s8 =	sadd.s32 s25, s28;
	v14 =	vadd.s32 $0x301B, v14;
	v50 =	vld.idx.msk [tilespmem:v19+s2+$0x0], $0xffff;
	v36 =	vand.u32 $0xFFFF0000, v36;
	[tilespmem:s7+$0x0] =	vst v55  }
0x2ae: {  	v57 =	vor.u32 $0x2, v35;
	v54 =	vld.idx.msk [tilespmem:v21+s2+$0x0], $0xffff;
	[tilespmem:s8+$0x0] =	vst v36;
	v56 =	vadd.bf16 v45, v44  }
0x2af: {  	s11 =	sadd.s32 $0x4080, s31;
	v40 =	vadd.bf16 v58, v40;
	v58 =	vadd.s32 $0x100A, v34;
	v20 =	vld.idx.msk [tilespmem:v20+s2+$0x0], $0xffff  }
0x2b0: {  	s10 =	sadd.s32 $0x4280, s31;
	s9 =	sadd.s32 s30, s11;
	v60 =	vadd.s32 $0x2012, v33;
	v39 =	vadd.bf16 v42, v52;
	v15 =	vld.idx.msk [tilespmem:v15+s2+$0x0], $0xffff;
	v59 =	vshll.u32 v56, $0x10  }
0x2b1: {  	s13 =	sadd.s32 s30, s10;
	v61 =	vadd.s32 $0x301A, v32;
	v17 =	vld.idx.msk [tilespmem:v17+s2+$0x0], $0xffff;
	v36 =	vand.u32 $0xFFFF0000, v56;
	[tilespmem:s9+$0x0] =	vst v59  }
0x2b2: {  	s21 =	simm.s32 $0x40;
	v62 =	vor.u32 $0x1, v23;
	v39 =	vadd.bf16 v40, v39;
	v14 =	vld.idx.msk [tilespmem:v14+s2+$0x0], $0xffff;
	[tilespmem:s13+$0x0] =	vst v36  }
0x2b3: {  	s0 =	sand.u32 $0x40, s21;
	v46 =	vadd.bf16 v49, v46;
	v63 =	vadd.s32 $0x1009, v18;
	v44 =	vld.idx.msk [tilespmem:v57+s2+$0x0], $0xffff  }
0x2b4: {  	s14 =	sadd.s32 s0, s4;
	v52 =	vadd.s32 $0x2011, v12;
	v37 =	vadd.bf16 v43, v54;
	v54 =	vshll.u32 v39, $0x10;
	v41 =	vld.idx.msk [tilespmem:v58+s2+$0x0], $0xffff  }
0x2b5: {  	s15 =	sadd.s32 s0, s19;
	v55 =	vadd.s32 $0x3019, v9;
	v39 =	vand.u32 $0xFFFF0000, v39;
	[tilespmem:s14+$0x0] =	vst v54;
	v45 =	vld.idx.msk [tilespmem:v60+s2+$0x0], $0xffff  }
0x2b6: {  	s16 =	simm.s32 $0x50;
	v56 =	vor.u32 $0x1, v21;
	v37 =	vadd.bf16 v46, v37;
	[tilespmem:s15+$0x0] =	vst v39;
	v57 =	vld.idx.msk [tilespmem:v61+s2+$0x0], $0xffff  }
0x2b7: {  	s3 =	sand.u32 $0x50, s16;
	v38 =	vadd.bf16 v38, v48;
	v58 =	vadd.s32 $0x1009, v5;
	v40 =	vld.idx.msk [tilespmem:v62+s2+$0x0], $0xffff  }
0x2b8: {  	s6 =	sadd.s32 s3, s4;
	v59 =	vadd.s32 $0x2011, v7;
	v60 =	vadd.bf16 v53, v50;
	v36 =	vld.idx.msk [tilespmem:v63+s2+$0x0], $0xffff;
	v61 =	vshll.u32 v37, $0x10  }
0x2b9: {  	s17 =	sadd.s32 s3, s19;
	v62 =	vadd.s32 $0x3019, v6;
	v47 =	vld.idx.msk [tilespmem:v52+s2+$0x0], $0xffff;
	v37 =	vand.u32 $0xFFFF0000, v37;
	[tilespmem:s6+$0x0] =	vst v61  }
0x2ba: {  	s18 =	simm.s32 $0x60;
	v63 =	vor.u32 $0x1, v19;
	v52 =	vld.idx.msk [tilespmem:v55+s2+$0x0], $0xffff;
	v38 =	vadd.bf16 v38, v60;
	[tilespmem:s17+$0x0] =	vst v37  }
0x2bb: {  	s9 =	sand.u32 $0x60, s18;
	v54 =	vadd.s32 $0x2011, v10;
	v53 =	vadd.s32 $0x1009, v8;
	v46 =	vld.idx.msk [tilespmem:v56+s2+$0x0], $0xffff  }
0x2bc: {  	s5 =	sadd.s32 s9, s4;
	v55 =	vshll.u32 v38, $0x10;
	v41 =	vadd.bf16 v41, v44;
	v39 =	vadd.bf16 v57, v45;
	v42 =	vld.idx.msk [tilespmem:v58+s2+$0x0], $0xffff  }
0x2bd: {  	v22 =	vadd.bf16 v25, v22;
	s4 =	sadd.s32 s9, s19;
	v38 =	vand.u32 $0xFFFF0000, v38;
	[tilespmem:s5+$0x0] =	vst v55;
	v56 =	vadd.s32 $0x3019, v13;
	v48 =	vld.idx.msk [tilespmem:v59+s2+$0x0], $0xffff  }
0x2be: {  	v26 =	vadd.bf16 v28, v26;
	v35 =	vor.u32 $0x3, v35;
	[tilespmem:s4+$0x0] =	vst v38;
	v58 =	vld.idx.msk [tilespmem:v62+s2+$0x0], $0xffff;
	v57 =	vadd.bf16 v39, v41  }
0x2bf: {  	v27 =	vadd.bf16 v29, v27;
	v34 =	vadd.s32 $0x100B, v34;
	v33 =	vadd.s32 $0x2013, v33;
	s4 =	sadd.s32 $0x4100, s31;
	v59 =	vld.idx.msk [tilespmem:v63+s2+$0x0], $0xffff  }
0x2c0: {  	s7 =	sadd.s32 $0x4300, s31;
	v28 =	vadd.bf16 v36, v40;
	v37 =	vadd.bf16 v52, v47;
	v60 =	vld.idx.msk [tilespmem:v53+s2+$0x0], $0xffff;
	s19 =	sadd.s32 s30, s4;
	v61 =	vshll.u32 v57, $0x10  }
0x2c1: {  	v29 =	vadd.bf16 v31, v30;
	v32 =	vadd.s32 $0x301B, v32;
	s6 =	sadd.s32 s30, s7;
	v62 =	vld.idx.msk [tilespmem:v54+s2+$0x0], $0xffff;
	v25 =	vand.u32 $0xFFFF0000, v57;
	[tilespmem:s19+$0x0] =	vst v61  }
0x2c2: {  	v22 =	vadd.bf16 v26, v22;
	v44 =	vor.u32 $0x2, v23;
	v63 =	vadd.bf16 v37, v28;
	v28 =	vld.idx.msk [tilespmem:v56+s2+$0x0], $0xffff;
	[tilespmem:s6+$0x0] =	vst v25  }
0x2c3: {  	v30 =	vadd.s32 $0x100A, v18;
	v27 =	vadd.bf16 v29, v27;
	v45 =	vadd.s32 $0x2012, v12;
	v31 =	vld.idx.msk [tilespmem:v35+s2+$0x0], $0xffff  }
0x2c4: {  	s8 =	sadd.s32 s0, s11;
	v46 =	vadd.bf16 v42, v46;
	v47 =	vshll.u32 v63, $0x10;
	v38 =	vadd.bf16 v58, v48;
	v34 =	vld.idx.msk [tilespmem:v34+s2+$0x0], $0xffff  }
0x2c5: {  	v4 =	vadd.bf16 v4, v24;
	s13 =	sadd.s32 s0, s10;
	v26 =	vand.u32 $0xFFFF0000, v63;
	[tilespmem:s8+$0x0] =	vst v47;
	v48 =	vadd.s32 $0x301A, v9;
	v33 =	vld.idx.msk [tilespmem:v33+s2+$0x0], $0xffff  }
0x2c6: {  	v11 =	vadd.bf16 v16, v11;
	v50 =	vor.u32 $0x2, v21;
	[tilespmem:s13+$0x0] =	vst v26;
	v49 =	vld.idx.msk [tilespmem:v32+s2+$0x0], $0xffff;
	v16 =	vadd.bf16 v38, v46  }
0x2c7: {  	v15 =	vadd.bf16 v15, v20;
	v20 =	vadd.s32 $0x100A, v5;
	v14 =	vadd.bf16 v14, v17;
	v25 =	vld.idx.msk [tilespmem:v44+s2+$0x0], $0xffff  }
0x2c8: {  	v29 =	vadd.s32 $0x2012, v7;
	v4 =	vadd.bf16 v11, v4;
	s14 =	sadd.s32 s3, s11;
	v17 =	vld.idx.msk [tilespmem:v30+s2+$0x0], $0xffff;
	v51 =	vshll.u32 v16, $0x10  }
0x2c9: {  	s15 =	sadd.s32 s3, s10;
	v14 =	vadd.bf16 v14, v15;
	v52 =	vadd.s32 $0x301A, v6;
	s6 =	sadd.s32 $0x4380, s23;
	v35 =	vld.idx.msk [tilespmem:v45+s2+$0x0], $0xffff;
	v16 =	vand.u32 $0xFFFF0000, v16;
	[tilespmem:s14+$0x0] =	vst v51  }
0x2ca: {  	v11 =	vand.u32 $0xFFFF0000, v22;
	s17 =	sadd.s32 s22, s6;
	v30 =	vadd.bf16 v60, v59;
	v28 =	vadd.bf16 v28, v62;
	v53 =	vld.idx.msk [tilespmem:v48+s2+$0x0], $0xffff;
	[tilespmem:s15+$0x0] =	vst v16  }
0x2cb: {  	s16 =	sadd.s32 $0x4180, s23;
	[tilespmem:s17+$0x0] =	vst v11;
	v11 =	vshll.u32 v22, $0x10;
	v59 =	vadd.s32 $0x301B, v1;
	v26 =	vld.idx.msk [tilespmem:v50+s2+$0x0], $0xffff  }
0x2cc: {  	s18 =	sadd.s32 s22, s16;
	v1 =	vshll.u32 v14, $0x10;
	v15 =	vadd.bf16 v28, v30;
	v16 =	vor.u32 $0x2, v19;
	v20 =	vld.idx.msk [tilespmem:v20+s2+$0x0], $0xffff  }
0x2cd: {  	[tilespmem:s18+$0x0] =	vst v11;
	s14 =	sadd.s32 s25, s16;
	v22 =	vadd.bf16 v34, v31;
	v28 =	vadd.s32 $0x100A, v8;
	v11 =	vadd.bf16 v49, v33;
	v55 =	vld.idx.msk [tilespmem:v29+s2+$0x0], $0xffff  }
0x2ce: {  	v3 =	vor.u32 $0x3, v3;
	s19 =	sadd.s32 s9, s11;
	[tilespmem:s14+$0x0] =	vst v1;
	v29 =	vadd.s32 $0x2012, v10;
	v30 =	vld.idx.msk [tilespmem:v52+s2+$0x0], $0xffff;
	v54 =	vshll.u32 v15, $0x10  }
0x2cf: {  	s22 =	sadd.s32 s9, s10;
	v15 =	vand.u32 $0xFFFF0000, v15;
	v31 =	vadd.bf16 v11, v22;
	v22 =	vadd.s32 $0x301A, v13;
	[tilespmem:s19+$0x0] =	vst v54  }
0x2d0: {  	v5 =	vadd.s32 $0x100B, v5;
	v23 =	vor.u32 $0x3, v23;
	s23 =	sadd.s32 s26, s29;
	[tilespmem:s22+$0x0] =	vst v15;
	v15 =	vshll.u32 v27, $0x10  }
0x2d1: {  	s11 =	sadd.s32 s26, s28;
	v58 =	vadd.s32 $0x2013, v0;
	v17 =	vadd.bf16 v17, v25;
	v11 =	vand.u32 $0xFFFF0000, v27;
	[tilespmem:s23+$0x0] =	vst v15;
	v15 =	vld.idx.msk [tilespmem:v16+s2+$0x0], $0xffff  }
0x2d2: {  	s28 =	sadd.s32 $0x40, s1;
	s13 =	sadd.s32 s24, s16;
	v56 =	vadd.bf16 v53, v35;
	v16 =	vadd.s32 $0x100B, v2;
	v2 =	vshll.u32 v4, $0x10;
	v57 =	vld.idx.msk [tilespmem:v28+s2+$0x0], $0xffff;
	[tilespmem:s11+$0x0] =	vst v11  }
0x2d3: {  	v0 =	vand.u32 $0xFFFF0000, v4;
	s8 =	sadd.s32 s3, s4;
	s17 =	sadd.s32 $0x4180, s31;
	s15 =	sadd.s32 s24, s6;
	v20 =	vadd.bf16 v20, v26;
	[tilespmem:s13+$0x0] =	vst v2;
	v4 =	vadd.bf16 v30, v55;
	v11 =	vld.idx.msk [tilespmem:v29+s2+$0x0], $0xffff  }
0x2d4: {  	v6 =	vadd.s32 $0x301B, v6;
	s18 =	sadd.s32 $0x4380, s31;
	v17 =	vadd.bf16 v56, v17;
	s11 =	sadd.s32 s26, s16;
	s16 =	sadd.s32 s25, s6;
	v2 =	vand.u32 $0xFFFF0000, v14;
	[tilespmem:s15+$0x0] =	vst v0;
	v14 =	vld.idx.msk [tilespmem:v22+s2+$0x0], $0xffff  }
0x2d5: {  	s31 =	sadd.s32 s9, s17;
	s29 =	sadd.s32 s3, s18;
	s19 =	sadd.s32 s30, s18;
	v30 =	vadd.s32 $0x2013, v12;
	[tilespmem:s16+$0x0] =	vst v2;
	v12 =	vld.idx.msk [tilespmem:v3+s2+$0x0], $0xffff;
	v22 =	vadd.bf16 v4, v20;
	v4 =	vand.u32 $0xFFFF0000, v31  }
0x2d6: {  	v60 =	vadd.s32 $0x100B, v18;
	v62 =	vadd.s32 $0x301B, v9;
	s24 =	sadd.s32 s0, s17;
	s14 =	sadd.s32 s3, s7;
	s23 =	sadd.s32 s0, s4;
	v18 =	vld.idx.msk [tilespmem:v59+s2+$0x0], $0xffff;
	[tilespmem:s19+$0x0] =	vst v4;
	v4 =	vshll.u32 v17, $0x10  }
0x2d7: {  	s22 =	sadd.s32 s30, s17;
	s13 =	sadd.s32 s26, s6;
	s26 =	sadd.s32 s0, s7;
	v20 =	vadd.bf16 v57, v15;
	v15 =	vld.idx.msk [tilespmem:v16+s2+$0x0], $0xffff;
	[tilespmem:s23+$0x0] =	vst v4;
	v4 =	vadd.s32 $0x2013, v7;
	v7 =	vand.u32 $0xFFFF0000, v17  }
0x2d8: {  	v10 =	vadd.s32 $0x2013, v10;
	s30 =	sadd.s32 s0, s18;
	v9 =	vshll.u32 v31, $0x10;
	s4 =	sadd.s32 s9, s4;
	s25 =	sadd.s32 s3, s17;
	v3 =	vor.u32 $0x3, v21;
	v17 =	vld.idx.msk [tilespmem:v58+s2+$0x0], $0xffff;
	[tilespmem:s26+$0x0] =	vst v7  }
0x2d9: {  	s7 =	sadd.s32 s9, s7;
	s0 =	sadd.s32 s9, s18;
	[tilespmem:s22+$0x0] =	vst v9;
	v9 =	vadd.s32 $0x100B, v8;
	v8 =	vadd.s32 $0x301B, v13;
	v7 =	vor.u32 $0x3, v19;
	s26 =	simm.s32 $0x4;
	v16 =	vld.idx.msk [tilespmem:v23+s2+$0x0], $0xffff  }
.LBB2_9:
0x2da: {  	v13 =	vld [tilespmem:s28+$0xFFFFF400]  }
0x2db: {  	v19 =	vshll.u32 v22, $0x10;
	v11 =	vadd.bf16 v14, v11;
	v14 =	vld [tilespmem:s28+$0xFFFFF800]  }
0x2dc: {  	[tilespmem:s8+$0x0] =	vst v19;
	v19 =	vld [tilespmem:s28+$0xFFFFFC00]  }
0x2dd: {  	v21 =	vand.u32 $0xFFFF0000, v22;
	v11 =	vadd.bf16 v11, v20;
	v20 =	vld [tilespmem:s28+$0x0]  }
0x2de: {  	[tilespmem:s14+$0x0] =	vst v21;
	v21 =	vld [tilespmem:s28+$0xFFFFF7D0]  }
0x2df: {  	v22 =	vld [tilespmem:s28+$0xFFFFFBD0];
	v12 =	vadd.bf16 v15, v12;
	v17 =	vadd.bf16 v18, v17;
	v15 =	vshll.u32 v11, $0x10  }
0x2e0: {  	v23 =	vld [tilespmem:s28+$0xFFFFFFD0];
	v18 =	vshll.u32 v13, $0x3;
	v11 =	vand.u32 $0xFFFF0000, v11;
	[tilespmem:s4+$0x0] =	vst v15;
	v15 =	vshll.u32 v14, $0x3  }
0x2e1: {  	v52 =	vld [tilespmem:s28+$0xFFFFF3D0];
	[tilespmem:s7+$0x0] =	vst v11;
	v11 =	vadd.bf16 v17, v12;
	v14 =	vshll.u32 v19, $0x3;
	v17 =	vadd.s32 $0x1008, v15  }
0x2e2: {  	v13 =	vld [tilespmem:s28+$0xFFFFF7E0];
	v24 =	vadd.s32 $0x2010, v14;
	v12 =	vshll.u32 v20, $0x3  }
0x2e3: {  	v25 =	vshll.u32 v21, $0x3;
	v21 =	vld [tilespmem:s28+$0xFFFFFFE0];
	v26 =	vadd.s32 $0x3018, v12  }
0x2e4: {  	v29 =	vshll.u32 v22, $0x3;
	v19 =	vld [tilespmem:s28+$0xFFFFFBE0]  }
0x2e5: {  	v31 =	vadd.s32 $0x2010, v29;
	v34 =	vld.idx.msk [tilespmem:v18+s2+$0x0], $0xffff  }
0x2e6: {  	v23 =	vshll.u32 v23, $0x3;
	v37 =	vld.idx.msk [tilespmem:v17+s2+$0x0], $0xffff  }
0x2e7: {  	v35 =	vadd.s32 $0x3018, v23;
	v38 =	vld.idx.msk [tilespmem:v24+s2+$0x0], $0xffff  }
0x2e8: {  	v36 =	vadd.s32 $0x3019, v23;
	v55 =	vadd.s32 $0x301B, v23;
	v33 =	vadd.s32 $0x2011, v29;
	v41 =	vld.idx.msk [tilespmem:v26+s2+$0x0], $0xffff  }
0x2e9: {  	v50 =	vld [tilespmem:s28+$0xFFFFF3E0];
	v22 =	vadd.s32 $0x2012, v29;
	v27 =	vadd.s32 $0x1008, v25;
	v20 =	vshll.u32 v11, $0x10  }
0x2ea: {  	v54 =	vadd.s32 $0x2013, v29;
	v32 =	vadd.s32 $0x1009, v25;
	v11 =	vand.u32 $0xFFFF0000, v11;
	[tilespmem:s11+$0x0] =	vst v20;
	v29 =	vld.idx.msk [tilespmem:v31+s2+$0x0], $0xffff  }
0x2eb: {  	v53 =	vadd.s32 $0x100B, v25;
	v44 =	vshll.u32 v13, $0x3;
	v46 =	vshll.u32 v21, $0x3;
	v20 =	vld [tilespmem:s28+$0xFFFFF7F0];
	[tilespmem:s13+$0x0] =	vst v11  }
0x2ec: {  	v39 =	vadd.s32 $0x1008, v44;
	v42 =	vadd.s32 $0x3018, v46;
	v45 =	vshll.u32 v19, $0x3;
	v43 =	vld [tilespmem:s28+$0xFFFFFBF0]  }
0x2ed: {  	s20 =	sadd.s32 $0x200, s20;
	v48 =	vld [tilespmem:s28+$0xFFFFFFF0];
	v17 =	vadd.s32 $0x301A, v23;
	v23 =	vadd.bf16 v37, v34;
	v41 =	vadd.bf16 v41, v38  }
0x2ee: {  	[tilespmem:$0x1FF80] =	vst v8;
	s1 =	smov.u32 s31;
	s21 =	sadd.s32 $0x40, s21;
	v21 =	vadd.s32 $0x100A, v25;
	s11 =	sand.u32 $0x1C00, s20;
	v56 =	vld.idx.msk [tilespmem:v27+s2+$0x0], $0xffff;
	v40 =	vadd.s32 $0x2010, v45;
	v0 =	vadd.s32 $0x2012, v45  }
0x2ef: {  	v8 =	vmovc v6;
	[dreg:$0x5] =	wrdreg s1;
	v25 =	vor.u32 $0x1, v18;
	s1 =	sadd.s32 s11, s12;
	s12 =	sadd.s32 $0x30, s21;
	v51 =	vld [tilespmem:s28+$0xFFFFF3F0];
	[tilespmem:$0x1FF50] =	vst v0;
	v0 =	vadd.s32 $0x301A, v46;
	v23 =	vadd.bf16 v41, v23  }
0x2f0: {  	s10 =	smov.u32 s0;
	s13 =	sadd.s32 $0x4000, s1;
	s0 =	sand.u32 $0x70, s12;
	v47 =	vshll.u32 v20, $0x3;
	v20 =	vmovc v7;
	v7 =	vmovc v5;
	v5 =	vmov v3;
	v34 =	vld.idx.msk [tilespmem:v35+s2+$0x0], $0xffff;
	v35 =	vadd.s32 $0x1009, v15  }
0x2f1: {  	s6 =	sadd.s32 $0x4200, s1;
	s14 =	sadd.s32 s0, s13;
	v58 =	vld.idx.msk [tilespmem:v39+s2+$0x0], $0xffff;
	[tilespmem:$0x1FF60] =	vst v0;
	v3 =	vmovc v30;
	v30 =	vmovc v60;
	v60 =	vadd.s32 $0x2011, v14;
	v27 =	vshll.u32 v43, $0x3;
	v43 =	vshll.u32 v23, $0x10  }
0x2f2: {  	v6 =	vmovc v4;
	v4 =	vmovc v62;
	v63 =	vadd.s32 $0x3019, v12;
	s15 =	sadd.s32 s0, s6;
	v62 =	vld.idx.msk [tilespmem:v42+s2+$0x0], $0xffff;
	v48 =	vshll.u32 v48, $0x3;
	v23 =	vand.u32 $0xFFFF0000, v23;
	[tilespmem:s14+$0x0] =	vst v43  }
0x2f3: {  	v0 =	vadd.s32 $0x100A, v47;
	v57 =	vadd.s32 $0x3018, v48;
	v59 =	vld.idx.msk [tilespmem:v40+s2+$0x0], $0xffff;
	[tilespmem:s15+$0x0] =	vst v23  }
0x2f4: {  	v52 =	vshll.u32 v52, $0x3;
	[tilespmem:$0x1FF70] =	vst v0;
	v0 =	vld.idx.msk [tilespmem:v25+s2+$0x0], $0xffff  }
0x2f5: {  	v49 =	vadd.s32 $0x1008, v47;
	v2 =	vld.idx.msk [tilespmem:v35+s2+$0x0], $0xffff  }
0x2f6: {  	v50 =	vshll.u32 v50, $0x3;
	v31 =	vadd.s32 $0x2010, v27;
	v60 =	vld.idx.msk [tilespmem:v60+s2+$0x0], $0xffff  }
0x2f7: {  	v61 =	vor.u32 $0x1, v52;
	v28 =	vor.u32 $0x3, v50;
	v63 =	vld.idx.msk [tilespmem:v63+s2+$0x0], $0xffff  }
0x2f8: {  	v24 =	vadd.s32 $0x1009, v47;
	v51 =	vshll.u32 v51, $0x3;
	v35 =	vadd.s32 $0x100B, v47;
	v47 =	vld.idx.msk [tilespmem:v57+s2+$0x0], $0xffff  }
0x2f9: {  	v39 =	vor.u32 $0x2, v50;
	v42 =	vor.u32 $0x1, v51;
	v40 =	vor.u32 $0x2, v52;
	v57 =	vld.idx.msk [tilespmem:v52+s2+$0x0], $0xffff  }
0x2fa: {  	v37 =	vor.u32 $0x2, v51;
	v38 =	vadd.s32 $0x2011, v27;
	v49 =	vld.idx.msk [tilespmem:v49+s2+$0x0], $0xffff;
	v41 =	vadd.s32 $0x3019, v48  }
0x2fb: {  	v1 =	vadd.bf16 v34, v29;
	v29 =	vadd.s32 $0x2012, v27;
	v59 =	vadd.bf16 v62, v59;
	v62 =	vld.idx.msk [tilespmem:v31+s2+$0x0], $0xffff  }
0x2fc: {  	v34 =	vor.u32 $0x3, v51;
	v31 =	vadd.s32 $0x2013, v27;
	v43 =	vor.u32 $0x1, v50;
	v50 =	vld.idx.msk [tilespmem:v50+s2+$0x0], $0xffff  }
0x2fd: {  	v23 =	vor.u32 $0x3, v52;
	v52 =	vld.idx.msk [tilespmem:v30+s2+$0x0], $0xffff;
	v0 =	vadd.bf16 v2, v0;
	v2 =	vadd.bf16 v63, v60  }
0x2fe: {  	s3 =	sadd.s32 $0x10, s21;
	v27 =	vadd.s32 $0x301B, v48;
	v51 =	vld.idx.msk [tilespmem:v51+s2+$0x0], $0xffff;
	v25 =	vadd.s32 $0x301A, v48;
	v48 =	vadd.bf16 v56, v57  }
0x2ff: {  	[dreg:$0xa] =	wrdreg s10;
	s5 =	sadd.s32 $0x20, s21;
	s9 =	sand.u32 $0x50, s3;
	v30 =	vmov v54;
	v54 =	vld.idx.msk [tilespmem:v4+s2+$0x0], $0xffff;
	v0 =	vadd.bf16 v2, v0  }
0x300: {  	s10 =	sand.u32 $0x60, s5;
	v11 =	vadd.s32 $0x1009, v44;
	s11 =	sand.u32 $0x40, s21;
	s15 =	sadd.s32 $0x4080, s1;
	v60 =	vmov v53;
	v53 =	vld.idx.msk [tilespmem:v3+s2+$0x0], $0xffff;
	v1 =	vadd.bf16 v1, v48  }
0x301: {  	v19 =	vadd.s32 $0x100A, v44;
	s16 =	sadd.s32 $0x4180, s1;
	v44 =	vadd.s32 $0x100B, v44;
	s22 =	sadd.s32 s11, s13;
	s23 =	sadd.s32 s0, s15;
	v56 =	vld.idx.msk [tilespmem:v5+s2+$0x0], $0xffff;
	v63 =	vshll.u32 v0, $0x10  }
0x302: {  	s18 =	sadd.s32 s11, s6;
	s17 =	sadd.s32 s11, s16;
	s4 =	sadd.s32 s9, s16;
	v3 =	vmovc v28;
	v28 =	vadd.bf16 v58, v50;
	v16 =	vadd.bf16 v52, v16;
	v52 =	vshll.u32 v1, $0x10;
	[tilespmem:s23+$0x0] =	vst v63  }
0x303: {  	s31 =	sadd.s32 s10, s16;
	s3 =	sadd.s32 s0, s16;
	s16 =	sadd.s32 $0x4280, s1;
	v47 =	vadd.bf16 v47, v62;
	v58 =	vld.idx.msk [tilespmem:v7+s2+$0x0], $0xffff;
	v2 =	vor.u32 $0x2, v18;
	v1 =	vand.u32 $0xFFFF0000, v1;
	[tilespmem:s22+$0x0] =	vst v52  }
0x304: {  	v62 =	vmovc v55;
	v55 =	vadd.s32 $0x100A, v15;
	v50 =	vld.idx.msk [tilespmem:v6+s2+$0x0], $0xffff;
	v28 =	vadd.bf16 v59, v28;
	v0 =	vand.u32 $0xFFFF0000, v0;
	s23 =	sadd.s32 s0, s16;
	[tilespmem:s18+$0x0] =	vst v1  }
0x305: {  	v26 =	vadd.s32 $0x3019, v46;
	v46 =	vadd.s32 $0x301B, v46;
	v63 =	vadd.s32 $0x301A, v12;
	[tilespmem:s23+$0x0] =	vst v0;
	v0 =	vld.idx.msk [tilespmem:v8+s2+$0x0], $0xffff  }
0x306: {  	s19 =	sadd.s32 s9, s6;
	v57 =	vadd.s32 $0x2012, v14;
	v6 =	vmovc v46;
	v46 =	vshll.u32 v28, $0x10;
	v28 =	vand.u32 $0xFFFF0000, v28;
	v32 =	vld.idx.msk [tilespmem:v32+s2+$0x0], $0xffff  }
0x307: {  	v5 =	vmov v44;
	v44 =	vadd.bf16 v49, v51;
	[tilespmem:s19+$0x0] =	vst v28;
	v28 =	vld.idx.msk [tilespmem:v33+s2+$0x0], $0xffff  }
0x308: {  	v2 =	vld.idx.msk [tilespmem:v2+s2+$0x0], $0xffff  }
0x309: {  	v44 =	vadd.bf16 v47, v44;
	v47 =	vld.idx.msk [tilespmem:v55+s2+$0x0], $0xffff  }
0x30a: {  	v13 =	vadd.s32 $0x2011, v45;
	v1 =	vld.idx.msk [tilespmem:v63+s2+$0x0], $0xffff;
	v63 =	vadd.bf16 v54, v53  }
0x30b: {  	s14 =	sadd.s32 s10, s13;
	v59 =	vshll.u32 v44, $0x10;
	v48 =	vld.idx.msk [tilespmem:v57+s2+$0x0], $0xffff;
	v57 =	vadd.bf16 v58, v56;
	v0 =	vadd.bf16 v0, v50  }
0x30c: {  	s7 =	sadd.s32 s9, s13;
	[tilespmem:s14+$0x0] =	vst v59;
	v59 =	vld.idx.msk [tilespmem:v36+s2+$0x0], $0xffff;
	v16 =	vadd.bf16 v63, v16  }
0x30d: {  	[tilespmem:s7+$0x0] =	vst v46;
	v58 =	vld.idx.msk [tilespmem:v61+s2+$0x0], $0xffff;
	v0 =	vadd.bf16 v0, v57  }
0x30e: {  	v43 =	vld.idx.msk [tilespmem:v43+s2+$0x0], $0xffff;
	v61 =	vshll.u32 v16, $0x10;
	v16 =	vand.u32 $0xFFFF0000, v16  }
0x30f: {  	v11 =	vld.idx.msk [tilespmem:v11+s2+$0x0], $0xffff;
	[tilespmem:s30+$0x0] =	vst v16;
	v16 =	vshll.u32 v0, $0x10  }
0x310: {  	v13 =	vld.idx.msk [tilespmem:v13+s2+$0x0], $0xffff;
	v2 =	vadd.bf16 v47, v2;
	v1 =	vadd.bf16 v1, v48;
	[tilespmem:s25+$0x0] =	vst v16  }
0x311: {  	v26 =	vld.idx.msk [tilespmem:v26+s2+$0x0], $0xffff  }
0x312: {  	s8 =	sadd.s32 s10, s6;
	v15 =	vadd.s32 $0x100B, v15;
	v44 =	vand.u32 $0xFFFF0000, v44;
	v1 =	vadd.bf16 v1, v2  }
0x313: {  	v7 =	vld [tilespmem:$0x1FF50];
	[tilespmem:s8+$0x0] =	vst v44;
	s7 =	sadd.s32 $0x4100, s1;
	v0 =	vand.u32 $0xFFFF0000, v0;
	v2 =	vor.u32 $0x3, v18  }
0x314: {  	s23 =	sadd.s32 $0x4300, s1;
	v24 =	vld.idx.msk [tilespmem:v24+s2+$0x0], $0xffff;
	s19 =	sadd.s32 s0, s7;
	v16 =	vadd.bf16 v32, v58;
	[tilespmem:s29+$0x0] =	vst v0;
	v18 =	vadd.bf16 v59, v28;
	v28 =	vshll.u32 v1, $0x10  }
0x315: {  	v12 =	vadd.s32 $0x301B, v12;
	s22 =	sadd.s32 s0, s23;
	v63 =	vld.idx.msk [tilespmem:v38+s2+$0x0], $0xffff;
	v11 =	vadd.bf16 v11, v43;
	v1 =	vand.u32 $0xFFFF0000, v1;
	[tilespmem:s19+$0x0] =	vst v28  }
0x316: {  	v14 =	vadd.s32 $0x2013, v14;
	v0 =	vld.idx.msk [tilespmem:v42+s2+$0x0], $0xffff;
	v16 =	vadd.bf16 v18, v16;
	[tilespmem:s22+$0x0] =	vst v1;
	v13 =	vadd.bf16 v26, v13  }
0x317: {  	v15 =	vld.idx.msk [tilespmem:v15+s2+$0x0], $0xffff  }
0x318: {  	s5 =	sadd.s32 s11, s15;
	[tilespmem:s24+$0x0] =	vst v61;
	v1 =	vld.idx.msk [tilespmem:v2+s2+$0x0], $0xffff;
	v2 =	vshll.u32 v16, $0x10;
	v11 =	vadd.bf16 v13, v11  }
0x319: {  	s12 =	sadd.s32 s11, s16;
	v18 =	vld.idx.msk [tilespmem:v41+s2+$0x0], $0xffff;
	v16 =	vand.u32 $0xFFFF0000, v16;
	[tilespmem:s5+$0x0] =	vst v2  }
0x31a: {  	s13 =	sadd.s32 s9, s15;
	v12 =	vld.idx.msk [tilespmem:v12+s2+$0x0], $0xffff;
	[tilespmem:s12+$0x0] =	vst v16;
	v16 =	vshll.u32 v11, $0x10  }
0x31b: {  	s6 =	sadd.s32 s9, s16;
	v2 =	vld.idx.msk [tilespmem:v14+s2+$0x0], $0xffff;
	v11 =	vand.u32 $0xFFFF0000, v11;
	[tilespmem:s13+$0x0] =	vst v16  }
0x31c: {  	v13 =	vld.idx.msk [tilespmem:v40+s2+$0x0], $0xffff;
	[tilespmem:s6+$0x0] =	vst v11  }
0x31d: {  	v1 =	vadd.bf16 v15, v1;
	v15 =	vld.idx.msk [tilespmem:v7+s2+$0x0], $0xffff  }
0x31e: {  	v7 =	vld [tilespmem:$0x1FF60]  }
0x31f: {  	v14 =	vld.idx.msk [tilespmem:v21+s2+$0x0], $0xffff  }
0x320: {  	v0 =	vadd.bf16 v24, v0;
	v18 =	vadd.bf16 v18, v63;
	v21 =	vld.idx.msk [tilespmem:v22+s2+$0x0], $0xffff  }
0x321: {  	v16 =	vld.idx.msk [tilespmem:v17+s2+$0x0], $0xffff  }
0x322: {  	v0 =	vadd.bf16 v18, v0  }
0x323: {  	v2 =	vadd.bf16 v12, v2  }
0x324: {  	s16 =	sadd.s32 s10, s16;
	s1 =	sadd.s32 $0x4380, s1;
	v11 =	vshll.u32 v0, $0x10;
	v0 =	vand.u32 $0xFFFF0000, v0  }
0x325: {  	s18 =	sadd.s32 s11, s23;
	s8 =	sadd.s32 s9, s7;
	s14 =	sadd.s32 s9, s23;
	[tilespmem:s16+$0x0] =	vst v0;
	v0 =	vadd.bf16 v2, v1  }
0x326: {  	s24 =	smov.u32 s17;
	s17 =	sadd.s32 s11, s7;
	s25 =	smov.u32 s4;
	v12 =	vadd.bf16 v14, v13;
	v2 =	vadd.bf16 v16, v21;
	v13 =	vld.idx.msk [tilespmem:v7+s2+$0x0], $0xffff  }
0x327: {  	s4 =	sadd.s32 s10, s7;
	s7 =	sadd.s32 s10, s23;
	s23 =	sadd.s32 s0, s1;
	v17 =	vshll.u32 v0, $0x10;
	v0 =	vand.u32 $0xFFFF0000, v0;
	v7 =	vld [tilespmem:$0x1FF70]  }
0x328: {  	s15 =	sadd.s32 s10, s15;
	[tilespmem:s23+$0x0] =	vst v0;
	v0 =	vadd.bf16 v2, v12  }
0x329: {  	v18 =	vld.idx.msk [tilespmem:v39+s2+$0x0], $0xffff;
	[tilespmem:s15+$0x0] =	vst v11  }
0x32a: {  	v19 =	vld.idx.msk [tilespmem:v19+s2+$0x0], $0xffff;
	[tilespmem:s3+$0x0] =	vst v17;
	v17 =	vshll.u32 v0, $0x10;
	v0 =	vand.u32 $0xFFFF0000, v0  }
0x32b: {  	[tilespmem:s18+$0x0] =	vst v0;
	v0 =	vld [tilespmem:$0x1FF80]  }
0x32c: {  	v1 =	vld.idx.msk [tilespmem:v37+s2+$0x0], $0xffff  }
0x32d: {  	v11 =	vld.idx.msk [tilespmem:v29+s2+$0x0], $0xffff  }
0x32e: {  	s26 =	sadd.s32 $0x4, s26;
	v14 =	vld.idx.msk [tilespmem:v25+s2+$0x0], $0xffff  }
0x32f: {  	p0 =	slt.u32 s26, $0x3C;
	v16 =	vld.idx.msk [tilespmem:v7+s2+$0x0], $0xffff  }
.Ltmp3:
0x330: {  	v12 =	vld.idx.msk [tilespmem:v20+s2+$0x0], $0xffff;
	(pc) =	sbr.rel @p0 .LBB2_9-.Ltmp3, $4  }
0x331: {  	[tilespmem:s17+$0x0] =	vst v17;
	v17 =	vld.idx.msk [tilespmem:v10+s2+$0x0], $0xffff  }
0x332: {  	v45 =	vadd.s32 $0x2013, v45;
	s30 =	sadd.s32 s11, s1;
	s11 =	rddreg [dreg:$0x5];
	v2 =	vadd.bf16 v19, v18;
	v13 =	vadd.bf16 v13, v15;
	v15 =	vld.idx.msk [tilespmem:v9+s2+$0x0], $0xffff  }
0x333: {  	s28 =	sadd.s32 $0x40, s28;
	v4 =	vmov v45;
	v8 =	vmov v27;
	s12 =	rddreg [dreg:$0x3];
	v10 =	vmov v31;
	v18 =	vld.idx.msk [tilespmem:v0+s2+$0x0], $0xffff  }
0x334: {  	s0 =	sadd.s32 s10, s1;
	s29 =	sadd.s32 s9, s1;
	s13 =	rddreg [dreg:$0xa];
	v9 =	vmovc v35;
	v22 =	vadd.bf16 v13, v2;
	v7 =	vmov v34;
	v20 =	vadd.bf16 v16, v1;
	v16 =	vld.idx.msk [tilespmem:v23+s2+$0x0], $0xffff  }
0x335: {  	_ =	sdelay $0x3  }
0x336: {  	v1 =	vadd.bf16 v14, v11;
	v2 =	vld.idx.msk [tilespmem:v60+s2+$0x0], $0xffff;
	v0 =	vshll.u32 v22, $0x10  }
0x337: {  	v11 =	vand.u32 $0xFFFF0000, v22;
	[tilespmem:s8+$0x0] =	vst v0;
	v0 =	vld.idx.msk [tilespmem:v30+s2+$0x0], $0xffff  }
0x338: {  	v1 =	vadd.bf16 v1, v20;
	[tilespmem:s14+$0x0] =	vst v11;
	v11 =	vld.idx.msk [tilespmem:v62+s2+$0x0], $0xffff  }
0x339: {  	v3 =	vld.idx.msk [tilespmem:v3+s2+$0x0], $0xffff  }
0x33a: {  	v13 =	vshll.u32 v1, $0x10;
	v5 =	vld.idx.msk [tilespmem:v5+s2+$0x0], $0xffff  }
0x33b: {  	v1 =	vand.u32 $0xFFFF0000, v1;
	v4 =	vld.idx.msk [tilespmem:v4+s2+$0x0], $0xffff;
	[tilespmem:s4+$0x0] =	vst v13  }
0x33c: {  	[tilespmem:s7+$0x0] =	vst v1;
	v1 =	vld.idx.msk [tilespmem:v6+s2+$0x0], $0xffff  }
0x33d: {  	v6 =	vld.idx.msk [tilespmem:v7+s2+$0x0], $0xffff  }
0x33e: {  	v10 =	vld.idx.msk [tilespmem:v10+s2+$0x0], $0xffff  }
0x33f: {  	v7 =	vadd.bf16 v15, v12;
	v12 =	vadd.bf16 v18, v17;
	v8 =	vld.idx.msk [tilespmem:v8+s2+$0x0], $0xffff  }
0x340: {  	v2 =	vadd.bf16 v2, v16;
	v9 =	vld.idx.msk [tilespmem:v9+s2+$0x0], $0xffff  }
0x341: {  	v0 =	vadd.bf16 v11, v0;
	v7 =	vadd.bf16 v12, v7  }
0x342: {  	v3 =	vadd.bf16 v5, v3  }
0x343: {  	v0 =	vadd.bf16 v0, v2;
	v1 =	vadd.bf16 v1, v4;
	v4 =	vshll.u32 v7, $0x10  }
0x344: {  	v2 =	vand.u32 $0xFFFF0000, v7;
	[tilespmem:s11+$0x0] =	vst v4;
	v4 =	vadd.bf16 v8, v10  }
0x345: {  	v1 =	vadd.bf16 v1, v3;
	[tilespmem:s13+$0x0] =	vst v2;
	v2 =	vshll.u32 v0, $0x10;
	v3 =	vadd.bf16 v9, v6  }
0x346: {  	v0 =	vand.u32 $0xFFFF0000, v0;
	[tilespmem:s24+$0x0] =	vst v2  }
0x347: {  	[tilespmem:s30+$0x0] =	vst v0;
	v0 =	vshll.u32 v1, $0x10;
	v2 =	vadd.bf16 v4, v3  }
0x348: {  	v1 =	vand.u32 $0xFFFF0000, v1;
	[tilespmem:s25+$0x0] =	vst v0  }
0x349: {  	[tilespmem:s29+$0x0] =	vst v1;
	v0 =	vshll.u32 v2, $0x10  }
0x34a: {  	v1 =	vand.u32 $0xFFFF0000, v2;
	[tilespmem:s31+$0x0] =	vst v0  }
0x34b: {  	[tilespmem:s0+$0x0] =	vst v1  }
0x34c: {  	s0 =	rddreg [dreg:$0x15]  }
0x34d: {  	s0 =	sadd.s32 $0x7C50, s0  }
0x34e: {  	v0 =	vld [tilespmem:s0+$0xFFFFF400]  }
0x34f: {  	v1 =	vld [tilespmem:s0+$0xFFFFF800]  }
0x350: {  	v2 =	vld [tilespmem:s0+$0xFFFFFC00]  }
0x351: {  	v3 =	vld [tilespmem:s0+$0x0];
	_ =	sdelay $0x2  }
0x352: {  	v9 =	vshll.u32 v0, $0x3;
	v7 =	vshll.u32 v1, $0x3  }
0x353: {  	v6 =	vshll.u32 v2, $0x3;
	v0 =	vadd.s32 $0x1008, v7  }
0x354: {  	v5 =	vshll.u32 v3, $0x3;
	v1 =	vadd.s32 $0x2010, v6  }
0x355: {  	v8 =	vld [tilespmem:s0+$0xFFFFFBD0];
	v3 =	vadd.s32 $0x3018, v5  }
0x356: {  	v2 =	vld [tilespmem:s0+$0xFFFFF7D0]  }
0x357: {  	v10 =	vld.idx.msk [tilespmem:v9+s2+$0x0], $0xffff  }
0x358: {  	v0 =	vld.idx.msk [tilespmem:v0+s2+$0x0], $0xffff  }
0x359: {  	v1 =	vld.idx.msk [tilespmem:v1+s2+$0x0], $0xffff  }
0x35a: {  	v3 =	vld.idx.msk [tilespmem:v3+s2+$0x0], $0xffff  }
0x35b: {  	v12 =	vld [tilespmem:s0+$0xFFFFFFD0]  }
0x35c: {  	v13 =	vld [tilespmem:s0+$0xFFFFF7E0]  }
0x35d: {  	v14 =	vld [tilespmem:s0+$0xFFFFFBE0]  }
0x35e: {  	v18 =	vld [tilespmem:s0+$0xFFFFFFE0]  }
0x35f: {  	s6 =	simm.s32 $0x0;
	v19 =	vld [tilespmem:s0+$0xFFFFFFF0];
	v4 =	vshll.u32 v2, $0x3;
	v0 =	vadd.bf16 v0, v10;
	v1 =	vadd.bf16 v3, v1  }
0x360: {  	s1 =	sand.u32 $0x1C00, s6;
	v21 =	vld [tilespmem:s0+$0xFFFFF3D0];
	v3 =	vadd.s32 $0x1008, v4  }
0x361: {  	s17 =	simm.s32 $0x30;
	s22 =	sadd.s32 s1, s12;
	v20 =	vld [tilespmem:s0+$0xFFFFF3E0];
	v0 =	vadd.bf16 v1, v0;
	v1 =	vor.u32 $0x1, v9  }
0x362: {  	s21 =	sand.u32 $0x70, s17;
	s18 =	sadd.s32 $0x6000, s22;
	v17 =	vadd.s32 $0x1009, v7;
	v2 =	vld [tilespmem:s0+$0xFFFFF7F0]  }
0x363: {  	s5 =	sadd.s32 $0x6200, s22;
	s1 =	sadd.s32 s21, s18;
	v23 =	vld [tilespmem:s0+$0xFFFFF3F0];
	v22 =	vadd.s32 $0x2011, v6;
	v15 =	vshll.u32 v0, $0x10  }
0x364: {  	s19 =	sadd.s32 s21, s5;
	v24 =	vadd.s32 $0x3019, v5;
	v10 =	vld [tilespmem:s0+$0xFFFFFBF0];
	v0 =	vand.u32 $0xFFFF0000, v0;
	[tilespmem:s1+$0x0] =	vst v15  }
0x365: {  	v11 =	vshll.u32 v8, $0x3;
	v16 =	vshll.u32 v12, $0x3;
	v8 =	vshll.u32 v21, $0x3;
	v12 =	vld.idx.msk [tilespmem:v3+s2+$0x0], $0xffff;
	[tilespmem:s19+$0x0] =	vst v0  }
0x366: {  	v25 =	vadd.s32 $0x2010, v11;
	v15 =	vshll.u32 v13, $0x3;
	v13 =	vld.idx.msk [tilespmem:v1+s2+$0x0], $0xffff  }
0x367: {  	v2 =	vshll.u32 v2, $0x3;
	v3 =	vadd.s32 $0x3018, v16;
	v27 =	vld.idx.msk [tilespmem:v17+s2+$0x0], $0xffff  }
0x368: {  	v28 =	vadd.s32 $0x1008, v2;
	v26 =	vadd.s32 $0x1008, v15;
	v21 =	vld.idx.msk [tilespmem:v22+s2+$0x0], $0xffff  }
0x369: {  	v0 =	vshll.u32 v10, $0x3;
	v17 =	vshll.u32 v14, $0x3;
	v14 =	vshll.u32 v18, $0x3;
	v18 =	vld.idx.msk [tilespmem:v24+s2+$0x0], $0xffff  }
0x36a: {  	v30 =	vld.idx.msk [tilespmem:v8+s2+$0x0], $0xffff;
	v29 =	vadd.s32 $0x2010, v0  }
0x36b: {  	v20 =	vshll.u32 v20, $0x3;
	v25 =	vld.idx.msk [tilespmem:v25+s2+$0x0], $0xffff  }
0x36c: {  	v22 =	vadd.s32 $0x2010, v17;
	v10 =	vld.idx.msk [tilespmem:v3+s2+$0x0], $0xffff  }
0x36d: {  	v1 =	vshll.u32 v19, $0x3;
	v42 =	vadd.s32 $0x3018, v14;
	v3 =	vshll.u32 v23, $0x3;
	v23 =	vld.idx.msk [tilespmem:v28+s2+$0x0], $0xffff  }
0x36e: {  	v43 =	vadd.s32 $0x3018, v1;
	v19 =	vld.idx.msk [tilespmem:v26+s2+$0x0], $0xffff;
	v13 =	vadd.bf16 v27, v13;
	v18 =	vadd.bf16 v18, v21  }
0x36f: {  	v44 =	vld.idx.msk [tilespmem:v29+s2+$0x0], $0xffff  }
0x370: {  	v29 =	vld.idx.msk [tilespmem:v20+s2+$0x0], $0xffff;
	v13 =	vadd.bf16 v18, v13;
	v18 =	vor.u32 $0x2, v9  }
0x371: {  	s3 =	sadd.s32 $0x6080, s22;
	v45 =	vadd.s32 $0x100A, v7;
	v12 =	vadd.bf16 v12, v30;
	v22 =	vld.idx.msk [tilespmem:v22+s2+$0x0], $0xffff  }
0x372: {  	s20 =	sadd.s32 $0x6280, s22;
	s26 =	sadd.s32 s21, s3;
	v28 =	vadd.s32 $0x2012, v6;
	v21 =	vld.idx.msk [tilespmem:v42+s2+$0x0], $0xffff;
	v10 =	vadd.bf16 v10, v25;
	v46 =	vshll.u32 v13, $0x10  }
0x373: {  	s31 =	sadd.s32 s21, s20;
	v47 =	vadd.s32 $0x301A, v5;
	v26 =	vld.idx.msk [tilespmem:v43+s2+$0x0], $0xffff;
	v13 =	vand.u32 $0xFFFF0000, v13;
	[tilespmem:s26+$0x0] =	vst v46  }
0x374: {  	v30 =	vor.u32 $0x1, v8;
	v31 =	vld.idx.msk [tilespmem:v3+s2+$0x0], $0xffff;
	v10 =	vadd.bf16 v10, v12;
	[tilespmem:s31+$0x0] =	vst v13  }
0x375: {  	s23 =	sand.u32 $0x40, s6;
	v12 =	vadd.s32 $0x1009, v4;
	v13 =	vld.idx.msk [tilespmem:v18+s2+$0x0], $0xffff  }
0x376: {  	s6 =	sadd.s32 s23, s18;
	v33 =	vadd.s32 $0x3019, v16;
	v19 =	vadd.bf16 v19, v29;
	v32 =	vshll.u32 v10, $0x10;
	v25 =	vld.idx.msk [tilespmem:v45+s2+$0x0], $0xffff  }
0x377: {  	s8 =	sadd.s32 s23, s5;
	v21 =	vadd.bf16 v21, v22;
	v18 =	vadd.s32 $0x2011, v11;
	v10 =	vand.u32 $0xFFFF0000, v10;
	v28 =	vld.idx.msk [tilespmem:v28+s2+$0x0], $0xffff;
	[tilespmem:s6+$0x0] =	vst v32  }
0x378: {  	[tilespmem:s8+$0x0] =	vst v10;
	v10 =	vld.idx.msk [tilespmem:v47+s2+$0x0], $0xffff  }
0x379: {  	s9 =	simm.s32 $0x10;
	v48 =	vor.u32 $0x1, v20;
	v19 =	vadd.bf16 v21, v19;
	v22 =	vld.idx.msk [tilespmem:v30+s2+$0x0], $0xffff  }
0x37a: {  	s24 =	sand.u32 $0x50, s9;
	v29 =	vadd.s32 $0x2011, v17;
	v21 =	vadd.s32 $0x1009, v15;
	v12 =	vld.idx.msk [tilespmem:v12+s2+$0x0], $0xffff  }
0x37b: {  	v24 =	vadd.bf16 v26, v44;
	s6 =	sadd.s32 s24, s18;
	v23 =	vadd.bf16 v23, v31;
	v49 =	vshll.u32 v19, $0x10;
	v30 =	vld.idx.msk [tilespmem:v33+s2+$0x0], $0xffff  }
0x37c: {  	s10 =	sadd.s32 s24, s5;
	v31 =	vadd.s32 $0x3019, v14;
	v19 =	vand.u32 $0xFFFF0000, v19;
	[tilespmem:s6+$0x0] =	vst v49;
	v18 =	vld.idx.msk [tilespmem:v18+s2+$0x0], $0xffff  }
0x37d: {  	s11 =	simm.s32 $0x20;
	v51 =	vor.u32 $0x1, v3;
	v23 =	vadd.bf16 v24, v23;
	[tilespmem:s10+$0x0] =	vst v19  }
0x37e: {  	s25 =	sand.u32 $0x60, s11;
	v50 =	vadd.s32 $0x1009, v2;
	v19 =	vadd.s32 $0x2011, v0;
	v52 =	vld.idx.msk [tilespmem:v48+s2+$0x0], $0xffff  }
0x37f: {  	s4 =	sadd.s32 s25, s18;
	v13 =	vadd.bf16 v25, v13;
	v54 =	vshll.u32 v23, $0x10;
	v21 =	vld.idx.msk [tilespmem:v21+s2+$0x0], $0xffff;
	v10 =	vadd.bf16 v10, v28  }
0x380: {  	s5 =	sadd.s32 s25, s5;
	v53 =	vadd.s32 $0x3019, v1;
	[tilespmem:s4+$0x0] =	vst v54;
	v12 =	vadd.bf16 v12, v22;
	v22 =	vand.u32 $0xFFFF0000, v23;
	v23 =	vld.idx.msk [tilespmem:v29+s2+$0x0], $0xffff  }
0x381: {  	v9 =	vor.u32 $0x3, v9;
	v10 =	vadd.bf16 v10, v13;
	[tilespmem:s5+$0x0] =	vst v22;
	v13 =	vadd.bf16 v30, v18;
	v18 =	vld.idx.msk [tilespmem:v31+s2+$0x0], $0xffff  }
0x382: {  	s28 =	sadd.s32 $0x6100, s22;
	v7 =	vadd.s32 $0x100B, v7;
	v28 =	vld.idx.msk [tilespmem:v51+s2+$0x0], $0xffff  }
0x383: {  	s13 =	sadd.s32 s21, s28;
	v6 =	vadd.s32 $0x2013, v6;
	s26 =	sadd.s32 $0x6300, s22;
	v26 =	vld.idx.msk [tilespmem:v50+s2+$0x0], $0xffff;
	v22 =	vshll.u32 v10, $0x10  }
0x384: {  	v5 =	vadd.s32 $0x301B, v5;
	s14 =	sadd.s32 s21, s26;
	v19 =	vld.idx.msk [tilespmem:v19+s2+$0x0], $0xffff;
	v10 =	vand.u32 $0xFFFF0000, v10;
	v12 =	vadd.bf16 v13, v12;
	[tilespmem:s13+$0x0] =	vst v22  }
0x385: {  	v55 =	vor.u32 $0x2, v8;
	v31 =	vld.idx.msk [tilespmem:v53+s2+$0x0], $0xffff;
	[tilespmem:s14+$0x0] =	vst v10  }
0x386: {  	s15 =	sadd.s32 s23, s3;
	v13 =	vadd.s32 $0x100A, v4;
	v10 =	vshll.u32 v12, $0x10;
	v22 =	vld.idx.msk [tilespmem:v9+s2+$0x0], $0xffff  }
0x387: {  	v29 =	vadd.s32 $0x2012, v11;
	v9 =	vadd.bf16 v21, v52;
	v25 =	vld.idx.msk [tilespmem:v7+s2+$0x0], $0xffff;
	[tilespmem:s15+$0x0] =	vst v10;
	v10 =	vadd.bf16 v18, v23  }
0x388: {  	s16 =	sadd.s32 s23, s20;
	v30 =	vadd.s32 $0x301A, v16;
	v12 =	vand.u32 $0xFFFF0000, v12;
	v7 =	vadd.bf16 v26, v28;
	v26 =	vld.idx.msk [tilespmem:v6+s2+$0x0], $0xffff  }
0x389: {  	v18 =	vor.u32 $0x2, v20;
	v28 =	vld.idx.msk [tilespmem:v5+s2+$0x0], $0xffff;
	[tilespmem:s16+$0x0] =	vst v12;
	v9 =	vadd.bf16 v10, v9  }
0x38a: {  	v21 =	vadd.s32 $0x100A, v15;
	v12 =	vld.idx.msk [tilespmem:v55+s2+$0x0], $0xffff  }
0x38b: {  	s17 =	sadd.s32 s24, s3;
	v23 =	vadd.s32 $0x2012, v17;
	v19 =	vadd.bf16 v31, v19;
	v13 =	vld.idx.msk [tilespmem:v13+s2+$0x0], $0xffff;
	v57 =	vshll.u32 v9, $0x10  }
0x38c: {  	s18 =	sadd.s32 s24, s20;
	v10 =	vld.idx.msk [tilespmem:v29+s2+$0x0], $0xffff;
	v29 =	vadd.s32 $0x301A, v14;
	v6 =	vand.u32 $0xFFFF0000, v9;
	[tilespmem:s17+$0x0] =	vst v57  }
0x38d: {  	v56 =	vld.idx.msk [tilespmem:v30+s2+$0x0], $0xffff;
	v5 =	vadd.bf16 v19, v7;
	v9 =	vor.u32 $0x2, v3;
	[tilespmem:s18+$0x0] =	vst v6  }
0x38e: {  	v7 =	vadd.s32 $0x2012, v0;
	v36 =	vld.idx.msk [tilespmem:v18+s2+$0x0], $0xffff  }
0x38f: {  	s3 =	sadd.s32 s25, s3;
	v37 =	vld.idx.msk [tilespmem:v21+s2+$0x0], $0xffff;
	v18 =	vshll.u32 v5, $0x10  }
0x390: {  	s1 =	sadd.s32 s25, s20;
	v38 =	vld.idx.msk [tilespmem:v23+s2+$0x0], $0xffff;
	v5 =	vand.u32 $0xFFFF0000, v5;
	[tilespmem:s3+$0x0] =	vst v18  }
0x391: {  	v39 =	vld.idx.msk [tilespmem:v29+s2+$0x0], $0xffff;
	[tilespmem:s1+$0x0] =	vst v5  }
0x392: {  	v27 =	vld.idx.msk [tilespmem:v9+s2+$0x0], $0xffff  }
0x393: {  	v6 =	vadd.s32 $0x100A, v2;
	s1 =	sadd.s32 $0x40, s0;
	v30 =	vld.idx.msk [tilespmem:v7+s2+$0x0], $0xffff  }
0x394: {  	v12 =	vadd.bf16 v13, v12;
	v10 =	vadd.bf16 v56, v10;
	v7 =	vld [tilespmem:s1+$0xFFFFFC00]  }
0x395: {  	v9 =	vld [tilespmem:s1+$0xFFFFF7D0]  }
0x396: {  	v8 =	vor.u32 $0x3, v8;
	v5 =	vadd.bf16 v10, v12;
	v10 =	vld [tilespmem:s1+$0xFFFFFBD0]  }
0x397: {  	v21 =	vld [tilespmem:s1+$0xFFFFF7F0]  }
0x398: {  	s19 =	sadd.s32 s23, s28;
	v29 =	vld.idx.msk [tilespmem:v6+s2+$0x0], $0xffff;
	v6 =	vshll.u32 v5, $0x10  }
0x399: {  	s20 =	sadd.s32 s23, s26;
	v5 =	vand.u32 $0xFFFF0000, v5;
	[tilespmem:s19+$0x0] =	vst v6;
	v6 =	vld [tilespmem:s1+$0xFFFFF800]  }
0x39a: {  	[tilespmem:s20+$0x0] =	vst v5;
	v5 =	vld [tilespmem:s1+$0xFFFFF400]  }
0x39b: {  	v13 =	vadd.s32 $0x301A, v1;
	v24 =	vld.idx.msk [tilespmem:v8+s2+$0x0], $0xffff  }
0x39c: {  	v8 =	vld [tilespmem:s1+$0x0]  }
0x39d: {  	v45 =	vld [tilespmem:s1+$0xFFFFF3E0]  }
0x39e: {  	v47 =	vld [tilespmem:s1+$0xFFFFF3F0];
	v33 =	vshll.u32 v7, $0x3  }
0x39f: {  	v50 =	vld [tilespmem:s1+$0xFFFFF3D0];
	v12 =	vadd.s32 $0x2010, v33  }
0x3a0: {  	v31 =	vld.idx.msk [tilespmem:v13+s2+$0x0], $0xffff;
	v34 =	vshll.u32 v6, $0x3;
	v35 =	vshll.u32 v5, $0x3  }
0x3a1: {  	v13 =	vld [tilespmem:s1+$0xFFFFFFD0];
	v6 =	vadd.s32 $0x1008, v34;
	v32 =	vshll.u32 v8, $0x3  }
0x3a2: {  	v5 =	vld [tilespmem:s1+$0xFFFFF7E0];
	v19 =	vadd.s32 $0x3018, v32  }
0x3a3: {  	v4 =	vadd.s32 $0x100B, v4;
	v8 =	vld [tilespmem:s1+$0xFFFFFFE0]  }
0x3a4: {  	v11 =	vadd.s32 $0x2013, v11;
	v41 =	vld.idx.msk [tilespmem:v12+s2+$0x0], $0xffff  }
0x3a5: {  	v16 =	vadd.s32 $0x301B, v16;
	v23 =	vld.idx.msk [tilespmem:v35+s2+$0x0], $0xffff  }
0x3a6: {  	v40 =	vld.idx.msk [tilespmem:v6+s2+$0x0], $0xffff  }
0x3a7: {  	v19 =	vld.idx.msk [tilespmem:v19+s2+$0x0], $0xffff  }
0x3a8: {  	v4 =	vld.idx.msk [tilespmem:v4+s2+$0x0], $0xffff;
	v18 =	vshll.u32 v9, $0x3  }
0x3a9: {  	v11 =	vld.idx.msk [tilespmem:v11+s2+$0x0], $0xffff;
	v42 =	vadd.s32 $0x1008, v18;
	v9 =	vshll.u32 v13, $0x3  }
0x3aa: {  	v16 =	vld.idx.msk [tilespmem:v16+s2+$0x0], $0xffff;
	v44 =	vadd.s32 $0x3018, v9;
	v12 =	vshll.u32 v10, $0x3;
	v5 =	vshll.u32 v5, $0x3  }
0x3ab: {  	v7 =	vld [tilespmem:s1+$0xFFFFFBE0];
	v43 =	vadd.s32 $0x2010, v12;
	v46 =	vadd.s32 $0x1008, v5;
	v6 =	vshll.u32 v8, $0x3  }
0x3ac: {  	s19 =	simm.s32 $0x200;
	v13 =	vld [tilespmem:s1+$0xFFFFFFF0];
	v8 =	vshll.u32 v21, $0x3;
	v21 =	vadd.bf16 v40, v23;
	v19 =	vadd.bf16 v19, v41  }
0x3ad: {  	s31 =	sand.u32 $0x1C00, s19;
	v10 =	vld [tilespmem:s1+$0xFFFFFBF0];
	v23 =	vadd.s32 $0x1008, v8  }
0x3ae: {  	s3 =	simm.s32 $0x70;
	s30 =	sadd.s32 s31, s12;
	v42 =	vld.idx.msk [tilespmem:v42+s2+$0x0], $0xffff;
	v19 =	vadd.bf16 v19, v21;
	v21 =	vor.u32 $0x1, v35  }
0x3af: {  	s29 =	sand.u32 $0x70, s3;
	s4 =	sadd.s32 $0x6000, s30;
	v59 =	vadd.s32 $0x1009, v34;
	v58 =	vld.idx.msk [tilespmem:v44+s2+$0x0], $0xffff  }
0x3b0: {  	s8 =	sadd.s32 $0x6200, s30;
	s0 =	sadd.s32 s29, s4;
	v51 =	vadd.s32 $0x2011, v33;
	v40 =	vld.idx.msk [tilespmem:v43+s2+$0x0], $0xffff;
	v60 =	vshll.u32 v19, $0x10  }
0x3b1: {  	s9 =	sadd.s32 s29, s8;
	v7 =	vshll.u32 v7, $0x3;
	v61 =	vadd.s32 $0x3019, v32;
	v43 =	vld.idx.msk [tilespmem:v46+s2+$0x0], $0xffff;
	v19 =	vand.u32 $0xFFFF0000, v19;
	[tilespmem:s0+$0x0] =	vst v60  }
0x3b2: {  	v48 =	vadd.s32 $0x2010, v7;
	v53 =	vld.idx.msk [tilespmem:v23+s2+$0x0], $0xffff;
	[tilespmem:s9+$0x0] =	vst v19  }
0x3b3: {  	v49 =	vadd.s32 $0x3018, v6;
	v10 =	vshll.u32 v10, $0x3;
	v55 =	vld.idx.msk [tilespmem:v21+s2+$0x0], $0xffff  }
0x3b4: {  	v52 =	vadd.s32 $0x2010, v10;
	v44 =	vld.idx.msk [tilespmem:v59+s2+$0x0], $0xffff  }
0x3b5: {  	v13 =	vshll.u32 v13, $0x3;
	v23 =	vshll.u32 v50, $0x3;
	v62 =	vld.idx.msk [tilespmem:v51+s2+$0x0], $0xffff  }
0x3b6: {  	v54 =	vadd.s32 $0x3018, v13;
	v63 =	vld.idx.msk [tilespmem:v61+s2+$0x0], $0xffff  }
0x3b7: {  	v36 =	vadd.bf16 v37, v36;
	v46 =	vld.idx.msk [tilespmem:v48+s2+$0x0], $0xffff;
	v19 =	vshll.u32 v47, $0x3;
	v51 =	vadd.bf16 v39, v38  }
0x3b8: {  	v49 =	vld.idx.msk [tilespmem:v49+s2+$0x0], $0xffff;
	v21 =	vshll.u32 v45, $0x3  }
0x3b9: {  	v20 =	vor.u32 $0x3, v20;
	v48 =	vld.idx.msk [tilespmem:v52+s2+$0x0], $0xffff;
	v36 =	vadd.bf16 v51, v36  }
0x3ba: {  	v15 =	vadd.s32 $0x100B, v15;
	v17 =	vadd.s32 $0x2013, v17;
	v52 =	vld.idx.msk [tilespmem:v23+s2+$0x0], $0xffff  }
0x3bb: {  	s10 =	sadd.s32 s24, s28;
	v38 =	vld.idx.msk [tilespmem:v54+s2+$0x0], $0xffff;
	v44 =	vadd.bf16 v44, v55;
	v45 =	vadd.bf16 v63, v62;
	v55 =	vshll.u32 v36, $0x10  }
0x3bc: {  	s11 =	sadd.s32 s24, s26;
	v14 =	vadd.s32 $0x301B, v14;
	v50 =	vld.idx.msk [tilespmem:v19+s2+$0x0], $0xffff;
	v36 =	vand.u32 $0xFFFF0000, v36;
	[tilespmem:s10+$0x0] =	vst v55  }
0x3bd: {  	v57 =	vor.u32 $0x2, v35;
	v54 =	vld.idx.msk [tilespmem:v21+s2+$0x0], $0xffff;
	[tilespmem:s11+$0x0] =	vst v36;
	v56 =	vadd.bf16 v45, v44  }
0x3be: {  	v40 =	vadd.bf16 v58, v40;
	v58 =	vadd.s32 $0x100A, v34;
	s11 =	sadd.s32 $0x6080, s30;
	v20 =	vld.idx.msk [tilespmem:v20+s2+$0x0], $0xffff  }
0x3bf: {  	v60 =	vadd.s32 $0x2012, v33;
	v39 =	vadd.bf16 v42, v52;
	s10 =	sadd.s32 $0x6280, s30;
	s13 =	sadd.s32 s29, s11;
	v15 =	vld.idx.msk [tilespmem:v15+s2+$0x0], $0xffff;
	v59 =	vshll.u32 v56, $0x10  }
0x3c0: {  	v61 =	vadd.s32 $0x301A, v32;
	s14 =	sadd.s32 s29, s10;
	v17 =	vld.idx.msk [tilespmem:v17+s2+$0x0], $0xffff;
	v36 =	vand.u32 $0xFFFF0000, v56;
	[tilespmem:s13+$0x0] =	vst v59  }
0x3c1: {  	s20 =	simm.s32 $0x40;
	v62 =	vor.u32 $0x1, v23;
	v39 =	vadd.bf16 v40, v39;
	v14 =	vld.idx.msk [tilespmem:v14+s2+$0x0], $0xffff;
	[tilespmem:s14+$0x0] =	vst v36  }
0x3c2: {  	s0 =	sand.u32 $0x40, s20;
	v46 =	vadd.bf16 v49, v46;
	v63 =	vadd.s32 $0x1009, v18;
	v44 =	vld.idx.msk [tilespmem:v57+s2+$0x0], $0xffff  }
0x3c3: {  	s15 =	sadd.s32 s0, s4;
	v52 =	vadd.s32 $0x2011, v12;
	v37 =	vadd.bf16 v43, v54;
	v54 =	vshll.u32 v39, $0x10;
	v41 =	vld.idx.msk [tilespmem:v58+s2+$0x0], $0xffff  }
0x3c4: {  	s16 =	sadd.s32 s0, s8;
	v55 =	vadd.s32 $0x3019, v9;
	v39 =	vand.u32 $0xFFFF0000, v39;
	[tilespmem:s15+$0x0] =	vst v54;
	v45 =	vld.idx.msk [tilespmem:v60+s2+$0x0], $0xffff  }
0x3c5: {  	s17 =	simm.s32 $0x50;
	v56 =	vor.u32 $0x1, v21;
	v37 =	vadd.bf16 v46, v37;
	[tilespmem:s16+$0x0] =	vst v39;
	v57 =	vld.idx.msk [tilespmem:v61+s2+$0x0], $0xffff  }
0x3c6: {  	s3 =	sand.u32 $0x50, s17;
	v38 =	vadd.bf16 v38, v48;
	v58 =	vadd.s32 $0x1009, v5;
	v40 =	vld.idx.msk [tilespmem:v62+s2+$0x0], $0xffff  }
0x3c7: {  	s6 =	sadd.s32 s3, s4;
	v59 =	vadd.s32 $0x2011, v7;
	v60 =	vadd.bf16 v53, v50;
	v36 =	vld.idx.msk [tilespmem:v63+s2+$0x0], $0xffff;
	v61 =	vshll.u32 v37, $0x10  }
0x3c8: {  	s18 =	sadd.s32 s3, s8;
	v62 =	vadd.s32 $0x3019, v6;
	v47 =	vld.idx.msk [tilespmem:v52+s2+$0x0], $0xffff;
	v37 =	vand.u32 $0xFFFF0000, v37;
	[tilespmem:s6+$0x0] =	vst v61  }
0x3c9: {  	s31 =	simm.s32 $0x60;
	v63 =	vor.u32 $0x1, v19;
	v52 =	vld.idx.msk [tilespmem:v55+s2+$0x0], $0xffff;
	v38 =	vadd.bf16 v38, v60;
	[tilespmem:s18+$0x0] =	vst v37  }
0x3ca: {  	s9 =	sand.u32 $0x60, s31;
	v54 =	vadd.s32 $0x2011, v10;
	v53 =	vadd.s32 $0x1009, v8;
	v46 =	vld.idx.msk [tilespmem:v56+s2+$0x0], $0xffff  }
0x3cb: {  	s5 =	sadd.s32 s9, s4;
	v55 =	vshll.u32 v38, $0x10;
	v41 =	vadd.bf16 v41, v44;
	v39 =	vadd.bf16 v57, v45;
	v42 =	vld.idx.msk [tilespmem:v58+s2+$0x0], $0xffff  }
0x3cc: {  	v22 =	vadd.bf16 v25, v22;
	s4 =	sadd.s32 s9, s8;
	v38 =	vand.u32 $0xFFFF0000, v38;
	[tilespmem:s5+$0x0] =	vst v55;
	v56 =	vadd.s32 $0x3019, v13;
	v48 =	vld.idx.msk [tilespmem:v59+s2+$0x0], $0xffff  }
0x3cd: {  	v26 =	vadd.bf16 v28, v26;
	v35 =	vor.u32 $0x3, v35;
	[tilespmem:s4+$0x0] =	vst v38;
	v58 =	vld.idx.msk [tilespmem:v62+s2+$0x0], $0xffff;
	v57 =	vadd.bf16 v39, v41  }
0x3ce: {  	v27 =	vadd.bf16 v29, v27;
	v34 =	vadd.s32 $0x100B, v34;
	v33 =	vadd.s32 $0x2013, v33;
	s4 =	sadd.s32 $0x6100, s30;
	v59 =	vld.idx.msk [tilespmem:v63+s2+$0x0], $0xffff  }
0x3cf: {  	s7 =	sadd.s32 $0x6300, s30;
	v28 =	vadd.bf16 v36, v40;
	v37 =	vadd.bf16 v52, v47;
	v60 =	vld.idx.msk [tilespmem:v53+s2+$0x0], $0xffff;
	s6 =	sadd.s32 s29, s4;
	v61 =	vshll.u32 v57, $0x10  }
0x3d0: {  	v29 =	vadd.bf16 v31, v30;
	s8 =	sadd.s32 s29, s7;
	v32 =	vadd.s32 $0x301B, v32;
	v62 =	vld.idx.msk [tilespmem:v54+s2+$0x0], $0xffff;
	v25 =	vand.u32 $0xFFFF0000, v57;
	[tilespmem:s6+$0x0] =	vst v61  }
0x3d1: {  	v22 =	vadd.bf16 v26, v22;
	v44 =	vor.u32 $0x2, v23;
	v63 =	vadd.bf16 v37, v28;
	v28 =	vld.idx.msk [tilespmem:v56+s2+$0x0], $0xffff;
	[tilespmem:s8+$0x0] =	vst v25  }
0x3d2: {  	v30 =	vadd.s32 $0x100A, v18;
	v27 =	vadd.bf16 v29, v27;
	v45 =	vadd.s32 $0x2012, v12;
	v31 =	vld.idx.msk [tilespmem:v35+s2+$0x0], $0xffff  }
0x3d3: {  	s13 =	sadd.s32 s0, s11;
	v46 =	vadd.bf16 v42, v46;
	v47 =	vshll.u32 v63, $0x10;
	v38 =	vadd.bf16 v58, v48;
	v34 =	vld.idx.msk [tilespmem:v34+s2+$0x0], $0xffff  }
0x3d4: {  	v4 =	vadd.bf16 v4, v24;
	s14 =	sadd.s32 s0, s10;
	v26 =	vand.u32 $0xFFFF0000, v63;
	[tilespmem:s13+$0x0] =	vst v47;
	v48 =	vadd.s32 $0x301A, v9;
	v33 =	vld.idx.msk [tilespmem:v33+s2+$0x0], $0xffff  }
0x3d5: {  	v11 =	vadd.bf16 v16, v11;
	v50 =	vor.u32 $0x2, v21;
	[tilespmem:s14+$0x0] =	vst v26;
	v49 =	vld.idx.msk [tilespmem:v32+s2+$0x0], $0xffff;
	v16 =	vadd.bf16 v38, v46  }
0x3d6: {  	v15 =	vadd.bf16 v15, v20;
	v20 =	vadd.s32 $0x100A, v5;
	v14 =	vadd.bf16 v14, v17;
	v25 =	vld.idx.msk [tilespmem:v44+s2+$0x0], $0xffff  }
0x3d7: {  	v29 =	vadd.s32 $0x2012, v7;
	v4 =	vadd.bf16 v11, v4;
	s15 =	sadd.s32 s3, s11;
	v17 =	vld.idx.msk [tilespmem:v30+s2+$0x0], $0xffff;
	v51 =	vshll.u32 v16, $0x10  }
0x3d8: {  	s16 =	sadd.s32 s3, s10;
	v14 =	vadd.bf16 v14, v15;
	v52 =	vadd.s32 $0x301A, v6;
	s6 =	sadd.s32 $0x6380, s22;
	v35 =	vld.idx.msk [tilespmem:v45+s2+$0x0], $0xffff;
	v16 =	vand.u32 $0xFFFF0000, v16;
	[tilespmem:s15+$0x0] =	vst v51  }
0x3d9: {  	v11 =	vand.u32 $0xFFFF0000, v22;
	s18 =	sadd.s32 s21, s6;
	v30 =	vadd.bf16 v60, v59;
	v28 =	vadd.bf16 v28, v62;
	v53 =	vld.idx.msk [tilespmem:v48+s2+$0x0], $0xffff;
	[tilespmem:s16+$0x0] =	vst v16  }
0x3da: {  	s17 =	sadd.s32 $0x6180, s22;
	[tilespmem:s18+$0x0] =	vst v11;
	v11 =	vshll.u32 v22, $0x10;
	v59 =	vadd.s32 $0x301B, v1;
	v26 =	vld.idx.msk [tilespmem:v50+s2+$0x0], $0xffff  }
0x3db: {  	s22 =	sadd.s32 s21, s17;
	v1 =	vshll.u32 v14, $0x10;
	v15 =	vadd.bf16 v28, v30;
	v16 =	vor.u32 $0x2, v19;
	v20 =	vld.idx.msk [tilespmem:v20+s2+$0x0], $0xffff  }
0x3dc: {  	[tilespmem:s22+$0x0] =	vst v11;
	s15 =	sadd.s32 s24, s17;
	v22 =	vadd.bf16 v34, v31;
	v28 =	vadd.s32 $0x100A, v8;
	v11 =	vadd.bf16 v49, v33;
	v55 =	vld.idx.msk [tilespmem:v29+s2+$0x0], $0xffff  }
0x3dd: {  	v3 =	vor.u32 $0x3, v3;
	s31 =	sadd.s32 s9, s11;
	[tilespmem:s15+$0x0] =	vst v1;
	v29 =	vadd.s32 $0x2012, v10;
	v30 =	vld.idx.msk [tilespmem:v52+s2+$0x0], $0xffff;
	v54 =	vshll.u32 v15, $0x10  }
0x3de: {  	s10 =	sadd.s32 s9, s10;
	v15 =	vand.u32 $0xFFFF0000, v15;
	v31 =	vadd.bf16 v11, v22;
	v22 =	vadd.s32 $0x301A, v13;
	[tilespmem:s31+$0x0] =	vst v54  }
0x3df: {  	s11 =	sadd.s32 s25, s28;
	v5 =	vadd.s32 $0x100B, v5;
	v23 =	vor.u32 $0x3, v23;
	[tilespmem:s10+$0x0] =	vst v15;
	v15 =	vshll.u32 v27, $0x10  }
0x3e0: {  	s13 =	sadd.s32 s25, s26;
	v58 =	vadd.s32 $0x2013, v0;
	v17 =	vadd.bf16 v17, v25;
	v11 =	vand.u32 $0xFFFF0000, v27;
	[tilespmem:s11+$0x0] =	vst v15;
	v15 =	vld.idx.msk [tilespmem:v16+s2+$0x0], $0xffff  }
0x3e1: {  	s21 =	sadd.s32 $0x6380, s30;
	s14 =	sadd.s32 s23, s17;
	v56 =	vadd.bf16 v53, v35;
	v16 =	vadd.s32 $0x100B, v2;
	v2 =	vshll.u32 v4, $0x10;
	v57 =	vld.idx.msk [tilespmem:v28+s2+$0x0], $0xffff;
	[tilespmem:s13+$0x0] =	vst v11  }
0x3e2: {  	v0 =	vand.u32 $0xFFFF0000, v4;
	s26 =	sadd.s32 s0, s4;
	s8 =	sadd.s32 s3, s4;
	s16 =	sadd.s32 s23, s6;
	v20 =	vadd.bf16 v20, v26;
	[tilespmem:s14+$0x0] =	vst v2;
	v4 =	vadd.bf16 v30, v55;
	v11 =	vld.idx.msk [tilespmem:v29+s2+$0x0], $0xffff  }
0x3e3: {  	v6 =	vadd.s32 $0x301B, v6;
	s4 =	sadd.s32 s9, s4;
	s11 =	sadd.s32 s25, s17;
	s17 =	sadd.s32 s24, s6;
	v17 =	vadd.bf16 v56, v17;
	v2 =	vand.u32 $0xFFFF0000, v14;
	[tilespmem:s16+$0x0] =	vst v0;
	v14 =	vld.idx.msk [tilespmem:v22+s2+$0x0], $0xffff  }
0x3e4: {  	s18 =	sadd.s32 $0x6180, s30;
	s28 =	sadd.s32 s3, s21;
	s23 =	sadd.s32 s29, s21;
	v30 =	vadd.s32 $0x2013, v12;
	[tilespmem:s17+$0x0] =	vst v2;
	v12 =	vld.idx.msk [tilespmem:v3+s2+$0x0], $0xffff;
	v22 =	vadd.bf16 v4, v20;
	v4 =	vand.u32 $0xFFFF0000, v31  }
0x3e5: {  	v60 =	vadd.s32 $0x100B, v18;
	s22 =	sadd.s32 s0, s18;
	s30 =	sadd.s32 s9, s18;
	v62 =	vadd.s32 $0x301B, v9;
	s31 =	sadd.s32 s0, s7;
	v18 =	vld.idx.msk [tilespmem:v59+s2+$0x0], $0xffff;
	[tilespmem:s23+$0x0] =	vst v4;
	v4 =	vshll.u32 v17, $0x10  }
0x3e6: {  	s24 =	sadd.s32 s3, s18;
	s13 =	sadd.s32 s25, s6;
	s25 =	sadd.s32 s29, s18;
	v20 =	vadd.bf16 v57, v15;
	v15 =	vld.idx.msk [tilespmem:v16+s2+$0x0], $0xffff;
	[tilespmem:s26+$0x0] =	vst v4;
	v4 =	vadd.s32 $0x2013, v7;
	v7 =	vand.u32 $0xFFFF0000, v17  }
0x3e7: {  	v10 =	vadd.s32 $0x2013, v10;
	v9 =	vshll.u32 v31, $0x10;
	s14 =	sadd.s32 s3, s7;
	s7 =	sadd.s32 s9, s7;
	s29 =	sadd.s32 s0, s21;
	v3 =	vor.u32 $0x3, v21;
	v17 =	vld.idx.msk [tilespmem:v58+s2+$0x0], $0xffff;
	[tilespmem:s31+$0x0] =	vst v7  }
0x3e8: {  	s0 =	sadd.s32 s9, s21;
	[tilespmem:s25+$0x0] =	vst v9;
	s25 =	simm.s32 $0x4;
	v9 =	vadd.s32 $0x100B, v8;
	v8 =	vadd.s32 $0x301B, v13;
	s26 =	sadd.s32 $0x40, s1;
	v7 =	vor.u32 $0x3, v19;
	v16 =	vld.idx.msk [tilespmem:v23+s2+$0x0], $0xffff  }
.LBB2_11:
0x3e9: {  	v13 =	vld [tilespmem:s26+$0xFFFFF400]  }
0x3ea: {  	v19 =	vshll.u32 v22, $0x10;
	v11 =	vadd.bf16 v14, v11;
	v14 =	vld [tilespmem:s26+$0xFFFFF800]  }
0x3eb: {  	[tilespmem:s8+$0x0] =	vst v19;
	v19 =	vld [tilespmem:s26+$0xFFFFFC00]  }
0x3ec: {  	v21 =	vand.u32 $0xFFFF0000, v22;
	v11 =	vadd.bf16 v11, v20;
	v20 =	vld [tilespmem:s26+$0x0]  }
0x3ed: {  	[tilespmem:s14+$0x0] =	vst v21;
	v21 =	vld [tilespmem:s26+$0xFFFFF7D0]  }
0x3ee: {  	v22 =	vld [tilespmem:s26+$0xFFFFFBD0];
	v12 =	vadd.bf16 v15, v12;
	v17 =	vadd.bf16 v18, v17;
	v15 =	vshll.u32 v11, $0x10  }
0x3ef: {  	v23 =	vld [tilespmem:s26+$0xFFFFFFD0];
	v18 =	vshll.u32 v13, $0x3;
	v11 =	vand.u32 $0xFFFF0000, v11;
	[tilespmem:s4+$0x0] =	vst v15;
	v15 =	vshll.u32 v14, $0x3  }
0x3f0: {  	v52 =	vld [tilespmem:s26+$0xFFFFF3D0];
	[tilespmem:s7+$0x0] =	vst v11;
	v11 =	vadd.bf16 v17, v12;
	v14 =	vshll.u32 v19, $0x3;
	v17 =	vadd.s32 $0x1008, v15  }
0x3f1: {  	v13 =	vld [tilespmem:s26+$0xFFFFF7E0];
	v24 =	vadd.s32 $0x2010, v14;
	v12 =	vshll.u32 v20, $0x3  }
0x3f2: {  	v25 =	vshll.u32 v21, $0x3;
	v21 =	vld [tilespmem:s26+$0xFFFFFFE0];
	v26 =	vadd.s32 $0x3018, v12  }
0x3f3: {  	v29 =	vshll.u32 v22, $0x3;
	v19 =	vld [tilespmem:s26+$0xFFFFFBE0]  }
0x3f4: {  	v31 =	vadd.s32 $0x2010, v29;
	v34 =	vld.idx.msk [tilespmem:v18+s2+$0x0], $0xffff  }
0x3f5: {  	v23 =	vshll.u32 v23, $0x3;
	v37 =	vld.idx.msk [tilespmem:v17+s2+$0x0], $0xffff  }
0x3f6: {  	v35 =	vadd.s32 $0x3018, v23;
	v38 =	vld.idx.msk [tilespmem:v24+s2+$0x0], $0xffff  }
0x3f7: {  	v36 =	vadd.s32 $0x3019, v23;
	v55 =	vadd.s32 $0x301B, v23;
	v33 =	vadd.s32 $0x2011, v29;
	v41 =	vld.idx.msk [tilespmem:v26+s2+$0x0], $0xffff  }
0x3f8: {  	v50 =	vld [tilespmem:s26+$0xFFFFF3E0];
	v22 =	vadd.s32 $0x2012, v29;
	v27 =	vadd.s32 $0x1008, v25;
	v20 =	vshll.u32 v11, $0x10  }
0x3f9: {  	v54 =	vadd.s32 $0x2013, v29;
	v32 =	vadd.s32 $0x1009, v25;
	v11 =	vand.u32 $0xFFFF0000, v11;
	[tilespmem:s11+$0x0] =	vst v20;
	v29 =	vld.idx.msk [tilespmem:v31+s2+$0x0], $0xffff  }
0x3fa: {  	v53 =	vadd.s32 $0x100B, v25;
	v44 =	vshll.u32 v13, $0x3;
	v46 =	vshll.u32 v21, $0x3;
	v20 =	vld [tilespmem:s26+$0xFFFFF7F0];
	[tilespmem:s13+$0x0] =	vst v11  }
0x3fb: {  	v39 =	vadd.s32 $0x1008, v44;
	v42 =	vadd.s32 $0x3018, v46;
	v45 =	vshll.u32 v19, $0x3;
	v43 =	vld [tilespmem:s26+$0xFFFFFBF0]  }
0x3fc: {  	s19 =	sadd.s32 $0x200, s19;
	v48 =	vld [tilespmem:s26+$0xFFFFFFF0];
	v17 =	vadd.s32 $0x301A, v23;
	v23 =	vadd.bf16 v37, v34;
	v41 =	vadd.bf16 v41, v38  }
0x3fd: {  	[tilespmem:$0x1FF40] =	vst v8;
	s1 =	smov.u32 s30;
	s20 =	sadd.s32 $0x40, s20;
	v21 =	vadd.s32 $0x100A, v25;
	s11 =	sand.u32 $0x1C00, s19;
	v56 =	vld.idx.msk [tilespmem:v27+s2+$0x0], $0xffff;
	v40 =	vadd.s32 $0x2010, v45;
	v0 =	vadd.s32 $0x2012, v45  }
0x3fe: {  	v8 =	vmovc v6;
	[dreg:$0x6] =	wrdreg s1;
	v25 =	vor.u32 $0x1, v18;
	s1 =	sadd.s32 s11, s12;
	s12 =	sadd.s32 $0x30, s20;
	v51 =	vld [tilespmem:s26+$0xFFFFF3F0];
	[tilespmem:$0x1FF10] =	vst v0;
	v0 =	vadd.s32 $0x301A, v46;
	v23 =	vadd.bf16 v41, v23  }
0x3ff: {  	s10 =	smov.u32 s0;
	s13 =	sadd.s32 $0x6000, s1;
	s0 =	sand.u32 $0x70, s12;
	v47 =	vshll.u32 v20, $0x3;
	v20 =	vmovc v7;
	v7 =	vmovc v5;
	v5 =	vmov v3;
	v34 =	vld.idx.msk [tilespmem:v35+s2+$0x0], $0xffff;
	v35 =	vadd.s32 $0x1009, v15  }
0x400: {  	s6 =	sadd.s32 $0x6200, s1;
	s14 =	sadd.s32 s0, s13;
	v58 =	vld.idx.msk [tilespmem:v39+s2+$0x0], $0xffff;
	[tilespmem:$0x1FF20] =	vst v0;
	v3 =	vmovc v30;
	v30 =	vmovc v60;
	v60 =	vadd.s32 $0x2011, v14;
	v27 =	vshll.u32 v43, $0x3;
	v43 =	vshll.u32 v23, $0x10  }
0x401: {  	v6 =	vmovc v4;
	v4 =	vmovc v62;
	v63 =	vadd.s32 $0x3019, v12;
	s15 =	sadd.s32 s0, s6;
	v62 =	vld.idx.msk [tilespmem:v42+s2+$0x0], $0xffff;
	v48 =	vshll.u32 v48, $0x3;
	v23 =	vand.u32 $0xFFFF0000, v23;
	[tilespmem:s14+$0x0] =	vst v43  }
0x402: {  	v0 =	vadd.s32 $0x100A, v47;
	v57 =	vadd.s32 $0x3018, v48;
	v59 =	vld.idx.msk [tilespmem:v40+s2+$0x0], $0xffff;
	[tilespmem:s15+$0x0] =	vst v23  }
0x403: {  	v52 =	vshll.u32 v52, $0x3;
	[tilespmem:$0x1FF30] =	vst v0;
	v0 =	vld.idx.msk [tilespmem:v25+s2+$0x0], $0xffff  }
0x404: {  	v49 =	vadd.s32 $0x1008, v47;
	v2 =	vld.idx.msk [tilespmem:v35+s2+$0x0], $0xffff  }
0x405: {  	v50 =	vshll.u32 v50, $0x3;
	v31 =	vadd.s32 $0x2010, v27;
	v60 =	vld.idx.msk [tilespmem:v60+s2+$0x0], $0xffff  }
0x406: {  	v61 =	vor.u32 $0x1, v52;
	v28 =	vor.u32 $0x3, v50;
	v63 =	vld.idx.msk [tilespmem:v63+s2+$0x0], $0xffff  }
0x407: {  	v24 =	vadd.s32 $0x1009, v47;
	v51 =	vshll.u32 v51, $0x3;
	v35 =	vadd.s32 $0x100B, v47;
	v47 =	vld.idx.msk [tilespmem:v57+s2+$0x0], $0xffff  }
0x408: {  	v39 =	vor.u32 $0x2, v50;
	v42 =	vor.u32 $0x1, v51;
	v40 =	vor.u32 $0x2, v52;
	v57 =	vld.idx.msk [tilespmem:v52+s2+$0x0], $0xffff  }
0x409: {  	v37 =	vor.u32 $0x2, v51;
	v38 =	vadd.s32 $0x2011, v27;
	v49 =	vld.idx.msk [tilespmem:v49+s2+$0x0], $0xffff;
	v41 =	vadd.s32 $0x3019, v48  }
0x40a: {  	v1 =	vadd.bf16 v34, v29;
	v29 =	vadd.s32 $0x2012, v27;
	v59 =	vadd.bf16 v62, v59;
	v62 =	vld.idx.msk [tilespmem:v31+s2+$0x0], $0xffff  }
0x40b: {  	v34 =	vor.u32 $0x3, v51;
	v31 =	vadd.s32 $0x2013, v27;
	v43 =	vor.u32 $0x1, v50;
	v50 =	vld.idx.msk [tilespmem:v50+s2+$0x0], $0xffff  }
0x40c: {  	v23 =	vor.u32 $0x3, v52;
	v52 =	vld.idx.msk [tilespmem:v30+s2+$0x0], $0xffff;
	v0 =	vadd.bf16 v2, v0;
	v2 =	vadd.bf16 v63, v60  }
0x40d: {  	s3 =	sadd.s32 $0x10, s20;
	v27 =	vadd.s32 $0x301B, v48;
	v51 =	vld.idx.msk [tilespmem:v51+s2+$0x0], $0xffff;
	v25 =	vadd.s32 $0x301A, v48;
	v48 =	vadd.bf16 v56, v57  }
0x40e: {  	[dreg:$0xb] =	wrdreg s10;
	s5 =	sadd.s32 $0x20, s20;
	s9 =	sand.u32 $0x50, s3;
	v30 =	vmov v54;
	v54 =	vld.idx.msk [tilespmem:v4+s2+$0x0], $0xffff;
	v0 =	vadd.bf16 v2, v0  }
0x40f: {  	s10 =	sand.u32 $0x60, s5;
	v11 =	vadd.s32 $0x1009, v44;
	s11 =	sand.u32 $0x40, s20;
	s15 =	sadd.s32 $0x6080, s1;
	v60 =	vmov v53;
	v53 =	vld.idx.msk [tilespmem:v3+s2+$0x0], $0xffff;
	v1 =	vadd.bf16 v1, v48  }
0x410: {  	v19 =	vadd.s32 $0x100A, v44;
	s16 =	sadd.s32 $0x6180, s1;
	v44 =	vadd.s32 $0x100B, v44;
	s21 =	sadd.s32 s11, s13;
	s23 =	sadd.s32 s0, s15;
	v56 =	vld.idx.msk [tilespmem:v5+s2+$0x0], $0xffff;
	v63 =	vshll.u32 v0, $0x10  }
0x411: {  	s18 =	sadd.s32 s11, s6;
	s17 =	sadd.s32 s11, s16;
	s4 =	sadd.s32 s9, s16;
	v3 =	vmovc v28;
	v28 =	vadd.bf16 v58, v50;
	v16 =	vadd.bf16 v52, v16;
	v52 =	vshll.u32 v1, $0x10;
	[tilespmem:s23+$0x0] =	vst v63  }
0x412: {  	s30 =	sadd.s32 s10, s16;
	s3 =	sadd.s32 s0, s16;
	s16 =	sadd.s32 $0x6280, s1;
	v47 =	vadd.bf16 v47, v62;
	v58 =	vld.idx.msk [tilespmem:v7+s2+$0x0], $0xffff;
	v2 =	vor.u32 $0x2, v18;
	v1 =	vand.u32 $0xFFFF0000, v1;
	[tilespmem:s21+$0x0] =	vst v52  }
0x413: {  	v62 =	vmovc v55;
	v55 =	vadd.s32 $0x100A, v15;
	v50 =	vld.idx.msk [tilespmem:v6+s2+$0x0], $0xffff;
	v28 =	vadd.bf16 v59, v28;
	v0 =	vand.u32 $0xFFFF0000, v0;
	s23 =	smov.u32 s22;
	s22 =	sadd.s32 s0, s16;
	[tilespmem:s18+$0x0] =	vst v1  }
0x414: {  	v26 =	vadd.s32 $0x3019, v46;
	v46 =	vadd.s32 $0x301B, v46;
	v63 =	vadd.s32 $0x301A, v12;
	[tilespmem:s22+$0x0] =	vst v0;
	v0 =	vld.idx.msk [tilespmem:v8+s2+$0x0], $0xffff  }
0x415: {  	s31 =	sadd.s32 s9, s6;
	v57 =	vadd.s32 $0x2012, v14;
	v6 =	vmovc v46;
	v46 =	vshll.u32 v28, $0x10;
	v28 =	vand.u32 $0xFFFF0000, v28;
	v32 =	vld.idx.msk [tilespmem:v32+s2+$0x0], $0xffff  }
0x416: {  	v5 =	vmov v44;
	v44 =	vadd.bf16 v49, v51;
	[tilespmem:s31+$0x0] =	vst v28;
	v28 =	vld.idx.msk [tilespmem:v33+s2+$0x0], $0xffff  }
0x417: {  	v2 =	vld.idx.msk [tilespmem:v2+s2+$0x0], $0xffff  }
0x418: {  	v44 =	vadd.bf16 v47, v44;
	v47 =	vld.idx.msk [tilespmem:v55+s2+$0x0], $0xffff  }
0x419: {  	v13 =	vadd.s32 $0x2011, v45;
	v1 =	vld.idx.msk [tilespmem:v63+s2+$0x0], $0xffff;
	v63 =	vadd.bf16 v54, v53  }
0x41a: {  	s14 =	sadd.s32 s10, s13;
	v59 =	vshll.u32 v44, $0x10;
	v48 =	vld.idx.msk [tilespmem:v57+s2+$0x0], $0xffff;
	v57 =	vadd.bf16 v58, v56;
	v0 =	vadd.bf16 v0, v50  }
0x41b: {  	s7 =	sadd.s32 s9, s13;
	[tilespmem:s14+$0x0] =	vst v59;
	v59 =	vld.idx.msk [tilespmem:v36+s2+$0x0], $0xffff;
	v16 =	vadd.bf16 v63, v16  }
0x41c: {  	[tilespmem:s7+$0x0] =	vst v46;
	v58 =	vld.idx.msk [tilespmem:v61+s2+$0x0], $0xffff;
	v0 =	vadd.bf16 v0, v57  }
0x41d: {  	v43 =	vld.idx.msk [tilespmem:v43+s2+$0x0], $0xffff;
	v61 =	vshll.u32 v16, $0x10;
	v16 =	vand.u32 $0xFFFF0000, v16  }
0x41e: {  	v11 =	vld.idx.msk [tilespmem:v11+s2+$0x0], $0xffff;
	[tilespmem:s29+$0x0] =	vst v16;
	v16 =	vshll.u32 v0, $0x10  }
0x41f: {  	v13 =	vld.idx.msk [tilespmem:v13+s2+$0x0], $0xffff;
	v2 =	vadd.bf16 v47, v2;
	v1 =	vadd.bf16 v1, v48;
	[tilespmem:s24+$0x0] =	vst v16  }
0x420: {  	s8 =	sadd.s32 s10, s6;
	v44 =	vand.u32 $0xFFFF0000, v44;
	v26 =	vld.idx.msk [tilespmem:v26+s2+$0x0], $0xffff  }
0x421: {  	v15 =	vadd.s32 $0x100B, v15;
	[tilespmem:s8+$0x0] =	vst v44;
	v1 =	vadd.bf16 v1, v2  }
0x422: {  	v7 =	vld [tilespmem:$0x1FF10];
	s7 =	sadd.s32 $0x6100, s1;
	[tilespmem:s23+$0x0] =	vst v61;
	v0 =	vand.u32 $0xFFFF0000, v0;
	v2 =	vor.u32 $0x3, v18  }
0x423: {  	s31 =	sadd.s32 $0x6300, s1;
	v24 =	vld.idx.msk [tilespmem:v24+s2+$0x0], $0xffff;
	s21 =	sadd.s32 s0, s7;
	v16 =	vadd.bf16 v32, v58;
	[tilespmem:s28+$0x0] =	vst v0;
	v18 =	vadd.bf16 v59, v28;
	v28 =	vshll.u32 v1, $0x10  }
0x424: {  	v12 =	vadd.s32 $0x301B, v12;
	v63 =	vld.idx.msk [tilespmem:v38+s2+$0x0], $0xffff;
	v11 =	vadd.bf16 v11, v43;
	s23 =	sadd.s32 s0, s31;
	v1 =	vand.u32 $0xFFFF0000, v1;
	[tilespmem:s21+$0x0] =	vst v28  }
0x425: {  	v14 =	vadd.s32 $0x2013, v14;
	v0 =	vld.idx.msk [tilespmem:v42+s2+$0x0], $0xffff;
	v16 =	vadd.bf16 v18, v16;
	[tilespmem:s23+$0x0] =	vst v1;
	v13 =	vadd.bf16 v26, v13  }
0x426: {  	v15 =	vld.idx.msk [tilespmem:v15+s2+$0x0], $0xffff  }
0x427: {  	s5 =	sadd.s32 s11, s15;
	v1 =	vld.idx.msk [tilespmem:v2+s2+$0x0], $0xffff;
	v2 =	vshll.u32 v16, $0x10;
	v11 =	vadd.bf16 v13, v11  }
0x428: {  	s12 =	sadd.s32 s11, s16;
	v18 =	vld.idx.msk [tilespmem:v41+s2+$0x0], $0xffff;
	v16 =	vand.u32 $0xFFFF0000, v16;
	[tilespmem:s5+$0x0] =	vst v2  }
0x429: {  	s13 =	sadd.s32 s9, s15;
	v12 =	vld.idx.msk [tilespmem:v12+s2+$0x0], $0xffff;
	[tilespmem:s12+$0x0] =	vst v16;
	v16 =	vshll.u32 v11, $0x10  }
0x42a: {  	s6 =	sadd.s32 s9, s16;
	v2 =	vld.idx.msk [tilespmem:v14+s2+$0x0], $0xffff;
	v11 =	vand.u32 $0xFFFF0000, v11;
	[tilespmem:s13+$0x0] =	vst v16  }
0x42b: {  	v13 =	vld.idx.msk [tilespmem:v40+s2+$0x0], $0xffff;
	[tilespmem:s6+$0x0] =	vst v11  }
0x42c: {  	v1 =	vadd.bf16 v15, v1;
	v15 =	vld.idx.msk [tilespmem:v7+s2+$0x0], $0xffff  }
0x42d: {  	v7 =	vld [tilespmem:$0x1FF20]  }
0x42e: {  	v14 =	vld.idx.msk [tilespmem:v21+s2+$0x0], $0xffff  }
0x42f: {  	v0 =	vadd.bf16 v24, v0;
	v18 =	vadd.bf16 v18, v63;
	v21 =	vld.idx.msk [tilespmem:v22+s2+$0x0], $0xffff  }
0x430: {  	v16 =	vld.idx.msk [tilespmem:v17+s2+$0x0], $0xffff  }
0x431: {  	v0 =	vadd.bf16 v18, v0  }
0x432: {  	v2 =	vadd.bf16 v12, v2  }
0x433: {  	s16 =	sadd.s32 s10, s16;
	s22 =	smov.u32 s17;
	v11 =	vshll.u32 v0, $0x10;
	v0 =	vand.u32 $0xFFFF0000, v0  }
0x434: {  	s1 =	sadd.s32 $0x6380, s1;
	s17 =	sadd.s32 s11, s7;
	s18 =	sadd.s32 s11, s31;
	[tilespmem:s16+$0x0] =	vst v0;
	v0 =	vadd.bf16 v2, v1  }
0x435: {  	s8 =	sadd.s32 s9, s7;
	s14 =	sadd.s32 s9, s31;
	s24 =	smov.u32 s4;
	v12 =	vadd.bf16 v14, v13;
	v2 =	vadd.bf16 v16, v21;
	v13 =	vld.idx.msk [tilespmem:v7+s2+$0x0], $0xffff  }
0x436: {  	s4 =	sadd.s32 s10, s7;
	s7 =	sadd.s32 s10, s31;
	s31 =	sadd.s32 s0, s1;
	v17 =	vshll.u32 v0, $0x10;
	v0 =	vand.u32 $0xFFFF0000, v0;
	v7 =	vld [tilespmem:$0x1FF30]  }
0x437: {  	s15 =	sadd.s32 s10, s15;
	[tilespmem:s31+$0x0] =	vst v0;
	v0 =	vadd.bf16 v2, v12  }
0x438: {  	v18 =	vld.idx.msk [tilespmem:v39+s2+$0x0], $0xffff;
	[tilespmem:s15+$0x0] =	vst v11  }
0x439: {  	v19 =	vld.idx.msk [tilespmem:v19+s2+$0x0], $0xffff;
	[tilespmem:s3+$0x0] =	vst v17;
	v17 =	vshll.u32 v0, $0x10;
	v0 =	vand.u32 $0xFFFF0000, v0  }
0x43a: {  	[tilespmem:s18+$0x0] =	vst v0;
	v0 =	vld [tilespmem:$0x1FF40]  }
0x43b: {  	v1 =	vld.idx.msk [tilespmem:v37+s2+$0x0], $0xffff  }
0x43c: {  	v11 =	vld.idx.msk [tilespmem:v29+s2+$0x0], $0xffff  }
0x43d: {  	s25 =	sadd.s32 $0x4, s25;
	v14 =	vld.idx.msk [tilespmem:v25+s2+$0x0], $0xffff  }
0x43e: {  	p0 =	slt.u32 s25, $0x3C;
	v16 =	vld.idx.msk [tilespmem:v7+s2+$0x0], $0xffff  }
.Ltmp4:
0x43f: {  	v12 =	vld.idx.msk [tilespmem:v20+s2+$0x0], $0xffff;
	(pc) =	sbr.rel @p0 .LBB2_11-.Ltmp4, $4  }
0x440: {  	[tilespmem:s17+$0x0] =	vst v17;
	v17 =	vld.idx.msk [tilespmem:v10+s2+$0x0], $0xffff  }
0x441: {  	v45 =	vadd.s32 $0x2013, v45;
	s29 =	sadd.s32 s11, s1;
	s11 =	rddreg [dreg:$0x6];
	v2 =	vadd.bf16 v19, v18;
	v13 =	vadd.bf16 v13, v15;
	v15 =	vld.idx.msk [tilespmem:v9+s2+$0x0], $0xffff  }
0x442: {  	s26 =	sadd.s32 $0x40, s26;
	v4 =	vmov v45;
	v8 =	vmov v27;
	s12 =	rddreg [dreg:$0x3];
	v10 =	vmov v31;
	v18 =	vld.idx.msk [tilespmem:v0+s2+$0x0], $0xffff  }
0x443: {  	s0 =	sadd.s32 s10, s1;
	s28 =	sadd.s32 s9, s1;
	s13 =	rddreg [dreg:$0xb];
	v9 =	vmovc v35;
	v22 =	vadd.bf16 v13, v2;
	v7 =	vmov v34;
	v20 =	vadd.bf16 v16, v1;
	v16 =	vld.idx.msk [tilespmem:v23+s2+$0x0], $0xffff  }
0x444: {  	_ =	sdelay $0x3  }
0x445: {  	v1 =	vadd.bf16 v14, v11;
	v2 =	vld.idx.msk [tilespmem:v60+s2+$0x0], $0xffff;
	v0 =	vshll.u32 v22, $0x10  }
0x446: {  	v49 =	vld.idx.msk [tilespmem:v30+s2+$0x0], $0xffff;
	v48 =	vand.u32 $0xFFFF0000, v22;
	[tilespmem:s8+$0x0] =	vst v0  }
0x447: {  	v50 =	vld.idx.msk [tilespmem:v62+s2+$0x0], $0xffff;
	v1 =	vadd.bf16 v1, v20;
	[tilespmem:s14+$0x0] =	vst v48  }
0x448: {  	v3 =	vld.idx.msk [tilespmem:v3+s2+$0x0], $0xffff  }
0x449: {  	v13 =	vshll.u32 v1, $0x10;
	v5 =	vld.idx.msk [tilespmem:v5+s2+$0x0], $0xffff  }
0x44a: {  	v1 =	vand.u32 $0xFFFF0000, v1;
	v4 =	vld.idx.msk [tilespmem:v4+s2+$0x0], $0xffff;
	[tilespmem:s4+$0x0] =	vst v13  }
0x44b: {  	v51 =	vld.idx.msk [tilespmem:v6+s2+$0x0], $0xffff;
	[tilespmem:s7+$0x0] =	vst v1  }
0x44c: {  	v52 =	vld.idx.msk [tilespmem:v7+s2+$0x0], $0xffff  }
0x44d: {  	v53 =	vadd.bf16 v15, v12;
	v54 =	vadd.bf16 v18, v17;
	v9 =	vld.idx.msk [tilespmem:v9+s2+$0x0], $0xffff  }
0x44e: {  	v2 =	vadd.bf16 v2, v16;
	v0 =	vadd.bf16 v50, v49;
	v10 =	vld.idx.msk [tilespmem:v10+s2+$0x0], $0xffff  }
0x44f: {  	v8 =	vld.idx.msk [tilespmem:v8+s2+$0x0], $0xffff  }
0x450: {  	v7 =	vadd.bf16 v54, v53;
	v0 =	vadd.bf16 v0, v2  }
0x451: {  	v3 =	vadd.bf16 v5, v3;
	v1 =	vadd.bf16 v51, v4  }
0x452: {  	v55 =	vshll.u32 v7, $0x10  }
0x453: {  	v57 =	vshll.u32 v0, $0x10;
	[tilespmem:s11+$0x0] =	vst v55;
	v1 =	vadd.bf16 v1, v3  }
0x454: {  	v56 =	vand.u32 $0xFFFF0000, v7;
	[tilespmem:s22+$0x0] =	vst v57;
	v58 =	vadd.bf16 v9, v52;
	v59 =	vadd.bf16 v8, v10  }
0x455: {  	v0 =	vand.u32 $0xFFFF0000, v0;
	[tilespmem:s13+$0x0] =	vst v56  }
0x456: {  	[tilespmem:s29+$0x0] =	vst v0;
	v60 =	vshll.u32 v1, $0x10;
	v61 =	vadd.bf16 v59, v58  }
0x457: {  	v1 =	vand.u32 $0xFFFF0000, v1;
	[tilespmem:s24+$0x0] =	vst v60  }
0x458: {  	[tilespmem:s28+$0x0] =	vst v1;
	v62 =	vshll.u32 v61, $0x10  }
0x459: {  	[tilespmem:s30+$0x0] =	vst v62  }
0x45a: {  	s6 =	rddreg [dreg:$0x12]  }
0x45b: {  	s1 =	sshll.u32 s6, $0x11;
	s6 =	sadd.s32 $0x1, s6  }
0x45c: {  	p0 =	sne.s32 s6, $0x32  }
.Ltmp5:
0x45d: {  	v63 =	vand.u32 $0xFFFF0000, v61;
	(pc) =	sbr.rel @p0 .LBB2_2-.Ltmp5, $4  }
0x45e: {  	[tilespmem:s0+$0x0] =	vst v63  }
0x45f: {  	s0 =	rddreg [dreg:$0xf]  }
0x460: {  	s31 =	simm.s32 $0x2000;
	s3 =	simm.s32 $0x40000;
	s0 =	sadd.s32 s1, s0  }
0x461: {  	[hbm4b:s0+s31] =	stream.strided.scatter [tilespmem:s12], [sflag:$0x2], $0x8000, s3, s31, $0x38;
	[tilespmem:$0x1C020] =	vst v63  }
0x462: {  	s1 =	simm.s32 $0x2  }
0x463: {  	_ =	swait.ge [sflag:s1], $0x8000  }
0x464: {  	[sflag:s1] =	ssyncset.done $0x0  }
0x465: {  	[sflag:s1] =	ssyncadd.s32 $0xFFFF8000  }
0x466: {  	_ =	swait.ge [sflag:s1], $0x8000  }
0x467: {  	s3 =	rddreg [dreg:$0x11]  }
0x468: {  	s0 =	rddreg [dreg:$0x10];
	s3 =	sadd.s32 $0x1, s3  }
0x469: {  	p0 =	sne.s32 s3, s0  }
.Ltmp6:
0x46a: {  	_ = 	snop;
	(pc) =	sbr.rel @p0 .LBB2_1-.Ltmp6, $3  }
0x46b: {  	_ =	sdelay $0x1  }
0x46c: {  	[sflag:s1] =	ssyncset.done $0x0  }
0x46d: {  	[sflag:s1] =	ssyncadd.s32 $0xFFFF8000  }
0x46e: {  	_ =	sfence.sel $0x180000  }
0x46f: {  	[bflag:$0x0] =	sbarrier.arrive $0xFFFF  }
0x470: {  	_ =	strace $0x90000047  }
0x471: {  	s0 =	stileid.u32;
	[bflag:$0x2] =	sbarrier.arrive $0xFFFF  }
0x472: {  	p0 =	sne.s32 s0, $0x0;
	s0 =	rddreg [dreg:$0x2]  }
0x473: {  	s0 =	sadd.s32 @!p0 $0x100000, s0  }
0x474: {  	[sflag:s0] =	ssyncadd.tile.s32 @!p0 $0x1;
	_ =	shalt  }
.Lfunc_end2:
_tile_overlayer_lowered:
.L_overlay_start_2:
0x475: {  	(tag) =	ssettag $0x2  }
0x476: {  	s0 =	rddreg [dreg:$0x0];
	s2 =	stileid.u32  }
0x477: {  	s1 =	rddreg [dreg:$0x1];
	p0 =	sne.s32 s2, $0x0  }
0x478: {  	s3 =	rddreg [dreg:$0x2];
	[bflag:$0x3] =	sbarrier.arrive $0xFFFF;
	s2 =	simm.s32 @!p0 $0x1C03  }
0x479: {  	[timem:s3], [sflag:s2] =	dma.local @!p0 [hbm:s0], s1  }
0x47a: {  	s0 =	simm.s32 @!p0 $0x3  }
0x47b: {  	_ =	swait.ge @!p0 [sflag:s0], s1  }
0x47c: {  	s1 =	ssub.s32 @!p0 $0x0, s1;
	[sflag:s0] =	ssyncset.done @!p0 $0x0  }
0x47d: {  	[sflag:s0] =	ssyncadd.s32 @!p0 s1  }
0x47e: {  	[bflag:$0x3] =	sbarrier.arrive $0xFFFF  }
0x47f: {  	_ =	shalt  }

</sc_bundles>
